<compile_context>
chip_gen: v7x
topology: tpu7x:2x2x1
jax: 0.10.2.dev20260603
libtpu: 0.0.44.dev20260713+nightly
codegen_flags: <defaults>
</compile_context>

<pallas_src>
import dataclasses

import jax
import jax.numpy as jnp
from jax import lax
from jax.experimental import pallas as pl
from jax.experimental.pallas import tpu as pltpu
from jax.experimental.pallas import tpu_sc as plsc

N, E, D, H, G = 10000, 320000, 128, 128, 64
HD = D // 2
NC, NS = 2, 16
NW = NC * NS
EPW = E // NW
WIN = 125
NWIN = 80
NPAD = 10112
RPS = NPAD // NS
DCH = NPAD // NS
F32 = jnp.float32

_MESH = plsc.VectorSubcoreMesh(core_axis_name="c", subcore_axis_name="s")

_SC_PARAMS = pltpu.CompilerParams()
if "needs_layout_passes" in pltpu.CompilerParams.__dataclass_fields__:
    _SC_PARAMS = dataclasses.replace(_SC_PARAMS, needs_layout_passes=False)
_SC_PARAMS_LINEAR = dataclasses.replace(_SC_PARAMS, use_tc_tiling_on_sc=False)


def _sc_degree_body(dst_hbm, deg0_hbm, deg1_hbm, didx, dpart, tmp, accd,
                    parts, sem):
    cid = lax.axis_index("c")
    sid = lax.axis_index("s")
    gw = cid * NS + sid

    @pl.loop(0, NPAD, step=16)
    def _(i):
        dpart[pl.ds(i, 16)] = jnp.zeros((16,), F32)

    pltpu.async_copy(dst_hbm.at[pl.ds(gw * EPW, EPW)], didx, sem).wait()
    ones = jnp.full((16,), 1.0, F32)

    @pl.loop(0, EPW, step=16)
    def _(i):
        plsc.addupdate_scatter(dpart, [didx[pl.ds(i, 16)]], ones)

    pltpu.sync_copy(dpart, parts.at[pl.ds(pl.multiple_of(sid * NPAD, 8),
                                          NPAD)])
    plsc.subcore_barrier()

    @pl.loop(0, DCH, step=16)
    def _(i):
        accd[pl.ds(i, 16)] = jnp.zeros((16,), F32)

    for r in range(NS):
        off = pl.multiple_of(r * NPAD + sid * DCH, 8)
        pltpu.sync_copy(parts.at[pl.ds(off, DCH)], tmp)

        @pl.loop(0, DCH, step=16)
        def _(i):
            accd[pl.ds(i, 16)] = accd[pl.ds(i, 16)] + tmp[pl.ds(i, 16)]

    doff = pl.multiple_of(sid * DCH, 8)

    @pl.when(cid == 0)
    def _():
        pltpu.sync_copy(accd, deg0_hbm.at[pl.ds(doff, DCH)])

    @pl.when(cid == 1)
    def _():
        pltpu.sync_copy(accd, deg1_hbm.at[pl.ds(doff, DCH)])


_sc_degree = pl.kernel(
    _sc_degree_body,
    out_type=(jax.ShapeDtypeStruct((NPAD,), F32),
              jax.ShapeDtypeStruct((NPAD,), F32)),
    mesh=_MESH,
    scratch_types=[
        pltpu.VMEM((EPW,), jnp.int32),
        pltpu.VMEM((NPAD,), F32),
        pltpu.VMEM((DCH,), F32),
        pltpu.VMEM((DCH,), F32),
        pltpu.VMEM_SHARED((NS * NPAD,), F32),
        pltpu.SemaphoreType.DMA,
    ],
    compiler_params=_SC_PARAMS,
)


def _sc_scatter_body(yl_hbm, yr_hbm, src3_hbm, dst3_hbm, zeros_hbm,
                     ol_hbm, or_hbm, sidx, didx,
                     r0, r1, r2, r3, r4, r5, r6, r7, acc,
                     semi, s0, s1, s2, s3, s4, s5, s6, s7):
    cid = lax.axis_index("c")
    sid = lax.axis_index("s")
    gw = cid * NS + sid
    row0 = pl.multiple_of(sid * RPS, 8)
    bufs = (r0, r1, r2, r3, r4, r5, r6, r7)
    sems = (s0, s1, s2, s3, s4, s5, s6, s7)

    pltpu.async_copy(src3_hbm.at[gw], sidx, semi).wait()
    pltpu.async_copy(dst3_hbm.at[gw], didx, semi).wait()

    def _drain(buf, sem):
        pltpu.make_async_copy(yl_hbm.at[pl.ds(0, WIN)], buf, sem).wait()

    for y_hbm, o_hbm in ((yl_hbm, ol_hbm), (yr_hbm, or_hbm)):
        pltpu.sync_copy(zeros_hbm.at[pl.ds(row0, RPS)],
                        acc.at[pl.ds(row0, RPS)])
        plsc.subcore_barrier()

        for k in range(7):
            pltpu.async_copy(y_hbm.at[sidx.at[k]], bufs[k], sems[k])

        @pl.loop(0, NWIN, step=8)
        def _(j):
            for k in range(8):
                w = j + k

                @pl.when(w + 7 < NWIN)
                def _():
                    pltpu.async_copy(y_hbm.at[sidx.at[w + 7]],
                                     bufs[(k + 7) % 8], sems[(k + 7) % 8])

                _drain(bufs[k], sems[k])
                pltpu.sync_copy(bufs[k], acc.at[didx.at[w]], add=True)

        plsc.subcore_barrier()
        pltpu.sync_copy(acc.at[pl.ds(row0, RPS)],
                        o_hbm.at[cid, pl.ds(row0, RPS)])
        plsc.subcore_barrier()


_sc_scatter = pl.kernel(
    _sc_scatter_body,
    out_type=(jax.ShapeDtypeStruct((NC, NPAD, HD), F32),
              jax.ShapeDtypeStruct((NC, NPAD, HD), F32)),
    mesh=_MESH,
    scratch_types=[
        pltpu.VMEM((NWIN, WIN), jnp.int32),
        pltpu.VMEM((NWIN, WIN), jnp.int32),
    ] + [pltpu.VMEM((WIN, HD), F32)] * 8 + [
        pltpu.VMEM_SHARED((NPAD, HD), F32),
    ] + [pltpu.SemaphoreType.DMA] * 9,
    compiler_params=_SC_PARAMS_LINEAR,
)


BLK = 1000
HIGH = lax.Precision.DEFAULT


def _tc_matmul_body(x_ref, w_ref, o_ref):
    o_ref[...] = jnp.dot(x_ref[...], w_ref[...], preferred_element_type=F32,
                         precision=HIGH)


_tc_matmul = pl.pallas_call(
    _tc_matmul_body,
    grid=(N // BLK,),
    in_specs=[pl.BlockSpec((BLK, D), lambda i: (i, 0)),
              pl.BlockSpec((D, H), lambda i: (0, 0))],
    out_specs=pl.BlockSpec((BLK, H), lambda i: (i, 0)),
    out_shape=jax.ShapeDtypeStruct((N, H), F32),
)


def _tc_scale_body(d0_ref, d1_ref, xw_ref, yl_ref, yr_ref, dinv_ref):
    deg = d0_ref[...] + d1_ref[...] + 1.0
    dinv = lax.rsqrt(deg)
    dinv_ref[...] = dinv
    y = xw_ref[...] * dinv
    yl_ref[...] = y[:, :HD]
    yr_ref[...] = y[:, HD:]


_tc_scale = pl.pallas_call(
    _tc_scale_body,
    grid=(N // BLK,),
    in_specs=[pl.BlockSpec((BLK, 1), lambda i: (i, 0)),
              pl.BlockSpec((BLK, 1), lambda i: (i, 0)),
              pl.BlockSpec((BLK, H), lambda i: (i, 0))],
    out_specs=[pl.BlockSpec((BLK, HD), lambda i: (i, 0)),
               pl.BlockSpec((BLK, HD), lambda i: (i, 0)),
               pl.BlockSpec((BLK, 1), lambda i: (i, 0))],
    out_shape=[jax.ShapeDtypeStruct((NPAD, HD), F32),
               jax.ShapeDtypeStruct((NPAD, HD), F32),
               jax.ShapeDtypeStruct((N, 1), F32)],
)



def _tc_mid_body(al0_ref, al1_ref, ar0_ref, ar1_ref, yl_ref, yr_ref,
                 dinv_ref, b1_ref, w2_ref, ol_ref, or_ref):
    dinv = dinv_ref[...]
    left = al0_ref[0] + al1_ref[0] + yl_ref[...]
    right = ar0_ref[0] + ar1_ref[0] + yr_ref[...]
    t = jnp.concatenate([left, right], axis=1) * dinv + b1_ref[...]
    h = jnp.maximum(t, 0.0)
    y2 = jnp.dot(h, w2_ref[...], preferred_element_type=F32,
                 precision=HIGH) * dinv
    ol_ref[...] = y2[:, :HD]
    or_ref[...] = y2[:, HD:]


_tc_mid = pl.pallas_call(
    _tc_mid_body,
    grid=(N // BLK,),
    in_specs=[pl.BlockSpec((1, BLK, HD), lambda i: (0, i, 0)),
              pl.BlockSpec((1, BLK, HD), lambda i: (1, i, 0)),
              pl.BlockSpec((1, BLK, HD), lambda i: (0, i, 0)),
              pl.BlockSpec((1, BLK, HD), lambda i: (1, i, 0)),
              pl.BlockSpec((BLK, HD), lambda i: (i, 0)),
              pl.BlockSpec((BLK, HD), lambda i: (i, 0)),
              pl.BlockSpec((BLK, 1), lambda i: (i, 0)),
              pl.BlockSpec((1, H), lambda i: (0, 0)),
              pl.BlockSpec((H, H), lambda i: (0, 0))],
    out_specs=[pl.BlockSpec((BLK, HD), lambda i: (i, 0)),
               pl.BlockSpec((BLK, HD), lambda i: (i, 0))],
    out_shape=[jax.ShapeDtypeStruct((NPAD, HD), F32),
               jax.ShapeDtypeStruct((NPAD, HD), F32)],
)


def _tc_head_body(cl0_ref, cl1_ref, cr0_ref, cr1_ref, yl_ref, yr_ref,
                  dinv_ref, b2_ref, batch_ref, o_ref, pooled):
    i = pl.program_id(0)

    @pl.when(i == 0)
    def _():
        pooled[...] = jnp.full((G, H), -jnp.inf, F32)

    left = cl0_ref[0] + cl1_ref[0] + yl_ref[...]
    right = cr0_ref[0] + cr1_ref[0] + yr_ref[...]
    blk = jnp.concatenate([left, right], axis=1) * dinv_ref[...] \
        + b2_ref[...]
    bb = batch_ref[...]
    glo = jnp.min(bb)
    ghi = jnp.max(bb)

    def body(g, carry):
        v = jnp.where(bb == g, blk, -jnp.inf)
        red = jnp.max(v, axis=0, keepdims=True)
        pooled[pl.ds(g, 1), :] = jnp.maximum(pooled[pl.ds(g, 1), :], red)
        return carry

    lax.fori_loop(glo, ghi + 1, body, 0)

    @pl.when(i == N // BLK - 1)
    def _():
        p = pooled[...]
        mx = jnp.max(p, axis=1, keepdims=True)
        s = jnp.sum(jnp.exp(p - mx), axis=1, keepdims=True)
        o_ref[...] = p - mx - jnp.log(s)


_tc_head = pl.pallas_call(
    _tc_head_body,
    grid=(N // BLK,),
    in_specs=[pl.BlockSpec((1, BLK, HD), lambda i: (0, i, 0)),
              pl.BlockSpec((1, BLK, HD), lambda i: (1, i, 0)),
              pl.BlockSpec((1, BLK, HD), lambda i: (0, i, 0)),
              pl.BlockSpec((1, BLK, HD), lambda i: (1, i, 0)),
              pl.BlockSpec((BLK, HD), lambda i: (i, 0)),
              pl.BlockSpec((BLK, HD), lambda i: (i, 0)),
              pl.BlockSpec((BLK, 1), lambda i: (i, 0)),
              pl.BlockSpec((1, H), lambda i: (0, 0)),
              pl.BlockSpec((BLK, 1), lambda i: (i, 0))],
    out_specs=pl.BlockSpec((G, H), lambda i: (0, 0)),
    out_shape=jax.ShapeDtypeStruct((G, H), F32),
    scratch_shapes=[pltpu.VMEM((G, H), F32)],
)


def kernel(x, edge_index, batch, W1, b1, W2, b2):
    ei = edge_index.astype(jnp.int32)
    dst = ei[1]
    src3 = ei[0].reshape(NW, NWIN, WIN)
    dst3 = dst.reshape(NW, NWIN, WIN)
    zeros = jnp.zeros((NPAD, HD), F32)

    deg0, deg1 = _sc_degree(dst)
    xw1 = _tc_matmul(x, W1)
    yl1, yr1, dinv = _tc_scale(deg0.reshape(NPAD, 1), deg1.reshape(NPAD, 1),
                               xw1)
    al, ar = _sc_scatter(yl1, yr1, src3, dst3, zeros)
    y2l, y2r = _tc_mid(al, al, ar, ar, yl1, yr1, dinv, b1.reshape(1, H), W2)
    cl, cr = _sc_scatter(y2l, y2r, src3, dst3, zeros)
    return _tc_head(cl, cl, cr, cr, y2l, y2r, dinv, b2.reshape(1, H),
                    batch.astype(jnp.int32).reshape(N, 1))

# --- scband reference (transcript-rebuilt; emitter-appended) ---
"""Pipeline reference for scband-gcn-22247930593397 (READ-ONLY COPY).

The authoritative reference and input builder live on the scoring server;
editing this copy changes nothing except your own understanding.
"""

import jax, jax.numpy as jnp
import numpy as np

N = 10000
E = 320000
D = 128
H = 128
G = 64

def setup_inputs(seed: int = 0) -> dict:
    key = jax.random.key(seed)
    ks = jax.random.split(key, 6)
    x = jax.random.normal(ks[0], (N, D), dtype=jnp.float32)
    edge_index = jax.random.randint(ks[1], (2, E), 0, N)
    batch = jnp.sort(jax.random.randint(ks[2], (N,), 0, G))
    W1 = jax.random.normal(ks[3], (D, H), dtype=jnp.float32) * 0.05
    b1 = jnp.zeros((H,), dtype=jnp.float32)
    W2 = jax.random.normal(ks[4], (H, H), dtype=jnp.float32) * 0.05
    b2 = jnp.zeros((H,), dtype=jnp.float32)
    return {"x": x, "edge_index": edge_index, "batch": batch, "W1": W1, "b1": b1, "W2": W2, "b2": b2}

def _gcn_conv(x, src, dst, W, b):
    n = x.shape[0]
    xw = x @ W
    deg = jnp.zeros((n,), dtype=x.dtype).at[dst].add(1.0)
    dinv = jnp.where(deg > 0, 1.0 / jnp.sqrt(deg), 0.0)
    norm = dinv[src] * dinv[dst]
    msg = xw[src] * norm[:, None]
    out = jnp.zeros_like(xw).at[dst].add(msg)
    return out + b

def reference(x, edge_index, batch, W1, b1, W2, b2):
    # GCNConv with added self-loops and symmetric normalization
    n = x.shape[0]
    loop = jnp.arange(n, dtype=edge_index.dtype)
    src = jnp.concatenate([edge_index[0], loop])
    dst = jnp.concatenate([edge_index[1], loop])
    h = _gcn_conv(x, src, dst, W1, b1)
    h = jax.nn.relu(h)
    # dropout is identity in eval mode
    h = _gcn_conv(h, src, dst, W2, b2)
    pooled = jax.ops.segment_max(h, batch, num_segments=G)
    return jax.nn.log_softmax(pooled, axis=1)

if __name__ == "__main__":
    import jax
    _d = setup_inputs()
    print(jax.jit(kernel)(*tuple(_d.values())))

</pallas_src>

<mosaic_0001>
#map = affine_map<(d0, d1) -> (0, 0)>
#map1 = affine_map<(d0, d1) -> (0, 0, 0)>
module attributes {stable_mosaic.version = 14 : i64} {
  func.func @_sc_scatter_body(%arg0: i32, %arg1: i32, %arg2: memref<10112x64xf32, #tpu.memory_space<hbm>>, %arg3: memref<10112x64xf32, #tpu.memory_space<hbm>>, %arg4: memref<32x80x125xi32, #tpu.memory_space<hbm>>, %arg5: memref<32x80x125xi32, #tpu.memory_space<hbm>>, %arg6: memref<10112x64xf32, #tpu.memory_space<hbm>>, %arg7: memref<2x10112x64xf32, #tpu.memory_space<hbm>>, %arg8: memref<2x10112x64xf32, #tpu.memory_space<hbm>>, %arg9: memref<80x125xi32, #tpu.memory_space<vmem>>, %arg10: memref<80x125xi32, #tpu.memory_space<vmem>>, %arg11: memref<125x64xf32, #tpu.memory_space<vmem>>, %arg12: memref<125x64xf32, #tpu.memory_space<vmem>>, %arg13: memref<125x64xf32, #tpu.memory_space<vmem>>, %arg14: memref<125x64xf32, #tpu.memory_space<vmem>>, %arg15: memref<125x64xf32, #tpu.memory_space<vmem>>, %arg16: memref<125x64xf32, #tpu.memory_space<vmem>>, %arg17: memref<125x64xf32, #tpu.memory_space<vmem>>, %arg18: memref<125x64xf32, #tpu.memory_space<vmem>>, %arg19: memref<10112x64xf32, #tpu.memory_space<vmem_shared>>, %arg20: memref<!tpu.dma_semaphore, #tpu.memory_space<semaphore_mem>>, %arg21: memref<!tpu.dma_semaphore, #tpu.memory_space<semaphore_mem>>, %arg22: memref<!tpu.dma_semaphore, #tpu.memory_space<semaphore_mem>>, %arg23: memref<!tpu.dma_semaphore, #tpu.memory_space<semaphore_mem>>, %arg24: memref<!tpu.dma_semaphore, #tpu.memory_space<semaphore_mem>>, %arg25: memref<!tpu.dma_semaphore, #tpu.memory_space<semaphore_mem>>, %arg26: memref<!tpu.dma_semaphore, #tpu.memory_space<semaphore_mem>>, %arg27: memref<!tpu.dma_semaphore, #tpu.memory_space<semaphore_mem>>, %arg28: memref<!tpu.dma_semaphore, #tpu.memory_space<semaphore_mem>>) attributes {dimension_semantics = [#tpu.dimension_semantics<core_parallel>, #tpu.dimension_semantics<subcore_parallel>], iteration_bounds = array<i64: 2, 16>, scalar_prefetch = 0 : i64, scratch_operands = 20 : i64, tpu.core_type = #tpu.core_type<sc_vector_subcore>, window_params = [{transform_indices = #map}, {transform_indices = #map}, {transform_indices = #map1}, {transform_indices = #map1}, {transform_indices = #map}, {transform_indices = #map1}, {transform_indices = #map1}]} {
    %mul3A = arith.constant 16 : i32
    %mul3A_0 = arith.muli %arg0, %mul3A : i32
    %add3A = arith.addi %mul3A_0, %arg1 : i32
    %mul3A_1 = arith.constant 632 : i32
    %mul3A_2 = arith.muli %arg1, %mul3A_1 : i32
    %multiple_of3A = tpu.assume_multiple %mul3A_2, 8 : i32
    %dma_start3A = arith.constant 0 : i32
    %dma_start3A_3 = arith.constant 0 : i32
    %dma_start3A_4 = tpu.memref_slice %arg4[%add3A, %dma_start3A, %dma_start3A_3] : memref<32x80x125xi32, #tpu.memory_space<hbm>> -> memref<1x80x125xi32, #tpu.memory_space<hbm>>
    %dma_start3A_5 = tpu.memref_squeeze %dma_start3A_4 : memref<1x80x125xi32, #tpu.memory_space<hbm>> -> memref<80x125xi32, #tpu.memory_space<hbm>>
    %dma_start3A_6 = arith.constant 0 : i32
    %dma_start3A_7 = arith.constant 0 : i32
    %dma_start3A_8 = tpu.memref_slice %arg4[%add3A, %dma_start3A_6, %dma_start3A_7] : memref<32x80x125xi32, #tpu.memory_space<hbm>> -> memref<1x80x125xi32, #tpu.memory_space<hbm>>
    %dma_start3A_9 = tpu.memref_squeeze %dma_start3A_8 : memref<1x80x125xi32, #tpu.memory_space<hbm>> -> memref<80x125xi32, #tpu.memory_space<hbm>>
    tpu.enqueue_dma source(%dma_start3A_9 : memref<80x125xi32, #tpu.memory_space<hbm>>) target(%arg9 : memref<80x125xi32, #tpu.memory_space<vmem>>) target_semaphore(%arg20 : memref<!tpu.dma_semaphore, #tpu.memory_space<semaphore_mem>>)
    %dma_wait3A = arith.constant 0 : i32
    %dma_wait3A_10 = arith.constant 0 : i32
    %dma_wait3A_11 = tpu.memref_slice %arg4[%add3A, %dma_wait3A, %dma_wait3A_10] : memref<32x80x125xi32, #tpu.memory_space<hbm>> -> memref<1x80x125xi32, #tpu.memory_space<hbm>>
    %dma_wait3A_12 = tpu.memref_squeeze %dma_wait3A_11 : memref<1x80x125xi32, #tpu.memory_space<hbm>> -> memref<80x125xi32, #tpu.memory_space<hbm>>
    %dma_wait3A_13 = arith.constant 0 : i32
    %dma_wait3A_14 = arith.constant 0 : i32
    %dma_wait3A_15 = tpu.memref_slice %arg4[%add3A, %dma_wait3A_13, %dma_wait3A_14] : memref<32x80x125xi32, #tpu.memory_space<hbm>> -> memref<1x80x125xi32, #tpu.memory_space<hbm>>
    %dma_wait3A_16 = tpu.memref_squeeze %dma_wait3A_15 : memref<1x80x125xi32, #tpu.memory_space<hbm>> -> memref<80x125xi32, #tpu.memory_space<hbm>>
    tpu.wait_dma2 semaphore(%arg20 : memref<!tpu.dma_semaphore, #tpu.memory_space<semaphore_mem>>) src(%dma_wait3A_16 : memref<80x125xi32, #tpu.memory_space<hbm>>) dst(%arg9 : memref<80x125xi32, #tpu.memory_space<vmem>>)
    %dma_start3A_17 = arith.constant 0 : i32
    %dma_start3A_18 = arith.constant 0 : i32
    %dma_start3A_19 = tpu.memref_slice %arg5[%add3A, %dma_start3A_17, %dma_start3A_18] : memref<32x80x125xi32, #tpu.memory_space<hbm>> -> memref<1x80x125xi32, #tpu.memory_space<hbm>>
    %dma_start3A_20 = tpu.memref_squeeze %dma_start3A_19 : memref<1x80x125xi32, #tpu.memory_space<hbm>> -> memref<80x125xi32, #tpu.memory_space<hbm>>
    %dma_start3A_21 = arith.constant 0 : i32
    %dma_start3A_22 = arith.constant 0 : i32
    %dma_start3A_23 = tpu.memref_slice %arg5[%add3A, %dma_start3A_21, %dma_start3A_22] : memref<32x80x125xi32, #tpu.memory_space<hbm>> -> memref<1x80x125xi32, #tpu.memory_space<hbm>>
    %dma_start3A_24 = tpu.memref_squeeze %dma_start3A_23 : memref<1x80x125xi32, #tpu.memory_space<hbm>> -> memref<80x125xi32, #tpu.memory_space<hbm>>
    tpu.enqueue_dma source(%dma_start3A_24 : memref<80x125xi32, #tpu.memory_space<hbm>>) target(%arg10 : memref<80x125xi32, #tpu.memory_space<vmem>>) target_semaphore(%arg20 : memref<!tpu.dma_semaphore, #tpu.memory_space<semaphore_mem>>)
    %dma_wait3A_25 = arith.constant 0 : i32
    %dma_wait3A_26 = arith.constant 0 : i32
    %dma_wait3A_27 = tpu.memref_slice %arg5[%add3A, %dma_wait3A_25, %dma_wait3A_26] : memref<32x80x125xi32, #tpu.memory_space<hbm>> -> memref<1x80x125xi32, #tpu.memory_space<hbm>>
    %dma_wait3A_28 = tpu.memref_squeeze %dma_wait3A_27 : memref<1x80x125xi32, #tpu.memory_space<hbm>> -> memref<80x125xi32, #tpu.memory_space<hbm>>
    %dma_wait3A_29 = arith.constant 0 : i32
    %dma_wait3A_30 = arith.constant 0 : i32
    %dma_wait3A_31 = tpu.memref_slice %arg5[%add3A, %dma_wait3A_29, %dma_wait3A_30] : memref<32x80x125xi32, #tpu.memory_space<hbm>> -> memref<1x80x125xi32, #tpu.memory_space<hbm>>
    %dma_wait3A_32 = tpu.memref_squeeze %dma_wait3A_31 : memref<1x80x125xi32, #tpu.memory_space<hbm>> -> memref<80x125xi32, #tpu.memory_space<hbm>>
    tpu.wait_dma2 semaphore(%arg20 : memref<!tpu.dma_semaphore, #tpu.memory_space<semaphore_mem>>) src(%dma_wait3A_32 : memref<80x125xi32, #tpu.memory_space<hbm>>) dst(%arg10 : memref<80x125xi32, #tpu.memory_space<vmem>>)
    "tpu.region"() ({
      %run_scoped3A = tpu.sem_alloc : memref<!tpu.dma_semaphore, #tpu.memory_space<semaphore_mem>>
      %dma_start3A_145 = arith.constant 0 : i32
      %dma_start3A_146 = tpu.memref_slice %arg19[%multiple_of3A, %dma_start3A_145] : memref<10112x64xf32, #tpu.memory_space<vmem_shared>> -> memref<632x64xf32, #tpu.memory_space<vmem_shared>>
      %dma_start3A_147 = arith.constant 0 : i32
      %dma_start3A_148 = tpu.memref_slice %arg6[%multiple_of3A, %dma_start3A_147] : memref<10112x64xf32, #tpu.memory_space<hbm>> -> memref<632x64xf32, #tpu.memory_space<hbm>>
      tpu.enqueue_dma source(%dma_start3A_148 : memref<632x64xf32, #tpu.memory_space<hbm>>) target(%dma_start3A_146 : memref<632x64xf32, #tpu.memory_space<vmem_shared>>) target_semaphore(%run_scoped3A : memref<!tpu.dma_semaphore, #tpu.memory_space<semaphore_mem>>)
      %dma_wait3A_149 = arith.constant 0 : i32
      %dma_wait3A_150 = tpu.memref_slice %arg19[%multiple_of3A, %dma_wait3A_149] : memref<10112x64xf32, #tpu.memory_space<vmem_shared>> -> memref<632x64xf32, #tpu.memory_space<vmem_shared>>
      %dma_wait3A_151 = arith.constant 0 : i32
      %dma_wait3A_152 = tpu.memref_slice %arg6[%multiple_of3A, %dma_wait3A_151] : memref<10112x64xf32, #tpu.memory_space<hbm>> -> memref<632x64xf32, #tpu.memory_space<hbm>>
      tpu.wait_dma2 semaphore(%run_scoped3A : memref<!tpu.dma_semaphore, #tpu.memory_space<semaphore_mem>>) src(%dma_wait3A_152 : memref<632x64xf32, #tpu.memory_space<hbm>>) dst(%dma_wait3A_150 : memref<632x64xf32, #tpu.memory_space<vmem_shared>>)
      tpu.yield
    }) : () -> ()
    %barrier3A = arith.constant 0 : index
    tpu.barrier barrier_id(%barrier3A)
    %dma_start3A_33 = arith.constant 0 : i32
    %dma_start3A_34 = arith.constant 0 : i32
    %dma_start3A_35 = tpu.memref_slice %arg9[%dma_start3A_33, %dma_start3A_34] : memref<80x125xi32, #tpu.memory_space<vmem>> -> memref<1x125xi32, #tpu.memory_space<vmem>>
    %dma_start3A_36 = tpu.memref_squeeze %dma_start3A_35 : memref<1x125xi32, #tpu.memory_space<vmem>> -> memref<125xi32, #tpu.memory_space<vmem>>
    %dma_start3A_37 = arith.constant 0 : i32
    %dma_start3A_38 = arith.constant 0 : i32
    %dma_start3A_39 = tpu.memref_slice %arg2[%dma_start3A_37, %dma_start3A_38] : memref<10112x64xf32, #tpu.memory_space<hbm>> -> memref<10112x64xf32, #tpu.memory_space<hbm>>
    tpu.enqueue_indirect_dma source(%dma_start3A_39 : memref<10112x64xf32, #tpu.memory_space<hbm>>) target(%arg11 : memref<125x64xf32, #tpu.memory_space<vmem>>) offsets(%dma_start3A_36 : memref<125xi32, #tpu.memory_space<vmem>>) semaphore(%arg21 : memref<!tpu.dma_semaphore, #tpu.memory_space<semaphore_mem>>)
    %dma_start3A_40 = arith.constant 1 : i32
    %dma_start3A_41 = arith.constant 0 : i32
    %dma_start3A_42 = tpu.memref_slice %arg9[%dma_start3A_40, %dma_start3A_41] : memref<80x125xi32, #tpu.memory_space<vmem>> -> memref<1x125xi32, #tpu.memory_space<vmem>>
    %dma_start3A_43 = tpu.memref_squeeze %dma_start3A_42 : memref<1x125xi32, #tpu.memory_space<vmem>> -> memref<125xi32, #tpu.memory_space<vmem>>
    %dma_start3A_44 = arith.constant 0 : i32
    %dma_start3A_45 = arith.constant 0 : i32
    %dma_start3A_46 = tpu.memref_slice %arg2[%dma_start3A_44, %dma_start3A_45] : memref<10112x64xf32, #tpu.memory_space<hbm>> -> memref<10112x64xf32, #tpu.memory_space<hbm>>
    tpu.enqueue_indirect_dma source(%dma_start3A_46 : memref<10112x64xf32, #tpu.memory_space<hbm>>) target(%arg12 : memref<125x64xf32, #tpu.memory_space<vmem>>) offsets(%dma_start3A_43 : memref<125xi32, #tpu.memory_space<vmem>>) semaphore(%arg22 : memref<!tpu.dma_semaphore, #tpu.memory_space<semaphore_mem>>)
    %dma_start3A_47 = arith.constant 2 : i32
    %dma_start3A_48 = arith.constant 0 : i32
    %dma_start3A_49 = tpu.memref_slice %arg9[%dma_start3A_47, %dma_start3A_48] : memref<80x125xi32, #tpu.memory_space<vmem>> -> memref<1x125xi32, #tpu.memory_space<vmem>>
    %dma_start3A_50 = tpu.memref_squeeze %dma_start3A_49 : memref<1x125xi32, #tpu.memory_space<vmem>> -> memref<125xi32, #tpu.memory_space<vmem>>
    %dma_start3A_51 = arith.constant 0 : i32
    %dma_start3A_52 = arith.constant 0 : i32
    %dma_start3A_53 = tpu.memref_slice %arg2[%dma_start3A_51, %dma_start3A_52] : memref<10112x64xf32, #tpu.memory_space<hbm>> -> memref<10112x64xf32, #tpu.memory_space<hbm>>
    tpu.enqueue_indirect_dma source(%dma_start3A_53 : memref<10112x64xf32, #tpu.memory_space<hbm>>) target(%arg13 : memref<125x64xf32, #tpu.memory_space<vmem>>) offsets(%dma_start3A_50 : memref<125xi32, #tpu.memory_space<vmem>>) semaphore(%arg23 : memref<!tpu.dma_semaphore, #tpu.memory_space<semaphore_mem>>)
    %dma_start3A_54 = arith.constant 3 : i32
    %dma_start3A_55 = arith.constant 0 : i32
    %dma_start3A_56 = tpu.memref_slice %arg9[%dma_start3A_54, %dma_start3A_55] : memref<80x125xi32, #tpu.memory_space<vmem>> -> memref<1x125xi32, #tpu.memory_space<vmem>>
    %dma_start3A_57 = tpu.memref_squeeze %dma_start3A_56 : memref<1x125xi32, #tpu.memory_space<vmem>> -> memref<125xi32, #tpu.memory_space<vmem>>
    %dma_start3A_58 = arith.constant 0 : i32
    %dma_start3A_59 = arith.constant 0 : i32
    %dma_start3A_60 = tpu.memref_slice %arg2[%dma_start3A_58, %dma_start3A_59] : memref<10112x64xf32, #tpu.memory_space<hbm>> -> memref<10112x64xf32, #tpu.memory_space<hbm>>
    tpu.enqueue_indirect_dma source(%dma_start3A_60 : memref<10112x64xf32, #tpu.memory_space<hbm>>) target(%arg14 : memref<125x64xf32, #tpu.memory_space<vmem>>) offsets(%dma_start3A_57 : memref<125xi32, #tpu.memory_space<vmem>>) semaphore(%arg24 : memref<!tpu.dma_semaphore, #tpu.memory_space<semaphore_mem>>)
    %dma_start3A_61 = arith.constant 4 : i32
    %dma_start3A_62 = arith.constant 0 : i32
    %dma_start3A_63 = tpu.memref_slice %arg9[%dma_start3A_61, %dma_start3A_62] : memref<80x125xi32, #tpu.memory_space<vmem>> -> memref<1x125xi32, #tpu.memory_space<vmem>>
    %dma_start3A_64 = tpu.memref_squeeze %dma_start3A_63 : memref<1x125xi32, #tpu.memory_space<vmem>> -> memref<125xi32, #tpu.memory_space<vmem>>
    %dma_start3A_65 = arith.constant 0 : i32
    %dma_start3A_66 = arith.constant 0 : i32
    %dma_start3A_67 = tpu.memref_slice %arg2[%dma_start3A_65, %dma_start3A_66] : memref<10112x64xf32, #tpu.memory_space<hbm>> -> memref<10112x64xf32, #tpu.memory_space<hbm>>
    tpu.enqueue_indirect_dma source(%dma_start3A_67 : memref<10112x64xf32, #tpu.memory_space<hbm>>) target(%arg15 : memref<125x64xf32, #tpu.memory_space<vmem>>) offsets(%dma_start3A_64 : memref<125xi32, #tpu.memory_space<vmem>>) semaphore(%arg25 : memref<!tpu.dma_semaphore, #tpu.memory_space<semaphore_mem>>)
    %dma_start3A_68 = arith.constant 5 : i32
    %dma_start3A_69 = arith.constant 0 : i32
    %dma_start3A_70 = tpu.memref_slice %arg9[%dma_start3A_68, %dma_start3A_69] : memref<80x125xi32, #tpu.memory_space<vmem>> -> memref<1x125xi32, #tpu.memory_space<vmem>>
    %dma_start3A_71 = tpu.memref_squeeze %dma_start3A_70 : memref<1x125xi32, #tpu.memory_space<vmem>> -> memref<125xi32, #tpu.memory_space<vmem>>
    %dma_start3A_72 = arith.constant 0 : i32
    %dma_start3A_73 = arith.constant 0 : i32
    %dma_start3A_74 = tpu.memref_slice %arg2[%dma_start3A_72, %dma_start3A_73] : memref<10112x64xf32, #tpu.memory_space<hbm>> -> memref<10112x64xf32, #tpu.memory_space<hbm>>
    tpu.enqueue_indirect_dma source(%dma_start3A_74 : memref<10112x64xf32, #tpu.memory_space<hbm>>) target(%arg16 : memref<125x64xf32, #tpu.memory_space<vmem>>) offsets(%dma_start3A_71 : memref<125xi32, #tpu.memory_space<vmem>>) semaphore(%arg26 : memref<!tpu.dma_semaphore, #tpu.memory_space<semaphore_mem>>)
    %dma_start3A_75 = arith.constant 6 : i32
    %dma_start3A_76 = arith.constant 0 : i32
    %dma_start3A_77 = tpu.memref_slice %arg9[%dma_start3A_75, %dma_start3A_76] : memref<80x125xi32, #tpu.memory_space<vmem>> -> memref<1x125xi32, #tpu.memory_space<vmem>>
    %dma_start3A_78 = tpu.memref_squeeze %dma_start3A_77 : memref<1x125xi32, #tpu.memory_space<vmem>> -> memref<125xi32, #tpu.memory_space<vmem>>
    %dma_start3A_79 = arith.constant 0 : i32
    %dma_start3A_80 = arith.constant 0 : i32
    %dma_start3A_81 = tpu.memref_slice %arg2[%dma_start3A_79, %dma_start3A_80] : memref<10112x64xf32, #tpu.memory_space<hbm>> -> memref<10112x64xf32, #tpu.memory_space<hbm>>
    tpu.enqueue_indirect_dma source(%dma_start3A_81 : memref<10112x64xf32, #tpu.memory_space<hbm>>) target(%arg17 : memref<125x64xf32, #tpu.memory_space<vmem>>) offsets(%dma_start3A_78 : memref<125xi32, #tpu.memory_space<vmem>>) semaphore(%arg27 : memref<!tpu.dma_semaphore, #tpu.memory_space<semaphore_mem>>)
    %scan3A = arith.constant 0 : i32
    %scan3A_82 = arith.constant 10 : i32
    %scan3A_83 = arith.addi %scan3A, %scan3A_82 : i32
    %scan3A_84 = arith.constant 1 : i32
    scf.for %scan3A_145 = %scan3A to %scan3A_83 step %scan3A_84  : i32 {
      %mul3A_146 = arith.constant 8 : i32
      %mul3A_147 = arith.muli %scan3A_145, %mul3A_146 : i32
      %add3A_148 = arith.constant 0 : i32
      %add3A_149 = arith.addi %add3A_148, %mul3A_147 : i32
      %add3A_150 = arith.constant 0 : i32
      %add3A_151 = arith.addi %add3A_149, %add3A_150 : i32
      %add3A_152 = arith.constant 7 : i32
      %add3A_153 = arith.addi %add3A_151, %add3A_152 : i32
      %lt3A = arith.constant 80 : i32
      %lt3A_154 = arith.cmpi slt, %add3A_153, %lt3A : i32
      %convert_element_type3A = arith.extui %lt3A_154 : i1 to i32
      %cond3A = arith.constant 0 : i32
      %cond3A_155 = arith.cmpi ne, %convert_element_type3A, %cond3A : i32
      scf.if %cond3A_155 {
        %add3A_267 = arith.constant 7 : i32
        %add3A_268 = arith.addi %add3A_151, %add3A_267 : i32
        %dma_start3A_269 = arith.constant 0 : i32
        %dma_start3A_270 = tpu.memref_slice %arg9[%add3A_268, %dma_start3A_269] : memref<80x125xi32, #tpu.memory_space<vmem>> -> memref<1x125xi32, #tpu.memory_space<vmem>>
        %dma_start3A_271 = tpu.memref_squeeze %dma_start3A_270 : memref<1x125xi32, #tpu.memory_space<vmem>> -> memref<125xi32, #tpu.memory_space<vmem>>
        %dma_start3A_272 = arith.constant 0 : i32
        %dma_start3A_273 = arith.constant 0 : i32
        %dma_start3A_274 = tpu.memref_slice %arg2[%dma_start3A_272, %dma_start3A_273] : memref<10112x64xf32, #tpu.memory_space<hbm>> -> memref<10112x64xf32, #tpu.memory_space<hbm>>
        tpu.enqueue_indirect_dma source(%dma_start3A_274 : memref<10112x64xf32, #tpu.memory_space<hbm>>) target(%arg18 : memref<125x64xf32, #tpu.memory_space<vmem>>) offsets(%dma_start3A_271 : memref<125xi32, #tpu.memory_space<vmem>>) semaphore(%arg28 : memref<!tpu.dma_semaphore, #tpu.memory_space<semaphore_mem>>)
      } else {
      }
      %dma_wait3A_156 = arith.constant 0 : i32
      %dma_wait3A_157 = arith.constant 0 : i32
      %dma_wait3A_158 = tpu.memref_slice %arg2[%dma_wait3A_156, %dma_wait3A_157] : memref<10112x64xf32, #tpu.memory_space<hbm>> -> memref<125x64xf32, #tpu.memory_space<hbm>>
      %dma_wait3A_159 = arith.constant 0 : i32
      %dma_wait3A_160 = arith.constant 0 : i32
      %dma_wait3A_161 = tpu.memref_slice %arg2[%dma_wait3A_159, %dma_wait3A_160] : memref<10112x64xf32, #tpu.memory_space<hbm>> -> memref<125x64xf32, #tpu.memory_space<hbm>>
      tpu.wait_dma2 semaphore(%arg21 : memref<!tpu.dma_semaphore, #tpu.memory_space<semaphore_mem>>) src(%dma_wait3A_161 : memref<125x64xf32, #tpu.memory_space<hbm>>) dst(%arg11 : memref<125x64xf32, #tpu.memory_space<vmem>>)
      "tpu.region"() ({
        %run_scoped3A = tpu.sem_alloc : memref<!tpu.dma_semaphore, #tpu.memory_space<semaphore_mem>>
        %dma_start3A_267 = arith.constant 0 : i32
        %dma_start3A_268 = tpu.memref_slice %arg10[%add3A_151, %dma_start3A_267] : memref<80x125xi32, #tpu.memory_space<vmem>> -> memref<1x125xi32, #tpu.memory_space<vmem>>
        %dma_start3A_269 = tpu.memref_squeeze %dma_start3A_268 : memref<1x125xi32, #tpu.memory_space<vmem>> -> memref<125xi32, #tpu.memory_space<vmem>>
        %dma_start3A_270 = arith.constant 0 : i32
        %dma_start3A_271 = arith.constant 0 : i32
        %dma_start3A_272 = tpu.memref_slice %arg19[%dma_start3A_270, %dma_start3A_271] : memref<10112x64xf32, #tpu.memory_space<vmem_shared>> -> memref<10112x64xf32, #tpu.memory_space<vmem_shared>>
        tpu.enqueue_indirect_dma source(%arg11 : memref<125x64xf32, #tpu.memory_space<vmem>>) target(%dma_start3A_272 : memref<10112x64xf32, #tpu.memory_space<vmem_shared>>) offsets(%dma_start3A_269 : memref<125xi32, #tpu.memory_space<vmem>>) semaphore(%run_scoped3A : memref<!tpu.dma_semaphore, #tpu.memory_space<semaphore_mem>>) {add = true}
        %dma_wait3A_273 = arith.constant 0 : i32
        %dma_wait3A_274 = tpu.memref_slice %arg10[%add3A_151, %dma_wait3A_273] : memref<80x125xi32, #tpu.memory_space<vmem>> -> memref<1x125xi32, #tpu.memory_space<vmem>>
        %dma_wait3A_275 = tpu.memref_squeeze %dma_wait3A_274 : memref<1x125xi32, #tpu.memory_space<vmem>> -> memref<125xi32, #tpu.memory_space<vmem>>
        %dma_wait3A_276 = arith.constant 0 : i32
        %dma_wait3A_277 = arith.constant 0 : i32
        %dma_wait3A_278 = tpu.memref_slice %arg19[%dma_wait3A_276, %dma_wait3A_277] : memref<10112x64xf32, #tpu.memory_space<vmem_shared>> -> memref<10112x64xf32, #tpu.memory_space<vmem_shared>>
        tpu.wait_indirect_dma semaphore(%run_scoped3A : memref<!tpu.dma_semaphore, #tpu.memory_space<semaphore_mem>>) src(%arg11 : memref<125x64xf32, #tpu.memory_space<vmem>>) dst(%dma_wait3A_278 : memref<10112x64xf32, #tpu.memory_space<vmem_shared>>)
        tpu.yield
      }) : () -> ()
      %add3A_162 = arith.constant 1 : i32
      %add3A_163 = arith.addi %add3A_149, %add3A_162 : i32
      %add3A_164 = arith.constant 7 : i32
      %add3A_165 = arith.addi %add3A_163, %add3A_164 : i32
      %lt3A_166 = arith.constant 80 : i32
      %lt3A_167 = arith.cmpi slt, %add3A_165, %lt3A_166 : i32
      %convert_element_type3A_168 = arith.extui %lt3A_167 : i1 to i32
      %cond3A_169 = arith.constant 0 : i32
      %cond3A_170 = arith.cmpi ne, %convert_element_type3A_168, %cond3A_169 : i32
      scf.if %cond3A_170 {
        %add3A_267 = arith.constant 7 : i32
        %add3A_268 = arith.addi %add3A_163, %add3A_267 : i32
        %dma_start3A_269 = arith.constant 0 : i32
        %dma_start3A_270 = tpu.memref_slice %arg9[%add3A_268, %dma_start3A_269] : memref<80x125xi32, #tpu.memory_space<vmem>> -> memref<1x125xi32, #tpu.memory_space<vmem>>
        %dma_start3A_271 = tpu.memref_squeeze %dma_start3A_270 : memref<1x125xi32, #tpu.memory_space<vmem>> -> memref<125xi32, #tpu.memory_space<vmem>>
        %dma_start3A_272 = arith.constant 0 : i32
        %dma_start3A_273 = arith.constant 0 : i32
        %dma_start3A_274 = tpu.memref_slice %arg2[%dma_start3A_272, %dma_start3A_273] : memref<10112x64xf32, #tpu.memory_space<hbm>> -> memref<10112x64xf32, #tpu.memory_space<hbm>>
        tpu.enqueue_indirect_dma source(%dma_start3A_274 : memref<10112x64xf32, #tpu.memory_space<hbm>>) target(%arg11 : memref<125x64xf32, #tpu.memory_space<vmem>>) offsets(%dma_start3A_271 : memref<125xi32, #tpu.memory_space<vmem>>) semaphore(%arg21 : memref<!tpu.dma_semaphore, #tpu.memory_space<semaphore_mem>>)
      } else {
      }
      %dma_wait3A_171 = arith.constant 0 : i32
      %dma_wait3A_172 = arith.constant 0 : i32
      %dma_wait3A_173 = tpu.memref_slice %arg2[%dma_wait3A_171, %dma_wait3A_172] : memref<10112x64xf32, #tpu.memory_space<hbm>> -> memref<125x64xf32, #tpu.memory_space<hbm>>
      %dma_wait3A_174 = arith.constant 0 : i32
      %dma_wait3A_175 = arith.constant 0 : i32
      %dma_wait3A_176 = tpu.memref_slice %arg2[%dma_wait3A_174, %dma_wait3A_175] : memref<10112x64xf32, #tpu.memory_space<hbm>> -> memref<125x64xf32, #tpu.memory_space<hbm>>
      tpu.wait_dma2 semaphore(%arg22 : memref<!tpu.dma_semaphore, #tpu.memory_space<semaphore_mem>>) src(%dma_wait3A_176 : memref<125x64xf32, #tpu.memory_space<hbm>>) dst(%arg12 : memref<125x64xf32, #tpu.memory_space<vmem>>)
      "tpu.region"() ({
        %run_scoped3A = tpu.sem_alloc : memref<!tpu.dma_semaphore, #tpu.memory_space<semaphore_mem>>
        %dma_start3A_267 = arith.constant 0 : i32
        %dma_start3A_268 = tpu.memref_slice %arg10[%add3A_163, %dma_start3A_267] : memref<80x125xi32, #tpu.memory_space<vmem>> -> memref<1x125xi32, #tpu.memory_space<vmem>>
        %dma_start3A_269 = tpu.memref_squeeze %dma_start3A_268 : memref<1x125xi32, #tpu.memory_space<vmem>> -> memref<125xi32, #tpu.memory_space<vmem>>
        %dma_start3A_270 = arith.constant 0 : i32
        %dma_start3A_271 = arith.constant 0 : i32
        %dma_start3A_272 = tpu.memref_slice %arg19[%dma_start3A_270, %dma_start3A_271] : memref<10112x64xf32, #tpu.memory_space<vmem_shared>> -> memref<10112x64xf32, #tpu.memory_space<vmem_shared>>
        tpu.enqueue_indirect_dma source(%arg12 : memref<125x64xf32, #tpu.memory_space<vmem>>) target(%dma_start3A_272 : memref<10112x64xf32, #tpu.memory_space<vmem_shared>>) offsets(%dma_start3A_269 : memref<125xi32, #tpu.memory_space<vmem>>) semaphore(%run_scoped3A : memref<!tpu.dma_semaphore, #tpu.memory_space<semaphore_mem>>) {add = true}
        %dma_wait3A_273 = arith.constant 0 : i32
        %dma_wait3A_274 = tpu.memref_slice %arg10[%add3A_163, %dma_wait3A_273] : memref<80x125xi32, #tpu.memory_space<vmem>> -> memref<1x125xi32, #tpu.memory_space<vmem>>
        %dma_wait3A_275 = tpu.memref_squeeze %dma_wait3A_274 : memref<1x125xi32, #tpu.memory_space<vmem>> -> memref<125xi32, #tpu.memory_space<vmem>>
        %dma_wait3A_276 = arith.constant 0 : i32
        %dma_wait3A_277 = arith.constant 0 : i32
        %dma_wait3A_278 = tpu.memref_slice %arg19[%dma_wait3A_276, %dma_wait3A_277] : memref<10112x64xf32, #tpu.memory_space<vmem_shared>> -> memref<10112x64xf32, #tpu.memory_space<vmem_shared>>
        tpu.wait_indirect_dma semaphore(%run_scoped3A : memref<!tpu.dma_semaphore, #tpu.memory_space<semaphore_mem>>) src(%arg12 : memref<125x64xf32, #tpu.memory_space<vmem>>) dst(%dma_wait3A_278 : memref<10112x64xf32, #tpu.memory_space<vmem_shared>>)
        tpu.yield
      }) : () -> ()
      %add3A_177 = arith.constant 2 : i32
      %add3A_178 = arith.addi %add3A_149, %add3A_177 : i32
      %add3A_179 = arith.constant 7 : i32
      %add3A_180 = arith.addi %add3A_178, %add3A_179 : i32
      %lt3A_181 = arith.constant 80 : i32
      %lt3A_182 = arith.cmpi slt, %add3A_180, %lt3A_181 : i32
      %convert_element_type3A_183 = arith.extui %lt3A_182 : i1 to i32
      %cond3A_184 = arith.constant 0 : i32
      %cond3A_185 = arith.cmpi ne, %convert_element_type3A_183, %cond3A_184 : i32
      scf.if %cond3A_185 {
        %add3A_267 = arith.constant 7 : i32
        %add3A_268 = arith.addi %add3A_178, %add3A_267 : i32
        %dma_start3A_269 = arith.constant 0 : i32
        %dma_start3A_270 = tpu.memref_slice %arg9[%add3A_268, %dma_start3A_269] : memref<80x125xi32, #tpu.memory_space<vmem>> -> memref<1x125xi32, #tpu.memory_space<vmem>>
        %dma_start3A_271 = tpu.memref_squeeze %dma_start3A_270 : memref<1x125xi32, #tpu.memory_space<vmem>> -> memref<125xi32, #tpu.memory_space<vmem>>
        %dma_start3A_272 = arith.constant 0 : i32
        %dma_start3A_273 = arith.constant 0 : i32
        %dma_start3A_274 = tpu.memref_slice %arg2[%dma_start3A_272, %dma_start3A_273] : memref<10112x64xf32, #tpu.memory_space<hbm>> -> memref<10112x64xf32, #tpu.memory_space<hbm>>
        tpu.enqueue_indirect_dma source(%dma_start3A_274 : memref<10112x64xf32, #tpu.memory_space<hbm>>) target(%arg12 : memref<125x64xf32, #tpu.memory_space<vmem>>) offsets(%dma_start3A_271 : memref<125xi32, #tpu.memory_space<vmem>>) semaphore(%arg22 : memref<!tpu.dma_semaphore, #tpu.memory_space<semaphore_mem>>)
      } else {
      }
      %dma_wait3A_186 = arith.constant 0 : i32
      %dma_wait3A_187 = arith.constant 0 : i32
      %dma_wait3A_188 = tpu.memref_slice %arg2[%dma_wait3A_186, %dma_wait3A_187] : memref<10112x64xf32, #tpu.memory_space<hbm>> -> memref<125x64xf32, #tpu.memory_space<hbm>>
      %dma_wait3A_189 = arith.constant 0 : i32
      %dma_wait3A_190 = arith.constant 0 : i32
      %dma_wait3A_191 = tpu.memref_slice %arg2[%dma_wait3A_189, %dma_wait3A_190] : memref<10112x64xf32, #tpu.memory_space<hbm>> -> memref<125x64xf32, #tpu.memory_space<hbm>>
      tpu.wait_dma2 semaphore(%arg23 : memref<!tpu.dma_semaphore, #tpu.memory_space<semaphore_mem>>) src(%dma_wait3A_191 : memref<125x64xf32, #tpu.memory_space<hbm>>) dst(%arg13 : memref<125x64xf32, #tpu.memory_space<vmem>>)
      "tpu.region"() ({
        %run_scoped3A = tpu.sem_alloc : memref<!tpu.dma_semaphore, #tpu.memory_space<semaphore_mem>>
        %dma_start3A_267 = arith.constant 0 : i32
        %dma_start3A_268 = tpu.memref_slice %arg10[%add3A_178, %dma_start3A_267] : memref<80x125xi32, #tpu.memory_space<vmem>> -> memref<1x125xi32, #tpu.memory_space<vmem>>
        %dma_start3A_269 = tpu.memref_squeeze %dma_start3A_268 : memref<1x125xi32, #tpu.memory_space<vmem>> -> memref<125xi32, #tpu.memory_space<vmem>>
        %dma_start3A_270 = arith.constant 0 : i32
        %dma_start3A_271 = arith.constant 0 : i32
        %dma_start3A_272 = tpu.memref_slice %arg19[%dma_start3A_270, %dma_start3A_271] : memref<10112x64xf32, #tpu.memory_space<vmem_shared>> -> memref<10112x64xf32, #tpu.memory_space<vmem_shared>>
        tpu.enqueue_indirect_dma source(%arg13 : memref<125x64xf32, #tpu.memory_space<vmem>>) target(%dma_start3A_272 : memref<10112x64xf32, #tpu.memory_space<vmem_shared>>) offsets(%dma_start3A_269 : memref<125xi32, #tpu.memory_space<vmem>>) semaphore(%run_scoped3A : memref<!tpu.dma_semaphore, #tpu.memory_space<semaphore_mem>>) {add = true}
        %dma_wait3A_273 = arith.constant 0 : i32
        %dma_wait3A_274 = tpu.memref_slice %arg10[%add3A_178, %dma_wait3A_273] : memref<80x125xi32, #tpu.memory_space<vmem>> -> memref<1x125xi32, #tpu.memory_space<vmem>>
        %dma_wait3A_275 = tpu.memref_squeeze %dma_wait3A_274 : memref<1x125xi32, #tpu.memory_space<vmem>> -> memref<125xi32, #tpu.memory_space<vmem>>
        %dma_wait3A_276 = arith.constant 0 : i32
        %dma_wait3A_277 = arith.constant 0 : i32
        %dma_wait3A_278 = tpu.memref_slice %arg19[%dma_wait3A_276, %dma_wait3A_277] : memref<10112x64xf32, #tpu.memory_space<vmem_shared>> -> memref<10112x64xf32, #tpu.memory_space<vmem_shared>>
        tpu.wait_indirect_dma semaphore(%run_scoped3A : memref<!tpu.dma_semaphore, #tpu.memory_space<semaphore_mem>>) src(%arg13 : memref<125x64xf32, #tpu.memory_space<vmem>>) dst(%dma_wait3A_278 : memref<10112x64xf32, #tpu.memory_space<vmem_shared>>)
        tpu.yield
      }) : () -> ()
      %add3A_192 = arith.constant 3 : i32
      %add3A_193 = arith.addi %add3A_149, %add3A_192 : i32
      %add3A_194 = arith.constant 7 : i32
      %add3A_195 = arith.addi %add3A_193, %add3A_194 : i32
      %lt3A_196 = arith.constant 80 : i32
      %lt3A_197 = arith.cmpi slt, %add3A_195, %lt3A_196 : i32
      %convert_element_type3A_198 = arith.extui %lt3A_197 : i1 to i32
      %cond3A_199 = arith.constant 0 : i32
      %cond3A_200 = arith.cmpi ne, %convert_element_type3A_198, %cond3A_199 : i32
      scf.if %cond3A_200 {
        %add3A_267 = arith.constant 7 : i32
        %add3A_268 = arith.addi %add3A_193, %add3A_267 : i32
        %dma_start3A_269 = arith.constant 0 : i32
        %dma_start3A_270 = tpu.memref_slice %arg9[%add3A_268, %dma_start3A_269] : memref<80x125xi32, #tpu.memory_space<vmem>> -> memref<1x125xi32, #tpu.memory_space<vmem>>
        %dma_start3A_271 = tpu.memref_squeeze %dma_start3A_270 : memref<1x125xi32, #tpu.memory_space<vmem>> -> memref<125xi32, #tpu.memory_space<vmem>>
        %dma_start3A_272 = arith.constant 0 : i32
        %dma_start3A_273 = arith.constant 0 : i32
        %dma_start3A_274 = tpu.memref_slice %arg2[%dma_start3A_272, %dma_start3A_273] : memref<10112x64xf32, #tpu.memory_space<hbm>> -> memref<10112x64xf32, #tpu.memory_space<hbm>>
        tpu.enqueue_indirect_dma source(%dma_start3A_274 : memref<10112x64xf32, #tpu.memory_space<hbm>>) target(%arg13 : memref<125x64xf32, #tpu.memory_space<vmem>>) offsets(%dma_start3A_271 : memref<125xi32, #tpu.memory_space<vmem>>) semaphore(%arg23 : memref<!tpu.dma_semaphore, #tpu.memory_space<semaphore_mem>>)
      } else {
      }
      %dma_wait3A_201 = arith.constant 0 : i32
      %dma_wait3A_202 = arith.constant 0 : i32
      %dma_wait3A_203 = tpu.memref_slice %arg2[%dma_wait3A_201, %dma_wait3A_202] : memref<10112x64xf32, #tpu.memory_space<hbm>> -> memref<125x64xf32, #tpu.memory_space<hbm>>
      %dma_wait3A_204 = arith.constant 0 : i32
      %dma_wait3A_205 = arith.constant 0 : i32
      %dma_wait3A_206 = tpu.memref_slice %arg2[%dma_wait3A_204, %dma_wait3A_205] : memref<10112x64xf32, #tpu.memory_space<hbm>> -> memref<125x64xf32, #tpu.memory_space<hbm>>
      tpu.wait_dma2 semaphore(%arg24 : memref<!tpu.dma_semaphore, #tpu.memory_space<semaphore_mem>>) src(%dma_wait3A_206 : memref<125x64xf32, #tpu.memory_space<hbm>>) dst(%arg14 : memref<125x64xf32, #tpu.memory_space<vmem>>)
      "tpu.region"() ({
        %run_scoped3A = tpu.sem_alloc : memref<!tpu.dma_semaphore, #tpu.memory_space<semaphore_mem>>
        %dma_start3A_267 = arith.constant 0 : i32
        %dma_start3A_268 = tpu.memref_slice %arg10[%add3A_193, %dma_start3A_267] : memref<80x125xi32, #tpu.memory_space<vmem>> -> memref<1x125xi32, #tpu.memory_space<vmem>>
        %dma_start3A_269 = tpu.memref_squeeze %dma_start3A_268 : memref<1x125xi32, #tpu.memory_space<vmem>> -> memref<125xi32, #tpu.memory_space<vmem>>
        %dma_start3A_270 = arith.constant 0 : i32
        %dma_start3A_271 = arith.constant 0 : i32
        %dma_start3A_272 = tpu.memref_slice %arg19[%dma_start3A_270, %dma_start3A_271] : memref<10112x64xf32, #tpu.memory_space<vmem_shared>> -> memref<10112x64xf32, #tpu.memory_space<vmem_shared>>
        tpu.enqueue_indirect_dma source(%arg14 : memref<125x64xf32, #tpu.memory_space<vmem>>) target(%dma_start3A_272 : memref<10112x64xf32, #tpu.memory_space<vmem_shared>>) offsets(%dma_start3A_269 : memref<125xi32, #tpu.memory_space<vmem>>) semaphore(%run_scoped3A : memref<!tpu.dma_semaphore, #tpu.memory_space<semaphore_mem>>) {add = true}
        %dma_wait3A_273 = arith.constant 0 : i32
        %dma_wait3A_274 = tpu.memref_slice %arg10[%add3A_193, %dma_wait3A_273] : memref<80x125xi32, #tpu.memory_space<vmem>> -> memref<1x125xi32, #tpu.memory_space<vmem>>
        %dma_wait3A_275 = tpu.memref_squeeze %dma_wait3A_274 : memref<1x125xi32, #tpu.memory_space<vmem>> -> memref<125xi32, #tpu.memory_space<vmem>>
        %dma_wait3A_276 = arith.constant 0 : i32
        %dma_wait3A_277 = arith.constant 0 : i32
        %dma_wait3A_278 = tpu.memref_slice %arg19[%dma_wait3A_276, %dma_wait3A_277] : memref<10112x64xf32, #tpu.memory_space<vmem_shared>> -> memref<10112x64xf32, #tpu.memory_space<vmem_shared>>
        tpu.wait_indirect_dma semaphore(%run_scoped3A : memref<!tpu.dma_semaphore, #tpu.memory_space<semaphore_mem>>) src(%arg14 : memref<125x64xf32, #tpu.memory_space<vmem>>) dst(%dma_wait3A_278 : memref<10112x64xf32, #tpu.memory_space<vmem_shared>>)
        tpu.yield
      }) : () -> ()
      %add3A_207 = arith.constant 4 : i32
      %add3A_208 = arith.addi %add3A_149, %add3A_207 : i32
      %add3A_209 = arith.constant 7 : i32
      %add3A_210 = arith.addi %add3A_208, %add3A_209 : i32
      %lt3A_211 = arith.constant 80 : i32
      %lt3A_212 = arith.cmpi slt, %add3A_210, %lt3A_211 : i32
      %convert_element_type3A_213 = arith.extui %lt3A_212 : i1 to i32
      %cond3A_214 = arith.constant 0 : i32
      %cond3A_215 = arith.cmpi ne, %convert_element_type3A_213, %cond3A_214 : i32
      scf.if %cond3A_215 {
        %add3A_267 = arith.constant 7 : i32
        %add3A_268 = arith.addi %add3A_208, %add3A_267 : i32
        %dma_start3A_269 = arith.constant 0 : i32
        %dma_start3A_270 = tpu.memref_slice %arg9[%add3A_268, %dma_start3A_269] : memref<80x125xi32, #tpu.memory_space<vmem>> -> memref<1x125xi32, #tpu.memory_space<vmem>>
        %dma_start3A_271 = tpu.memref_squeeze %dma_start3A_270 : memref<1x125xi32, #tpu.memory_space<vmem>> -> memref<125xi32, #tpu.memory_space<vmem>>
        %dma_start3A_272 = arith.constant 0 : i32
        %dma_start3A_273 = arith.constant 0 : i32
        %dma_start3A_274 = tpu.memref_slice %arg2[%dma_start3A_272, %dma_start3A_273] : memref<10112x64xf32, #tpu.memory_space<hbm>> -> memref<10112x64xf32, #tpu.memory_space<hbm>>
        tpu.enqueue_indirect_dma source(%dma_start3A_274 : memref<10112x64xf32, #tpu.memory_space<hbm>>) target(%arg14 : memref<125x64xf32, #tpu.memory_space<vmem>>) offsets(%dma_start3A_271 : memref<125xi32, #tpu.memory_space<vmem>>) semaphore(%arg24 : memref<!tpu.dma_semaphore, #tpu.memory_space<semaphore_mem>>)
      } else {
      }
      %dma_wait3A_216 = arith.constant 0 : i32
      %dma_wait3A_217 = arith.constant 0 : i32
      %dma_wait3A_218 = tpu.memref_slice %arg2[%dma_wait3A_216, %dma_wait3A_217] : memref<10112x64xf32, #tpu.memory_space<hbm>> -> memref<125x64xf32, #tpu.memory_space<hbm>>
      %dma_wait3A_219 = arith.constant 0 : i32
      %dma_wait3A_220 = arith.constant 0 : i32
      %dma_wait3A_221 = tpu.memref_slice %arg2[%dma_wait3A_219, %dma_wait3A_220] : memref<10112x64xf32, #tpu.memory_space<hbm>> -> memref<125x64xf32, #tpu.memory_space<hbm>>
      tpu.wait_dma2 semaphore(%arg25 : memref<!tpu.dma_semaphore, #tpu.memory_space<semaphore_mem>>) src(%dma_wait3A_221 : memref<125x64xf32, #tpu.memory_space<hbm>>) dst(%arg15 : memref<125x64xf32, #tpu.memory_space<vmem>>)
      "tpu.region"() ({
        %run_scoped3A = tpu.sem_alloc : memref<!tpu.dma_semaphore, #tpu.memory_space<semaphore_mem>>
        %dma_start3A_267 = arith.constant 0 : i32
        %dma_start3A_268 = tpu.memref_slice %arg10[%add3A_208, %dma_start3A_267] : memref<80x125xi32, #tpu.memory_space<vmem>> -> memref<1x125xi32, #tpu.memory_space<vmem>>
        %dma_start3A_269 = tpu.memref_squeeze %dma_start3A_268 : memref<1x125xi32, #tpu.memory_space<vmem>> -> memref<125xi32, #tpu.memory_space<vmem>>
        %dma_start3A_270 = arith.constant 0 : i32
        %dma_start3A_271 = arith.constant 0 : i32
        %dma_start3A_272 = tpu.memref_slice %arg19[%dma_start3A_270, %dma_start3A_271] : memref<10112x64xf32, #tpu.memory_space<vmem_shared>> -> memref<10112x64xf32, #tpu.memory_space<vmem_shared>>
        tpu.enqueue_indirect_dma source(%arg15 : memref<125x64xf32, #tpu.memory_space<vmem>>) target(%dma_start3A_272 : memref<10112x64xf32, #tpu.memory_space<vmem_shared>>) offsets(%dma_start3A_269 : memref<125xi32, #tpu.memory_space<vmem>>) semaphore(%run_scoped3A : memref<!tpu.dma_semaphore, #tpu.memory_space<semaphore_mem>>) {add = true}
        %dma_wait3A_273 = arith.constant 0 : i32
        %dma_wait3A_274 = tpu.memref_slice %arg10[%add3A_208, %dma_wait3A_273] : memref<80x125xi32, #tpu.memory_space<vmem>> -> memref<1x125xi32, #tpu.memory_space<vmem>>
        %dma_wait3A_275 = tpu.memref_squeeze %dma_wait3A_274 : memref<1x125xi32, #tpu.memory_space<vmem>> -> memref<125xi32, #tpu.memory_space<vmem>>
        %dma_wait3A_276 = arith.constant 0 : i32
        %dma_wait3A_277 = arith.constant 0 : i32
        %dma_wait3A_278 = tpu.memref_slice %arg19[%dma_wait3A_276, %dma_wait3A_277] : memref<10112x64xf32, #tpu.memory_space<vmem_shared>> -> memref<10112x64xf32, #tpu.memory_space<vmem_shared>>
        tpu.wait_indirect_dma semaphore(%run_scoped3A : memref<!tpu.dma_semaphore, #tpu.memory_space<semaphore_mem>>) src(%arg15 : memref<125x64xf32, #tpu.memory_space<vmem>>) dst(%dma_wait3A_278 : memref<10112x64xf32, #tpu.memory_space<vmem_shared>>)
        tpu.yield
      }) : () -> ()
      %add3A_222 = arith.constant 5 : i32
      %add3A_223 = arith.addi %add3A_149, %add3A_222 : i32
      %add3A_224 = arith.constant 7 : i32
      %add3A_225 = arith.addi %add3A_223, %add3A_224 : i32
      %lt3A_226 = arith.constant 80 : i32
      %lt3A_227 = arith.cmpi slt, %add3A_225, %lt3A_226 : i32
      %convert_element_type3A_228 = arith.extui %lt3A_227 : i1 to i32
      %cond3A_229 = arith.constant 0 : i32
      %cond3A_230 = arith.cmpi ne, %convert_element_type3A_228, %cond3A_229 : i32
      scf.if %cond3A_230 {
        %add3A_267 = arith.constant 7 : i32
        %add3A_268 = arith.addi %add3A_223, %add3A_267 : i32
        %dma_start3A_269 = arith.constant 0 : i32
        %dma_start3A_270 = tpu.memref_slice %arg9[%add3A_268, %dma_start3A_269] : memref<80x125xi32, #tpu.memory_space<vmem>> -> memref<1x125xi32, #tpu.memory_space<vmem>>
        %dma_start3A_271 = tpu.memref_squeeze %dma_start3A_270 : memref<1x125xi32, #tpu.memory_space<vmem>> -> memref<125xi32, #tpu.memory_space<vmem>>
        %dma_start3A_272 = arith.constant 0 : i32
        %dma_start3A_273 = arith.constant 0 : i32
        %dma_start3A_274 = tpu.memref_slice %arg2[%dma_start3A_272, %dma_start3A_273] : memref<10112x64xf32, #tpu.memory_space<hbm>> -> memref<10112x64xf32, #tpu.memory_space<hbm>>
        tpu.enqueue_indirect_dma source(%dma_start3A_274 : memref<10112x64xf32, #tpu.memory_space<hbm>>) target(%arg15 : memref<125x64xf32, #tpu.memory_space<vmem>>) offsets(%dma_start3A_271 : memref<125xi32, #tpu.memory_space<vmem>>) semaphore(%arg25 : memref<!tpu.dma_semaphore, #tpu.memory_space<semaphore_mem>>)
      } else {
      }
      %dma_wait3A_231 = arith.constant 0 : i32
      %dma_wait3A_232 = arith.constant 0 : i32
      %dma_wait3A_233 = tpu.memref_slice %arg2[%dma_wait3A_231, %dma_wait3A_232] : memref<10112x64xf32, #tpu.memory_space<hbm>> -> memref<125x64xf32, #tpu.memory_space<hbm>>
      %dma_wait3A_234 = arith.constant 0 : i32
      %dma_wait3A_235 = arith.constant 0 : i32
      %dma_wait3A_236 = tpu.memref_slice %arg2[%dma_wait3A_234, %dma_wait3A_235] : memref<10112x64xf32, #tpu.memory_space<hbm>> -> memref<125x64xf32, #tpu.memory_space<hbm>>
      tpu.wait_dma2 semaphore(%arg26 : memref<!tpu.dma_semaphore, #tpu.memory_space<semaphore_mem>>) src(%dma_wait3A_236 : memref<125x64xf32, #tpu.memory_space<hbm>>) dst(%arg16 : memref<125x64xf32, #tpu.memory_space<vmem>>)
      "tpu.region"() ({
        %run_scoped3A = tpu.sem_alloc : memref<!tpu.dma_semaphore, #tpu.memory_space<semaphore_mem>>
        %dma_start3A_267 = arith.constant 0 : i32
        %dma_start3A_268 = tpu.memref_slice %arg10[%add3A_223, %dma_start3A_267] : memref<80x125xi32, #tpu.memory_space<vmem>> -> memref<1x125xi32, #tpu.memory_space<vmem>>
        %dma_start3A_269 = tpu.memref_squeeze %dma_start3A_268 : memref<1x125xi32, #tpu.memory_space<vmem>> -> memref<125xi32, #tpu.memory_space<vmem>>
        %dma_start3A_270 = arith.constant 0 : i32
        %dma_start3A_271 = arith.constant 0 : i32
        %dma_start3A_272 = tpu.memref_slice %arg19[%dma_start3A_270, %dma_start3A_271] : memref<10112x64xf32, #tpu.memory_space<vmem_shared>> -> memref<10112x64xf32, #tpu.memory_space<vmem_shared>>
        tpu.enqueue_indirect_dma source(%arg16 : memref<125x64xf32, #tpu.memory_space<vmem>>) target(%dma_start3A_272 : memref<10112x64xf32, #tpu.memory_space<vmem_shared>>) offsets(%dma_start3A_269 : memref<125xi32, #tpu.memory_space<vmem>>) semaphore(%run_scoped3A : memref<!tpu.dma_semaphore, #tpu.memory_space<semaphore_mem>>) {add = true}
        %dma_wait3A_273 = arith.constant 0 : i32
        %dma_wait3A_274 = tpu.memref_slice %arg10[%add3A_223, %dma_wait3A_273] : memref<80x125xi32, #tpu.memory_space<vmem>> -> memref<1x125xi32, #tpu.memory_space<vmem>>
        %dma_wait3A_275 = tpu.memref_squeeze %dma_wait3A_274 : memref<1x125xi32, #tpu.memory_space<vmem>> -> memref<125xi32, #tpu.memory_space<vmem>>
        %dma_wait3A_276 = arith.constant 0 : i32
        %dma_wait3A_277 = arith.constant 0 : i32
        %dma_wait3A_278 = tpu.memref_slice %arg19[%dma_wait3A_276, %dma_wait3A_277] : memref<10112x64xf32, #tpu.memory_space<vmem_shared>> -> memref<10112x64xf32, #tpu.memory_space<vmem_shared>>
        tpu.wait_indirect_dma semaphore(%run_scoped3A : memref<!tpu.dma_semaphore, #tpu.memory_space<semaphore_mem>>) src(%arg16 : memref<125x64xf32, #tpu.memory_space<vmem>>) dst(%dma_wait3A_278 : memref<10112x64xf32, #tpu.memory_space<vmem_shared>>)
        tpu.yield
      }) : () -> ()
      %add3A_237 = arith.constant 6 : i32
      %add3A_238 = arith.addi %add3A_149, %add3A_237 : i32
      %add3A_239 = arith.constant 7 : i32
      %add3A_240 = arith.addi %add3A_238, %add3A_239 : i32
      %lt3A_241 = arith.constant 80 : i32
      %lt3A_242 = arith.cmpi slt, %add3A_240, %lt3A_241 : i32
      %convert_element_type3A_243 = arith.extui %lt3A_242 : i1 to i32
      %cond3A_244 = arith.constant 0 : i32
      %cond3A_245 = arith.cmpi ne, %convert_element_type3A_243, %cond3A_244 : i32
      scf.if %cond3A_245 {
        %add3A_267 = arith.constant 7 : i32
        %add3A_268 = arith.addi %add3A_238, %add3A_267 : i32
        %dma_start3A_269 = arith.constant 0 : i32
        %dma_start3A_270 = tpu.memref_slice %arg9[%add3A_268, %dma_start3A_269] : memref<80x125xi32, #tpu.memory_space<vmem>> -> memref<1x125xi32, #tpu.memory_space<vmem>>
        %dma_start3A_271 = tpu.memref_squeeze %dma_start3A_270 : memref<1x125xi32, #tpu.memory_space<vmem>> -> memref<125xi32, #tpu.memory_space<vmem>>
        %dma_start3A_272 = arith.constant 0 : i32
        %dma_start3A_273 = arith.constant 0 : i32
        %dma_start3A_274 = tpu.memref_slice %arg2[%dma_start3A_272, %dma_start3A_273] : memref<10112x64xf32, #tpu.memory_space<hbm>> -> memref<10112x64xf32, #tpu.memory_space<hbm>>
        tpu.enqueue_indirect_dma source(%dma_start3A_274 : memref<10112x64xf32, #tpu.memory_space<hbm>>) target(%arg16 : memref<125x64xf32, #tpu.memory_space<vmem>>) offsets(%dma_start3A_271 : memref<125xi32, #tpu.memory_space<vmem>>) semaphore(%arg26 : memref<!tpu.dma_semaphore, #tpu.memory_space<semaphore_mem>>)
      } else {
      }
      %dma_wait3A_246 = arith.constant 0 : i32
      %dma_wait3A_247 = arith.constant 0 : i32
      %dma_wait3A_248 = tpu.memref_slice %arg2[%dma_wait3A_246, %dma_wait3A_247] : memref<10112x64xf32, #tpu.memory_space<hbm>> -> memref<125x64xf32, #tpu.memory_space<hbm>>
      %dma_wait3A_249 = arith.constant 0 : i32
      %dma_wait3A_250 = arith.constant 0 : i32
      %dma_wait3A_251 = tpu.memref_slice %arg2[%dma_wait3A_249, %dma_wait3A_250] : memref<10112x64xf32, #tpu.memory_space<hbm>> -> memref<125x64xf32, #tpu.memory_space<hbm>>
      tpu.wait_dma2 semaphore(%arg27 : memref<!tpu.dma_semaphore, #tpu.memory_space<semaphore_mem>>) src(%dma_wait3A_251 : memref<125x64xf32, #tpu.memory_space<hbm>>) dst(%arg17 : memref<125x64xf32, #tpu.memory_space<vmem>>)
      "tpu.region"() ({
        %run_scoped3A = tpu.sem_alloc : memref<!tpu.dma_semaphore, #tpu.memory_space<semaphore_mem>>
        %dma_start3A_267 = arith.constant 0 : i32
        %dma_start3A_268 = tpu.memref_slice %arg10[%add3A_238, %dma_start3A_267] : memref<80x125xi32, #tpu.memory_space<vmem>> -> memref<1x125xi32, #tpu.memory_space<vmem>>
        %dma_start3A_269 = tpu.memref_squeeze %dma_start3A_268 : memref<1x125xi32, #tpu.memory_space<vmem>> -> memref<125xi32, #tpu.memory_space<vmem>>
        %dma_start3A_270 = arith.constant 0 : i32
        %dma_start3A_271 = arith.constant 0 : i32
        %dma_start3A_272 = tpu.memref_slice %arg19[%dma_start3A_270, %dma_start3A_271] : memref<10112x64xf32, #tpu.memory_space<vmem_shared>> -> memref<10112x64xf32, #tpu.memory_space<vmem_shared>>
        tpu.enqueue_indirect_dma source(%arg17 : memref<125x64xf32, #tpu.memory_space<vmem>>) target(%dma_start3A_272 : memref<10112x64xf32, #tpu.memory_space<vmem_shared>>) offsets(%dma_start3A_269 : memref<125xi32, #tpu.memory_space<vmem>>) semaphore(%run_scoped3A : memref<!tpu.dma_semaphore, #tpu.memory_space<semaphore_mem>>) {add = true}
        %dma_wait3A_273 = arith.constant 0 : i32
        %dma_wait3A_274 = tpu.memref_slice %arg10[%add3A_238, %dma_wait3A_273] : memref<80x125xi32, #tpu.memory_space<vmem>> -> memref<1x125xi32, #tpu.memory_space<vmem>>
        %dma_wait3A_275 = tpu.memref_squeeze %dma_wait3A_274 : memref<1x125xi32, #tpu.memory_space<vmem>> -> memref<125xi32, #tpu.memory_space<vmem>>
        %dma_wait3A_276 = arith.constant 0 : i32
        %dma_wait3A_277 = arith.constant 0 : i32
        %dma_wait3A_278 = tpu.memref_slice %arg19[%dma_wait3A_276, %dma_wait3A_277] : memref<10112x64xf32, #tpu.memory_space<vmem_shared>> -> memref<10112x64xf32, #tpu.memory_space<vmem_shared>>
        tpu.wait_indirect_dma semaphore(%run_scoped3A : memref<!tpu.dma_semaphore, #tpu.memory_space<semaphore_mem>>) src(%arg17 : memref<125x64xf32, #tpu.memory_space<vmem>>) dst(%dma_wait3A_278 : memref<10112x64xf32, #tpu.memory_space<vmem_shared>>)
        tpu.yield
      }) : () -> ()
      %add3A_252 = arith.constant 7 : i32
      %add3A_253 = arith.addi %add3A_149, %add3A_252 : i32
      %add3A_254 = arith.constant 7 : i32
      %add3A_255 = arith.addi %add3A_253, %add3A_254 : i32
      %lt3A_256 = arith.constant 80 : i32
      %lt3A_257 = arith.cmpi slt, %add3A_255, %lt3A_256 : i32
      %convert_element_type3A_258 = arith.extui %lt3A_257 : i1 to i32
      %cond3A_259 = arith.constant 0 : i32
      %cond3A_260 = arith.cmpi ne, %convert_element_type3A_258, %cond3A_259 : i32
      scf.if %cond3A_260 {
        %add3A_267 = arith.constant 7 : i32
        %add3A_268 = arith.addi %add3A_253, %add3A_267 : i32
        %dma_start3A_269 = arith.constant 0 : i32
        %dma_start3A_270 = tpu.memref_slice %arg9[%add3A_268, %dma_start3A_269] : memref<80x125xi32, #tpu.memory_space<vmem>> -> memref<1x125xi32, #tpu.memory_space<vmem>>
        %dma_start3A_271 = tpu.memref_squeeze %dma_start3A_270 : memref<1x125xi32, #tpu.memory_space<vmem>> -> memref<125xi32, #tpu.memory_space<vmem>>
        %dma_start3A_272 = arith.constant 0 : i32
        %dma_start3A_273 = arith.constant 0 : i32
        %dma_start3A_274 = tpu.memref_slice %arg2[%dma_start3A_272, %dma_start3A_273] : memref<10112x64xf32, #tpu.memory_space<hbm>> -> memref<10112x64xf32, #tpu.memory_space<hbm>>
        tpu.enqueue_indirect_dma source(%dma_start3A_274 : memref<10112x64xf32, #tpu.memory_space<hbm>>) target(%arg17 : memref<125x64xf32, #tpu.memory_space<vmem>>) offsets(%dma_start3A_271 : memref<125xi32, #tpu.memory_space<vmem>>) semaphore(%arg27 : memref<!tpu.dma_semaphore, #tpu.memory_space<semaphore_mem>>)
      } else {
      }
      %dma_wait3A_261 = arith.constant 0 : i32
      %dma_wait3A_262 = arith.constant 0 : i32
      %dma_wait3A_263 = tpu.memref_slice %arg2[%dma_wait3A_261, %dma_wait3A_262] : memref<10112x64xf32, #tpu.memory_space<hbm>> -> memref<125x64xf32, #tpu.memory_space<hbm>>
      %dma_wait3A_264 = arith.constant 0 : i32
      %dma_wait3A_265 = arith.constant 0 : i32
      %dma_wait3A_266 = tpu.memref_slice %arg2[%dma_wait3A_264, %dma_wait3A_265] : memref<10112x64xf32, #tpu.memory_space<hbm>> -> memref<125x64xf32, #tpu.memory_space<hbm>>
      tpu.wait_dma2 semaphore(%arg28 : memref<!tpu.dma_semaphore, #tpu.memory_space<semaphore_mem>>) src(%dma_wait3A_266 : memref<125x64xf32, #tpu.memory_space<hbm>>) dst(%arg18 : memref<125x64xf32, #tpu.memory_space<vmem>>)
      "tpu.region"() ({
        %run_scoped3A = tpu.sem_alloc : memref<!tpu.dma_semaphore, #tpu.memory_space<semaphore_mem>>
        %dma_start3A_267 = arith.constant 0 : i32
        %dma_start3A_268 = tpu.memref_slice %arg10[%add3A_253, %dma_start3A_267] : memref<80x125xi32, #tpu.memory_space<vmem>> -> memref<1x125xi32, #tpu.memory_space<vmem>>
        %dma_start3A_269 = tpu.memref_squeeze %dma_start3A_268 : memref<1x125xi32, #tpu.memory_space<vmem>> -> memref<125xi32, #tpu.memory_space<vmem>>
        %dma_start3A_270 = arith.constant 0 : i32
        %dma_start3A_271 = arith.constant 0 : i32
        %dma_start3A_272 = tpu.memref_slice %arg19[%dma_start3A_270, %dma_start3A_271] : memref<10112x64xf32, #tpu.memory_space<vmem_shared>> -> memref<10112x64xf32, #tpu.memory_space<vmem_shared>>
        tpu.enqueue_indirect_dma source(%arg18 : memref<125x64xf32, #tpu.memory_space<vmem>>) target(%dma_start3A_272 : memref<10112x64xf32, #tpu.memory_space<vmem_shared>>) offsets(%dma_start3A_269 : memref<125xi32, #tpu.memory_space<vmem>>) semaphore(%run_scoped3A : memref<!tpu.dma_semaphore, #tpu.memory_space<semaphore_mem>>) {add = true}
        %dma_wait3A_273 = arith.constant 0 : i32
        %dma_wait3A_274 = tpu.memref_slice %arg10[%add3A_253, %dma_wait3A_273] : memref<80x125xi32, #tpu.memory_space<vmem>> -> memref<1x125xi32, #tpu.memory_space<vmem>>
        %dma_wait3A_275 = tpu.memref_squeeze %dma_wait3A_274 : memref<1x125xi32, #tpu.memory_space<vmem>> -> memref<125xi32, #tpu.memory_space<vmem>>
        %dma_wait3A_276 = arith.constant 0 : i32
        %dma_wait3A_277 = arith.constant 0 : i32
        %dma_wait3A_278 = tpu.memref_slice %arg19[%dma_wait3A_276, %dma_wait3A_277] : memref<10112x64xf32, #tpu.memory_space<vmem_shared>> -> memref<10112x64xf32, #tpu.memory_space<vmem_shared>>
        tpu.wait_indirect_dma semaphore(%run_scoped3A : memref<!tpu.dma_semaphore, #tpu.memory_space<semaphore_mem>>) src(%arg18 : memref<125x64xf32, #tpu.memory_space<vmem>>) dst(%dma_wait3A_278 : memref<10112x64xf32, #tpu.memory_space<vmem_shared>>)
        tpu.yield
      }) : () -> ()
    }
    %scan3A_85 = arith.constant 10 : i32
    %barrier3A_86 = arith.constant 0 : index
    tpu.barrier barrier_id(%barrier3A_86)
    "tpu.region"() ({
      %run_scoped3A = tpu.sem_alloc : memref<!tpu.dma_semaphore, #tpu.memory_space<semaphore_mem>>
      %dma_start3A_145 = arith.constant 0 : i32
      %dma_start3A_146 = tpu.memref_slice %arg7[%arg0, %multiple_of3A, %dma_start3A_145] : memref<2x10112x64xf32, #tpu.memory_space<hbm>> -> memref<1x632x64xf32, #tpu.memory_space<hbm>>
      %dma_start3A_147 = tpu.memref_squeeze %dma_start3A_146 : memref<1x632x64xf32, #tpu.memory_space<hbm>> -> memref<632x64xf32, #tpu.memory_space<hbm>>
      %dma_start3A_148 = arith.constant 0 : i32
      %dma_start3A_149 = tpu.memref_slice %arg19[%multiple_of3A, %dma_start3A_148] : memref<10112x64xf32, #tpu.memory_space<vmem_shared>> -> memref<632x64xf32, #tpu.memory_space<vmem_shared>>
      tpu.enqueue_dma source(%dma_start3A_149 : memref<632x64xf32, #tpu.memory_space<vmem_shared>>) target(%dma_start3A_147 : memref<632x64xf32, #tpu.memory_space<hbm>>) target_semaphore(%run_scoped3A : memref<!tpu.dma_semaphore, #tpu.memory_space<semaphore_mem>>)
      %dma_wait3A_150 = arith.constant 0 : i32
      %dma_wait3A_151 = tpu.memref_slice %arg7[%arg0, %multiple_of3A, %dma_wait3A_150] : memref<2x10112x64xf32, #tpu.memory_space<hbm>> -> memref<1x632x64xf32, #tpu.memory_space<hbm>>
      %dma_wait3A_152 = tpu.memref_squeeze %dma_wait3A_151 : memref<1x632x64xf32, #tpu.memory_space<hbm>> -> memref<632x64xf32, #tpu.memory_space<hbm>>
      %dma_wait3A_153 = arith.constant 0 : i32
      %dma_wait3A_154 = tpu.memref_slice %arg19[%multiple_of3A, %dma_wait3A_153] : memref<10112x64xf32, #tpu.memory_space<vmem_shared>> -> memref<632x64xf32, #tpu.memory_space<vmem_shared>>
      tpu.wait_dma2 semaphore(%run_scoped3A : memref<!tpu.dma_semaphore, #tpu.memory_space<semaphore_mem>>) src(%dma_wait3A_154 : memref<632x64xf32, #tpu.memory_space<vmem_shared>>) dst(%dma_wait3A_152 : memref<632x64xf32, #tpu.memory_space<hbm>>)
      tpu.yield
    }) : () -> ()
    %barrier3A_87 = arith.constant 0 : index
    tpu.barrier barrier_id(%barrier3A_87)
    "tpu.region"() ({
      %run_scoped3A = tpu.sem_alloc : memref<!tpu.dma_semaphore, #tpu.memory_space<semaphore_mem>>
      %dma_start3A_145 = arith.constant 0 : i32
      %dma_start3A_146 = tpu.memref_slice %arg19[%multiple_of3A, %dma_start3A_145] : memref<10112x64xf32, #tpu.memory_space<vmem_shared>> -> memref<632x64xf32, #tpu.memory_space<vmem_shared>>
      %dma_start3A_147 = arith.constant 0 : i32
      %dma_start3A_148 = tpu.memref_slice %arg6[%multiple_of3A, %dma_start3A_147] : memref<10112x64xf32, #tpu.memory_space<hbm>> -> memref<632x64xf32, #tpu.memory_space<hbm>>
      tpu.enqueue_dma source(%dma_start3A_148 : memref<632x64xf32, #tpu.memory_space<hbm>>) target(%dma_start3A_146 : memref<632x64xf32, #tpu.memory_space<vmem_shared>>) target_semaphore(%run_scoped3A : memref<!tpu.dma_semaphore, #tpu.memory_space<semaphore_mem>>)
      %dma_wait3A_149 = arith.constant 0 : i32
      %dma_wait3A_150 = tpu.memref_slice %arg19[%multiple_of3A, %dma_wait3A_149] : memref<10112x64xf32, #tpu.memory_space<vmem_shared>> -> memref<632x64xf32, #tpu.memory_space<vmem_shared>>
      %dma_wait3A_151 = arith.constant 0 : i32
      %dma_wait3A_152 = tpu.memref_slice %arg6[%multiple_of3A, %dma_wait3A_151] : memref<10112x64xf32, #tpu.memory_space<hbm>> -> memref<632x64xf32, #tpu.memory_space<hbm>>
      tpu.wait_dma2 semaphore(%run_scoped3A : memref<!tpu.dma_semaphore, #tpu.memory_space<semaphore_mem>>) src(%dma_wait3A_152 : memref<632x64xf32, #tpu.memory_space<hbm>>) dst(%dma_wait3A_150 : memref<632x64xf32, #tpu.memory_space<vmem_shared>>)
      tpu.yield
    }) : () -> ()
    %barrier3A_88 = arith.constant 0 : index
    tpu.barrier barrier_id(%barrier3A_88)
    %dma_start3A_89 = arith.constant 0 : i32
    %dma_start3A_90 = arith.constant 0 : i32
    %dma_start3A_91 = tpu.memref_slice %arg9[%dma_start3A_89, %dma_start3A_90] : memref<80x125xi32, #tpu.memory_space<vmem>> -> memref<1x125xi32, #tpu.memory_space<vmem>>
    %dma_start3A_92 = tpu.memref_squeeze %dma_start3A_91 : memref<1x125xi32, #tpu.memory_space<vmem>> -> memref<125xi32, #tpu.memory_space<vmem>>
    %dma_start3A_93 = arith.constant 0 : i32
    %dma_start3A_94 = arith.constant 0 : i32
    %dma_start3A_95 = tpu.memref_slice %arg3[%dma_start3A_93, %dma_start3A_94] : memref<10112x64xf32, #tpu.memory_space<hbm>> -> memref<10112x64xf32, #tpu.memory_space<hbm>>
    tpu.enqueue_indirect_dma source(%dma_start3A_95 : memref<10112x64xf32, #tpu.memory_space<hbm>>) target(%arg11 : memref<125x64xf32, #tpu.memory_space<vmem>>) offsets(%dma_start3A_92 : memref<125xi32, #tpu.memory_space<vmem>>) semaphore(%arg21 : memref<!tpu.dma_semaphore, #tpu.memory_space<semaphore_mem>>)
    %dma_start3A_96 = arith.constant 1 : i32
    %dma_start3A_97 = arith.constant 0 : i32
    %dma_start3A_98 = tpu.memref_slice %arg9[%dma_start3A_96, %dma_start3A_97] : memref<80x125xi32, #tpu.memory_space<vmem>> -> memref<1x125xi32, #tpu.memory_space<vmem>>
    %dma_start3A_99 = tpu.memref_squeeze %dma_start3A_98 : memref<1x125xi32, #tpu.memory_space<vmem>> -> memref<125xi32, #tpu.memory_space<vmem>>
    %dma_start3A_100 = arith.constant 0 : i32
    %dma_start3A_101 = arith.constant 0 : i32
    %dma_start3A_102 = tpu.memref_slice %arg3[%dma_start3A_100, %dma_start3A_101] : memref<10112x64xf32, #tpu.memory_space<hbm>> -> memref<10112x64xf32, #tpu.memory_space<hbm>>
    tpu.enqueue_indirect_dma source(%dma_start3A_102 : memref<10112x64xf32, #tpu.memory_space<hbm>>) target(%arg12 : memref<125x64xf32, #tpu.memory_space<vmem>>) offsets(%dma_start3A_99 : memref<125xi32, #tpu.memory_space<vmem>>) semaphore(%arg22 : memref<!tpu.dma_semaphore, #tpu.memory_space<semaphore_mem>>)
    %dma_start3A_103 = arith.constant 2 : i32
    %dma_start3A_104 = arith.constant 0 : i32
    %dma_start3A_105 = tpu.memref_slice %arg9[%dma_start3A_103, %dma_start3A_104] : memref<80x125xi32, #tpu.memory_space<vmem>> -> memref<1x125xi32, #tpu.memory_space<vmem>>
    %dma_start3A_106 = tpu.memref_squeeze %dma_start3A_105 : memref<1x125xi32, #tpu.memory_space<vmem>> -> memref<125xi32, #tpu.memory_space<vmem>>
    %dma_start3A_107 = arith.constant 0 : i32
    %dma_start3A_108 = arith.constant 0 : i32
    %dma_start3A_109 = tpu.memref_slice %arg3[%dma_start3A_107, %dma_start3A_108] : memref<10112x64xf32, #tpu.memory_space<hbm>> -> memref<10112x64xf32, #tpu.memory_space<hbm>>
    tpu.enqueue_indirect_dma source(%dma_start3A_109 : memref<10112x64xf32, #tpu.memory_space<hbm>>) target(%arg13 : memref<125x64xf32, #tpu.memory_space<vmem>>) offsets(%dma_start3A_106 : memref<125xi32, #tpu.memory_space<vmem>>) semaphore(%arg23 : memref<!tpu.dma_semaphore, #tpu.memory_space<semaphore_mem>>)
    %dma_start3A_110 = arith.constant 3 : i32
    %dma_start3A_111 = arith.constant 0 : i32
    %dma_start3A_112 = tpu.memref_slice %arg9[%dma_start3A_110, %dma_start3A_111] : memref<80x125xi32, #tpu.memory_space<vmem>> -> memref<1x125xi32, #tpu.memory_space<vmem>>
    %dma_start3A_113 = tpu.memref_squeeze %dma_start3A_112 : memref<1x125xi32, #tpu.memory_space<vmem>> -> memref<125xi32, #tpu.memory_space<vmem>>
    %dma_start3A_114 = arith.constant 0 : i32
    %dma_start3A_115 = arith.constant 0 : i32
    %dma_start3A_116 = tpu.memref_slice %arg3[%dma_start3A_114, %dma_start3A_115] : memref<10112x64xf32, #tpu.memory_space<hbm>> -> memref<10112x64xf32, #tpu.memory_space<hbm>>
    tpu.enqueue_indirect_dma source(%dma_start3A_116 : memref<10112x64xf32, #tpu.memory_space<hbm>>) target(%arg14 : memref<125x64xf32, #tpu.memory_space<vmem>>) offsets(%dma_start3A_113 : memref<125xi32, #tpu.memory_space<vmem>>) semaphore(%arg24 : memref<!tpu.dma_semaphore, #tpu.memory_space<semaphore_mem>>)
    %dma_start3A_117 = arith.constant 4 : i32
    %dma_start3A_118 = arith.constant 0 : i32
    %dma_start3A_119 = tpu.memref_slice %arg9[%dma_start3A_117, %dma_start3A_118] : memref<80x125xi32, #tpu.memory_space<vmem>> -> memref<1x125xi32, #tpu.memory_space<vmem>>
    %dma_start3A_120 = tpu.memref_squeeze %dma_start3A_119 : memref<1x125xi32, #tpu.memory_space<vmem>> -> memref<125xi32, #tpu.memory_space<vmem>>
    %dma_start3A_121 = arith.constant 0 : i32
    %dma_start3A_122 = arith.constant 0 : i32
    %dma_start3A_123 = tpu.memref_slice %arg3[%dma_start3A_121, %dma_start3A_122] : memref<10112x64xf32, #tpu.memory_space<hbm>> -> memref<10112x64xf32, #tpu.memory_space<hbm>>
    tpu.enqueue_indirect_dma source(%dma_start3A_123 : memref<10112x64xf32, #tpu.memory_space<hbm>>) target(%arg15 : memref<125x64xf32, #tpu.memory_space<vmem>>) offsets(%dma_start3A_120 : memref<125xi32, #tpu.memory_space<vmem>>) semaphore(%arg25 : memref<!tpu.dma_semaphore, #tpu.memory_space<semaphore_mem>>)
    %dma_start3A_124 = arith.constant 5 : i32
    %dma_start3A_125 = arith.constant 0 : i32
    %dma_start3A_126 = tpu.memref_slice %arg9[%dma_start3A_124, %dma_start3A_125] : memref<80x125xi32, #tpu.memory_space<vmem>> -> memref<1x125xi32, #tpu.memory_space<vmem>>
    %dma_start3A_127 = tpu.memref_squeeze %dma_start3A_126 : memref<1x125xi32, #tpu.memory_space<vmem>> -> memref<125xi32, #tpu.memory_space<vmem>>
    %dma_start3A_128 = arith.constant 0 : i32
    %dma_start3A_129 = arith.constant 0 : i32
    %dma_start3A_130 = tpu.memref_slice %arg3[%dma_start3A_128, %dma_start3A_129] : memref<10112x64xf32, #tpu.memory_space<hbm>> -> memref<10112x64xf32, #tpu.memory_space<hbm>>
    tpu.enqueue_indirect_dma source(%dma_start3A_130 : memref<10112x64xf32, #tpu.memory_space<hbm>>) target(%arg16 : memref<125x64xf32, #tpu.memory_space<vmem>>) offsets(%dma_start3A_127 : memref<125xi32, #tpu.memory_space<vmem>>) semaphore(%arg26 : memref<!tpu.dma_semaphore, #tpu.memory_space<semaphore_mem>>)
    %dma_start3A_131 = arith.constant 6 : i32
    %dma_start3A_132 = arith.constant 0 : i32
    %dma_start3A_133 = tpu.memref_slice %arg9[%dma_start3A_131, %dma_start3A_132] : memref<80x125xi32, #tpu.memory_space<vmem>> -> memref<1x125xi32, #tpu.memory_space<vmem>>
    %dma_start3A_134 = tpu.memref_squeeze %dma_start3A_133 : memref<1x125xi32, #tpu.memory_space<vmem>> -> memref<125xi32, #tpu.memory_space<vmem>>
    %dma_start3A_135 = arith.constant 0 : i32
    %dma_start3A_136 = arith.constant 0 : i32
    %dma_start3A_137 = tpu.memref_slice %arg3[%dma_start3A_135, %dma_start3A_136] : memref<10112x64xf32, #tpu.memory_space<hbm>> -> memref<10112x64xf32, #tpu.memory_space<hbm>>
    tpu.enqueue_indirect_dma source(%dma_start3A_137 : memref<10112x64xf32, #tpu.memory_space<hbm>>) target(%arg17 : memref<125x64xf32, #tpu.memory_space<vmem>>) offsets(%dma_start3A_134 : memref<125xi32, #tpu.memory_space<vmem>>) semaphore(%arg27 : memref<!tpu.dma_semaphore, #tpu.memory_space<semaphore_mem>>)
    %scan3A_138 = arith.constant 0 : i32
    %scan3A_139 = arith.constant 10 : i32
    %scan3A_140 = arith.addi %scan3A_138, %scan3A_139 : i32
    %scan3A_141 = arith.constant 1 : i32
    scf.for %scan3A_145 = %scan3A_138 to %scan3A_140 step %scan3A_141  : i32 {
      %mul3A_146 = arith.constant 8 : i32
      %mul3A_147 = arith.muli %scan3A_145, %mul3A_146 : i32
      %add3A_148 = arith.constant 0 : i32
      %add3A_149 = arith.addi %add3A_148, %mul3A_147 : i32
      %add3A_150 = arith.constant 0 : i32
      %add3A_151 = arith.addi %add3A_149, %add3A_150 : i32
      %add3A_152 = arith.constant 7 : i32
      %add3A_153 = arith.addi %add3A_151, %add3A_152 : i32
      %lt3A = arith.constant 80 : i32
      %lt3A_154 = arith.cmpi slt, %add3A_153, %lt3A : i32
      %convert_element_type3A = arith.extui %lt3A_154 : i1 to i32
      %cond3A = arith.constant 0 : i32
      %cond3A_155 = arith.cmpi ne, %convert_element_type3A, %cond3A : i32
      scf.if %cond3A_155 {
        %add3A_267 = arith.constant 7 : i32
        %add3A_268 = arith.addi %add3A_151, %add3A_267 : i32
        %dma_start3A_269 = arith.constant 0 : i32
        %dma_start3A_270 = tpu.memref_slice %arg9[%add3A_268, %dma_start3A_269] : memref<80x125xi32, #tpu.memory_space<vmem>> -> memref<1x125xi32, #tpu.memory_space<vmem>>
        %dma_start3A_271 = tpu.memref_squeeze %dma_start3A_270 : memref<1x125xi32, #tpu.memory_space<vmem>> -> memref<125xi32, #tpu.memory_space<vmem>>
        %dma_start3A_272 = arith.constant 0 : i32
        %dma_start3A_273 = arith.constant 0 : i32
        %dma_start3A_274 = tpu.memref_slice %arg3[%dma_start3A_272, %dma_start3A_273] : memref<10112x64xf32, #tpu.memory_space<hbm>> -> memref<10112x64xf32, #tpu.memory_space<hbm>>
        tpu.enqueue_indirect_dma source(%dma_start3A_274 : memref<10112x64xf32, #tpu.memory_space<hbm>>) target(%arg18 : memref<125x64xf32, #tpu.memory_space<vmem>>) offsets(%dma_start3A_271 : memref<125xi32, #tpu.memory_space<vmem>>) semaphore(%arg28 : memref<!tpu.dma_semaphore, #tpu.memory_space<semaphore_mem>>)
      } else {
      }
      %dma_wait3A_156 = arith.constant 0 : i32
      %dma_wait3A_157 = arith.constant 0 : i32
      %dma_wait3A_158 = tpu.memref_slice %arg2[%dma_wait3A_156, %dma_wait3A_157] : memref<10112x64xf32, #tpu.memory_space<hbm>> -> memref<125x64xf32, #tpu.memory_space<hbm>>
      %dma_wait3A_159 = arith.constant 0 : i32
      %dma_wait3A_160 = arith.constant 0 : i32
      %dma_wait3A_161 = tpu.memref_slice %arg2[%dma_wait3A_159, %dma_wait3A_160] : memref<10112x64xf32, #tpu.memory_space<hbm>> -> memref<125x64xf32, #tpu.memory_space<hbm>>
      tpu.wait_dma2 semaphore(%arg21 : memref<!tpu.dma_semaphore, #tpu.memory_space<semaphore_mem>>) src(%dma_wait3A_161 : memref<125x64xf32, #tpu.memory_space<hbm>>) dst(%arg11 : memref<125x64xf32, #tpu.memory_space<vmem>>)
      "tpu.region"() ({
        %run_scoped3A = tpu.sem_alloc : memref<!tpu.dma_semaphore, #tpu.memory_space<semaphore_mem>>
        %dma_start3A_267 = arith.constant 0 : i32
        %dma_start3A_268 = tpu.memref_slice %arg10[%add3A_151, %dma_start3A_267] : memref<80x125xi32, #tpu.memory_space<vmem>> -> memref<1x125xi32, #tpu.memory_space<vmem>>
        %dma_start3A_269 = tpu.memref_squeeze %dma_start3A_268 : memref<1x125xi32, #tpu.memory_space<vmem>> -> memref<125xi32, #tpu.memory_space<vmem>>
        %dma_start3A_270 = arith.constant 0 : i32
        %dma_start3A_271 = arith.constant 0 : i32
        %dma_start3A_272 = tpu.memref_slice %arg19[%dma_start3A_270, %dma_start3A_271] : memref<10112x64xf32, #tpu.memory_space<vmem_shared>> -> memref<10112x64xf32, #tpu.memory_space<vmem_shared>>
        tpu.enqueue_indirect_dma source(%arg11 : memref<125x64xf32, #tpu.memory_space<vmem>>) target(%dma_start3A_272 : memref<10112x64xf32, #tpu.memory_space<vmem_shared>>) offsets(%dma_start3A_269 : memref<125xi32, #tpu.memory_space<vmem>>) semaphore(%run_scoped3A : memref<!tpu.dma_semaphore, #tpu.memory_space<semaphore_mem>>) {add = true}
        %dma_wait3A_273 = arith.constant 0 : i32
        %dma_wait3A_274 = tpu.memref_slice %arg10[%add3A_151, %dma_wait3A_273] : memref<80x125xi32, #tpu.memory_space<vmem>> -> memref<1x125xi32, #tpu.memory_space<vmem>>
        %dma_wait3A_275 = tpu.memref_squeeze %dma_wait3A_274 : memref<1x125xi32, #tpu.memory_space<vmem>> -> memref<125xi32, #tpu.memory_space<vmem>>
        %dma_wait3A_276 = arith.constant 0 : i32
        %dma_wait3A_277 = arith.constant 0 : i32
        %dma_wait3A_278 = tpu.memref_slice %arg19[%dma_wait3A_276, %dma_wait3A_277] : memref<10112x64xf32, #tpu.memory_space<vmem_shared>> -> memref<10112x64xf32, #tpu.memory_space<vmem_shared>>
        tpu.wait_indirect_dma semaphore(%run_scoped3A : memref<!tpu.dma_semaphore, #tpu.memory_space<semaphore_mem>>) src(%arg11 : memref<125x64xf32, #tpu.memory_space<vmem>>) dst(%dma_wait3A_278 : memref<10112x64xf32, #tpu.memory_space<vmem_shared>>)
        tpu.yield
      }) : () -> ()
      %add3A_162 = arith.constant 1 : i32
      %add3A_163 = arith.addi %add3A_149, %add3A_162 : i32
      %add3A_164 = arith.constant 7 : i32
      %add3A_165 = arith.addi %add3A_163, %add3A_164 : i32
      %lt3A_166 = arith.constant 80 : i32
      %lt3A_167 = arith.cmpi slt, %add3A_165, %lt3A_166 : i32
      %convert_element_type3A_168 = arith.extui %lt3A_167 : i1 to i32
      %cond3A_169 = arith.constant 0 : i32
      %cond3A_170 = arith.cmpi ne, %convert_element_type3A_168, %cond3A_169 : i32
      scf.if %cond3A_170 {
        %add3A_267 = arith.constant 7 : i32
        %add3A_268 = arith.addi %add3A_163, %add3A_267 : i32
        %dma_start3A_269 = arith.constant 0 : i32
        %dma_start3A_270 = tpu.memref_slice %arg9[%add3A_268, %dma_start3A_269] : memref<80x125xi32, #tpu.memory_space<vmem>> -> memref<1x125xi32, #tpu.memory_space<vmem>>
        %dma_start3A_271 = tpu.memref_squeeze %dma_start3A_270 : memref<1x125xi32, #tpu.memory_space<vmem>> -> memref<125xi32, #tpu.memory_space<vmem>>
        %dma_start3A_272 = arith.constant 0 : i32
        %dma_start3A_273 = arith.constant 0 : i32
        %dma_start3A_274 = tpu.memref_slice %arg3[%dma_start3A_272, %dma_start3A_273] : memref<10112x64xf32, #tpu.memory_space<hbm>> -> memref<10112x64xf32, #tpu.memory_space<hbm>>
        tpu.enqueue_indirect_dma source(%dma_start3A_274 : memref<10112x64xf32, #tpu.memory_space<hbm>>) target(%arg11 : memref<125x64xf32, #tpu.memory_space<vmem>>) offsets(%dma_start3A_271 : memref<125xi32, #tpu.memory_space<vmem>>) semaphore(%arg21 : memref<!tpu.dma_semaphore, #tpu.memory_space<semaphore_mem>>)
      } else {
      }
      %dma_wait3A_171 = arith.constant 0 : i32
      %dma_wait3A_172 = arith.constant 0 : i32
      %dma_wait3A_173 = tpu.memref_slice %arg2[%dma_wait3A_171, %dma_wait3A_172] : memref<10112x64xf32, #tpu.memory_space<hbm>> -> memref<125x64xf32, #tpu.memory_space<hbm>>
      %dma_wait3A_174 = arith.constant 0 : i32
      %dma_wait3A_175 = arith.constant 0 : i32
      %dma_wait3A_176 = tpu.memref_slice %arg2[%dma_wait3A_174, %dma_wait3A_175] : memref<10112x64xf32, #tpu.memory_space<hbm>> -> memref<125x64xf32, #tpu.memory_space<hbm>>
      tpu.wait_dma2 semaphore(%arg22 : memref<!tpu.dma_semaphore, #tpu.memory_space<semaphore_mem>>) src(%dma_wait3A_176 : memref<125x64xf32, #tpu.memory_space<hbm>>) dst(%arg12 : memref<125x64xf32, #tpu.memory_space<vmem>>)
      "tpu.region"() ({
        %run_scoped3A = tpu.sem_alloc : memref<!tpu.dma_semaphore, #tpu.memory_space<semaphore_mem>>
        %dma_start3A_267 = arith.constant 0 : i32
        %dma_start3A_268 = tpu.memref_slice %arg10[%add3A_163, %dma_start3A_267] : memref<80x125xi32, #tpu.memory_space<vmem>> -> memref<1x125xi32, #tpu.memory_space<vmem>>
        %dma_start3A_269 = tpu.memref_squeeze %dma_start3A_268 : memref<1x125xi32, #tpu.memory_space<vmem>> -> memref<125xi32, #tpu.memory_space<vmem>>
        %dma_start3A_270 = arith.constant 0 : i32
        %dma_start3A_271 = arith.constant 0 : i32
        %dma_start3A_272 = tpu.memref_slice %arg19[%dma_start3A_270, %dma_start3A_271] : memref<10112x64xf32, #tpu.memory_space<vmem_shared>> -> memref<10112x64xf32, #tpu.memory_space<vmem_shared>>
        tpu.enqueue_indirect_dma source(%arg12 : memref<125x64xf32, #tpu.memory_space<vmem>>) target(%dma_start3A_272 : memref<10112x64xf32, #tpu.memory_space<vmem_shared>>) offsets(%dma_start3A_269 : memref<125xi32, #tpu.memory_space<vmem>>) semaphore(%run_scoped3A : memref<!tpu.dma_semaphore, #tpu.memory_space<semaphore_mem>>) {add = true}
        %dma_wait3A_273 = arith.constant 0 : i32
        %dma_wait3A_274 = tpu.memref_slice %arg10[%add3A_163, %dma_wait3A_273] : memref<80x125xi32, #tpu.memory_space<vmem>> -> memref<1x125xi32, #tpu.memory_space<vmem>>
        %dma_wait3A_275 = tpu.memref_squeeze %dma_wait3A_274 : memref<1x125xi32, #tpu.memory_space<vmem>> -> memref<125xi32, #tpu.memory_space<vmem>>
        %dma_wait3A_276 = arith.constant 0 : i32
        %dma_wait3A_277 = arith.constant 0 : i32
        %dma_wait3A_278 = tpu.memref_slice %arg19[%dma_wait3A_276, %dma_wait3A_277] : memref<10112x64xf32, #tpu.memory_space<vmem_shared>> -> memref<10112x64xf32, #tpu.memory_space<vmem_shared>>
        tpu.wait_indirect_dma semaphore(%run_scoped3A : memref<!tpu.dma_semaphore, #tpu.memory_space<semaphore_mem>>) src(%arg12 : memref<125x64xf32, #tpu.memory_space<vmem>>) dst(%dma_wait3A_278 : memref<10112x64xf32, #tpu.memory_space<vmem_shared>>)
        tpu.yield
      }) : () -> ()
      %add3A_177 = arith.constant 2 : i32
      %add3A_178 = arith.addi %add3A_149, %add3A_177 : i32
      %add3A_179 = arith.constant 7 : i32
      %add3A_180 = arith.addi %add3A_178, %add3A_179 : i32
      %lt3A_181 = arith.constant 80 : i32
      %lt3A_182 = arith.cmpi slt, %add3A_180, %lt3A_181 : i32
      %convert_element_type3A_183 = arith.extui %lt3A_182 : i1 to i32
      %cond3A_184 = arith.constant 0 : i32
      %cond3A_185 = arith.cmpi ne, %convert_element_type3A_183, %cond3A_184 : i32
      scf.if %cond3A_185 {
        %add3A_267 = arith.constant 7 : i32
        %add3A_268 = arith.addi %add3A_178, %add3A_267 : i32
        %dma_start3A_269 = arith.constant 0 : i32
        %dma_start3A_270 = tpu.memref_slice %arg9[%add3A_268, %dma_start3A_269] : memref<80x125xi32, #tpu.memory_space<vmem>> -> memref<1x125xi32, #tpu.memory_space<vmem>>
        %dma_start3A_271 = tpu.memref_squeeze %dma_start3A_270 : memref<1x125xi32, #tpu.memory_space<vmem>> -> memref<125xi32, #tpu.memory_space<vmem>>
        %dma_start3A_272 = arith.constant 0 : i32
        %dma_start3A_273 = arith.constant 0 : i32
        %dma_start3A_274 = tpu.memref_slice %arg3[%dma_start3A_272, %dma_start3A_273] : memref<10112x64xf32, #tpu.memory_space<hbm>> -> memref<10112x64xf32, #tpu.memory_space<hbm>>
        tpu.enqueue_indirect_dma source(%dma_start3A_274 : memref<10112x64xf32, #tpu.memory_space<hbm>>) target(%arg12 : memref<125x64xf32, #tpu.memory_space<vmem>>) offsets(%dma_start3A_271 : memref<125xi32, #tpu.memory_space<vmem>>) semaphore(%arg22 : memref<!tpu.dma_semaphore, #tpu.memory_space<semaphore_mem>>)
      } else {
      }
      %dma_wait3A_186 = arith.constant 0 : i32
      %dma_wait3A_187 = arith.constant 0 : i32
      %dma_wait3A_188 = tpu.memref_slice %arg2[%dma_wait3A_186, %dma_wait3A_187] : memref<10112x64xf32, #tpu.memory_space<hbm>> -> memref<125x64xf32, #tpu.memory_space<hbm>>
      %dma_wait3A_189 = arith.constant 0 : i32
      %dma_wait3A_190 = arith.constant 0 : i32
      %dma_wait3A_191 = tpu.memref_slice %arg2[%dma_wait3A_189, %dma_wait3A_190] : memref<10112x64xf32, #tpu.memory_space<hbm>> -> memref<125x64xf32, #tpu.memory_space<hbm>>
      tpu.wait_dma2 semaphore(%arg23 : memref<!tpu.dma_semaphore, #tpu.memory_space<semaphore_mem>>) src(%dma_wait3A_191 : memref<125x64xf32, #tpu.memory_space<hbm>>) dst(%arg13 : memref<125x64xf32, #tpu.memory_space<vmem>>)
      "tpu.region"() ({
        %run_scoped3A = tpu.sem_alloc : memref<!tpu.dma_semaphore, #tpu.memory_space<semaphore_mem>>
        %dma_start3A_267 = arith.constant 0 : i32
        %dma_start3A_268 = tpu.memref_slice %arg10[%add3A_178, %dma_start3A_267] : memref<80x125xi32, #tpu.memory_space<vmem>> -> memref<1x125xi32, #tpu.memory_space<vmem>>
        %dma_start3A_269 = tpu.memref_squeeze %dma_start3A_268 : memref<1x125xi32, #tpu.memory_space<vmem>> -> memref<125xi32, #tpu.memory_space<vmem>>
        %dma_start3A_270 = arith.constant 0 : i32
        %dma_start3A_271 = arith.constant 0 : i32
        %dma_start3A_272 = tpu.memref_slice %arg19[%dma_start3A_270, %dma_start3A_271] : memref<10112x64xf32, #tpu.memory_space<vmem_shared>> -> memref<10112x64xf32, #tpu.memory_space<vmem_shared>>
        tpu.enqueue_indirect_dma source(%arg13 : memref<125x64xf32, #tpu.memory_space<vmem>>) target(%dma_start3A_272 : memref<10112x64xf32, #tpu.memory_space<vmem_shared>>) offsets(%dma_start3A_269 : memref<125xi32, #tpu.memory_space<vmem>>) semaphore(%run_scoped3A : memref<!tpu.dma_semaphore, #tpu.memory_space<semaphore_mem>>) {add = true}
        %dma_wait3A_273 = arith.constant 0 : i32
        %dma_wait3A_274 = tpu.memref_slice %arg10[%add3A_178, %dma_wait3A_273] : memref<80x125xi32, #tpu.memory_space<vmem>> -> memref<1x125xi32, #tpu.memory_space<vmem>>
        %dma_wait3A_275 = tpu.memref_squeeze %dma_wait3A_274 : memref<1x125xi32, #tpu.memory_space<vmem>> -> memref<125xi32, #tpu.memory_space<vmem>>
        %dma_wait3A_276 = arith.constant 0 : i32
        %dma_wait3A_277 = arith.constant 0 : i32
        %dma_wait3A_278 = tpu.memref_slice %arg19[%dma_wait3A_276, %dma_wait3A_277] : memref<10112x64xf32, #tpu.memory_space<vmem_shared>> -> memref<10112x64xf32, #tpu.memory_space<vmem_shared>>
        tpu.wait_indirect_dma semaphore(%run_scoped3A : memref<!tpu.dma_semaphore, #tpu.memory_space<semaphore_mem>>) src(%arg13 : memref<125x64xf32, #tpu.memory_space<vmem>>) dst(%dma_wait3A_278 : memref<10112x64xf32, #tpu.memory_space<vmem_shared>>)
        tpu.yield
      }) : () -> ()
      %add3A_192 = arith.constant 3 : i32
      %add3A_193 = arith.addi %add3A_149, %add3A_192 : i32
      %add3A_194 = arith.constant 7 : i32
      %add3A_195 = arith.addi %add3A_193, %add3A_194 : i32
      %lt3A_196 = arith.constant 80 : i32
      %lt3A_197 = arith.cmpi slt, %add3A_195, %lt3A_196 : i32
      %convert_element_type3A_198 = arith.extui %lt3A_197 : i1 to i32
      %cond3A_199 = arith.constant 0 : i32
      %cond3A_200 = arith.cmpi ne, %convert_element_type3A_198, %cond3A_199 : i32
      scf.if %cond3A_200 {
        %add3A_267 = arith.constant 7 : i32
        %add3A_268 = arith.addi %add3A_193, %add3A_267 : i32
        %dma_start3A_269 = arith.constant 0 : i32
        %dma_start3A_270 = tpu.memref_slice %arg9[%add3A_268, %dma_start3A_269] : memref<80x125xi32, #tpu.memory_space<vmem>> -> memref<1x125xi32, #tpu.memory_space<vmem>>
        %dma_start3A_271 = tpu.memref_squeeze %dma_start3A_270 : memref<1x125xi32, #tpu.memory_space<vmem>> -> memref<125xi32, #tpu.memory_space<vmem>>
        %dma_start3A_272 = arith.constant 0 : i32
        %dma_start3A_273 = arith.constant 0 : i32
        %dma_start3A_274 = tpu.memref_slice %arg3[%dma_start3A_272, %dma_start3A_273] : memref<10112x64xf32, #tpu.memory_space<hbm>> -> memref<10112x64xf32, #tpu.memory_space<hbm>>
        tpu.enqueue_indirect_dma source(%dma_start3A_274 : memref<10112x64xf32, #tpu.memory_space<hbm>>) target(%arg13 : memref<125x64xf32, #tpu.memory_space<vmem>>) offsets(%dma_start3A_271 : memref<125xi32, #tpu.memory_space<vmem>>) semaphore(%arg23 : memref<!tpu.dma_semaphore, #tpu.memory_space<semaphore_mem>>)
      } else {
      }
      %dma_wait3A_201 = arith.constant 0 : i32
      %dma_wait3A_202 = arith.constant 0 : i32
      %dma_wait3A_203 = tpu.memref_slice %arg2[%dma_wait3A_201, %dma_wait3A_202] : memref<10112x64xf32, #tpu.memory_space<hbm>> -> memref<125x64xf32, #tpu.memory_space<hbm>>
      %dma_wait3A_204 = arith.constant 0 : i32
      %dma_wait3A_205 = arith.constant 0 : i32
      %dma_wait3A_206 = tpu.memref_slice %arg2[%dma_wait3A_204, %dma_wait3A_205] : memref<10112x64xf32, #tpu.memory_space<hbm>> -> memref<125x64xf32, #tpu.memory_space<hbm>>
      tpu.wait_dma2 semaphore(%arg24 : memref<!tpu.dma_semaphore, #tpu.memory_space<semaphore_mem>>) src(%dma_wait3A_206 : memref<125x64xf32, #tpu.memory_space<hbm>>) dst(%arg14 : memref<125x64xf32, #tpu.memory_space<vmem>>)
      "tpu.region"() ({
        %run_scoped3A = tpu.sem_alloc : memref<!tpu.dma_semaphore, #tpu.memory_space<semaphore_mem>>
        %dma_start3A_267 = arith.constant 0 : i32
        %dma_start3A_268 = tpu.memref_slice %arg10[%add3A_193, %dma_start3A_267] : memref<80x125xi32, #tpu.memory_space<vmem>> -> memref<1x125xi32, #tpu.memory_space<vmem>>
        %dma_start3A_269 = tpu.memref_squeeze %dma_start3A_268 : memref<1x125xi32, #tpu.memory_space<vmem>> -> memref<125xi32, #tpu.memory_space<vmem>>
        %dma_start3A_270 = arith.constant 0 : i32
        %dma_start3A_271 = arith.constant 0 : i32
        %dma_start3A_272 = tpu.memref_slice %arg19[%dma_start3A_270, %dma_start3A_271] : memref<10112x64xf32, #tpu.memory_space<vmem_shared>> -> memref<10112x64xf32, #tpu.memory_space<vmem_shared>>
        tpu.enqueue_indirect_dma source(%arg14 : memref<125x64xf32, #tpu.memory_space<vmem>>) target(%dma_start3A_272 : memref<10112x64xf32, #tpu.memory_space<vmem_shared>>) offsets(%dma_start3A_269 : memref<125xi32, #tpu.memory_space<vmem>>) semaphore(%run_scoped3A : memref<!tpu.dma_semaphore, #tpu.memory_space<semaphore_mem>>) {add = true}
        %dma_wait3A_273 = arith.constant 0 : i32
        %dma_wait3A_274 = tpu.memref_slice %arg10[%add3A_193, %dma_wait3A_273] : memref<80x125xi32, #tpu.memory_space<vmem>> -> memref<1x125xi32, #tpu.memory_space<vmem>>
        %dma_wait3A_275 = tpu.memref_squeeze %dma_wait3A_274 : memref<1x125xi32, #tpu.memory_space<vmem>> -> memref<125xi32, #tpu.memory_space<vmem>>
        %dma_wait3A_276 = arith.constant 0 : i32
        %dma_wait3A_277 = arith.constant 0 : i32
        %dma_wait3A_278 = tpu.memref_slice %arg19[%dma_wait3A_276, %dma_wait3A_277] : memref<10112x64xf32, #tpu.memory_space<vmem_shared>> -> memref<10112x64xf32, #tpu.memory_space<vmem_shared>>
        tpu.wait_indirect_dma semaphore(%run_scoped3A : memref<!tpu.dma_semaphore, #tpu.memory_space<semaphore_mem>>) src(%arg14 : memref<125x64xf32, #tpu.memory_space<vmem>>) dst(%dma_wait3A_278 : memref<10112x64xf32, #tpu.memory_space<vmem_shared>>)
        tpu.yield
      }) : () -> ()
      %add3A_207 = arith.constant 4 : i32
      %add3A_208 = arith.addi %add3A_149, %add3A_207 : i32
      %add3A_209 = arith.constant 7 : i32
      %add3A_210 = arith.addi %add3A_208, %add3A_209 : i32
      %lt3A_211 = arith.constant 80 : i32
      %lt3A_212 = arith.cmpi slt, %add3A_210, %lt3A_211 : i32
      %convert_element_type3A_213 = arith.extui %lt3A_212 : i1 to i32
      %cond3A_214 = arith.constant 0 : i32
      %cond3A_215 = arith.cmpi ne, %convert_element_type3A_213, %cond3A_214 : i32
      scf.if %cond3A_215 {
        %add3A_267 = arith.constant 7 : i32
        %add3A_268 = arith.addi %add3A_208, %add3A_267 : i32
        %dma_start3A_269 = arith.constant 0 : i32
        %dma_start3A_270 = tpu.memref_slice %arg9[%add3A_268, %dma_start3A_269] : memref<80x125xi32, #tpu.memory_space<vmem>> -> memref<1x125xi32, #tpu.memory_space<vmem>>
        %dma_start3A_271 = tpu.memref_squeeze %dma_start3A_270 : memref<1x125xi32, #tpu.memory_space<vmem>> -> memref<125xi32, #tpu.memory_space<vmem>>
        %dma_start3A_272 = arith.constant 0 : i32
        %dma_start3A_273 = arith.constant 0 : i32
        %dma_start3A_274 = tpu.memref_slice %arg3[%dma_start3A_272, %dma_start3A_273] : memref<10112x64xf32, #tpu.memory_space<hbm>> -> memref<10112x64xf32, #tpu.memory_space<hbm>>
        tpu.enqueue_indirect_dma source(%dma_start3A_274 : memref<10112x64xf32, #tpu.memory_space<hbm>>) target(%arg14 : memref<125x64xf32, #tpu.memory_space<vmem>>) offsets(%dma_start3A_271 : memref<125xi32, #tpu.memory_space<vmem>>) semaphore(%arg24 : memref<!tpu.dma_semaphore, #tpu.memory_space<semaphore_mem>>)
      } else {
      }
      %dma_wait3A_216 = arith.constant 0 : i32
      %dma_wait3A_217 = arith.constant 0 : i32
      %dma_wait3A_218 = tpu.memref_slice %arg2[%dma_wait3A_216, %dma_wait3A_217] : memref<10112x64xf32, #tpu.memory_space<hbm>> -> memref<125x64xf32, #tpu.memory_space<hbm>>
      %dma_wait3A_219 = arith.constant 0 : i32
      %dma_wait3A_220 = arith.constant 0 : i32
      %dma_wait3A_221 = tpu.memref_slice %arg2[%dma_wait3A_219, %dma_wait3A_220] : memref<10112x64xf32, #tpu.memory_space<hbm>> -> memref<125x64xf32, #tpu.memory_space<hbm>>
      tpu.wait_dma2 semaphore(%arg25 : memref<!tpu.dma_semaphore, #tpu.memory_space<semaphore_mem>>) src(%dma_wait3A_221 : memref<125x64xf32, #tpu.memory_space<hbm>>) dst(%arg15 : memref<125x64xf32, #tpu.memory_space<vmem>>)
      "tpu.region"() ({
        %run_scoped3A = tpu.sem_alloc : memref<!tpu.dma_semaphore, #tpu.memory_space<semaphore_mem>>
        %dma_start3A_267 = arith.constant 0 : i32
        %dma_start3A_268 = tpu.memref_slice %arg10[%add3A_208, %dma_start3A_267] : memref<80x125xi32, #tpu.memory_space<vmem>> -> memref<1x125xi32, #tpu.memory_space<vmem>>
        %dma_start3A_269 = tpu.memref_squeeze %dma_start3A_268 : memref<1x125xi32, #tpu.memory_space<vmem>> -> memref<125xi32, #tpu.memory_space<vmem>>
        %dma_start3A_270 = arith.constant 0 : i32
        %dma_start3A_271 = arith.constant 0 : i32
        %dma_start3A_272 = tpu.memref_slice %arg19[%dma_start3A_270, %dma_start3A_271] : memref<10112x64xf32, #tpu.memory_space<vmem_shared>> -> memref<10112x64xf32, #tpu.memory_space<vmem_shared>>
        tpu.enqueue_indirect_dma source(%arg15 : memref<125x64xf32, #tpu.memory_space<vmem>>) target(%dma_start3A_272 : memref<10112x64xf32, #tpu.memory_space<vmem_shared>>) offsets(%dma_start3A_269 : memref<125xi32, #tpu.memory_space<vmem>>) semaphore(%run_scoped3A : memref<!tpu.dma_semaphore, #tpu.memory_space<semaphore_mem>>) {add = true}
        %dma_wait3A_273 = arith.constant 0 : i32
        %dma_wait3A_274 = tpu.memref_slice %arg10[%add3A_208, %dma_wait3A_273] : memref<80x125xi32, #tpu.memory_space<vmem>> -> memref<1x125xi32, #tpu.memory_space<vmem>>
        %dma_wait3A_275 = tpu.memref_squeeze %dma_wait3A_274 : memref<1x125xi32, #tpu.memory_space<vmem>> -> memref<125xi32, #tpu.memory_space<vmem>>
        %dma_wait3A_276 = arith.constant 0 : i32
        %dma_wait3A_277 = arith.constant 0 : i32
        %dma_wait3A_278 = tpu.memref_slice %arg19[%dma_wait3A_276, %dma_wait3A_277] : memref<10112x64xf32, #tpu.memory_space<vmem_shared>> -> memref<10112x64xf32, #tpu.memory_space<vmem_shared>>
        tpu.wait_indirect_dma semaphore(%run_scoped3A : memref<!tpu.dma_semaphore, #tpu.memory_space<semaphore_mem>>) src(%arg15 : memref<125x64xf32, #tpu.memory_space<vmem>>) dst(%dma_wait3A_278 : memref<10112x64xf32, #tpu.memory_space<vmem_shared>>)
        tpu.yield
      }) : () -> ()
      %add3A_222 = arith.constant 5 : i32
      %add3A_223 = arith.addi %add3A_149, %add3A_222 : i32
      %add3A_224 = arith.constant 7 : i32
      %add3A_225 = arith.addi %add3A_223, %add3A_224 : i32
      %lt3A_226 = arith.constant 80 : i32
      %lt3A_227 = arith.cmpi slt, %add3A_225, %lt3A_226 : i32
      %convert_element_type3A_228 = arith.extui %lt3A_227 : i1 to i32
      %cond3A_229 = arith.constant 0 : i32
      %cond3A_230 = arith.cmpi ne, %convert_element_type3A_228, %cond3A_229 : i32
      scf.if %cond3A_230 {
        %add3A_267 = arith.constant 7 : i32
        %add3A_268 = arith.addi %add3A_223, %add3A_267 : i32
        %dma_start3A_269 = arith.constant 0 : i32
        %dma_start3A_270 = tpu.memref_slice %arg9[%add3A_268, %dma_start3A_269] : memref<80x125xi32, #tpu.memory_space<vmem>> -> memref<1x125xi32, #tpu.memory_space<vmem>>
        %dma_start3A_271 = tpu.memref_squeeze %dma_start3A_270 : memref<1x125xi32, #tpu.memory_space<vmem>> -> memref<125xi32, #tpu.memory_space<vmem>>
        %dma_start3A_272 = arith.constant 0 : i32
        %dma_start3A_273 = arith.constant 0 : i32
        %dma_start3A_274 = tpu.memref_slice %arg3[%dma_start3A_272, %dma_start3A_273] : memref<10112x64xf32, #tpu.memory_space<hbm>> -> memref<10112x64xf32, #tpu.memory_space<hbm>>
        tpu.enqueue_indirect_dma source(%dma_start3A_274 : memref<10112x64xf32, #tpu.memory_space<hbm>>) target(%arg15 : memref<125x64xf32, #tpu.memory_space<vmem>>) offsets(%dma_start3A_271 : memref<125xi32, #tpu.memory_space<vmem>>) semaphore(%arg25 : memref<!tpu.dma_semaphore, #tpu.memory_space<semaphore_mem>>)
      } else {
      }
      %dma_wait3A_231 = arith.constant 0 : i32
      %dma_wait3A_232 = arith.constant 0 : i32
      %dma_wait3A_233 = tpu.memref_slice %arg2[%dma_wait3A_231, %dma_wait3A_232] : memref<10112x64xf32, #tpu.memory_space<hbm>> -> memref<125x64xf32, #tpu.memory_space<hbm>>
      %dma_wait3A_234 = arith.constant 0 : i32
      %dma_wait3A_235 = arith.constant 0 : i32
      %dma_wait3A_236 = tpu.memref_slice %arg2[%dma_wait3A_234, %dma_wait3A_235] : memref<10112x64xf32, #tpu.memory_space<hbm>> -> memref<125x64xf32, #tpu.memory_space<hbm>>
      tpu.wait_dma2 semaphore(%arg26 : memref<!tpu.dma_semaphore, #tpu.memory_space<semaphore_mem>>) src(%dma_wait3A_236 : memref<125x64xf32, #tpu.memory_space<hbm>>) dst(%arg16 : memref<125x64xf32, #tpu.memory_space<vmem>>)
      "tpu.region"() ({
        %run_scoped3A = tpu.sem_alloc : memref<!tpu.dma_semaphore, #tpu.memory_space<semaphore_mem>>
        %dma_start3A_267 = arith.constant 0 : i32
        %dma_start3A_268 = tpu.memref_slice %arg10[%add3A_223, %dma_start3A_267] : memref<80x125xi32, #tpu.memory_space<vmem>> -> memref<1x125xi32, #tpu.memory_space<vmem>>
        %dma_start3A_269 = tpu.memref_squeeze %dma_start3A_268 : memref<1x125xi32, #tpu.memory_space<vmem>> -> memref<125xi32, #tpu.memory_space<vmem>>
        %dma_start3A_270 = arith.constant 0 : i32
        %dma_start3A_271 = arith.constant 0 : i32
        %dma_start3A_272 = tpu.memref_slice %arg19[%dma_start3A_270, %dma_start3A_271] : memref<10112x64xf32, #tpu.memory_space<vmem_shared>> -> memref<10112x64xf32, #tpu.memory_space<vmem_shared>>
        tpu.enqueue_indirect_dma source(%arg16 : memref<125x64xf32, #tpu.memory_space<vmem>>) target(%dma_start3A_272 : memref<10112x64xf32, #tpu.memory_space<vmem_shared>>) offsets(%dma_start3A_269 : memref<125xi32, #tpu.memory_space<vmem>>) semaphore(%run_scoped3A : memref<!tpu.dma_semaphore, #tpu.memory_space<semaphore_mem>>) {add = true}
        %dma_wait3A_273 = arith.constant 0 : i32
        %dma_wait3A_274 = tpu.memref_slice %arg10[%add3A_223, %dma_wait3A_273] : memref<80x125xi32, #tpu.memory_space<vmem>> -> memref<1x125xi32, #tpu.memory_space<vmem>>
        %dma_wait3A_275 = tpu.memref_squeeze %dma_wait3A_274 : memref<1x125xi32, #tpu.memory_space<vmem>> -> memref<125xi32, #tpu.memory_space<vmem>>
        %dma_wait3A_276 = arith.constant 0 : i32
        %dma_wait3A_277 = arith.constant 0 : i32
        %dma_wait3A_278 = tpu.memref_slice %arg19[%dma_wait3A_276, %dma_wait3A_277] : memref<10112x64xf32, #tpu.memory_space<vmem_shared>> -> memref<10112x64xf32, #tpu.memory_space<vmem_shared>>
        tpu.wait_indirect_dma semaphore(%run_scoped3A : memref<!tpu.dma_semaphore, #tpu.memory_space<semaphore_mem>>) src(%arg16 : memref<125x64xf32, #tpu.memory_space<vmem>>) dst(%dma_wait3A_278 : memref<10112x64xf32, #tpu.memory_space<vmem_shared>>)
        tpu.yield
      }) : () -> ()
      %add3A_237 = arith.constant 6 : i32
      %add3A_238 = arith.addi %add3A_149, %add3A_237 : i32
      %add3A_239 = arith.constant 7 : i32
      %add3A_240 = arith.addi %add3A_238, %add3A_239 : i32
      %lt3A_241 = arith.constant 80 : i32
      %lt3A_242 = arith.cmpi slt, %add3A_240, %lt3A_241 : i32
      %convert_element_type3A_243 = arith.extui %lt3A_242 : i1 to i32
      %cond3A_244 = arith.constant 0 : i32
      %cond3A_245 = arith.cmpi ne, %convert_element_type3A_243, %cond3A_244 : i32
      scf.if %cond3A_245 {
        %add3A_267 = arith.constant 7 : i32
        %add3A_268 = arith.addi %add3A_238, %add3A_267 : i32
        %dma_start3A_269 = arith.constant 0 : i32
        %dma_start3A_270 = tpu.memref_slice %arg9[%add3A_268, %dma_start3A_269] : memref<80x125xi32, #tpu.memory_space<vmem>> -> memref<1x125xi32, #tpu.memory_space<vmem>>
        %dma_start3A_271 = tpu.memref_squeeze %dma_start3A_270 : memref<1x125xi32, #tpu.memory_space<vmem>> -> memref<125xi32, #tpu.memory_space<vmem>>
        %dma_start3A_272 = arith.constant 0 : i32
        %dma_start3A_273 = arith.constant 0 : i32
        %dma_start3A_274 = tpu.memref_slice %arg3[%dma_start3A_272, %dma_start3A_273] : memref<10112x64xf32, #tpu.memory_space<hbm>> -> memref<10112x64xf32, #tpu.memory_space<hbm>>
        tpu.enqueue_indirect_dma source(%dma_start3A_274 : memref<10112x64xf32, #tpu.memory_space<hbm>>) target(%arg16 : memref<125x64xf32, #tpu.memory_space<vmem>>) offsets(%dma_start3A_271 : memref<125xi32, #tpu.memory_space<vmem>>) semaphore(%arg26 : memref<!tpu.dma_semaphore, #tpu.memory_space<semaphore_mem>>)
      } else {
      }
      %dma_wait3A_246 = arith.constant 0 : i32
      %dma_wait3A_247 = arith.constant 0 : i32
      %dma_wait3A_248 = tpu.memref_slice %arg2[%dma_wait3A_246, %dma_wait3A_247] : memref<10112x64xf32, #tpu.memory_space<hbm>> -> memref<125x64xf32, #tpu.memory_space<hbm>>
      %dma_wait3A_249 = arith.constant 0 : i32
      %dma_wait3A_250 = arith.constant 0 : i32
      %dma_wait3A_251 = tpu.memref_slice %arg2[%dma_wait3A_249, %dma_wait3A_250] : memref<10112x64xf32, #tpu.memory_space<hbm>> -> memref<125x64xf32, #tpu.memory_space<hbm>>
      tpu.wait_dma2 semaphore(%arg27 : memref<!tpu.dma_semaphore, #tpu.memory_space<semaphore_mem>>) src(%dma_wait3A_251 : memref<125x64xf32, #tpu.memory_space<hbm>>) dst(%arg17 : memref<125x64xf32, #tpu.memory_space<vmem>>)
      "tpu.region"() ({
        %run_scoped3A = tpu.sem_alloc : memref<!tpu.dma_semaphore, #tpu.memory_space<semaphore_mem>>
        %dma_start3A_267 = arith.constant 0 : i32
        %dma_start3A_268 = tpu.memref_slice %arg10[%add3A_238, %dma_start3A_267] : memref<80x125xi32, #tpu.memory_space<vmem>> -> memref<1x125xi32, #tpu.memory_space<vmem>>
        %dma_start3A_269 = tpu.memref_squeeze %dma_start3A_268 : memref<1x125xi32, #tpu.memory_space<vmem>> -> memref<125xi32, #tpu.memory_space<vmem>>
        %dma_start3A_270 = arith.constant 0 : i32
        %dma_start3A_271 = arith.constant 0 : i32
        %dma_start3A_272 = tpu.memref_slice %arg19[%dma_start3A_270, %dma_start3A_271] : memref<10112x64xf32, #tpu.memory_space<vmem_shared>> -> memref<10112x64xf32, #tpu.memory_space<vmem_shared>>
        tpu.enqueue_indirect_dma source(%arg17 : memref<125x64xf32, #tpu.memory_space<vmem>>) target(%dma_start3A_272 : memref<10112x64xf32, #tpu.memory_space<vmem_shared>>) offsets(%dma_start3A_269 : memref<125xi32, #tpu.memory_space<vmem>>) semaphore(%run_scoped3A : memref<!tpu.dma_semaphore, #tpu.memory_space<semaphore_mem>>) {add = true}
        %dma_wait3A_273 = arith.constant 0 : i32
        %dma_wait3A_274 = tpu.memref_slice %arg10[%add3A_238, %dma_wait3A_273] : memref<80x125xi32, #tpu.memory_space<vmem>> -> memref<1x125xi32, #tpu.memory_space<vmem>>
        %dma_wait3A_275 = tpu.memref_squeeze %dma_wait3A_274 : memref<1x125xi32, #tpu.memory_space<vmem>> -> memref<125xi32, #tpu.memory_space<vmem>>
        %dma_wait3A_276 = arith.constant 0 : i32
        %dma_wait3A_277 = arith.constant 0 : i32
        %dma_wait3A_278 = tpu.memref_slice %arg19[%dma_wait3A_276, %dma_wait3A_277] : memref<10112x64xf32, #tpu.memory_space<vmem_shared>> -> memref<10112x64xf32, #tpu.memory_space<vmem_shared>>
        tpu.wait_indirect_dma semaphore(%run_scoped3A : memref<!tpu.dma_semaphore, #tpu.memory_space<semaphore_mem>>) src(%arg17 : memref<125x64xf32, #tpu.memory_space<vmem>>) dst(%dma_wait3A_278 : memref<10112x64xf32, #tpu.memory_space<vmem_shared>>)
        tpu.yield
      }) : () -> ()
      %add3A_252 = arith.constant 7 : i32
      %add3A_253 = arith.addi %add3A_149, %add3A_252 : i32
      %add3A_254 = arith.constant 7 : i32
      %add3A_255 = arith.addi %add3A_253, %add3A_254 : i32
      %lt3A_256 = arith.constant 80 : i32
      %lt3A_257 = arith.cmpi slt, %add3A_255, %lt3A_256 : i32
      %convert_element_type3A_258 = arith.extui %lt3A_257 : i1 to i32
      %cond3A_259 = arith.constant 0 : i32
      %cond3A_260 = arith.cmpi ne, %convert_element_type3A_258, %cond3A_259 : i32
      scf.if %cond3A_260 {
        %add3A_267 = arith.constant 7 : i32
        %add3A_268 = arith.addi %add3A_253, %add3A_267 : i32
        %dma_start3A_269 = arith.constant 0 : i32
        %dma_start3A_270 = tpu.memref_slice %arg9[%add3A_268, %dma_start3A_269] : memref<80x125xi32, #tpu.memory_space<vmem>> -> memref<1x125xi32, #tpu.memory_space<vmem>>
        %dma_start3A_271 = tpu.memref_squeeze %dma_start3A_270 : memref<1x125xi32, #tpu.memory_space<vmem>> -> memref<125xi32, #tpu.memory_space<vmem>>
        %dma_start3A_272 = arith.constant 0 : i32
        %dma_start3A_273 = arith.constant 0 : i32
        %dma_start3A_274 = tpu.memref_slice %arg3[%dma_start3A_272, %dma_start3A_273] : memref<10112x64xf32, #tpu.memory_space<hbm>> -> memref<10112x64xf32, #tpu.memory_space<hbm>>
        tpu.enqueue_indirect_dma source(%dma_start3A_274 : memref<10112x64xf32, #tpu.memory_space<hbm>>) target(%arg17 : memref<125x64xf32, #tpu.memory_space<vmem>>) offsets(%dma_start3A_271 : memref<125xi32, #tpu.memory_space<vmem>>) semaphore(%arg27 : memref<!tpu.dma_semaphore, #tpu.memory_space<semaphore_mem>>)
      } else {
      }
      %dma_wait3A_261 = arith.constant 0 : i32
      %dma_wait3A_262 = arith.constant 0 : i32
      %dma_wait3A_263 = tpu.memref_slice %arg2[%dma_wait3A_261, %dma_wait3A_262] : memref<10112x64xf32, #tpu.memory_space<hbm>> -> memref<125x64xf32, #tpu.memory_space<hbm>>
      %dma_wait3A_264 = arith.constant 0 : i32
      %dma_wait3A_265 = arith.constant 0 : i32
      %dma_wait3A_266 = tpu.memref_slice %arg2[%dma_wait3A_264, %dma_wait3A_265] : memref<10112x64xf32, #tpu.memory_space<hbm>> -> memref<125x64xf32, #tpu.memory_space<hbm>>
      tpu.wait_dma2 semaphore(%arg28 : memref<!tpu.dma_semaphore, #tpu.memory_space<semaphore_mem>>) src(%dma_wait3A_266 : memref<125x64xf32, #tpu.memory_space<hbm>>) dst(%arg18 : memref<125x64xf32, #tpu.memory_space<vmem>>)
      "tpu.region"() ({
        %run_scoped3A = tpu.sem_alloc : memref<!tpu.dma_semaphore, #tpu.memory_space<semaphore_mem>>
        %dma_start3A_267 = arith.constant 0 : i32
        %dma_start3A_268 = tpu.memref_slice %arg10[%add3A_253, %dma_start3A_267] : memref<80x125xi32, #tpu.memory_space<vmem>> -> memref<1x125xi32, #tpu.memory_space<vmem>>
        %dma_start3A_269 = tpu.memref_squeeze %dma_start3A_268 : memref<1x125xi32, #tpu.memory_space<vmem>> -> memref<125xi32, #tpu.memory_space<vmem>>
        %dma_start3A_270 = arith.constant 0 : i32
        %dma_start3A_271 = arith.constant 0 : i32
        %dma_start3A_272 = tpu.memref_slice %arg19[%dma_start3A_270, %dma_start3A_271] : memref<10112x64xf32, #tpu.memory_space<vmem_shared>> -> memref<10112x64xf32, #tpu.memory_space<vmem_shared>>
        tpu.enqueue_indirect_dma source(%arg18 : memref<125x64xf32, #tpu.memory_space<vmem>>) target(%dma_start3A_272 : memref<10112x64xf32, #tpu.memory_space<vmem_shared>>) offsets(%dma_start3A_269 : memref<125xi32, #tpu.memory_space<vmem>>) semaphore(%run_scoped3A : memref<!tpu.dma_semaphore, #tpu.memory_space<semaphore_mem>>) {add = true}
        %dma_wait3A_273 = arith.constant 0 : i32
        %dma_wait3A_274 = tpu.memref_slice %arg10[%add3A_253, %dma_wait3A_273] : memref<80x125xi32, #tpu.memory_space<vmem>> -> memref<1x125xi32, #tpu.memory_space<vmem>>
        %dma_wait3A_275 = tpu.memref_squeeze %dma_wait3A_274 : memref<1x125xi32, #tpu.memory_space<vmem>> -> memref<125xi32, #tpu.memory_space<vmem>>
        %dma_wait3A_276 = arith.constant 0 : i32
        %dma_wait3A_277 = arith.constant 0 : i32
        %dma_wait3A_278 = tpu.memref_slice %arg19[%dma_wait3A_276, %dma_wait3A_277] : memref<10112x64xf32, #tpu.memory_space<vmem_shared>> -> memref<10112x64xf32, #tpu.memory_space<vmem_shared>>
        tpu.wait_indirect_dma semaphore(%run_scoped3A : memref<!tpu.dma_semaphore, #tpu.memory_space<semaphore_mem>>) src(%arg18 : memref<125x64xf32, #tpu.memory_space<vmem>>) dst(%dma_wait3A_278 : memref<10112x64xf32, #tpu.memory_space<vmem_shared>>)
        tpu.yield
      }) : () -> ()
    }
    %scan3A_142 = arith.constant 10 : i32
    %barrier3A_143 = arith.constant 0 : index
    tpu.barrier barrier_id(%barrier3A_143)
    "tpu.region"() ({
      %run_scoped3A = tpu.sem_alloc : memref<!tpu.dma_semaphore, #tpu.memory_space<semaphore_mem>>
      %dma_start3A_145 = arith.constant 0 : i32
      %dma_start3A_146 = tpu.memref_slice %arg8[%arg0, %multiple_of3A, %dma_start3A_145] : memref<2x10112x64xf32, #tpu.memory_space<hbm>> -> memref<1x632x64xf32, #tpu.memory_space<hbm>>
      %dma_start3A_147 = tpu.memref_squeeze %dma_start3A_146 : memref<1x632x64xf32, #tpu.memory_space<hbm>> -> memref<632x64xf32, #tpu.memory_space<hbm>>
      %dma_start3A_148 = arith.constant 0 : i32
      %dma_start3A_149 = tpu.memref_slice %arg19[%multiple_of3A, %dma_start3A_148] : memref<10112x64xf32, #tpu.memory_space<vmem_shared>> -> memref<632x64xf32, #tpu.memory_space<vmem_shared>>
      tpu.enqueue_dma source(%dma_start3A_149 : memref<632x64xf32, #tpu.memory_space<vmem_shared>>) target(%dma_start3A_147 : memref<632x64xf32, #tpu.memory_space<hbm>>) target_semaphore(%run_scoped3A : memref<!tpu.dma_semaphore, #tpu.memory_space<semaphore_mem>>)
      %dma_wait3A_150 = arith.constant 0 : i32
      %dma_wait3A_151 = tpu.memref_slice %arg8[%arg0, %multiple_of3A, %dma_wait3A_150] : memref<2x10112x64xf32, #tpu.memory_space<hbm>> -> memref<1x632x64xf32, #tpu.memory_space<hbm>>
      %dma_wait3A_152 = tpu.memref_squeeze %dma_wait3A_151 : memref<1x632x64xf32, #tpu.memory_space<hbm>> -> memref<632x64xf32, #tpu.memory_space<hbm>>
      %dma_wait3A_153 = arith.constant 0 : i32
      %dma_wait3A_154 = tpu.memref_slice %arg19[%multiple_of3A, %dma_wait3A_153] : memref<10112x64xf32, #tpu.memory_space<vmem_shared>> -> memref<632x64xf32, #tpu.memory_space<vmem_shared>>
      tpu.wait_dma2 semaphore(%run_scoped3A : memref<!tpu.dma_semaphore, #tpu.memory_space<semaphore_mem>>) src(%dma_wait3A_154 : memref<632x64xf32, #tpu.memory_space<vmem_shared>>) dst(%dma_wait3A_152 : memref<632x64xf32, #tpu.memory_space<hbm>>)
      tpu.yield
    }) : () -> ()
    %barrier3A_144 = arith.constant 0 : index
    tpu.barrier barrier_id(%barrier3A_144)
    return
  }
}

#map = affine_map<(d0, d1) -> (0)>
module attributes {stable_mosaic.version = 14 : i64} {
  func.func @_sc_degree_body(%arg0: i32, %arg1: i32, %arg2: memref<320000xi32, #tpu.memory_space<hbm>>, %arg3: memref<10112xf32, #tpu.memory_space<hbm>>, %arg4: memref<10112xf32, #tpu.memory_space<hbm>>, %arg5: memref<10000xi32, #tpu.memory_space<vmem>>, %arg6: memref<10112xf32, #tpu.memory_space<vmem>>, %arg7: memref<632xf32, #tpu.memory_space<vmem>>, %arg8: memref<632xf32, #tpu.memory_space<vmem>>, %arg9: memref<161792xf32, #tpu.memory_space<vmem_shared>>, %arg10: memref<!tpu.dma_semaphore, #tpu.memory_space<semaphore_mem>>) attributes {dimension_semantics = [#tpu.dimension_semantics<core_parallel>, #tpu.dimension_semantics<subcore_parallel>], iteration_bounds = array<i64: 2, 16>, scalar_prefetch = 0 : i64, scratch_operands = 6 : i64, tpu.core_type = #tpu.core_type<sc_vector_subcore>, window_params = [{transform_indices = #map}, {transform_indices = #map}, {transform_indices = #map}]} {
    %mul3A = arith.constant 16 : i32
    %mul3A_0 = arith.muli %arg0, %mul3A : i32
    %add3A = arith.addi %mul3A_0, %arg1 : i32
    %scan3A = arith.constant 0 : i32
    %scan3A_1 = arith.constant 632 : i32
    %scan3A_2 = arith.addi %scan3A, %scan3A_1 : i32
    %scan3A_3 = arith.constant 1 : i32
    scf.for %scan3A_192 = %scan3A to %scan3A_2 step %scan3A_3  : i32 {
      %mul3A_193 = arith.constant 16 : i32
      %mul3A_194 = arith.muli %scan3A_192, %mul3A_193 : i32
      %add3A_195 = arith.constant 0 : i32
      %add3A_196 = arith.addi %add3A_195, %mul3A_194 : i32
      %broadcast_in_dim3A_197 = arith.constant 0.000000e+00 : f32
      %broadcast_in_dim3A_198 = vector.broadcast %broadcast_in_dim3A_197 : f32 to vector<16xf32>
      %swap3A = arith.index_cast %add3A_196 : i32 to index
      %swap3A_199 = tpu.vector_load %arg6[%swap3A] {strides = array<i32>} : memref<10112xf32, #tpu.memory_space<vmem>>, vector<16xf32>,
      tpu.vector_store %arg6[%swap3A], %broadcast_in_dim3A_198 {strides = array<i32>} : memref<10112xf32, #tpu.memory_space<vmem>>, vector<16xf32>,
    }
    %scan3A_4 = arith.constant 632 : i32
    %mul3A_5 = arith.constant 10000 : i32
    %mul3A_6 = arith.muli %add3A, %mul3A_5 : i32
    %dma_start3A = tpu.memref_slice %arg2[%mul3A_6] : memref<320000xi32, #tpu.memory_space<hbm>> -> memref<10000xi32, #tpu.memory_space<hbm>>
    %dma_start3A_7 = tpu.memref_slice %arg2[%mul3A_6] : memref<320000xi32, #tpu.memory_space<hbm>> -> memref<10000xi32, #tpu.memory_space<hbm>>
    tpu.enqueue_dma source(%dma_start3A_7 : memref<10000xi32, #tpu.memory_space<hbm>>) target(%arg5 : memref<10000xi32, #tpu.memory_space<vmem>>) target_semaphore(%arg10 : memref<!tpu.dma_semaphore, #tpu.memory_space<semaphore_mem>>)
    %dma_wait3A = tpu.memref_slice %arg2[%mul3A_6] : memref<320000xi32, #tpu.memory_space<hbm>> -> memref<10000xi32, #tpu.memory_space<hbm>>
    %dma_wait3A_8 = tpu.memref_slice %arg2[%mul3A_6] : memref<320000xi32, #tpu.memory_space<hbm>> -> memref<10000xi32, #tpu.memory_space<hbm>>
    tpu.wait_dma2 semaphore(%arg10 : memref<!tpu.dma_semaphore, #tpu.memory_space<semaphore_mem>>) src(%dma_wait3A_8 : memref<10000xi32, #tpu.memory_space<hbm>>) dst(%arg5 : memref<10000xi32, #tpu.memory_space<vmem>>)
    %broadcast_in_dim3A = arith.constant 1.000000e+00 : f32
    %broadcast_in_dim3A_9 = vector.broadcast %broadcast_in_dim3A : f32 to vector<16xf32>
    %scan3A_10 = arith.constant 0 : i32
    %scan3A_11 = arith.constant 625 : i32
    %scan3A_12 = arith.addi %scan3A_10, %scan3A_11 : i32
    %scan3A_13 = arith.constant 1 : i32
    scf.for %scan3A_192 = %scan3A_10 to %scan3A_12 step %scan3A_13  : i32 {
      %mul3A_193 = arith.constant 16 : i32
      %mul3A_194 = arith.muli %scan3A_192, %mul3A_193 : i32
      %add3A_195 = arith.constant 0 : i32
      %add3A_196 = arith.addi %add3A_195, %mul3A_194 : i32
      %get3A = arith.index_cast %add3A_196 : i32 to index
      %get3A_197 = tpu.vector_load %arg5[%get3A] {strides = array<i32>} : memref<10000xi32, #tpu.memory_space<vmem>>, vector<16xi32>,
      tpu.vector_store_idx %arg6[%get3A_197], %broadcast_in_dim3A_9 {add = true} : memref<10112xf32, #tpu.memory_space<vmem>>[vector<16xi32>], vector<16xf32>,
    }
    %scan3A_14 = arith.constant 625 : i32
    %mul3A_15 = arith.constant 10112 : i32
    %mul3A_16 = arith.muli %arg1, %mul3A_15 : i32
    %multiple_of3A = tpu.assume_multiple %mul3A_16, 8 : i32
    "tpu.region"() ({
      %run_scoped3A = tpu.sem_alloc : memref<!tpu.dma_semaphore, #tpu.memory_space<semaphore_mem>>
      %dma_start3A_192 = tpu.memref_slice %arg9[%multiple_of3A] : memref<161792xf32, #tpu.memory_space<vmem_shared>> -> memref<10112xf32, #tpu.memory_space<vmem_shared>>
      %dma_start3A_193 = tpu.memref_slice %arg9[%multiple_of3A] : memref<161792xf32, #tpu.memory_space<vmem_shared>> -> memref<10112xf32, #tpu.memory_space<vmem_shared>>
      tpu.enqueue_dma source(%arg6 : memref<10112xf32, #tpu.memory_space<vmem>>) target(%dma_start3A_193 : memref<10112xf32, #tpu.memory_space<vmem_shared>>) target_semaphore(%run_scoped3A : memref<!tpu.dma_semaphore, #tpu.memory_space<semaphore_mem>>)
      %dma_wait3A_194 = tpu.memref_slice %arg9[%multiple_of3A] : memref<161792xf32, #tpu.memory_space<vmem_shared>> -> memref<10112xf32, #tpu.memory_space<vmem_shared>>
      %dma_wait3A_195 = tpu.memref_slice %arg9[%multiple_of3A] : memref<161792xf32, #tpu.memory_space<vmem_shared>> -> memref<10112xf32, #tpu.memory_space<vmem_shared>>
      tpu.wait_dma2 semaphore(%run_scoped3A : memref<!tpu.dma_semaphore, #tpu.memory_space<semaphore_mem>>) src(%arg6 : memref<10112xf32, #tpu.memory_space<vmem>>) dst(%dma_wait3A_195 : memref<10112xf32, #tpu.memory_space<vmem_shared>>)
      tpu.yield
    }) : () -> ()
    %barrier3A = arith.constant 0 : index
    tpu.barrier barrier_id(%barrier3A)
    %scan3A_17 = arith.constant 0 : i32
    %scan3A_18 = arith.constant 40 : i32
    %scan3A_19 = arith.addi %scan3A_17, %scan3A_18 : i32
    %scan3A_20 = arith.constant 1 : i32
    scf.for %scan3A_192 = %scan3A_17 to %scan3A_19 step %scan3A_20  : i32 {
      %mul3A_193 = arith.constant 16 : i32
      %mul3A_194 = arith.muli %scan3A_192, %mul3A_193 : i32
      %add3A_195 = arith.constant 0 : i32
      %add3A_196 = arith.addi %add3A_195, %mul3A_194 : i32
      %broadcast_in_dim3A_197 = arith.constant 0.000000e+00 : f32
      %broadcast_in_dim3A_198 = vector.broadcast %broadcast_in_dim3A_197 : f32 to vector<16xf32>
      %swap3A = arith.index_cast %add3A_196 : i32 to index
      %swap3A_199 = tpu.vector_load %arg8[%swap3A] {strides = array<i32>} : memref<632xf32, #tpu.memory_space<vmem>>, vector<16xf32>,
      tpu.vector_store %arg8[%swap3A], %broadcast_in_dim3A_198 {strides = array<i32>} : memref<632xf32, #tpu.memory_space<vmem>>, vector<16xf32>,
    }
    %scan3A_21 = arith.constant 40 : i32
    %mul3A_22 = arith.constant 632 : i32
    %mul3A_23 = arith.muli %arg1, %mul3A_22 : i32
    %add3A_24 = arith.constant 0 : i32
    %add3A_25 = arith.addi %add3A_24, %mul3A_23 : i32
    %multiple_of3A_26 = tpu.assume_multiple %add3A_25, 8 : i32
    "tpu.region"() ({
      %run_scoped3A = tpu.sem_alloc : memref<!tpu.dma_semaphore, #tpu.memory_space<semaphore_mem>>
      %dma_start3A_192 = tpu.memref_slice %arg9[%multiple_of3A_26] : memref<161792xf32, #tpu.memory_space<vmem_shared>> -> memref<632xf32, #tpu.memory_space<vmem_shared>>
      %dma_start3A_193 = tpu.memref_slice %arg9[%multiple_of3A_26] : memref<161792xf32, #tpu.memory_space<vmem_shared>> -> memref<632xf32, #tpu.memory_space<vmem_shared>>
      tpu.enqueue_dma source(%dma_start3A_193 : memref<632xf32, #tpu.memory_space<vmem_shared>>) target(%arg7 : memref<632xf32, #tpu.memory_space<vmem>>) target_semaphore(%run_scoped3A : memref<!tpu.dma_semaphore, #tpu.memory_space<semaphore_mem>>)
      %dma_wait3A_194 = tpu.memref_slice %arg9[%multiple_of3A_26] : memref<161792xf32, #tpu.memory_space<vmem_shared>> -> memref<632xf32, #tpu.memory_space<vmem_shared>>
      %dma_wait3A_195 = tpu.memref_slice %arg9[%multiple_of3A_26] : memref<161792xf32, #tpu.memory_space<vmem_shared>> -> memref<632xf32, #tpu.memory_space<vmem_shared>>
      tpu.wait_dma2 semaphore(%run_scoped3A : memref<!tpu.dma_semaphore, #tpu.memory_space<semaphore_mem>>) src(%dma_wait3A_195 : memref<632xf32, #tpu.memory_space<vmem_shared>>) dst(%arg7 : memref<632xf32, #tpu.memory_space<vmem>>)
      tpu.yield
    }) : () -> ()
    %scan3A_27 = arith.constant 0 : i32
    %scan3A_28 = arith.constant 40 : i32
    %scan3A_29 = arith.addi %scan3A_27, %scan3A_28 : i32
    %scan3A_30 = arith.constant 1 : i32
    scf.for %scan3A_192 = %scan3A_27 to %scan3A_29 step %scan3A_30  : i32 {
      %mul3A_193 = arith.constant 16 : i32
      %mul3A_194 = arith.muli %scan3A_192, %mul3A_193 : i32
      %add3A_195 = arith.constant 0 : i32
      %add3A_196 = arith.addi %add3A_195, %mul3A_194 : i32
      %get3A = arith.index_cast %add3A_196 : i32 to index
      %get3A_197 = tpu.vector_load %arg8[%get3A] {strides = array<i32>} : memref<632xf32, #tpu.memory_space<vmem>>, vector<16xf32>,
      %get3A_198 = arith.index_cast %add3A_196 : i32 to index
      %get3A_199 = tpu.vector_load %arg7[%get3A_198] {strides = array<i32>} : memref<632xf32, #tpu.memory_space<vmem>>, vector<16xf32>,
      %add3A_200 = arith.addf %get3A_197, %get3A_199 : vector<16xf32>
      %swap3A = arith.index_cast %add3A_196 : i32 to index
      %swap3A_201 = tpu.vector_load %arg8[%swap3A] {strides = array<i32>} : memref<632xf32, #tpu.memory_space<vmem>>, vector<16xf32>,
      tpu.vector_store %arg8[%swap3A], %add3A_200 {strides = array<i32>} : memref<632xf32, #tpu.memory_space<vmem>>, vector<16xf32>,
    }
    %scan3A_31 = arith.constant 40 : i32
    %mul3A_32 = arith.constant 632 : i32
    %mul3A_33 = arith.muli %arg1, %mul3A_32 : i32
    %add3A_34 = arith.constant 10112 : i32
    %add3A_35 = arith.addi %add3A_34, %mul3A_33 : i32
    %multiple_of3A_36 = tpu.assume_multiple %add3A_35, 8 : i32
    "tpu.region"() ({
      %run_scoped3A = tpu.sem_alloc : memref<!tpu.dma_semaphore, #tpu.memory_space<semaphore_mem>>
      %dma_start3A_192 = tpu.memref_slice %arg9[%multiple_of3A_36] : memref<161792xf32, #tpu.memory_space<vmem_shared>> -> memref<632xf32, #tpu.memory_space<vmem_shared>>
      %dma_start3A_193 = tpu.memref_slice %arg9[%multiple_of3A_36] : memref<161792xf32, #tpu.memory_space<vmem_shared>> -> memref<632xf32, #tpu.memory_space<vmem_shared>>
      tpu.enqueue_dma source(%dma_start3A_193 : memref<632xf32, #tpu.memory_space<vmem_shared>>) target(%arg7 : memref<632xf32, #tpu.memory_space<vmem>>) target_semaphore(%run_scoped3A : memref<!tpu.dma_semaphore, #tpu.memory_space<semaphore_mem>>)
      %dma_wait3A_194 = tpu.memref_slice %arg9[%multiple_of3A_36] : memref<161792xf32, #tpu.memory_space<vmem_shared>> -> memref<632xf32, #tpu.memory_space<vmem_shared>>
      %dma_wait3A_195 = tpu.memref_slice %arg9[%multiple_of3A_36] : memref<161792xf32, #tpu.memory_space<vmem_shared>> -> memref<632xf32, #tpu.memory_space<vmem_shared>>
      tpu.wait_dma2 semaphore(%run_scoped3A : memref<!tpu.dma_semaphore, #tpu.memory_space<semaphore_mem>>) src(%dma_wait3A_195 : memref<632xf32, #tpu.memory_space<vmem_shared>>) dst(%arg7 : memref<632xf32, #tpu.memory_space<vmem>>)
      tpu.yield
    }) : () -> ()
    %scan3A_37 = arith.constant 0 : i32
    %scan3A_38 = arith.constant 40 : i32
    %scan3A_39 = arith.addi %scan3A_37, %scan3A_38 : i32
    %scan3A_40 = arith.constant 1 : i32
    scf.for %scan3A_192 = %scan3A_37 to %scan3A_39 step %scan3A_40  : i32 {
      %mul3A_193 = arith.constant 16 : i32
      %mul3A_194 = arith.muli %scan3A_192, %mul3A_193 : i32
      %add3A_195 = arith.constant 0 : i32
      %add3A_196 = arith.addi %add3A_195, %mul3A_194 : i32
      %get3A = arith.index_cast %add3A_196 : i32 to index
      %get3A_197 = tpu.vector_load %arg8[%get3A] {strides = array<i32>} : memref<632xf32, #tpu.memory_space<vmem>>, vector<16xf32>,
      %get3A_198 = arith.index_cast %add3A_196 : i32 to index
      %get3A_199 = tpu.vector_load %arg7[%get3A_198] {strides = array<i32>} : memref<632xf32, #tpu.memory_space<vmem>>, vector<16xf32>,
      %add3A_200 = arith.addf %get3A_197, %get3A_199 : vector<16xf32>
      %swap3A = arith.index_cast %add3A_196 : i32 to index
      %swap3A_201 = tpu.vector_load %arg8[%swap3A] {strides = array<i32>} : memref<632xf32, #tpu.memory_space<vmem>>, vector<16xf32>,
      tpu.vector_store %arg8[%swap3A], %add3A_200 {strides = array<i32>} : memref<632xf32, #tpu.memory_space<vmem>>, vector<16xf32>,
    }
    %scan3A_41 = arith.constant 40 : i32
    %mul3A_42 = arith.constant 632 : i32
    %mul3A_43 = arith.muli %arg1, %mul3A_42 : i32
    %add3A_44 = arith.constant 20224 : i32
    %add3A_45 = arith.addi %add3A_44, %mul3A_43 : i32
    %multiple_of3A_46 = tpu.assume_multiple %add3A_45, 8 : i32
    "tpu.region"() ({
      %run_scoped3A = tpu.sem_alloc : memref<!tpu.dma_semaphore, #tpu.memory_space<semaphore_mem>>
      %dma_start3A_192 = tpu.memref_slice %arg9[%multiple_of3A_46] : memref<161792xf32, #tpu.memory_space<vmem_shared>> -> memref<632xf32, #tpu.memory_space<vmem_shared>>
      %dma_start3A_193 = tpu.memref_slice %arg9[%multiple_of3A_46] : memref<161792xf32, #tpu.memory_space<vmem_shared>> -> memref<632xf32, #tpu.memory_space<vmem_shared>>
      tpu.enqueue_dma source(%dma_start3A_193 : memref<632xf32, #tpu.memory_space<vmem_shared>>) target(%arg7 : memref<632xf32, #tpu.memory_space<vmem>>) target_semaphore(%run_scoped3A : memref<!tpu.dma_semaphore, #tpu.memory_space<semaphore_mem>>)
      %dma_wait3A_194 = tpu.memref_slice %arg9[%multiple_of3A_46] : memref<161792xf32, #tpu.memory_space<vmem_shared>> -> memref<632xf32, #tpu.memory_space<vmem_shared>>
      %dma_wait3A_195 = tpu.memref_slice %arg9[%multiple_of3A_46] : memref<161792xf32, #tpu.memory_space<vmem_shared>> -> memref<632xf32, #tpu.memory_space<vmem_shared>>
      tpu.wait_dma2 semaphore(%run_scoped3A : memref<!tpu.dma_semaphore, #tpu.memory_space<semaphore_mem>>) src(%dma_wait3A_195 : memref<632xf32, #tpu.memory_space<vmem_shared>>) dst(%arg7 : memref<632xf32, #tpu.memory_space<vmem>>)
      tpu.yield
    }) : () -> ()
    %scan3A_47 = arith.constant 0 : i32
    %scan3A_48 = arith.constant 40 : i32
    %scan3A_49 = arith.addi %scan3A_47, %scan3A_48 : i32
    %scan3A_50 = arith.constant 1 : i32
    scf.for %scan3A_192 = %scan3A_47 to %scan3A_49 step %scan3A_50  : i32 {
      %mul3A_193 = arith.constant 16 : i32
      %mul3A_194 = arith.muli %scan3A_192, %mul3A_193 : i32
      %add3A_195 = arith.constant 0 : i32
      %add3A_196 = arith.addi %add3A_195, %mul3A_194 : i32
      %get3A = arith.index_cast %add3A_196 : i32 to index
      %get3A_197 = tpu.vector_load %arg8[%get3A] {strides = array<i32>} : memref<632xf32, #tpu.memory_space<vmem>>, vector<16xf32>,
      %get3A_198 = arith.index_cast %add3A_196 : i32 to index
      %get3A_199 = tpu.vector_load %arg7[%get3A_198] {strides = array<i32>} : memref<632xf32, #tpu.memory_space<vmem>>, vector<16xf32>,
      %add3A_200 = arith.addf %get3A_197, %get3A_199 : vector<16xf32>
      %swap3A = arith.index_cast %add3A_196 : i32 to index
      %swap3A_201 = tpu.vector_load %arg8[%swap3A] {strides = array<i32>} : memref<632xf32, #tpu.memory_space<vmem>>, vector<16xf32>,
      tpu.vector_store %arg8[%swap3A], %add3A_200 {strides = array<i32>} : memref<632xf32, #tpu.memory_space<vmem>>, vector<16xf32>,
    }
    %scan3A_51 = arith.constant 40 : i32
    %mul3A_52 = arith.constant 632 : i32
    %mul3A_53 = arith.muli %arg1, %mul3A_52 : i32
    %add3A_54 = arith.constant 30336 : i32
    %add3A_55 = arith.addi %add3A_54, %mul3A_53 : i32
    %multiple_of3A_56 = tpu.assume_multiple %add3A_55, 8 : i32
    "tpu.region"() ({
      %run_scoped3A = tpu.sem_alloc : memref<!tpu.dma_semaphore, #tpu.memory_space<semaphore_mem>>
      %dma_start3A_192 = tpu.memref_slice %arg9[%multiple_of3A_56] : memref<161792xf32, #tpu.memory_space<vmem_shared>> -> memref<632xf32, #tpu.memory_space<vmem_shared>>
      %dma_start3A_193 = tpu.memref_slice %arg9[%multiple_of3A_56] : memref<161792xf32, #tpu.memory_space<vmem_shared>> -> memref<632xf32, #tpu.memory_space<vmem_shared>>
      tpu.enqueue_dma source(%dma_start3A_193 : memref<632xf32, #tpu.memory_space<vmem_shared>>) target(%arg7 : memref<632xf32, #tpu.memory_space<vmem>>) target_semaphore(%run_scoped3A : memref<!tpu.dma_semaphore, #tpu.memory_space<semaphore_mem>>)
      %dma_wait3A_194 = tpu.memref_slice %arg9[%multiple_of3A_56] : memref<161792xf32, #tpu.memory_space<vmem_shared>> -> memref<632xf32, #tpu.memory_space<vmem_shared>>
      %dma_wait3A_195 = tpu.memref_slice %arg9[%multiple_of3A_56] : memref<161792xf32, #tpu.memory_space<vmem_shared>> -> memref<632xf32, #tpu.memory_space<vmem_shared>>
      tpu.wait_dma2 semaphore(%run_scoped3A : memref<!tpu.dma_semaphore, #tpu.memory_space<semaphore_mem>>) src(%dma_wait3A_195 : memref<632xf32, #tpu.memory_space<vmem_shared>>) dst(%arg7 : memref<632xf32, #tpu.memory_space<vmem>>)
      tpu.yield
    }) : () -> ()
    %scan3A_57 = arith.constant 0 : i32
    %scan3A_58 = arith.constant 40 : i32
    %scan3A_59 = arith.addi %scan3A_57, %scan3A_58 : i32
    %scan3A_60 = arith.constant 1 : i32
    scf.for %scan3A_192 = %scan3A_57 to %scan3A_59 step %scan3A_60  : i32 {
      %mul3A_193 = arith.constant 16 : i32
      %mul3A_194 = arith.muli %scan3A_192, %mul3A_193 : i32
      %add3A_195 = arith.constant 0 : i32
      %add3A_196 = arith.addi %add3A_195, %mul3A_194 : i32
      %get3A = arith.index_cast %add3A_196 : i32 to index
      %get3A_197 = tpu.vector_load %arg8[%get3A] {strides = array<i32>} : memref<632xf32, #tpu.memory_space<vmem>>, vector<16xf32>,
      %get3A_198 = arith.index_cast %add3A_196 : i32 to index
      %get3A_199 = tpu.vector_load %arg7[%get3A_198] {strides = array<i32>} : memref<632xf32, #tpu.memory_space<vmem>>, vector<16xf32>,
      %add3A_200 = arith.addf %get3A_197, %get3A_199 : vector<16xf32>
      %swap3A = arith.index_cast %add3A_196 : i32 to index
      %swap3A_201 = tpu.vector_load %arg8[%swap3A] {strides = array<i32>} : memref<632xf32, #tpu.memory_space<vmem>>, vector<16xf32>,
      tpu.vector_store %arg8[%swap3A], %add3A_200 {strides = array<i32>} : memref<632xf32, #tpu.memory_space<vmem>>, vector<16xf32>,
    }
    %scan3A_61 = arith.constant 40 : i32
    %mul3A_62 = arith.constant 632 : i32
    %mul3A_63 = arith.muli %arg1, %mul3A_62 : i32
    %add3A_64 = arith.constant 40448 : i32
    %add3A_65 = arith.addi %add3A_64, %mul3A_63 : i32
    %multiple_of3A_66 = tpu.assume_multiple %add3A_65, 8 : i32
    "tpu.region"() ({
      %run_scoped3A = tpu.sem_alloc : memref<!tpu.dma_semaphore, #tpu.memory_space<semaphore_mem>>
      %dma_start3A_192 = tpu.memref_slice %arg9[%multiple_of3A_66] : memref<161792xf32, #tpu.memory_space<vmem_shared>> -> memref<632xf32, #tpu.memory_space<vmem_shared>>
      %dma_start3A_193 = tpu.memref_slice %arg9[%multiple_of3A_66] : memref<161792xf32, #tpu.memory_space<vmem_shared>> -> memref<632xf32, #tpu.memory_space<vmem_shared>>
      tpu.enqueue_dma source(%dma_start3A_193 : memref<632xf32, #tpu.memory_space<vmem_shared>>) target(%arg7 : memref<632xf32, #tpu.memory_space<vmem>>) target_semaphore(%run_scoped3A : memref<!tpu.dma_semaphore, #tpu.memory_space<semaphore_mem>>)
      %dma_wait3A_194 = tpu.memref_slice %arg9[%multiple_of3A_66] : memref<161792xf32, #tpu.memory_space<vmem_shared>> -> memref<632xf32, #tpu.memory_space<vmem_shared>>
      %dma_wait3A_195 = tpu.memref_slice %arg9[%multiple_of3A_66] : memref<161792xf32, #tpu.memory_space<vmem_shared>> -> memref<632xf32, #tpu.memory_space<vmem_shared>>
      tpu.wait_dma2 semaphore(%run_scoped3A : memref<!tpu.dma_semaphore, #tpu.memory_space<semaphore_mem>>) src(%dma_wait3A_195 : memref<632xf32, #tpu.memory_space<vmem_shared>>) dst(%arg7 : memref<632xf32, #tpu.memory_space<vmem>>)
      tpu.yield
    }) : () -> ()
    %scan3A_67 = arith.constant 0 : i32
    %scan3A_68 = arith.constant 40 : i32
    %scan3A_69 = arith.addi %scan3A_67, %scan3A_68 : i32
    %scan3A_70 = arith.constant 1 : i32
    scf.for %scan3A_192 = %scan3A_67 to %scan3A_69 step %scan3A_70  : i32 {
      %mul3A_193 = arith.constant 16 : i32
      %mul3A_194 = arith.muli %scan3A_192, %mul3A_193 : i32
      %add3A_195 = arith.constant 0 : i32
      %add3A_196 = arith.addi %add3A_195, %mul3A_194 : i32
      %get3A = arith.index_cast %add3A_196 : i32 to index
      %get3A_197 = tpu.vector_load %arg8[%get3A] {strides = array<i32>} : memref<632xf32, #tpu.memory_space<vmem>>, vector<16xf32>,
      %get3A_198 = arith.index_cast %add3A_196 : i32 to index
      %get3A_199 = tpu.vector_load %arg7[%get3A_198] {strides = array<i32>} : memref<632xf32, #tpu.memory_space<vmem>>, vector<16xf32>,
      %add3A_200 = arith.addf %get3A_197, %get3A_199 : vector<16xf32>
      %swap3A = arith.index_cast %add3A_196 : i32 to index
      %swap3A_201 = tpu.vector_load %arg8[%swap3A] {strides = array<i32>} : memref<632xf32, #tpu.memory_space<vmem>>, vector<16xf32>,
      tpu.vector_store %arg8[%swap3A], %add3A_200 {strides = array<i32>} : memref<632xf32, #tpu.memory_space<vmem>>, vector<16xf32>,
    }
    %scan3A_71 = arith.constant 40 : i32
    %mul3A_72 = arith.constant 632 : i32
    %mul3A_73 = arith.muli %arg1, %mul3A_72 : i32
    %add3A_74 = arith.constant 50560 : i32
    %add3A_75 = arith.addi %add3A_74, %mul3A_73 : i32
    %multiple_of3A_76 = tpu.assume_multiple %add3A_75, 8 : i32
    "tpu.region"() ({
      %run_scoped3A = tpu.sem_alloc : memref<!tpu.dma_semaphore, #tpu.memory_space<semaphore_mem>>
      %dma_start3A_192 = tpu.memref_slice %arg9[%multiple_of3A_76] : memref<161792xf32, #tpu.memory_space<vmem_shared>> -> memref<632xf32, #tpu.memory_space<vmem_shared>>
      %dma_start3A_193 = tpu.memref_slice %arg9[%multiple_of3A_76] : memref<161792xf32, #tpu.memory_space<vmem_shared>> -> memref<632xf32, #tpu.memory_space<vmem_shared>>
      tpu.enqueue_dma source(%dma_start3A_193 : memref<632xf32, #tpu.memory_space<vmem_shared>>) target(%arg7 : memref<632xf32, #tpu.memory_space<vmem>>) target_semaphore(%run_scoped3A : memref<!tpu.dma_semaphore, #tpu.memory_space<semaphore_mem>>)
      %dma_wait3A_194 = tpu.memref_slice %arg9[%multiple_of3A_76] : memref<161792xf32, #tpu.memory_space<vmem_shared>> -> memref<632xf32, #tpu.memory_space<vmem_shared>>
      %dma_wait3A_195 = tpu.memref_slice %arg9[%multiple_of3A_76] : memref<161792xf32, #tpu.memory_space<vmem_shared>> -> memref<632xf32, #tpu.memory_space<vmem_shared>>
      tpu.wait_dma2 semaphore(%run_scoped3A : memref<!tpu.dma_semaphore, #tpu.memory_space<semaphore_mem>>) src(%dma_wait3A_195 : memref<632xf32, #tpu.memory_space<vmem_shared>>) dst(%arg7 : memref<632xf32, #tpu.memory_space<vmem>>)
      tpu.yield
    }) : () -> ()
    %scan3A_77 = arith.constant 0 : i32
    %scan3A_78 = arith.constant 40 : i32
    %scan3A_79 = arith.addi %scan3A_77, %scan3A_78 : i32
    %scan3A_80 = arith.constant 1 : i32
    scf.for %scan3A_192 = %scan3A_77 to %scan3A_79 step %scan3A_80  : i32 {
      %mul3A_193 = arith.constant 16 : i32
      %mul3A_194 = arith.muli %scan3A_192, %mul3A_193 : i32
      %add3A_195 = arith.constant 0 : i32
      %add3A_196 = arith.addi %add3A_195, %mul3A_194 : i32
      %get3A = arith.index_cast %add3A_196 : i32 to index
      %get3A_197 = tpu.vector_load %arg8[%get3A] {strides = array<i32>} : memref<632xf32, #tpu.memory_space<vmem>>, vector<16xf32>,
      %get3A_198 = arith.index_cast %add3A_196 : i32 to index
      %get3A_199 = tpu.vector_load %arg7[%get3A_198] {strides = array<i32>} : memref<632xf32, #tpu.memory_space<vmem>>, vector<16xf32>,
      %add3A_200 = arith.addf %get3A_197, %get3A_199 : vector<16xf32>
      %swap3A = arith.index_cast %add3A_196 : i32 to index
      %swap3A_201 = tpu.vector_load %arg8[%swap3A] {strides = array<i32>} : memref<632xf32, #tpu.memory_space<vmem>>, vector<16xf32>,
      tpu.vector_store %arg8[%swap3A], %add3A_200 {strides = array<i32>} : memref<632xf32, #tpu.memory_space<vmem>>, vector<16xf32>,
    }
    %scan3A_81 = arith.constant 40 : i32
    %mul3A_82 = arith.constant 632 : i32
    %mul3A_83 = arith.muli %arg1, %mul3A_82 : i32
    %add3A_84 = arith.constant 60672 : i32
    %add3A_85 = arith.addi %add3A_84, %mul3A_83 : i32
    %multiple_of3A_86 = tpu.assume_multiple %add3A_85, 8 : i32
    "tpu.region"() ({
      %run_scoped3A = tpu.sem_alloc : memref<!tpu.dma_semaphore, #tpu.memory_space<semaphore_mem>>
      %dma_start3A_192 = tpu.memref_slice %arg9[%multiple_of3A_86] : memref<161792xf32, #tpu.memory_space<vmem_shared>> -> memref<632xf32, #tpu.memory_space<vmem_shared>>
      %dma_start3A_193 = tpu.memref_slice %arg9[%multiple_of3A_86] : memref<161792xf32, #tpu.memory_space<vmem_shared>> -> memref<632xf32, #tpu.memory_space<vmem_shared>>
      tpu.enqueue_dma source(%dma_start3A_193 : memref<632xf32, #tpu.memory_space<vmem_shared>>) target(%arg7 : memref<632xf32, #tpu.memory_space<vmem>>) target_semaphore(%run_scoped3A : memref<!tpu.dma_semaphore, #tpu.memory_space<semaphore_mem>>)
      %dma_wait3A_194 = tpu.memref_slice %arg9[%multiple_of3A_86] : memref<161792xf32, #tpu.memory_space<vmem_shared>> -> memref<632xf32, #tpu.memory_space<vmem_shared>>
      %dma_wait3A_195 = tpu.memref_slice %arg9[%multiple_of3A_86] : memref<161792xf32, #tpu.memory_space<vmem_shared>> -> memref<632xf32, #tpu.memory_space<vmem_shared>>
      tpu.wait_dma2 semaphore(%run_scoped3A : memref<!tpu.dma_semaphore, #tpu.memory_space<semaphore_mem>>) src(%dma_wait3A_195 : memref<632xf32, #tpu.memory_space<vmem_shared>>) dst(%arg7 : memref<632xf32, #tpu.memory_space<vmem>>)
      tpu.yield
    }) : () -> ()
    %scan3A_87 = arith.constant 0 : i32
    %scan3A_88 = arith.constant 40 : i32
    %scan3A_89 = arith.addi %scan3A_87, %scan3A_88 : i32
    %scan3A_90 = arith.constant 1 : i32
    scf.for %scan3A_192 = %scan3A_87 to %scan3A_89 step %scan3A_90  : i32 {
      %mul3A_193 = arith.constant 16 : i32
      %mul3A_194 = arith.muli %scan3A_192, %mul3A_193 : i32
      %add3A_195 = arith.constant 0 : i32
      %add3A_196 = arith.addi %add3A_195, %mul3A_194 : i32
      %get3A = arith.index_cast %add3A_196 : i32 to index
      %get3A_197 = tpu.vector_load %arg8[%get3A] {strides = array<i32>} : memref<632xf32, #tpu.memory_space<vmem>>, vector<16xf32>,
      %get3A_198 = arith.index_cast %add3A_196 : i32 to index
      %get3A_199 = tpu.vector_load %arg7[%get3A_198] {strides = array<i32>} : memref<632xf32, #tpu.memory_space<vmem>>, vector<16xf32>,
      %add3A_200 = arith.addf %get3A_197, %get3A_199 : vector<16xf32>
      %swap3A = arith.index_cast %add3A_196 : i32 to index
      %swap3A_201 = tpu.vector_load %arg8[%swap3A] {strides = array<i32>} : memref<632xf32, #tpu.memory_space<vmem>>, vector<16xf32>,
      tpu.vector_store %arg8[%swap3A], %add3A_200 {strides = array<i32>} : memref<632xf32, #tpu.memory_space<vmem>>, vector<16xf32>,
    }
    %scan3A_91 = arith.constant 40 : i32
    %mul3A_92 = arith.constant 632 : i32
    %mul3A_93 = arith.muli %arg1, %mul3A_92 : i32
    %add3A_94 = arith.constant 70784 : i32
    %add3A_95 = arith.addi %add3A_94, %mul3A_93 : i32
    %multiple_of3A_96 = tpu.assume_multiple %add3A_95, 8 : i32
    "tpu.region"() ({
      %run_scoped3A = tpu.sem_alloc : memref<!tpu.dma_semaphore, #tpu.memory_space<semaphore_mem>>
      %dma_start3A_192 = tpu.memref_slice %arg9[%multiple_of3A_96] : memref<161792xf32, #tpu.memory_space<vmem_shared>> -> memref<632xf32, #tpu.memory_space<vmem_shared>>
      %dma_start3A_193 = tpu.memref_slice %arg9[%multiple_of3A_96] : memref<161792xf32, #tpu.memory_space<vmem_shared>> -> memref<632xf32, #tpu.memory_space<vmem_shared>>
      tpu.enqueue_dma source(%dma_start3A_193 : memref<632xf32, #tpu.memory_space<vmem_shared>>) target(%arg7 : memref<632xf32, #tpu.memory_space<vmem>>) target_semaphore(%run_scoped3A : memref<!tpu.dma_semaphore, #tpu.memory_space<semaphore_mem>>)
      %dma_wait3A_194 = tpu.memref_slice %arg9[%multiple_of3A_96] : memref<161792xf32, #tpu.memory_space<vmem_shared>> -> memref<632xf32, #tpu.memory_space<vmem_shared>>
      %dma_wait3A_195 = tpu.memref_slice %arg9[%multiple_of3A_96] : memref<161792xf32, #tpu.memory_space<vmem_shared>> -> memref<632xf32, #tpu.memory_space<vmem_shared>>
      tpu.wait_dma2 semaphore(%run_scoped3A : memref<!tpu.dma_semaphore, #tpu.memory_space<semaphore_mem>>) src(%dma_wait3A_195 : memref<632xf32, #tpu.memory_space<vmem_shared>>) dst(%arg7 : memref<632xf32, #tpu.memory_space<vmem>>)
      tpu.yield
    }) : () -> ()
    %scan3A_97 = arith.constant 0 : i32
    %scan3A_98 = arith.constant 40 : i32
    %scan3A_99 = arith.addi %scan3A_97, %scan3A_98 : i32
    %scan3A_100 = arith.constant 1 : i32
    scf.for %scan3A_192 = %scan3A_97 to %scan3A_99 step %scan3A_100  : i32 {
      %mul3A_193 = arith.constant 16 : i32
      %mul3A_194 = arith.muli %scan3A_192, %mul3A_193 : i32
      %add3A_195 = arith.constant 0 : i32
      %add3A_196 = arith.addi %add3A_195, %mul3A_194 : i32
      %get3A = arith.index_cast %add3A_196 : i32 to index
      %get3A_197 = tpu.vector_load %arg8[%get3A] {strides = array<i32>} : memref<632xf32, #tpu.memory_space<vmem>>, vector<16xf32>,
      %get3A_198 = arith.index_cast %add3A_196 : i32 to index
      %get3A_199 = tpu.vector_load %arg7[%get3A_198] {strides = array<i32>} : memref<632xf32, #tpu.memory_space<vmem>>, vector<16xf32>,
      %add3A_200 = arith.addf %get3A_197, %get3A_199 : vector<16xf32>
      %swap3A = arith.index_cast %add3A_196 : i32 to index
      %swap3A_201 = tpu.vector_load %arg8[%swap3A] {strides = array<i32>} : memref<632xf32, #tpu.memory_space<vmem>>, vector<16xf32>,
      tpu.vector_store %arg8[%swap3A], %add3A_200 {strides = array<i32>} : memref<632xf32, #tpu.memory_space<vmem>>, vector<16xf32>,
    }
    %scan3A_101 = arith.constant 40 : i32
    %mul3A_102 = arith.constant 632 : i32
    %mul3A_103 = arith.muli %arg1, %mul3A_102 : i32
    %add3A_104 = arith.constant 80896 : i32
    %add3A_105 = arith.addi %add3A_104, %mul3A_103 : i32
    %multiple_of3A_106 = tpu.assume_multiple %add3A_105, 8 : i32
    "tpu.region"() ({
      %run_scoped3A = tpu.sem_alloc : memref<!tpu.dma_semaphore, #tpu.memory_space<semaphore_mem>>
      %dma_start3A_192 = tpu.memref_slice %arg9[%multiple_of3A_106] : memref<161792xf32, #tpu.memory_space<vmem_shared>> -> memref<632xf32, #tpu.memory_space<vmem_shared>>
      %dma_start3A_193 = tpu.memref_slice %arg9[%multiple_of3A_106] : memref<161792xf32, #tpu.memory_space<vmem_shared>> -> memref<632xf32, #tpu.memory_space<vmem_shared>>
      tpu.enqueue_dma source(%dma_start3A_193 : memref<632xf32, #tpu.memory_space<vmem_shared>>) target(%arg7 : memref<632xf32, #tpu.memory_space<vmem>>) target_semaphore(%run_scoped3A : memref<!tpu.dma_semaphore, #tpu.memory_space<semaphore_mem>>)
      %dma_wait3A_194 = tpu.memref_slice %arg9[%multiple_of3A_106] : memref<161792xf32, #tpu.memory_space<vmem_shared>> -> memref<632xf32, #tpu.memory_space<vmem_shared>>
      %dma_wait3A_195 = tpu.memref_slice %arg9[%multiple_of3A_106] : memref<161792xf32, #tpu.memory_space<vmem_shared>> -> memref<632xf32, #tpu.memory_space<vmem_shared>>
      tpu.wait_dma2 semaphore(%run_scoped3A : memref<!tpu.dma_semaphore, #tpu.memory_space<semaphore_mem>>) src(%dma_wait3A_195 : memref<632xf32, #tpu.memory_space<vmem_shared>>) dst(%arg7 : memref<632xf32, #tpu.memory_space<vmem>>)
      tpu.yield
    }) : () -> ()
    %scan3A_107 = arith.constant 0 : i32
    %scan3A_108 = arith.constant 40 : i32
    %scan3A_109 = arith.addi %scan3A_107, %scan3A_108 : i32
    %scan3A_110 = arith.constant 1 : i32
    scf.for %scan3A_192 = %scan3A_107 to %scan3A_109 step %scan3A_110  : i32 {
      %mul3A_193 = arith.constant 16 : i32
      %mul3A_194 = arith.muli %scan3A_192, %mul3A_193 : i32
      %add3A_195 = arith.constant 0 : i32
      %add3A_196 = arith.addi %add3A_195, %mul3A_194 : i32
      %get3A = arith.index_cast %add3A_196 : i32 to index
      %get3A_197 = tpu.vector_load %arg8[%get3A] {strides = array<i32>} : memref<632xf32, #tpu.memory_space<vmem>>, vector<16xf32>,
      %get3A_198 = arith.index_cast %add3A_196 : i32 to index
      %get3A_199 = tpu.vector_load %arg7[%get3A_198] {strides = array<i32>} : memref<632xf32, #tpu.memory_space<vmem>>, vector<16xf32>,
      %add3A_200 = arith.addf %get3A_197, %get3A_199 : vector<16xf32>
      %swap3A = arith.index_cast %add3A_196 : i32 to index
      %swap3A_201 = tpu.vector_load %arg8[%swap3A] {strides = array<i32>} : memref<632xf32, #tpu.memory_space<vmem>>, vector<16xf32>,
      tpu.vector_store %arg8[%swap3A], %add3A_200 {strides = array<i32>} : memref<632xf32, #tpu.memory_space<vmem>>, vector<16xf32>,
    }
    %scan3A_111 = arith.constant 40 : i32
    %mul3A_112 = arith.constant 632 : i32
    %mul3A_113 = arith.muli %arg1, %mul3A_112 : i32
    %add3A_114 = arith.constant 91008 : i32
    %add3A_115 = arith.addi %add3A_114, %mul3A_113 : i32
    %multiple_of3A_116 = tpu.assume_multiple %add3A_115, 8 : i32
    "tpu.region"() ({
      %run_scoped3A = tpu.sem_alloc : memref<!tpu.dma_semaphore, #tpu.memory_space<semaphore_mem>>
      %dma_start3A_192 = tpu.memref_slice %arg9[%multiple_of3A_116] : memref<161792xf32, #tpu.memory_space<vmem_shared>> -> memref<632xf32, #tpu.memory_space<vmem_shared>>
      %dma_start3A_193 = tpu.memref_slice %arg9[%multiple_of3A_116] : memref<161792xf32, #tpu.memory_space<vmem_shared>> -> memref<632xf32, #tpu.memory_space<vmem_shared>>
      tpu.enqueue_dma source(%dma_start3A_193 : memref<632xf32, #tpu.memory_space<vmem_shared>>) target(%arg7 : memref<632xf32, #tpu.memory_space<vmem>>) target_semaphore(%run_scoped3A : memref<!tpu.dma_semaphore, #tpu.memory_space<semaphore_mem>>)
      %dma_wait3A_194 = tpu.memref_slice %arg9[%multiple_of3A_116] : memref<161792xf32, #tpu.memory_space<vmem_shared>> -> memref<632xf32, #tpu.memory_space<vmem_shared>>
      %dma_wait3A_195 = tpu.memref_slice %arg9[%multiple_of3A_116] : memref<161792xf32, #tpu.memory_space<vmem_shared>> -> memref<632xf32, #tpu.memory_space<vmem_shared>>
      tpu.wait_dma2 semaphore(%run_scoped3A : memref<!tpu.dma_semaphore, #tpu.memory_space<semaphore_mem>>) src(%dma_wait3A_195 : memref<632xf32, #tpu.memory_space<vmem_shared>>) dst(%arg7 : memref<632xf32, #tpu.memory_space<vmem>>)
      tpu.yield
    }) : () -> ()
    %scan3A_117 = arith.constant 0 : i32
    %scan3A_118 = arith.constant 40 : i32
    %scan3A_119 = arith.addi %scan3A_117, %scan3A_118 : i32
    %scan3A_120 = arith.constant 1 : i32
    scf.for %scan3A_192 = %scan3A_117 to %scan3A_119 step %scan3A_120  : i32 {
      %mul3A_193 = arith.constant 16 : i32
      %mul3A_194 = arith.muli %scan3A_192, %mul3A_193 : i32
      %add3A_195 = arith.constant 0 : i32
      %add3A_196 = arith.addi %add3A_195, %mul3A_194 : i32
      %get3A = arith.index_cast %add3A_196 : i32 to index
      %get3A_197 = tpu.vector_load %arg8[%get3A] {strides = array<i32>} : memref<632xf32, #tpu.memory_space<vmem>>, vector<16xf32>,
      %get3A_198 = arith.index_cast %add3A_196 : i32 to index
      %get3A_199 = tpu.vector_load %arg7[%get3A_198] {strides = array<i32>} : memref<632xf32, #tpu.memory_space<vmem>>, vector<16xf32>,
      %add3A_200 = arith.addf %get3A_197, %get3A_199 : vector<16xf32>
      %swap3A = arith.index_cast %add3A_196 : i32 to index
      %swap3A_201 = tpu.vector_load %arg8[%swap3A] {strides = array<i32>} : memref<632xf32, #tpu.memory_space<vmem>>, vector<16xf32>,
      tpu.vector_store %arg8[%swap3A], %add3A_200 {strides = array<i32>} : memref<632xf32, #tpu.memory_space<vmem>>, vector<16xf32>,
    }
    %scan3A_121 = arith.constant 40 : i32
    %mul3A_122 = arith.constant 632 : i32
    %mul3A_123 = arith.muli %arg1, %mul3A_122 : i32
    %add3A_124 = arith.constant 101120 : i32
    %add3A_125 = arith.addi %add3A_124, %mul3A_123 : i32
    %multiple_of3A_126 = tpu.assume_multiple %add3A_125, 8 : i32
    "tpu.region"() ({
      %run_scoped3A = tpu.sem_alloc : memref<!tpu.dma_semaphore, #tpu.memory_space<semaphore_mem>>
      %dma_start3A_192 = tpu.memref_slice %arg9[%multiple_of3A_126] : memref<161792xf32, #tpu.memory_space<vmem_shared>> -> memref<632xf32, #tpu.memory_space<vmem_shared>>
      %dma_start3A_193 = tpu.memref_slice %arg9[%multiple_of3A_126] : memref<161792xf32, #tpu.memory_space<vmem_shared>> -> memref<632xf32, #tpu.memory_space<vmem_shared>>
      tpu.enqueue_dma source(%dma_start3A_193 : memref<632xf32, #tpu.memory_space<vmem_shared>>) target(%arg7 : memref<632xf32, #tpu.memory_space<vmem>>) target_semaphore(%run_scoped3A : memref<!tpu.dma_semaphore, #tpu.memory_space<semaphore_mem>>)
      %dma_wait3A_194 = tpu.memref_slice %arg9[%multiple_of3A_126] : memref<161792xf32, #tpu.memory_space<vmem_shared>> -> memref<632xf32, #tpu.memory_space<vmem_shared>>
      %dma_wait3A_195 = tpu.memref_slice %arg9[%multiple_of3A_126] : memref<161792xf32, #tpu.memory_space<vmem_shared>> -> memref<632xf32, #tpu.memory_space<vmem_shared>>
      tpu.wait_dma2 semaphore(%run_scoped3A : memref<!tpu.dma_semaphore, #tpu.memory_space<semaphore_mem>>) src(%dma_wait3A_195 : memref<632xf32, #tpu.memory_space<vmem_shared>>) dst(%arg7 : memref<632xf32, #tpu.memory_space<vmem>>)
      tpu.yield
    }) : () -> ()
    %scan3A_127 = arith.constant 0 : i32
    %scan3A_128 = arith.constant 40 : i32
    %scan3A_129 = arith.addi %scan3A_127, %scan3A_128 : i32
    %scan3A_130 = arith.constant 1 : i32
    scf.for %scan3A_192 = %scan3A_127 to %scan3A_129 step %scan3A_130  : i32 {
      %mul3A_193 = arith.constant 16 : i32
      %mul3A_194 = arith.muli %scan3A_192, %mul3A_193 : i32
      %add3A_195 = arith.constant 0 : i32
      %add3A_196 = arith.addi %add3A_195, %mul3A_194 : i32
      %get3A = arith.index_cast %add3A_196 : i32 to index
      %get3A_197 = tpu.vector_load %arg8[%get3A] {strides = array<i32>} : memref<632xf32, #tpu.memory_space<vmem>>, vector<16xf32>,
      %get3A_198 = arith.index_cast %add3A_196 : i32 to index
      %get3A_199 = tpu.vector_load %arg7[%get3A_198] {strides = array<i32>} : memref<632xf32, #tpu.memory_space<vmem>>, vector<16xf32>,
      %add3A_200 = arith.addf %get3A_197, %get3A_199 : vector<16xf32>
      %swap3A = arith.index_cast %add3A_196 : i32 to index
      %swap3A_201 = tpu.vector_load %arg8[%swap3A] {strides = array<i32>} : memref<632xf32, #tpu.memory_space<vmem>>, vector<16xf32>,
      tpu.vector_store %arg8[%swap3A], %add3A_200 {strides = array<i32>} : memref<632xf32, #tpu.memory_space<vmem>>, vector<16xf32>,
    }
    %scan3A_131 = arith.constant 40 : i32
    %mul3A_132 = arith.constant 632 : i32
    %mul3A_133 = arith.muli %arg1, %mul3A_132 : i32
    %add3A_134 = arith.constant 111232 : i32
    %add3A_135 = arith.addi %add3A_134, %mul3A_133 : i32
    %multiple_of3A_136 = tpu.assume_multiple %add3A_135, 8 : i32
    "tpu.region"() ({
      %run_scoped3A = tpu.sem_alloc : memref<!tpu.dma_semaphore, #tpu.memory_space<semaphore_mem>>
      %dma_start3A_192 = tpu.memref_slice %arg9[%multiple_of3A_136] : memref<161792xf32, #tpu.memory_space<vmem_shared>> -> memref<632xf32, #tpu.memory_space<vmem_shared>>
      %dma_start3A_193 = tpu.memref_slice %arg9[%multiple_of3A_136] : memref<161792xf32, #tpu.memory_space<vmem_shared>> -> memref<632xf32, #tpu.memory_space<vmem_shared>>
      tpu.enqueue_dma source(%dma_start3A_193 : memref<632xf32, #tpu.memory_space<vmem_shared>>) target(%arg7 : memref<632xf32, #tpu.memory_space<vmem>>) target_semaphore(%run_scoped3A : memref<!tpu.dma_semaphore, #tpu.memory_space<semaphore_mem>>)
      %dma_wait3A_194 = tpu.memref_slice %arg9[%multiple_of3A_136] : memref<161792xf32, #tpu.memory_space<vmem_shared>> -> memref<632xf32, #tpu.memory_space<vmem_shared>>
      %dma_wait3A_195 = tpu.memref_slice %arg9[%multiple_of3A_136] : memref<161792xf32, #tpu.memory_space<vmem_shared>> -> memref<632xf32, #tpu.memory_space<vmem_shared>>
      tpu.wait_dma2 semaphore(%run_scoped3A : memref<!tpu.dma_semaphore, #tpu.memory_space<semaphore_mem>>) src(%dma_wait3A_195 : memref<632xf32, #tpu.memory_space<vmem_shared>>) dst(%arg7 : memref<632xf32, #tpu.memory_space<vmem>>)
      tpu.yield
    }) : () -> ()
    %scan3A_137 = arith.constant 0 : i32
    %scan3A_138 = arith.constant 40 : i32
    %scan3A_139 = arith.addi %scan3A_137, %scan3A_138 : i32
    %scan3A_140 = arith.constant 1 : i32
    scf.for %scan3A_192 = %scan3A_137 to %scan3A_139 step %scan3A_140  : i32 {
      %mul3A_193 = arith.constant 16 : i32
      %mul3A_194 = arith.muli %scan3A_192, %mul3A_193 : i32
      %add3A_195 = arith.constant 0 : i32
      %add3A_196 = arith.addi %add3A_195, %mul3A_194 : i32
      %get3A = arith.index_cast %add3A_196 : i32 to index
      %get3A_197 = tpu.vector_load %arg8[%get3A] {strides = array<i32>} : memref<632xf32, #tpu.memory_space<vmem>>, vector<16xf32>,
      %get3A_198 = arith.index_cast %add3A_196 : i32 to index
      %get3A_199 = tpu.vector_load %arg7[%get3A_198] {strides = array<i32>} : memref<632xf32, #tpu.memory_space<vmem>>, vector<16xf32>,
      %add3A_200 = arith.addf %get3A_197, %get3A_199 : vector<16xf32>
      %swap3A = arith.index_cast %add3A_196 : i32 to index
      %swap3A_201 = tpu.vector_load %arg8[%swap3A] {strides = array<i32>} : memref<632xf32, #tpu.memory_space<vmem>>, vector<16xf32>,
      tpu.vector_store %arg8[%swap3A], %add3A_200 {strides = array<i32>} : memref<632xf32, #tpu.memory_space<vmem>>, vector<16xf32>,
    }
    %scan3A_141 = arith.constant 40 : i32
    %mul3A_142 = arith.constant 632 : i32
    %mul3A_143 = arith.muli %arg1, %mul3A_142 : i32
    %add3A_144 = arith.constant 121344 : i32
    %add3A_145 = arith.addi %add3A_144, %mul3A_143 : i32
    %multiple_of3A_146 = tpu.assume_multiple %add3A_145, 8 : i32
    "tpu.region"() ({
      %run_scoped3A = tpu.sem_alloc : memref<!tpu.dma_semaphore, #tpu.memory_space<semaphore_mem>>
      %dma_start3A_192 = tpu.memref_slice %arg9[%multiple_of3A_146] : memref<161792xf32, #tpu.memory_space<vmem_shared>> -> memref<632xf32, #tpu.memory_space<vmem_shared>>
      %dma_start3A_193 = tpu.memref_slice %arg9[%multiple_of3A_146] : memref<161792xf32, #tpu.memory_space<vmem_shared>> -> memref<632xf32, #tpu.memory_space<vmem_shared>>
      tpu.enqueue_dma source(%dma_start3A_193 : memref<632xf32, #tpu.memory_space<vmem_shared>>) target(%arg7 : memref<632xf32, #tpu.memory_space<vmem>>) target_semaphore(%run_scoped3A : memref<!tpu.dma_semaphore, #tpu.memory_space<semaphore_mem>>)
      %dma_wait3A_194 = tpu.memref_slice %arg9[%multiple_of3A_146] : memref<161792xf32, #tpu.memory_space<vmem_shared>> -> memref<632xf32, #tpu.memory_space<vmem_shared>>
      %dma_wait3A_195 = tpu.memref_slice %arg9[%multiple_of3A_146] : memref<161792xf32, #tpu.memory_space<vmem_shared>> -> memref<632xf32, #tpu.memory_space<vmem_shared>>
      tpu.wait_dma2 semaphore(%run_scoped3A : memref<!tpu.dma_semaphore, #tpu.memory_space<semaphore_mem>>) src(%dma_wait3A_195 : memref<632xf32, #tpu.memory_space<vmem_shared>>) dst(%arg7 : memref<632xf32, #tpu.memory_space<vmem>>)
      tpu.yield
    }) : () -> ()
    %scan3A_147 = arith.constant 0 : i32
    %scan3A_148 = arith.constant 40 : i32
    %scan3A_149 = arith.addi %scan3A_147, %scan3A_148 : i32
    %scan3A_150 = arith.constant 1 : i32
    scf.for %scan3A_192 = %scan3A_147 to %scan3A_149 step %scan3A_150  : i32 {
      %mul3A_193 = arith.constant 16 : i32
      %mul3A_194 = arith.muli %scan3A_192, %mul3A_193 : i32
      %add3A_195 = arith.constant 0 : i32
      %add3A_196 = arith.addi %add3A_195, %mul3A_194 : i32
      %get3A = arith.index_cast %add3A_196 : i32 to index
      %get3A_197 = tpu.vector_load %arg8[%get3A] {strides = array<i32>} : memref<632xf32, #tpu.memory_space<vmem>>, vector<16xf32>,
      %get3A_198 = arith.index_cast %add3A_196 : i32 to index
      %get3A_199 = tpu.vector_load %arg7[%get3A_198] {strides = array<i32>} : memref<632xf32, #tpu.memory_space<vmem>>, vector<16xf32>,
      %add3A_200 = arith.addf %get3A_197, %get3A_199 : vector<16xf32>
      %swap3A = arith.index_cast %add3A_196 : i32 to index
      %swap3A_201 = tpu.vector_load %arg8[%swap3A] {strides = array<i32>} : memref<632xf32, #tpu.memory_space<vmem>>, vector<16xf32>,
      tpu.vector_store %arg8[%swap3A], %add3A_200 {strides = array<i32>} : memref<632xf32, #tpu.memory_space<vmem>>, vector<16xf32>,
    }
    %scan3A_151 = arith.constant 40 : i32
    %mul3A_152 = arith.constant 632 : i32
    %mul3A_153 = arith.muli %arg1, %mul3A_152 : i32
    %add3A_154 = arith.constant 131456 : i32
    %add3A_155 = arith.addi %add3A_154, %mul3A_153 : i32
    %multiple_of3A_156 = tpu.assume_multiple %add3A_155, 8 : i32
    "tpu.region"() ({
      %run_scoped3A = tpu.sem_alloc : memref<!tpu.dma_semaphore, #tpu.memory_space<semaphore_mem>>
      %dma_start3A_192 = tpu.memref_slice %arg9[%multiple_of3A_156] : memref<161792xf32, #tpu.memory_space<vmem_shared>> -> memref<632xf32, #tpu.memory_space<vmem_shared>>
      %dma_start3A_193 = tpu.memref_slice %arg9[%multiple_of3A_156] : memref<161792xf32, #tpu.memory_space<vmem_shared>> -> memref<632xf32, #tpu.memory_space<vmem_shared>>
      tpu.enqueue_dma source(%dma_start3A_193 : memref<632xf32, #tpu.memory_space<vmem_shared>>) target(%arg7 : memref<632xf32, #tpu.memory_space<vmem>>) target_semaphore(%run_scoped3A : memref<!tpu.dma_semaphore, #tpu.memory_space<semaphore_mem>>)
      %dma_wait3A_194 = tpu.memref_slice %arg9[%multiple_of3A_156] : memref<161792xf32, #tpu.memory_space<vmem_shared>> -> memref<632xf32, #tpu.memory_space<vmem_shared>>
      %dma_wait3A_195 = tpu.memref_slice %arg9[%multiple_of3A_156] : memref<161792xf32, #tpu.memory_space<vmem_shared>> -> memref<632xf32, #tpu.memory_space<vmem_shared>>
      tpu.wait_dma2 semaphore(%run_scoped3A : memref<!tpu.dma_semaphore, #tpu.memory_space<semaphore_mem>>) src(%dma_wait3A_195 : memref<632xf32, #tpu.memory_space<vmem_shared>>) dst(%arg7 : memref<632xf32, #tpu.memory_space<vmem>>)
      tpu.yield
    }) : () -> ()
    %scan3A_157 = arith.constant 0 : i32
    %scan3A_158 = arith.constant 40 : i32
    %scan3A_159 = arith.addi %scan3A_157, %scan3A_158 : i32
    %scan3A_160 = arith.constant 1 : i32
    scf.for %scan3A_192 = %scan3A_157 to %scan3A_159 step %scan3A_160  : i32 {
      %mul3A_193 = arith.constant 16 : i32
      %mul3A_194 = arith.muli %scan3A_192, %mul3A_193 : i32
      %add3A_195 = arith.constant 0 : i32
      %add3A_196 = arith.addi %add3A_195, %mul3A_194 : i32
      %get3A = arith.index_cast %add3A_196 : i32 to index
      %get3A_197 = tpu.vector_load %arg8[%get3A] {strides = array<i32>} : memref<632xf32, #tpu.memory_space<vmem>>, vector<16xf32>,
      %get3A_198 = arith.index_cast %add3A_196 : i32 to index
      %get3A_199 = tpu.vector_load %arg7[%get3A_198] {strides = array<i32>} : memref<632xf32, #tpu.memory_space<vmem>>, vector<16xf32>,
      %add3A_200 = arith.addf %get3A_197, %get3A_199 : vector<16xf32>
      %swap3A = arith.index_cast %add3A_196 : i32 to index
      %swap3A_201 = tpu.vector_load %arg8[%swap3A] {strides = array<i32>} : memref<632xf32, #tpu.memory_space<vmem>>, vector<16xf32>,
      tpu.vector_store %arg8[%swap3A], %add3A_200 {strides = array<i32>} : memref<632xf32, #tpu.memory_space<vmem>>, vector<16xf32>,
    }
    %scan3A_161 = arith.constant 40 : i32
    %mul3A_162 = arith.constant 632 : i32
    %mul3A_163 = arith.muli %arg1, %mul3A_162 : i32
    %add3A_164 = arith.constant 141568 : i32
    %add3A_165 = arith.addi %add3A_164, %mul3A_163 : i32
    %multiple_of3A_166 = tpu.assume_multiple %add3A_165, 8 : i32
    "tpu.region"() ({
      %run_scoped3A = tpu.sem_alloc : memref<!tpu.dma_semaphore, #tpu.memory_space<semaphore_mem>>
      %dma_start3A_192 = tpu.memref_slice %arg9[%multiple_of3A_166] : memref<161792xf32, #tpu.memory_space<vmem_shared>> -> memref<632xf32, #tpu.memory_space<vmem_shared>>
      %dma_start3A_193 = tpu.memref_slice %arg9[%multiple_of3A_166] : memref<161792xf32, #tpu.memory_space<vmem_shared>> -> memref<632xf32, #tpu.memory_space<vmem_shared>>
      tpu.enqueue_dma source(%dma_start3A_193 : memref<632xf32, #tpu.memory_space<vmem_shared>>) target(%arg7 : memref<632xf32, #tpu.memory_space<vmem>>) target_semaphore(%run_scoped3A : memref<!tpu.dma_semaphore, #tpu.memory_space<semaphore_mem>>)
      %dma_wait3A_194 = tpu.memref_slice %arg9[%multiple_of3A_166] : memref<161792xf32, #tpu.memory_space<vmem_shared>> -> memref<632xf32, #tpu.memory_space<vmem_shared>>
      %dma_wait3A_195 = tpu.memref_slice %arg9[%multiple_of3A_166] : memref<161792xf32, #tpu.memory_space<vmem_shared>> -> memref<632xf32, #tpu.memory_space<vmem_shared>>
      tpu.wait_dma2 semaphore(%run_scoped3A : memref<!tpu.dma_semaphore, #tpu.memory_space<semaphore_mem>>) src(%dma_wait3A_195 : memref<632xf32, #tpu.memory_space<vmem_shared>>) dst(%arg7 : memref<632xf32, #tpu.memory_space<vmem>>)
      tpu.yield
    }) : () -> ()
    %scan3A_167 = arith.constant 0 : i32
    %scan3A_168 = arith.constant 40 : i32
    %scan3A_169 = arith.addi %scan3A_167, %scan3A_168 : i32
    %scan3A_170 = arith.constant 1 : i32
    scf.for %scan3A_192 = %scan3A_167 to %scan3A_169 step %scan3A_170  : i32 {
      %mul3A_193 = arith.constant 16 : i32
      %mul3A_194 = arith.muli %scan3A_192, %mul3A_193 : i32
      %add3A_195 = arith.constant 0 : i32
      %add3A_196 = arith.addi %add3A_195, %mul3A_194 : i32
      %get3A = arith.index_cast %add3A_196 : i32 to index
      %get3A_197 = tpu.vector_load %arg8[%get3A] {strides = array<i32>} : memref<632xf32, #tpu.memory_space<vmem>>, vector<16xf32>,
      %get3A_198 = arith.index_cast %add3A_196 : i32 to index
      %get3A_199 = tpu.vector_load %arg7[%get3A_198] {strides = array<i32>} : memref<632xf32, #tpu.memory_space<vmem>>, vector<16xf32>,
      %add3A_200 = arith.addf %get3A_197, %get3A_199 : vector<16xf32>
      %swap3A = arith.index_cast %add3A_196 : i32 to index
      %swap3A_201 = tpu.vector_load %arg8[%swap3A] {strides = array<i32>} : memref<632xf32, #tpu.memory_space<vmem>>, vector<16xf32>,
      tpu.vector_store %arg8[%swap3A], %add3A_200 {strides = array<i32>} : memref<632xf32, #tpu.memory_space<vmem>>, vector<16xf32>,
    }
    %scan3A_171 = arith.constant 40 : i32
    %mul3A_172 = arith.constant 632 : i32
    %mul3A_173 = arith.muli %arg1, %mul3A_172 : i32
    %add3A_174 = arith.constant 151680 : i32
    %add3A_175 = arith.addi %add3A_174, %mul3A_173 : i32
    %multiple_of3A_176 = tpu.assume_multiple %add3A_175, 8 : i32
    "tpu.region"() ({
      %run_scoped3A = tpu.sem_alloc : memref<!tpu.dma_semaphore, #tpu.memory_space<semaphore_mem>>
      %dma_start3A_192 = tpu.memref_slice %arg9[%multiple_of3A_176] : memref<161792xf32, #tpu.memory_space<vmem_shared>> -> memref<632xf32, #tpu.memory_space<vmem_shared>>
      %dma_start3A_193 = tpu.memref_slice %arg9[%multiple_of3A_176] : memref<161792xf32, #tpu.memory_space<vmem_shared>> -> memref<632xf32, #tpu.memory_space<vmem_shared>>
      tpu.enqueue_dma source(%dma_start3A_193 : memref<632xf32, #tpu.memory_space<vmem_shared>>) target(%arg7 : memref<632xf32, #tpu.memory_space<vmem>>) target_semaphore(%run_scoped3A : memref<!tpu.dma_semaphore, #tpu.memory_space<semaphore_mem>>)
      %dma_wait3A_194 = tpu.memref_slice %arg9[%multiple_of3A_176] : memref<161792xf32, #tpu.memory_space<vmem_shared>> -> memref<632xf32, #tpu.memory_space<vmem_shared>>
      %dma_wait3A_195 = tpu.memref_slice %arg9[%multiple_of3A_176] : memref<161792xf32, #tpu.memory_space<vmem_shared>> -> memref<632xf32, #tpu.memory_space<vmem_shared>>
      tpu.wait_dma2 semaphore(%run_scoped3A : memref<!tpu.dma_semaphore, #tpu.memory_space<semaphore_mem>>) src(%dma_wait3A_195 : memref<632xf32, #tpu.memory_space<vmem_shared>>) dst(%arg7 : memref<632xf32, #tpu.memory_space<vmem>>)
      tpu.yield
    }) : () -> ()
    %scan3A_177 = arith.constant 0 : i32
    %scan3A_178 = arith.constant 40 : i32
    %scan3A_179 = arith.addi %scan3A_177, %scan3A_178 : i32
    %scan3A_180 = arith.constant 1 : i32
    scf.for %scan3A_192 = %scan3A_177 to %scan3A_179 step %scan3A_180  : i32 {
      %mul3A_193 = arith.constant 16 : i32
      %mul3A_194 = arith.muli %scan3A_192, %mul3A_193 : i32
      %add3A_195 = arith.constant 0 : i32
      %add3A_196 = arith.addi %add3A_195, %mul3A_194 : i32
      %get3A = arith.index_cast %add3A_196 : i32 to index
      %get3A_197 = tpu.vector_load %arg8[%get3A] {strides = array<i32>} : memref<632xf32, #tpu.memory_space<vmem>>, vector<16xf32>,
      %get3A_198 = arith.index_cast %add3A_196 : i32 to index
      %get3A_199 = tpu.vector_load %arg7[%get3A_198] {strides = array<i32>} : memref<632xf32, #tpu.memory_space<vmem>>, vector<16xf32>,
      %add3A_200 = arith.addf %get3A_197, %get3A_199 : vector<16xf32>
      %swap3A = arith.index_cast %add3A_196 : i32 to index
      %swap3A_201 = tpu.vector_load %arg8[%swap3A] {strides = array<i32>} : memref<632xf32, #tpu.memory_space<vmem>>, vector<16xf32>,
      tpu.vector_store %arg8[%swap3A], %add3A_200 {strides = array<i32>} : memref<632xf32, #tpu.memory_space<vmem>>, vector<16xf32>,
    }
    %scan3A_181 = arith.constant 40 : i32
    %mul3A_182 = arith.constant 632 : i32
    %mul3A_183 = arith.muli %arg1, %mul3A_182 : i32
    %multiple_of3A_184 = tpu.assume_multiple %mul3A_183, 8 : i32
    %eq3A = arith.constant 0 : i32
    %eq3A_185 = arith.cmpi eq, %arg0, %eq3A : i32
    %convert_element_type3A = arith.extui %eq3A_185 : i1 to i32
    %cond3A = arith.constant 0 : i32
    %cond3A_186 = arith.cmpi ne, %convert_element_type3A, %cond3A : i32
    scf.if %cond3A_186 {
      "tpu.region"() ({
        %run_scoped3A = tpu.sem_alloc : memref<!tpu.dma_semaphore, #tpu.memory_space<semaphore_mem>>
        %dma_start3A_192 = tpu.memref_slice %arg3[%multiple_of3A_184] : memref<10112xf32, #tpu.memory_space<hbm>> -> memref<632xf32, #tpu.memory_space<hbm>>
        %dma_start3A_193 = tpu.memref_slice %arg3[%multiple_of3A_184] : memref<10112xf32, #tpu.memory_space<hbm>> -> memref<632xf32, #tpu.memory_space<hbm>>
        tpu.enqueue_dma source(%arg8 : memref<632xf32, #tpu.memory_space<vmem>>) target(%dma_start3A_193 : memref<632xf32, #tpu.memory_space<hbm>>) target_semaphore(%run_scoped3A : memref<!tpu.dma_semaphore, #tpu.memory_space<semaphore_mem>>)
        %dma_wait3A_194 = tpu.memref_slice %arg3[%multiple_of3A_184] : memref<10112xf32, #tpu.memory_space<hbm>> -> memref<632xf32, #tpu.memory_space<hbm>>
        %dma_wait3A_195 = tpu.memref_slice %arg3[%multiple_of3A_184] : memref<10112xf32, #tpu.memory_space<hbm>> -> memref<632xf32, #tpu.memory_space<hbm>>
        tpu.wait_dma2 semaphore(%run_scoped3A : memref<!tpu.dma_semaphore, #tpu.memory_space<semaphore_mem>>) src(%arg8 : memref<632xf32, #tpu.memory_space<vmem>>) dst(%dma_wait3A_195 : memref<632xf32, #tpu.memory_space<hbm>>)
        tpu.yield
      }) : () -> ()
    } else {
    }
    %eq3A_187 = arith.constant 1 : i32
    %eq3A_188 = arith.cmpi eq, %arg0, %eq3A_187 : i32
    %convert_element_type3A_189 = arith.extui %eq3A_188 : i1 to i32
    %cond3A_190 = arith.constant 0 : i32
    %cond3A_191 = arith.cmpi ne, %convert_element_type3A_189, %cond3A_190 : i32
    scf.if %cond3A_191 {
      "tpu.region"() ({
        %run_scoped3A = tpu.sem_alloc : memref<!tpu.dma_semaphore, #tpu.memory_space<semaphore_mem>>
        %dma_start3A_192 = tpu.memref_slice %arg4[%multiple_of3A_184] : memref<10112xf32, #tpu.memory_space<hbm>> -> memref<632xf32, #tpu.memory_space<hbm>>
        %dma_start3A_193 = tpu.memref_slice %arg4[%multiple_of3A_184] : memref<10112xf32, #tpu.memory_space<hbm>> -> memref<632xf32, #tpu.memory_space<hbm>>
        tpu.enqueue_dma source(%arg8 : memref<632xf32, #tpu.memory_space<vmem>>) target(%dma_start3A_193 : memref<632xf32, #tpu.memory_space<hbm>>) target_semaphore(%run_scoped3A : memref<!tpu.dma_semaphore, #tpu.memory_space<semaphore_mem>>)
        %dma_wait3A_194 = tpu.memref_slice %arg4[%multiple_of3A_184] : memref<10112xf32, #tpu.memory_space<hbm>> -> memref<632xf32, #tpu.memory_space<hbm>>
        %dma_wait3A_195 = tpu.memref_slice %arg4[%multiple_of3A_184] : memref<10112xf32, #tpu.memory_space<hbm>> -> memref<632xf32, #tpu.memory_space<hbm>>
        tpu.wait_dma2 semaphore(%run_scoped3A : memref<!tpu.dma_semaphore, #tpu.memory_space<semaphore_mem>>) src(%arg8 : memref<632xf32, #tpu.memory_space<vmem>>) dst(%dma_wait3A_195 : memref<632xf32, #tpu.memory_space<hbm>>)
        tpu.yield
      }) : () -> ()
    } else {
    }
    return
  }
}

#map = affine_map<(d0, d1) -> (0, 0)>
#map1 = affine_map<(d0, d1) -> (0, 0, 0)>
module attributes {stable_mosaic.version = 14 : i64} {
  func.func @_sc_scatter_body(%arg0: i32, %arg1: i32, %arg2: memref<10112x64xf32, #tpu.memory_space<hbm>>, %arg3: memref<10112x64xf32, #tpu.memory_space<hbm>>, %arg4: memref<32x80x125xi32, #tpu.memory_space<hbm>>, %arg5: memref<32x80x125xi32, #tpu.memory_space<hbm>>, %arg6: memref<10112x64xf32, #tpu.memory_space<hbm>>, %arg7: memref<2x10112x64xf32, #tpu.memory_space<hbm>>, %arg8: memref<2x10112x64xf32, #tpu.memory_space<hbm>>, %arg9: memref<80x125xi32, #tpu.memory_space<vmem>>, %arg10: memref<80x125xi32, #tpu.memory_space<vmem>>, %arg11: memref<125x64xf32, #tpu.memory_space<vmem>>, %arg12: memref<125x64xf32, #tpu.memory_space<vmem>>, %arg13: memref<125x64xf32, #tpu.memory_space<vmem>>, %arg14: memref<125x64xf32, #tpu.memory_space<vmem>>, %arg15: memref<125x64xf32, #tpu.memory_space<vmem>>, %arg16: memref<125x64xf32, #tpu.memory_space<vmem>>, %arg17: memref<125x64xf32, #tpu.memory_space<vmem>>, %arg18: memref<125x64xf32, #tpu.memory_space<vmem>>, %arg19: memref<10112x64xf32, #tpu.memory_space<vmem_shared>>, %arg20: memref<!tpu.dma_semaphore, #tpu.memory_space<semaphore_mem>>, %arg21: memref<!tpu.dma_semaphore, #tpu.memory_space<semaphore_mem>>, %arg22: memref<!tpu.dma_semaphore, #tpu.memory_space<semaphore_mem>>, %arg23: memref<!tpu.dma_semaphore, #tpu.memory_space<semaphore_mem>>, %arg24: memref<!tpu.dma_semaphore, #tpu.memory_space<semaphore_mem>>, %arg25: memref<!tpu.dma_semaphore, #tpu.memory_space<semaphore_mem>>, %arg26: memref<!tpu.dma_semaphore, #tpu.memory_space<semaphore_mem>>, %arg27: memref<!tpu.dma_semaphore, #tpu.memory_space<semaphore_mem>>, %arg28: memref<!tpu.dma_semaphore, #tpu.memory_space<semaphore_mem>>) attributes {dimension_semantics = [#tpu.dimension_semantics<core_parallel>, #tpu.dimension_semantics<subcore_parallel>], iteration_bounds = array<i64: 2, 16>, scalar_prefetch = 0 : i64, scratch_operands = 20 : i64, tpu.core_type = #tpu.core_type<sc_vector_subcore>, window_params = [{transform_indices = #map}, {transform_indices = #map}, {transform_indices = #map1}, {transform_indices = #map1}, {transform_indices = #map}, {transform_indices = #map1}, {transform_indices = #map1}]} {
    %mul3A = arith.constant 16 : i32
    %mul3A_0 = arith.muli %arg0, %mul3A : i32
    %add3A = arith.addi %mul3A_0, %arg1 : i32
    %mul3A_1 = arith.constant 632 : i32
    %mul3A_2 = arith.muli %arg1, %mul3A_1 : i32
    %multiple_of3A = tpu.assume_multiple %mul3A_2, 8 : i32
    %dma_start3A = arith.constant 0 : i32
    %dma_start3A_3 = arith.constant 0 : i32
    %dma_start3A_4 = tpu.memref_slice %arg4[%add3A, %dma_start3A, %dma_start3A_3] : memref<32x80x125xi32, #tpu.memory_space<hbm>> -> memref<1x80x125xi32, #tpu.memory_space<hbm>>
    %dma_start3A_5 = tpu.memref_squeeze %dma_start3A_4 : memref<1x80x125xi32, #tpu.memory_space<hbm>> -> memref<80x125xi32, #tpu.memory_space<hbm>>
    %dma_start3A_6 = arith.constant 0 : i32
    %dma_start3A_7 = arith.constant 0 : i32
    %dma_start3A_8 = tpu.memref_slice %arg4[%add3A, %dma_start3A_6, %dma_start3A_7] : memref<32x80x125xi32, #tpu.memory_space<hbm>> -> memref<1x80x125xi32, #tpu.memory_space<hbm>>
    %dma_start3A_9 = tpu.memref_squeeze %dma_start3A_8 : memref<1x80x125xi32, #tpu.memory_space<hbm>> -> memref<80x125xi32, #tpu.memory_space<hbm>>
    tpu.enqueue_dma source(%dma_start3A_9 : memref<80x125xi32, #tpu.memory_space<hbm>>) target(%arg9 : memref<80x125xi32, #tpu.memory_space<vmem>>) target_semaphore(%arg20 : memref<!tpu.dma_semaphore, #tpu.memory_space<semaphore_mem>>)
    %dma_wait3A = arith.constant 0 : i32
    %dma_wait3A_10 = arith.constant 0 : i32
    %dma_wait3A_11 = tpu.memref_slice %arg4[%add3A, %dma_wait3A, %dma_wait3A_10] : memref<32x80x125xi32, #tpu.memory_space<hbm>> -> memref<1x80x125xi32, #tpu.memory_space<hbm>>
    %dma_wait3A_12 = tpu.memref_squeeze %dma_wait3A_11 : memref<1x80x125xi32, #tpu.memory_space<hbm>> -> memref<80x125xi32, #tpu.memory_space<hbm>>
    %dma_wait3A_13 = arith.constant 0 : i32
    %dma_wait3A_14 = arith.constant 0 : i32
    %dma_wait3A_15 = tpu.memref_slice %arg4[%add3A, %dma_wait3A_13, %dma_wait3A_14] : memref<32x80x125xi32, #tpu.memory_space<hbm>> -> memref<1x80x125xi32, #tpu.memory_space<hbm>>
    %dma_wait3A_16 = tpu.memref_squeeze %dma_wait3A_15 : memref<1x80x125xi32, #tpu.memory_space<hbm>> -> memref<80x125xi32, #tpu.memory_space<hbm>>
    tpu.wait_dma2 semaphore(%arg20 : memref<!tpu.dma_semaphore, #tpu.memory_space<semaphore_mem>>) src(%dma_wait3A_16 : memref<80x125xi32, #tpu.memory_space<hbm>>) dst(%arg9 : memref<80x125xi32, #tpu.memory_space<vmem>>)
    %dma_start3A_17 = arith.constant 0 : i32
    %dma_start3A_18 = arith.constant 0 : i32
    %dma_start3A_19 = tpu.memref_slice %arg5[%add3A, %dma_start3A_17, %dma_start3A_18] : memref<32x80x125xi32, #tpu.memory_space<hbm>> -> memref<1x80x125xi32, #tpu.memory_space<hbm>>
    %dma_start3A_20 = tpu.memref_squeeze %dma_start3A_19 : memref<1x80x125xi32, #tpu.memory_space<hbm>> -> memref<80x125xi32, #tpu.memory_space<hbm>>
    %dma_start3A_21 = arith.constant 0 : i32
    %dma_start3A_22 = arith.constant 0 : i32
    %dma_start3A_23 = tpu.memref_slice %arg5[%add3A, %dma_start3A_21, %dma_start3A_22] : memref<32x80x125xi32, #tpu.memory_space<hbm>> -> memref<1x80x125xi32, #tpu.memory_space<hbm>>
    %dma_start3A_24 = tpu.memref_squeeze %dma_start3A_23 : memref<1x80x125xi32, #tpu.memory_space<hbm>> -> memref<80x125xi32, #tpu.memory_space<hbm>>
    tpu.enqueue_dma source(%dma_start3A_24 : memref<80x125xi32, #tpu.memory_space<hbm>>) target(%arg10 : memref<80x125xi32, #tpu.memory_space<vmem>>) target_semaphore(%arg20 : memref<!tpu.dma_semaphore, #tpu.memory_space<semaphore_mem>>)
    %dma_wait3A_25 = arith.constant 0 : i32
    %dma_wait3A_26 = arith.constant 0 : i32
    %dma_wait3A_27 = tpu.memref_slice %arg5[%add3A, %dma_wait3A_25, %dma_wait3A_26] : memref<32x80x125xi32, #tpu.memory_space<hbm>> -> memref<1x80x125xi32, #tpu.memory_space<hbm>>
    %dma_wait3A_28 = tpu.memref_squeeze %dma_wait3A_27 : memref<1x80x125xi32, #tpu.memory_space<hbm>> -> memref<80x125xi32, #tpu.memory_space<hbm>>
    %dma_wait3A_29 = arith.constant 0 : i32
    %dma_wait3A_30 = arith.constant 0 : i32
    %dma_wait3A_31 = tpu.memref_slice %arg5[%add3A, %dma_wait3A_29, %dma_wait3A_30] : memref<32x80x125xi32, #tpu.memory_space<hbm>> -> memref<1x80x125xi32, #tpu.memory_space<hbm>>
    %dma_wait3A_32 = tpu.memref_squeeze %dma_wait3A_31 : memref<1x80x125xi32, #tpu.memory_space<hbm>> -> memref<80x125xi32, #tpu.memory_space<hbm>>
    tpu.wait_dma2 semaphore(%arg20 : memref<!tpu.dma_semaphore, #tpu.memory_space<semaphore_mem>>) src(%dma_wait3A_32 : memref<80x125xi32, #tpu.memory_space<hbm>>) dst(%arg10 : memref<80x125xi32, #tpu.memory_space<vmem>>)
    "tpu.region"() ({
      %run_scoped3A = tpu.sem_alloc : memref<!tpu.dma_semaphore, #tpu.memory_space<semaphore_mem>>
      %dma_start3A_145 = arith.constant 0 : i32
      %dma_start3A_146 = tpu.memref_slice %arg19[%multiple_of3A, %dma_start3A_145] : memref<10112x64xf32, #tpu.memory_space<vmem_shared>> -> memref<632x64xf32, #tpu.memory_space<vmem_shared>>
      %dma_start3A_147 = arith.constant 0 : i32
      %dma_start3A_148 = tpu.memref_slice %arg6[%multiple_of3A, %dma_start3A_147] : memref<10112x64xf32, #tpu.memory_space<hbm>> -> memref<632x64xf32, #tpu.memory_space<hbm>>
      tpu.enqueue_dma source(%dma_start3A_148 : memref<632x64xf32, #tpu.memory_space<hbm>>) target(%dma_start3A_146 : memref<632x64xf32, #tpu.memory_space<vmem_shared>>) target_semaphore(%run_scoped3A : memref<!tpu.dma_semaphore, #tpu.memory_space<semaphore_mem>>)
      %dma_wait3A_149 = arith.constant 0 : i32
      %dma_wait3A_150 = tpu.memref_slice %arg19[%multiple_of3A, %dma_wait3A_149] : memref<10112x64xf32, #tpu.memory_space<vmem_shared>> -> memref<632x64xf32, #tpu.memory_space<vmem_shared>>
      %dma_wait3A_151 = arith.constant 0 : i32
      %dma_wait3A_152 = tpu.memref_slice %arg6[%multiple_of3A, %dma_wait3A_151] : memref<10112x64xf32, #tpu.memory_space<hbm>> -> memref<632x64xf32, #tpu.memory_space<hbm>>
      tpu.wait_dma2 semaphore(%run_scoped3A : memref<!tpu.dma_semaphore, #tpu.memory_space<semaphore_mem>>) src(%dma_wait3A_152 : memref<632x64xf32, #tpu.memory_space<hbm>>) dst(%dma_wait3A_150 : memref<632x64xf32, #tpu.memory_space<vmem_shared>>)
      tpu.yield
    }) : () -> ()
    %barrier3A = arith.constant 0 : index
    tpu.barrier barrier_id(%barrier3A)
    %dma_start3A_33 = arith.constant 0 : i32
    %dma_start3A_34 = arith.constant 0 : i32
    %dma_start3A_35 = tpu.memref_slice %arg9[%dma_start3A_33, %dma_start3A_34] : memref<80x125xi32, #tpu.memory_space<vmem>> -> memref<1x125xi32, #tpu.memory_space<vmem>>
    %dma_start3A_36 = tpu.memref_squeeze %dma_start3A_35 : memref<1x125xi32, #tpu.memory_space<vmem>> -> memref<125xi32, #tpu.memory_space<vmem>>
    %dma_start3A_37 = arith.constant 0 : i32
    %dma_start3A_38 = arith.constant 0 : i32
    %dma_start3A_39 = tpu.memref_slice %arg2[%dma_start3A_37, %dma_start3A_38] : memref<10112x64xf32, #tpu.memory_space<hbm>> -> memref<10112x64xf32, #tpu.memory_space<hbm>>
    tpu.enqueue_indirect_dma source(%dma_start3A_39 : memref<10112x64xf32, #tpu.memory_space<hbm>>) target(%arg11 : memref<125x64xf32, #tpu.memory_space<vmem>>) offsets(%dma_start3A_36 : memref<125xi32, #tpu.memory_space<vmem>>) semaphore(%arg21 : memref<!tpu.dma_semaphore, #tpu.memory_space<semaphore_mem>>)
    %dma_start3A_40 = arith.constant 1 : i32
    %dma_start3A_41 = arith.constant 0 : i32
    %dma_start3A_42 = tpu.memref_slice %arg9[%dma_start3A_40, %dma_start3A_41] : memref<80x125xi32, #tpu.memory_space<vmem>> -> memref<1x125xi32, #tpu.memory_space<vmem>>
    %dma_start3A_43 = tpu.memref_squeeze %dma_start3A_42 : memref<1x125xi32, #tpu.memory_space<vmem>> -> memref<125xi32, #tpu.memory_space<vmem>>
    %dma_start3A_44 = arith.constant 0 : i32
    %dma_start3A_45 = arith.constant 0 : i32
    %dma_start3A_46 = tpu.memref_slice %arg2[%dma_start3A_44, %dma_start3A_45] : memref<10112x64xf32, #tpu.memory_space<hbm>> -> memref<10112x64xf32, #tpu.memory_space<hbm>>
    tpu.enqueue_indirect_dma source(%dma_start3A_46 : memref<10112x64xf32, #tpu.memory_space<hbm>>) target(%arg12 : memref<125x64xf32, #tpu.memory_space<vmem>>) offsets(%dma_start3A_43 : memref<125xi32, #tpu.memory_space<vmem>>) semaphore(%arg22 : memref<!tpu.dma_semaphore, #tpu.memory_space<semaphore_mem>>)
    %dma_start3A_47 = arith.constant 2 : i32
    %dma_start3A_48 = arith.constant 0 : i32
    %dma_start3A_49 = tpu.memref_slice %arg9[%dma_start3A_47, %dma_start3A_48] : memref<80x125xi32, #tpu.memory_space<vmem>> -> memref<1x125xi32, #tpu.memory_space<vmem>>
    %dma_start3A_50 = tpu.memref_squeeze %dma_start3A_49 : memref<1x125xi32, #tpu.memory_space<vmem>> -> memref<125xi32, #tpu.memory_space<vmem>>
    %dma_start3A_51 = arith.constant 0 : i32
    %dma_start3A_52 = arith.constant 0 : i32
    %dma_start3A_53 = tpu.memref_slice %arg2[%dma_start3A_51, %dma_start3A_52] : memref<10112x64xf32, #tpu.memory_space<hbm>> -> memref<10112x64xf32, #tpu.memory_space<hbm>>
    tpu.enqueue_indirect_dma source(%dma_start3A_53 : memref<10112x64xf32, #tpu.memory_space<hbm>>) target(%arg13 : memref<125x64xf32, #tpu.memory_space<vmem>>) offsets(%dma_start3A_50 : memref<125xi32, #tpu.memory_space<vmem>>) semaphore(%arg23 : memref<!tpu.dma_semaphore, #tpu.memory_space<semaphore_mem>>)
    %dma_start3A_54 = arith.constant 3 : i32
    %dma_start3A_55 = arith.constant 0 : i32
    %dma_start3A_56 = tpu.memref_slice %arg9[%dma_start3A_54, %dma_start3A_55] : memref<80x125xi32, #tpu.memory_space<vmem>> -> memref<1x125xi32, #tpu.memory_space<vmem>>
    %dma_start3A_57 = tpu.memref_squeeze %dma_start3A_56 : memref<1x125xi32, #tpu.memory_space<vmem>> -> memref<125xi32, #tpu.memory_space<vmem>>
    %dma_start3A_58 = arith.constant 0 : i32
    %dma_start3A_59 = arith.constant 0 : i32
    %dma_start3A_60 = tpu.memref_slice %arg2[%dma_start3A_58, %dma_start3A_59] : memref<10112x64xf32, #tpu.memory_space<hbm>> -> memref<10112x64xf32, #tpu.memory_space<hbm>>
    tpu.enqueue_indirect_dma source(%dma_start3A_60 : memref<10112x64xf32, #tpu.memory_space<hbm>>) target(%arg14 : memref<125x64xf32, #tpu.memory_space<vmem>>) offsets(%dma_start3A_57 : memref<125xi32, #tpu.memory_space<vmem>>) semaphore(%arg24 : memref<!tpu.dma_semaphore, #tpu.memory_space<semaphore_mem>>)
    %dma_start3A_61 = arith.constant 4 : i32
    %dma_start3A_62 = arith.constant 0 : i32
    %dma_start3A_63 = tpu.memref_slice %arg9[%dma_start3A_61, %dma_start3A_62] : memref<80x125xi32, #tpu.memory_space<vmem>> -> memref<1x125xi32, #tpu.memory_space<vmem>>
    %dma_start3A_64 = tpu.memref_squeeze %dma_start3A_63 : memref<1x125xi32, #tpu.memory_space<vmem>> -> memref<125xi32, #tpu.memory_space<vmem>>
    %dma_start3A_65 = arith.constant 0 : i32
    %dma_start3A_66 = arith.constant 0 : i32
    %dma_start3A_67 = tpu.memref_slice %arg2[%dma_start3A_65, %dma_start3A_66] : memref<10112x64xf32, #tpu.memory_space<hbm>> -> memref<10112x64xf32, #tpu.memory_space<hbm>>
    tpu.enqueue_indirect_dma source(%dma_start3A_67 : memref<10112x64xf32, #tpu.memory_space<hbm>>) target(%arg15 : memref<125x64xf32, #tpu.memory_space<vmem>>) offsets(%dma_start3A_64 : memref<125xi32, #tpu.memory_space<vmem>>) semaphore(%arg25 : memref<!tpu.dma_semaphore, #tpu.memory_space<semaphore_mem>>)
    %dma_start3A_68 = arith.constant 5 : i32
    %dma_start3A_69 = arith.constant 0 : i32
    %dma_start3A_70 = tpu.memref_slice %arg9[%dma_start3A_68, %dma_start3A_69] : memref<80x125xi32, #tpu.memory_space<vmem>> -> memref<1x125xi32, #tpu.memory_space<vmem>>
    %dma_start3A_71 = tpu.memref_squeeze %dma_start3A_70 : memref<1x125xi32, #tpu.memory_space<vmem>> -> memref<125xi32, #tpu.memory_space<vmem>>
    %dma_start3A_72 = arith.constant 0 : i32
    %dma_start3A_73 = arith.constant 0 : i32
    %dma_start3A_74 = tpu.memref_slice %arg2[%dma_start3A_72, %dma_start3A_73] : memref<10112x64xf32, #tpu.memory_space<hbm>> -> memref<10112x64xf32, #tpu.memory_space<hbm>>
    tpu.enqueue_indirect_dma source(%dma_start3A_74 : memref<10112x64xf32, #tpu.memory_space<hbm>>) target(%arg16 : memref<125x64xf32, #tpu.memory_space<vmem>>) offsets(%dma_start3A_71 : memref<125xi32, #tpu.memory_space<vmem>>) semaphore(%arg26 : memref<!tpu.dma_semaphore, #tpu.memory_space<semaphore_mem>>)
    %dma_start3A_75 = arith.constant 6 : i32
    %dma_start3A_76 = arith.constant 0 : i32
    %dma_start3A_77 = tpu.memref_slice %arg9[%dma_start3A_75, %dma_start3A_76] : memref<80x125xi32, #tpu.memory_space<vmem>> -> memref<1x125xi32, #tpu.memory_space<vmem>>
    %dma_start3A_78 = tpu.memref_squeeze %dma_start3A_77 : memref<1x125xi32, #tpu.memory_space<vmem>> -> memref<125xi32, #tpu.memory_space<vmem>>
    %dma_start3A_79 = arith.constant 0 : i32
    %dma_start3A_80 = arith.constant 0 : i32
    %dma_start3A_81 = tpu.memref_slice %arg2[%dma_start3A_79, %dma_start3A_80] : memref<10112x64xf32, #tpu.memory_space<hbm>> -> memref<10112x64xf32, #tpu.memory_space<hbm>>
    tpu.enqueue_indirect_dma source(%dma_start3A_81 : memref<10112x64xf32, #tpu.memory_space<hbm>>) target(%arg17 : memref<125x64xf32, #tpu.memory_space<vmem>>) offsets(%dma_start3A_78 : memref<125xi32, #tpu.memory_space<vmem>>) semaphore(%arg27 : memref<!tpu.dma_semaphore, #tpu.memory_space<semaphore_mem>>)
    %scan3A = arith.constant 0 : i32
    %scan3A_82 = arith.constant 10 : i32
    %scan3A_83 = arith.addi %scan3A, %scan3A_82 : i32
    %scan3A_84 = arith.constant 1 : i32
    scf.for %scan3A_145 = %scan3A to %scan3A_83 step %scan3A_84  : i32 {
      %mul3A_146 = arith.constant 8 : i32
      %mul3A_147 = arith.muli %scan3A_145, %mul3A_146 : i32
      %add3A_148 = arith.constant 0 : i32
      %add3A_149 = arith.addi %add3A_148, %mul3A_147 : i32
      %add3A_150 = arith.constant 0 : i32
      %add3A_151 = arith.addi %add3A_149, %add3A_150 : i32
      %add3A_152 = arith.constant 7 : i32
      %add3A_153 = arith.addi %add3A_151, %add3A_152 : i32
      %lt3A = arith.constant 80 : i32
      %lt3A_154 = arith.cmpi slt, %add3A_153, %lt3A : i32
      %convert_element_type3A = arith.extui %lt3A_154 : i1 to i32
      %cond3A = arith.constant 0 : i32
      %cond3A_155 = arith.cmpi ne, %convert_element_type3A, %cond3A : i32
      scf.if %cond3A_155 {
        %add3A_267 = arith.constant 7 : i32
        %add3A_268 = arith.addi %add3A_151, %add3A_267 : i32
        %dma_start3A_269 = arith.constant 0 : i32
        %dma_start3A_270 = tpu.memref_slice %arg9[%add3A_268, %dma_start3A_269] : memref<80x125xi32, #tpu.memory_space<vmem>> -> memref<1x125xi32, #tpu.memory_space<vmem>>
        %dma_start3A_271 = tpu.memref_squeeze %dma_start3A_270 : memref<1x125xi32, #tpu.memory_space<vmem>> -> memref<125xi32, #tpu.memory_space<vmem>>
        %dma_start3A_272 = arith.constant 0 : i32
        %dma_start3A_273 = arith.constant 0 : i32
        %dma_start3A_274 = tpu.memref_slice %arg2[%dma_start3A_272, %dma_start3A_273] : memref<10112x64xf32, #tpu.memory_space<hbm>> -> memref<10112x64xf32, #tpu.memory_space<hbm>>
        tpu.enqueue_indirect_dma source(%dma_start3A_274 : memref<10112x64xf32, #tpu.memory_space<hbm>>) target(%arg18 : memref<125x64xf32, #tpu.memory_space<vmem>>) offsets(%dma_start3A_271 : memref<125xi32, #tpu.memory_space<vmem>>) semaphore(%arg28 : memref<!tpu.dma_semaphore, #tpu.memory_space<semaphore_mem>>)
      } else {
      }
      %dma_wait3A_156 = arith.constant 0 : i32
      %dma_wait3A_157 = arith.constant 0 : i32
      %dma_wait3A_158 = tpu.memref_slice %arg2[%dma_wait3A_156, %dma_wait3A_157] : memref<10112x64xf32, #tpu.memory_space<hbm>> -> memref<125x64xf32, #tpu.memory_space<hbm>>
      %dma_wait3A_159 = arith.constant 0 : i32
      %dma_wait3A_160 = arith.constant 0 : i32
      %dma_wait3A_161 = tpu.memref_slice %arg2[%dma_wait3A_159, %dma_wait3A_160] : memref<10112x64xf32, #tpu.memory_space<hbm>> -> memref<125x64xf32, #tpu.memory_space<hbm>>
      tpu.wait_dma2 semaphore(%arg21 : memref<!tpu.dma_semaphore, #tpu.memory_space<semaphore_mem>>) src(%dma_wait3A_161 : memref<125x64xf32, #tpu.memory_space<hbm>>) dst(%arg11 : memref<125x64xf32, #tpu.memory_space<vmem>>)
      "tpu.region"() ({
        %run_scoped3A = tpu.sem_alloc : memref<!tpu.dma_semaphore, #tpu.memory_space<semaphore_mem>>
        %dma_start3A_267 = arith.constant 0 : i32
        %dma_start3A_268 = tpu.memref_slice %arg10[%add3A_151, %dma_start3A_267] : memref<80x125xi32, #tpu.memory_space<vmem>> -> memref<1x125xi32, #tpu.memory_space<vmem>>
        %dma_start3A_269 = tpu.memref_squeeze %dma_start3A_268 : memref<1x125xi32, #tpu.memory_space<vmem>> -> memref<125xi32, #tpu.memory_space<vmem>>
        %dma_start3A_270 = arith.constant 0 : i32
        %dma_start3A_271 = arith.constant 0 : i32
        %dma_start3A_272 = tpu.memref_slice %arg19[%dma_start3A_270, %dma_start3A_271] : memref<10112x64xf32, #tpu.memory_space<vmem_shared>> -> memref<10112x64xf32, #tpu.memory_space<vmem_shared>>
        tpu.enqueue_indirect_dma source(%arg11 : memref<125x64xf32, #tpu.memory_space<vmem>>) target(%dma_start3A_272 : memref<10112x64xf32, #tpu.memory_space<vmem_shared>>) offsets(%dma_start3A_269 : memref<125xi32, #tpu.memory_space<vmem>>) semaphore(%run_scoped3A : memref<!tpu.dma_semaphore, #tpu.memory_space<semaphore_mem>>) {add = true}
        %dma_wait3A_273 = arith.constant 0 : i32
        %dma_wait3A_274 = tpu.memref_slice %arg10[%add3A_151, %dma_wait3A_273] : memref<80x125xi32, #tpu.memory_space<vmem>> -> memref<1x125xi32, #tpu.memory_space<vmem>>
        %dma_wait3A_275 = tpu.memref_squeeze %dma_wait3A_274 : memref<1x125xi32, #tpu.memory_space<vmem>> -> memref<125xi32, #tpu.memory_space<vmem>>
        %dma_wait3A_276 = arith.constant 0 : i32
        %dma_wait3A_277 = arith.constant 0 : i32
        %dma_wait3A_278 = tpu.memref_slice %arg19[%dma_wait3A_276, %dma_wait3A_277] : memref<10112x64xf32, #tpu.memory_space<vmem_shared>> -> memref<10112x64xf32, #tpu.memory_space<vmem_shared>>
        tpu.wait_indirect_dma semaphore(%run_scoped3A : memref<!tpu.dma_semaphore, #tpu.memory_space<semaphore_mem>>) src(%arg11 : memref<125x64xf32, #tpu.memory_space<vmem>>) dst(%dma_wait3A_278 : memref<10112x64xf32, #tpu.memory_space<vmem_shared>>)
        tpu.yield
      }) : () -> ()
      %add3A_162 = arith.constant 1 : i32
      %add3A_163 = arith.addi %add3A_149, %add3A_162 : i32
      %add3A_164 = arith.constant 7 : i32
      %add3A_165 = arith.addi %add3A_163, %add3A_164 : i32
      %lt3A_166 = arith.constant 80 : i32
      %lt3A_167 = arith.cmpi slt, %add3A_165, %lt3A_166 : i32
      %convert_element_type3A_168 = arith.extui %lt3A_167 : i1 to i32
      %cond3A_169 = arith.constant 0 : i32
      %cond3A_170 = arith.cmpi ne, %convert_element_type3A_168, %cond3A_169 : i32
      scf.if %cond3A_170 {
        %add3A_267 = arith.constant 7 : i32
        %add3A_268 = arith.addi %add3A_163, %add3A_267 : i32
        %dma_start3A_269 = arith.constant 0 : i32
        %dma_start3A_270 = tpu.memref_slice %arg9[%add3A_268, %dma_start3A_269] : memref<80x125xi32, #tpu.memory_space<vmem>> -> memref<1x125xi32, #tpu.memory_space<vmem>>
        %dma_start3A_271 = tpu.memref_squeeze %dma_start3A_270 : memref<1x125xi32, #tpu.memory_space<vmem>> -> memref<125xi32, #tpu.memory_space<vmem>>
        %dma_start3A_272 = arith.constant 0 : i32
        %dma_start3A_273 = arith.constant 0 : i32
        %dma_start3A_274 = tpu.memref_slice %arg2[%dma_start3A_272, %dma_start3A_273] : memref<10112x64xf32, #tpu.memory_space<hbm>> -> memref<10112x64xf32, #tpu.memory_space<hbm>>
        tpu.enqueue_indirect_dma source(%dma_start3A_274 : memref<10112x64xf32, #tpu.memory_space<hbm>>) target(%arg11 : memref<125x64xf32, #tpu.memory_space<vmem>>) offsets(%dma_start3A_271 : memref<125xi32, #tpu.memory_space<vmem>>) semaphore(%arg21 : memref<!tpu.dma_semaphore, #tpu.memory_space<semaphore_mem>>)
      } else {
      }
      %dma_wait3A_171 = arith.constant 0 : i32
      %dma_wait3A_172 = arith.constant 0 : i32
      %dma_wait3A_173 = tpu.memref_slice %arg2[%dma_wait3A_171, %dma_wait3A_172] : memref<10112x64xf32, #tpu.memory_space<hbm>> -> memref<125x64xf32, #tpu.memory_space<hbm>>
      %dma_wait3A_174 = arith.constant 0 : i32
      %dma_wait3A_175 = arith.constant 0 : i32
      %dma_wait3A_176 = tpu.memref_slice %arg2[%dma_wait3A_174, %dma_wait3A_175] : memref<10112x64xf32, #tpu.memory_space<hbm>> -> memref<125x64xf32, #tpu.memory_space<hbm>>
      tpu.wait_dma2 semaphore(%arg22 : memref<!tpu.dma_semaphore, #tpu.memory_space<semaphore_mem>>) src(%dma_wait3A_176 : memref<125x64xf32, #tpu.memory_space<hbm>>) dst(%arg12 : memref<125x64xf32, #tpu.memory_space<vmem>>)
      "tpu.region"() ({
        %run_scoped3A = tpu.sem_alloc : memref<!tpu.dma_semaphore, #tpu.memory_space<semaphore_mem>>
        %dma_start3A_267 = arith.constant 0 : i32
        %dma_start3A_268 = tpu.memref_slice %arg10[%add3A_163, %dma_start3A_267] : memref<80x125xi32, #tpu.memory_space<vmem>> -> memref<1x125xi32, #tpu.memory_space<vmem>>
        %dma_start3A_269 = tpu.memref_squeeze %dma_start3A_268 : memref<1x125xi32, #tpu.memory_space<vmem>> -> memref<125xi32, #tpu.memory_space<vmem>>
        %dma_start3A_270 = arith.constant 0 : i32
        %dma_start3A_271 = arith.constant 0 : i32
        %dma_start3A_272 = tpu.memref_slice %arg19[%dma_start3A_270, %dma_start3A_271] : memref<10112x64xf32, #tpu.memory_space<vmem_shared>> -> memref<10112x64xf32, #tpu.memory_space<vmem_shared>>
        tpu.enqueue_indirect_dma source(%arg12 : memref<125x64xf32, #tpu.memory_space<vmem>>) target(%dma_start3A_272 : memref<10112x64xf32, #tpu.memory_space<vmem_shared>>) offsets(%dma_start3A_269 : memref<125xi32, #tpu.memory_space<vmem>>) semaphore(%run_scoped3A : memref<!tpu.dma_semaphore, #tpu.memory_space<semaphore_mem>>) {add = true}
        %dma_wait3A_273 = arith.constant 0 : i32
        %dma_wait3A_274 = tpu.memref_slice %arg10[%add3A_163, %dma_wait3A_273] : memref<80x125xi32, #tpu.memory_space<vmem>> -> memref<1x125xi32, #tpu.memory_space<vmem>>
        %dma_wait3A_275 = tpu.memref_squeeze %dma_wait3A_274 : memref<1x125xi32, #tpu.memory_space<vmem>> -> memref<125xi32, #tpu.memory_space<vmem>>
        %dma_wait3A_276 = arith.constant 0 : i32
        %dma_wait3A_277 = arith.constant 0 : i32
        %dma_wait3A_278 = tpu.memref_slice %arg19[%dma_wait3A_276, %dma_wait3A_277] : memref<10112x64xf32, #tpu.memory_space<vmem_shared>> -> memref<10112x64xf32, #tpu.memory_space<vmem_shared>>
        tpu.wait_indirect_dma semaphore(%run_scoped3A : memref<!tpu.dma_semaphore, #tpu.memory_space<semaphore_mem>>) src(%arg12 : memref<125x64xf32, #tpu.memory_space<vmem>>) dst(%dma_wait3A_278 : memref<10112x64xf32, #tpu.memory_space<vmem_shared>>)
        tpu.yield
      }) : () -> ()
      %add3A_177 = arith.constant 2 : i32
      %add3A_178 = arith.addi %add3A_149, %add3A_177 : i32
      %add3A_179 = arith.constant 7 : i32
      %add3A_180 = arith.addi %add3A_178, %add3A_179 : i32
      %lt3A_181 = arith.constant 80 : i32
      %lt3A_182 = arith.cmpi slt, %add3A_180, %lt3A_181 : i32
      %convert_element_type3A_183 = arith.extui %lt3A_182 : i1 to i32
      %cond3A_184 = arith.constant 0 : i32
      %cond3A_185 = arith.cmpi ne, %convert_element_type3A_183, %cond3A_184 : i32
      scf.if %cond3A_185 {
        %add3A_267 = arith.constant 7 : i32
        %add3A_268 = arith.addi %add3A_178, %add3A_267 : i32
        %dma_start3A_269 = arith.constant 0 : i32
        %dma_start3A_270 = tpu.memref_slice %arg9[%add3A_268, %dma_start3A_269] : memref<80x125xi32, #tpu.memory_space<vmem>> -> memref<1x125xi32, #tpu.memory_space<vmem>>
        %dma_start3A_271 = tpu.memref_squeeze %dma_start3A_270 : memref<1x125xi32, #tpu.memory_space<vmem>> -> memref<125xi32, #tpu.memory_space<vmem>>
        %dma_start3A_272 = arith.constant 0 : i32
        %dma_start3A_273 = arith.constant 0 : i32
        %dma_start3A_274 = tpu.memref_slice %arg2[%dma_start3A_272, %dma_start3A_273] : memref<10112x64xf32, #tpu.memory_space<hbm>> -> memref<10112x64xf32, #tpu.memory_space<hbm>>
        tpu.enqueue_indirect_dma source(%dma_start3A_274 : memref<10112x64xf32, #tpu.memory_space<hbm>>) target(%arg12 : memref<125x64xf32, #tpu.memory_space<vmem>>) offsets(%dma_start3A_271 : memref<125xi32, #tpu.memory_space<vmem>>) semaphore(%arg22 : memref<!tpu.dma_semaphore, #tpu.memory_space<semaphore_mem>>)
      } else {
      }
      %dma_wait3A_186 = arith.constant 0 : i32
      %dma_wait3A_187 = arith.constant 0 : i32
      %dma_wait3A_188 = tpu.memref_slice %arg2[%dma_wait3A_186, %dma_wait3A_187] : memref<10112x64xf32, #tpu.memory_space<hbm>> -> memref<125x64xf32, #tpu.memory_space<hbm>>
      %dma_wait3A_189 = arith.constant 0 : i32
      %dma_wait3A_190 = arith.constant 0 : i32
      %dma_wait3A_191 = tpu.memref_slice %arg2[%dma_wait3A_189, %dma_wait3A_190] : memref<10112x64xf32, #tpu.memory_space<hbm>> -> memref<125x64xf32, #tpu.memory_space<hbm>>
      tpu.wait_dma2 semaphore(%arg23 : memref<!tpu.dma_semaphore, #tpu.memory_space<semaphore_mem>>) src(%dma_wait3A_191 : memref<125x64xf32, #tpu.memory_space<hbm>>) dst(%arg13 : memref<125x64xf32, #tpu.memory_space<vmem>>)
      "tpu.region"() ({
        %run_scoped3A = tpu.sem_alloc : memref<!tpu.dma_semaphore, #tpu.memory_space<semaphore_mem>>
        %dma_start3A_267 = arith.constant 0 : i32
        %dma_start3A_268 = tpu.memref_slice %arg10[%add3A_178, %dma_start3A_267] : memref<80x125xi32, #tpu.memory_space<vmem>> -> memref<1x125xi32, #tpu.memory_space<vmem>>
        %dma_start3A_269 = tpu.memref_squeeze %dma_start3A_268 : memref<1x125xi32, #tpu.memory_space<vmem>> -> memref<125xi32, #tpu.memory_space<vmem>>
        %dma_start3A_270 = arith.constant 0 : i32
        %dma_start3A_271 = arith.constant 0 : i32
        %dma_start3A_272 = tpu.memref_slice %arg19[%dma_start3A_270, %dma_start3A_271] : memref<10112x64xf32, #tpu.memory_space<vmem_shared>> -> memref<10112x64xf32, #tpu.memory_space<vmem_shared>>
        tpu.enqueue_indirect_dma source(%arg13 : memref<125x64xf32, #tpu.memory_space<vmem>>) target(%dma_start3A_272 : memref<10112x64xf32, #tpu.memory_space<vmem_shared>>) offsets(%dma_start3A_269 : memref<125xi32, #tpu.memory_space<vmem>>) semaphore(%run_scoped3A : memref<!tpu.dma_semaphore, #tpu.memory_space<semaphore_mem>>) {add = true}
        %dma_wait3A_273 = arith.constant 0 : i32
        %dma_wait3A_274 = tpu.memref_slice %arg10[%add3A_178, %dma_wait3A_273] : memref<80x125xi32, #tpu.memory_space<vmem>> -> memref<1x125xi32, #tpu.memory_space<vmem>>
        %dma_wait3A_275 = tpu.memref_squeeze %dma_wait3A_274 : memref<1x125xi32, #tpu.memory_space<vmem>> -> memref<125xi32, #tpu.memory_space<vmem>>
        %dma_wait3A_276 = arith.constant 0 : i32
        %dma_wait3A_277 = arith.constant 0 : i32
        %dma_wait3A_278 = tpu.memref_slice %arg19[%dma_wait3A_276, %dma_wait3A_277] : memref<10112x64xf32, #tpu.memory_space<vmem_shared>> -> memref<10112x64xf32, #tpu.memory_space<vmem_shared>>
        tpu.wait_indirect_dma semaphore(%run_scoped3A : memref<!tpu.dma_semaphore, #tpu.memory_space<semaphore_mem>>) src(%arg13 : memref<125x64xf32, #tpu.memory_space<vmem>>) dst(%dma_wait3A_278 : memref<10112x64xf32, #tpu.memory_space<vmem_shared>>)
        tpu.yield
      }) : () -> ()
      %add3A_192 = arith.constant 3 : i32
      %add3A_193 = arith.addi %add3A_149, %add3A_192 : i32
      %add3A_194 = arith.constant 7 : i32
      %add3A_195 = arith.addi %add3A_193, %add3A_194 : i32
      %lt3A_196 = arith.constant 80 : i32
      %lt3A_197 = arith.cmpi slt, %add3A_195, %lt3A_196 : i32
      %convert_element_type3A_198 = arith.extui %lt3A_197 : i1 to i32
      %cond3A_199 = arith.constant 0 : i32
      %cond3A_200 = arith.cmpi ne, %convert_element_type3A_198, %cond3A_199 : i32
      scf.if %cond3A_200 {
        %add3A_267 = arith.constant 7 : i32
        %add3A_268 = arith.addi %add3A_193, %add3A_267 : i32
        %dma_start3A_269 = arith.constant 0 : i32
        %dma_start3A_270 = tpu.memref_slice %arg9[%add3A_268, %dma_start3A_269] : memref<80x125xi32, #tpu.memory_space<vmem>> -> memref<1x125xi32, #tpu.memory_space<vmem>>
        %dma_start3A_271 = tpu.memref_squeeze %dma_start3A_270 : memref<1x125xi32, #tpu.memory_space<vmem>> -> memref<125xi32, #tpu.memory_space<vmem>>
        %dma_start3A_272 = arith.constant 0 : i32
        %dma_start3A_273 = arith.constant 0 : i32
        %dma_start3A_274 = tpu.memref_slice %arg2[%dma_start3A_272, %dma_start3A_273] : memref<10112x64xf32, #tpu.memory_space<hbm>> -> memref<10112x64xf32, #tpu.memory_space<hbm>>
        tpu.enqueue_indirect_dma source(%dma_start3A_274 : memref<10112x64xf32, #tpu.memory_space<hbm>>) target(%arg13 : memref<125x64xf32, #tpu.memory_space<vmem>>) offsets(%dma_start3A_271 : memref<125xi32, #tpu.memory_space<vmem>>) semaphore(%arg23 : memref<!tpu.dma_semaphore, #tpu.memory_space<semaphore_mem>>)
      } else {
      }
      %dma_wait3A_201 = arith.constant 0 : i32
      %dma_wait3A_202 = arith.constant 0 : i32
      %dma_wait3A_203 = tpu.memref_slice %arg2[%dma_wait3A_201, %dma_wait3A_202] : memref<10112x64xf32, #tpu.memory_space<hbm>> -> memref<125x64xf32, #tpu.memory_space<hbm>>
      %dma_wait3A_204 = arith.constant 0 : i32
      %dma_wait3A_205 = arith.constant 0 : i32
      %dma_wait3A_206 = tpu.memref_slice %arg2[%dma_wait3A_204, %dma_wait3A_205] : memref<10112x64xf32, #tpu.memory_space<hbm>> -> memref<125x64xf32, #tpu.memory_space<hbm>>
      tpu.wait_dma2 semaphore(%arg24 : memref<!tpu.dma_semaphore, #tpu.memory_space<semaphore_mem>>) src(%dma_wait3A_206 : memref<125x64xf32, #tpu.memory_space<hbm>>) dst(%arg14 : memref<125x64xf32, #tpu.memory_space<vmem>>)
      "tpu.region"() ({
        %run_scoped3A = tpu.sem_alloc : memref<!tpu.dma_semaphore, #tpu.memory_space<semaphore_mem>>
        %dma_start3A_267 = arith.constant 0 : i32
        %dma_start3A_268 = tpu.memref_slice %arg10[%add3A_193, %dma_start3A_267] : memref<80x125xi32, #tpu.memory_space<vmem>> -> memref<1x125xi32, #tpu.memory_space<vmem>>
        %dma_start3A_269 = tpu.memref_squeeze %dma_start3A_268 : memref<1x125xi32, #tpu.memory_space<vmem>> -> memref<125xi32, #tpu.memory_space<vmem>>
        %dma_start3A_270 = arith.constant 0 : i32
        %dma_start3A_271 = arith.constant 0 : i32
        %dma_start3A_272 = tpu.memref_slice %arg19[%dma_start3A_270, %dma_start3A_271] : memref<10112x64xf32, #tpu.memory_space<vmem_shared>> -> memref<10112x64xf32, #tpu.memory_space<vmem_shared>>
        tpu.enqueue_indirect_dma source(%arg14 : memref<125x64xf32, #tpu.memory_space<vmem>>) target(%dma_start3A_272 : memref<10112x64xf32, #tpu.memory_space<vmem_shared>>) offsets(%dma_start3A_269 : memref<125xi32, #tpu.memory_space<vmem>>) semaphore(%run_scoped3A : memref<!tpu.dma_semaphore, #tpu.memory_space<semaphore_mem>>) {add = true}
        %dma_wait3A_273 = arith.constant 0 : i32
        %dma_wait3A_274 = tpu.memref_slice %arg10[%add3A_193, %dma_wait3A_273] : memref<80x125xi32, #tpu.memory_space<vmem>> -> memref<1x125xi32, #tpu.memory_space<vmem>>
        %dma_wait3A_275 = tpu.memref_squeeze %dma_wait3A_274 : memref<1x125xi32, #tpu.memory_space<vmem>> -> memref<125xi32, #tpu.memory_space<vmem>>
        %dma_wait3A_276 = arith.constant 0 : i32
        %dma_wait3A_277 = arith.constant 0 : i32
        %dma_wait3A_278 = tpu.memref_slice %arg19[%dma_wait3A_276, %dma_wait3A_277] : memref<10112x64xf32, #tpu.memory_space<vmem_shared>> -> memref<10112x64xf32, #tpu.memory_space<vmem_shared>>
        tpu.wait_indirect_dma semaphore(%run_scoped3A : memref<!tpu.dma_semaphore, #tpu.memory_space<semaphore_mem>>) src(%arg14 : memref<125x64xf32, #tpu.memory_space<vmem>>) dst(%dma_wait3A_278 : memref<10112x64xf32, #tpu.memory_space<vmem_shared>>)
        tpu.yield
      }) : () -> ()
      %add3A_207 = arith.constant 4 : i32
      %add3A_208 = arith.addi %add3A_149, %add3A_207 : i32
      %add3A_209 = arith.constant 7 : i32
      %add3A_210 = arith.addi %add3A_208, %add3A_209 : i32
      %lt3A_211 = arith.constant 80 : i32
      %lt3A_212 = arith.cmpi slt, %add3A_210, %lt3A_211 : i32
      %convert_element_type3A_213 = arith.extui %lt3A_212 : i1 to i32
      %cond3A_214 = arith.constant 0 : i32
      %cond3A_215 = arith.cmpi ne, %convert_element_type3A_213, %cond3A_214 : i32
      scf.if %cond3A_215 {
        %add3A_267 = arith.constant 7 : i32
        %add3A_268 = arith.addi %add3A_208, %add3A_267 : i32
        %dma_start3A_269 = arith.constant 0 : i32
        %dma_start3A_270 = tpu.memref_slice %arg9[%add3A_268, %dma_start3A_269] : memref<80x125xi32, #tpu.memory_space<vmem>> -> memref<1x125xi32, #tpu.memory_space<vmem>>
        %dma_start3A_271 = tpu.memref_squeeze %dma_start3A_270 : memref<1x125xi32, #tpu.memory_space<vmem>> -> memref<125xi32, #tpu.memory_space<vmem>>
        %dma_start3A_272 = arith.constant 0 : i32
        %dma_start3A_273 = arith.constant 0 : i32
        %dma_start3A_274 = tpu.memref_slice %arg2[%dma_start3A_272, %dma_start3A_273] : memref<10112x64xf32, #tpu.memory_space<hbm>> -> memref<10112x64xf32, #tpu.memory_space<hbm>>
        tpu.enqueue_indirect_dma source(%dma_start3A_274 : memref<10112x64xf32, #tpu.memory_space<hbm>>) target(%arg14 : memref<125x64xf32, #tpu.memory_space<vmem>>) offsets(%dma_start3A_271 : memref<125xi32, #tpu.memory_space<vmem>>) semaphore(%arg24 : memref<!tpu.dma_semaphore, #tpu.memory_space<semaphore_mem>>)
      } else {
      }
      %dma_wait3A_216 = arith.constant 0 : i32
      %dma_wait3A_217 = arith.constant 0 : i32
      %dma_wait3A_218 = tpu.memref_slice %arg2[%dma_wait3A_216, %dma_wait3A_217] : memref<10112x64xf32, #tpu.memory_space<hbm>> -> memref<125x64xf32, #tpu.memory_space<hbm>>
      %dma_wait3A_219 = arith.constant 0 : i32
      %dma_wait3A_220 = arith.constant 0 : i32
      %dma_wait3A_221 = tpu.memref_slice %arg2[%dma_wait3A_219, %dma_wait3A_220] : memref<10112x64xf32, #tpu.memory_space<hbm>> -> memref<125x64xf32, #tpu.memory_space<hbm>>
      tpu.wait_dma2 semaphore(%arg25 : memref<!tpu.dma_semaphore, #tpu.memory_space<semaphore_mem>>) src(%dma_wait3A_221 : memref<125x64xf32, #tpu.memory_space<hbm>>) dst(%arg15 : memref<125x64xf32, #tpu.memory_space<vmem>>)
      "tpu.region"() ({
        %run_scoped3A = tpu.sem_alloc : memref<!tpu.dma_semaphore, #tpu.memory_space<semaphore_mem>>
        %dma_start3A_267 = arith.constant 0 : i32
        %dma_start3A_268 = tpu.memref_slice %arg10[%add3A_208, %dma_start3A_267] : memref<80x125xi32, #tpu.memory_space<vmem>> -> memref<1x125xi32, #tpu.memory_space<vmem>>
        %dma_start3A_269 = tpu.memref_squeeze %dma_start3A_268 : memref<1x125xi32, #tpu.memory_space<vmem>> -> memref<125xi32, #tpu.memory_space<vmem>>
        %dma_start3A_270 = arith.constant 0 : i32
        %dma_start3A_271 = arith.constant 0 : i32
        %dma_start3A_272 = tpu.memref_slice %arg19[%dma_start3A_270, %dma_start3A_271] : memref<10112x64xf32, #tpu.memory_space<vmem_shared>> -> memref<10112x64xf32, #tpu.memory_space<vmem_shared>>
        tpu.enqueue_indirect_dma source(%arg15 : memref<125x64xf32, #tpu.memory_space<vmem>>) target(%dma_start3A_272 : memref<10112x64xf32, #tpu.memory_space<vmem_shared>>) offsets(%dma_start3A_269 : memref<125xi32, #tpu.memory_space<vmem>>) semaphore(%run_scoped3A : memref<!tpu.dma_semaphore, #tpu.memory_space<semaphore_mem>>) {add = true}
        %dma_wait3A_273 = arith.constant 0 : i32
        %dma_wait3A_274 = tpu.memref_slice %arg10[%add3A_208, %dma_wait3A_273] : memref<80x125xi32, #tpu.memory_space<vmem>> -> memref<1x125xi32, #tpu.memory_space<vmem>>
        %dma_wait3A_275 = tpu.memref_squeeze %dma_wait3A_274 : memref<1x125xi32, #tpu.memory_space<vmem>> -> memref<125xi32, #tpu.memory_space<vmem>>
        %dma_wait3A_276 = arith.constant 0 : i32
        %dma_wait3A_277 = arith.constant 0 : i32
        %dma_wait3A_278 = tpu.memref_slice %arg19[%dma_wait3A_276, %dma_wait3A_277] : memref<10112x64xf32, #tpu.memory_space<vmem_shared>> -> memref<10112x64xf32, #tpu.memory_space<vmem_shared>>
        tpu.wait_indirect_dma semaphore(%run_scoped3A : memref<!tpu.dma_semaphore, #tpu.memory_space<semaphore_mem>>) src(%arg15 : memref<125x64xf32, #tpu.memory_space<vmem>>) dst(%dma_wait3A_278 : memref<10112x64xf32, #tpu.memory_space<vmem_shared>>)
        tpu.yield
      }) : () -> ()
      %add3A_222 = arith.constant 5 : i32
      %add3A_223 = arith.addi %add3A_149, %add3A_222 : i32
      %add3A_224 = arith.constant 7 : i32
      %add3A_225 = arith.addi %add3A_223, %add3A_224 : i32
      %lt3A_226 = arith.constant 80 : i32
      %lt3A_227 = arith.cmpi slt, %add3A_225, %lt3A_226 : i32
      %convert_element_type3A_228 = arith.extui %lt3A_227 : i1 to i32
      %cond3A_229 = arith.constant 0 : i32
      %cond3A_230 = arith.cmpi ne, %convert_element_type3A_228, %cond3A_229 : i32
      scf.if %cond3A_230 {
        %add3A_267 = arith.constant 7 : i32
        %add3A_268 = arith.addi %add3A_223, %add3A_267 : i32
        %dma_start3A_269 = arith.constant 0 : i32
        %dma_start3A_270 = tpu.memref_slice %arg9[%add3A_268, %dma_start3A_269] : memref<80x125xi32, #tpu.memory_space<vmem>> -> memref<1x125xi32, #tpu.memory_space<vmem>>
        %dma_start3A_271 = tpu.memref_squeeze %dma_start3A_270 : memref<1x125xi32, #tpu.memory_space<vmem>> -> memref<125xi32, #tpu.memory_space<vmem>>
        %dma_start3A_272 = arith.constant 0 : i32
        %dma_start3A_273 = arith.constant 0 : i32
        %dma_start3A_274 = tpu.memref_slice %arg2[%dma_start3A_272, %dma_start3A_273] : memref<10112x64xf32, #tpu.memory_space<hbm>> -> memref<10112x64xf32, #tpu.memory_space<hbm>>
        tpu.enqueue_indirect_dma source(%dma_start3A_274 : memref<10112x64xf32, #tpu.memory_space<hbm>>) target(%arg15 : memref<125x64xf32, #tpu.memory_space<vmem>>) offsets(%dma_start3A_271 : memref<125xi32, #tpu.memory_space<vmem>>) semaphore(%arg25 : memref<!tpu.dma_semaphore, #tpu.memory_space<semaphore_mem>>)
      } else {
      }
      %dma_wait3A_231 = arith.constant 0 : i32
      %dma_wait3A_232 = arith.constant 0 : i32
      %dma_wait3A_233 = tpu.memref_slice %arg2[%dma_wait3A_231, %dma_wait3A_232] : memref<10112x64xf32, #tpu.memory_space<hbm>> -> memref<125x64xf32, #tpu.memory_space<hbm>>
      %dma_wait3A_234 = arith.constant 0 : i32
      %dma_wait3A_235 = arith.constant 0 : i32
      %dma_wait3A_236 = tpu.memref_slice %arg2[%dma_wait3A_234, %dma_wait3A_235] : memref<10112x64xf32, #tpu.memory_space<hbm>> -> memref<125x64xf32, #tpu.memory_space<hbm>>
      tpu.wait_dma2 semaphore(%arg26 : memref<!tpu.dma_semaphore, #tpu.memory_space<semaphore_mem>>) src(%dma_wait3A_236 : memref<125x64xf32, #tpu.memory_space<hbm>>) dst(%arg16 : memref<125x64xf32, #tpu.memory_space<vmem>>)
      "tpu.region"() ({
        %run_scoped3A = tpu.sem_alloc : memref<!tpu.dma_semaphore, #tpu.memory_space<semaphore_mem>>
        %dma_start3A_267 = arith.constant 0 : i32
        %dma_start3A_268 = tpu.memref_slice %arg10[%add3A_223, %dma_start3A_267] : memref<80x125xi32, #tpu.memory_space<vmem>> -> memref<1x125xi32, #tpu.memory_space<vmem>>
        %dma_start3A_269 = tpu.memref_squeeze %dma_start3A_268 : memref<1x125xi32, #tpu.memory_space<vmem>> -> memref<125xi32, #tpu.memory_space<vmem>>
        %dma_start3A_270 = arith.constant 0 : i32
        %dma_start3A_271 = arith.constant 0 : i32
        %dma_start3A_272 = tpu.memref_slice %arg19[%dma_start3A_270, %dma_start3A_271] : memref<10112x64xf32, #tpu.memory_space<vmem_shared>> -> memref<10112x64xf32, #tpu.memory_space<vmem_shared>>
        tpu.enqueue_indirect_dma source(%arg16 : memref<125x64xf32, #tpu.memory_space<vmem>>) target(%dma_start3A_272 : memref<10112x64xf32, #tpu.memory_space<vmem_shared>>) offsets(%dma_start3A_269 : memref<125xi32, #tpu.memory_space<vmem>>) semaphore(%run_scoped3A : memref<!tpu.dma_semaphore, #tpu.memory_space<semaphore_mem>>) {add = true}
        %dma_wait3A_273 = arith.constant 0 : i32
        %dma_wait3A_274 = tpu.memref_slice %arg10[%add3A_223, %dma_wait3A_273] : memref<80x125xi32, #tpu.memory_space<vmem>> -> memref<1x125xi32, #tpu.memory_space<vmem>>
        %dma_wait3A_275 = tpu.memref_squeeze %dma_wait3A_274 : memref<1x125xi32, #tpu.memory_space<vmem>> -> memref<125xi32, #tpu.memory_space<vmem>>
        %dma_wait3A_276 = arith.constant 0 : i32
        %dma_wait3A_277 = arith.constant 0 : i32
        %dma_wait3A_278 = tpu.memref_slice %arg19[%dma_wait3A_276, %dma_wait3A_277] : memref<10112x64xf32, #tpu.memory_space<vmem_shared>> -> memref<10112x64xf32, #tpu.memory_space<vmem_shared>>
        tpu.wait_indirect_dma semaphore(%run_scoped3A : memref<!tpu.dma_semaphore, #tpu.memory_space<semaphore_mem>>) src(%arg16 : memref<125x64xf32, #tpu.memory_space<vmem>>) dst(%dma_wait3A_278 : memref<10112x64xf32, #tpu.memory_space<vmem_shared>>)
        tpu.yield
      }) : () -> ()
      %add3A_237 = arith.constant 6 : i32
      %add3A_238 = arith.addi %add3A_149, %add3A_237 : i32
      %add3A_239 = arith.constant 7 : i32
      %add3A_240 = arith.addi %add3A_238, %add3A_239 : i32
      %lt3A_241 = arith.constant 80 : i32
      %lt3A_242 = arith.cmpi slt, %add3A_240, %lt3A_241 : i32
      %convert_element_type3A_243 = arith.extui %lt3A_242 : i1 to i32
      %cond3A_244 = arith.constant 0 : i32
      %cond3A_245 = arith.cmpi ne, %convert_element_type3A_243, %cond3A_244 : i32
      scf.if %cond3A_245 {
        %add3A_267 = arith.constant 7 : i32
        %add3A_268 = arith.addi %add3A_238, %add3A_267 : i32
        %dma_start3A_269 = arith.constant 0 : i32
        %dma_start3A_270 = tpu.memref_slice %arg9[%add3A_268, %dma_start3A_269] : memref<80x125xi32, #tpu.memory_space<vmem>> -> memref<1x125xi32, #tpu.memory_space<vmem>>
        %dma_start3A_271 = tpu.memref_squeeze %dma_start3A_270 : memref<1x125xi32, #tpu.memory_space<vmem>> -> memref<125xi32, #tpu.memory_space<vmem>>
        %dma_start3A_272 = arith.constant 0 : i32
        %dma_start3A_273 = arith.constant 0 : i32
        %dma_start3A_274 = tpu.memref_slice %arg2[%dma_start3A_272, %dma_start3A_273] : memref<10112x64xf32, #tpu.memory_space<hbm>> -> memref<10112x64xf32, #tpu.memory_space<hbm>>
        tpu.enqueue_indirect_dma source(%dma_start3A_274 : memref<10112x64xf32, #tpu.memory_space<hbm>>) target(%arg16 : memref<125x64xf32, #tpu.memory_space<vmem>>) offsets(%dma_start3A_271 : memref<125xi32, #tpu.memory_space<vmem>>) semaphore(%arg26 : memref<!tpu.dma_semaphore, #tpu.memory_space<semaphore_mem>>)
      } else {
      }
      %dma_wait3A_246 = arith.constant 0 : i32
      %dma_wait3A_247 = arith.constant 0 : i32
      %dma_wait3A_248 = tpu.memref_slice %arg2[%dma_wait3A_246, %dma_wait3A_247] : memref<10112x64xf32, #tpu.memory_space<hbm>> -> memref<125x64xf32, #tpu.memory_space<hbm>>
      %dma_wait3A_249 = arith.constant 0 : i32
      %dma_wait3A_250 = arith.constant 0 : i32
      %dma_wait3A_251 = tpu.memref_slice %arg2[%dma_wait3A_249, %dma_wait3A_250] : memref<10112x64xf32, #tpu.memory_space<hbm>> -> memref<125x64xf32, #tpu.memory_space<hbm>>
      tpu.wait_dma2 semaphore(%arg27 : memref<!tpu.dma_semaphore, #tpu.memory_space<semaphore_mem>>) src(%dma_wait3A_251 : memref<125x64xf32, #tpu.memory_space<hbm>>) dst(%arg17 : memref<125x64xf32, #tpu.memory_space<vmem>>)
      "tpu.region"() ({
        %run_scoped3A = tpu.sem_alloc : memref<!tpu.dma_semaphore, #tpu.memory_space<semaphore_mem>>
        %dma_start3A_267 = arith.constant 0 : i32
        %dma_start3A_268 = tpu.memref_slice %arg10[%add3A_238, %dma_start3A_267] : memref<80x125xi32, #tpu.memory_space<vmem>> -> memref<1x125xi32, #tpu.memory_space<vmem>>
        %dma_start3A_269 = tpu.memref_squeeze %dma_start3A_268 : memref<1x125xi32, #tpu.memory_space<vmem>> -> memref<125xi32, #tpu.memory_space<vmem>>
        %dma_start3A_270 = arith.constant 0 : i32
        %dma_start3A_271 = arith.constant 0 : i32
        %dma_start3A_272 = tpu.memref_slice %arg19[%dma_start3A_270, %dma_start3A_271] : memref<10112x64xf32, #tpu.memory_space<vmem_shared>> -> memref<10112x64xf32, #tpu.memory_space<vmem_shared>>
        tpu.enqueue_indirect_dma source(%arg17 : memref<125x64xf32, #tpu.memory_space<vmem>>) target(%dma_start3A_272 : memref<10112x64xf32, #tpu.memory_space<vmem_shared>>) offsets(%dma_start3A_269 : memref<125xi32, #tpu.memory_space<vmem>>) semaphore(%run_scoped3A : memref<!tpu.dma_semaphore, #tpu.memory_space<semaphore_mem>>) {add = true}
        %dma_wait3A_273 = arith.constant 0 : i32
        %dma_wait3A_274 = tpu.memref_slice %arg10[%add3A_238, %dma_wait3A_273] : memref<80x125xi32, #tpu.memory_space<vmem>> -> memref<1x125xi32, #tpu.memory_space<vmem>>
        %dma_wait3A_275 = tpu.memref_squeeze %dma_wait3A_274 : memref<1x125xi32, #tpu.memory_space<vmem>> -> memref<125xi32, #tpu.memory_space<vmem>>
        %dma_wait3A_276 = arith.constant 0 : i32
        %dma_wait3A_277 = arith.constant 0 : i32
        %dma_wait3A_278 = tpu.memref_slice %arg19[%dma_wait3A_276, %dma_wait3A_277] : memref<10112x64xf32, #tpu.memory_space<vmem_shared>> -> memref<10112x64xf32, #tpu.memory_space<vmem_shared>>
        tpu.wait_indirect_dma semaphore(%run_scoped3A : memref<!tpu.dma_semaphore, #tpu.memory_space<semaphore_mem>>) src(%arg17 : memref<125x64xf32, #tpu.memory_space<vmem>>) dst(%dma_wait3A_278 : memref<10112x64xf32, #tpu.memory_space<vmem_shared>>)
        tpu.yield
      }) : () -> ()
      %add3A_252 = arith.constant 7 : i32
      %add3A_253 = arith.addi %add3A_149, %add3A_252 : i32
      %add3A_254 = arith.constant 7 : i32
      %add3A_255 = arith.addi %add3A_253, %add3A_254 : i32
      %lt3A_256 = arith.constant 80 : i32
      %lt3A_257 = arith.cmpi slt, %add3A_255, %lt3A_256 : i32
      %convert_element_type3A_258 = arith.extui %lt3A_257 : i1 to i32
      %cond3A_259 = arith.constant 0 : i32
      %cond3A_260 = arith.cmpi ne, %convert_element_type3A_258, %cond3A_259 : i32
      scf.if %cond3A_260 {
        %add3A_267 = arith.constant 7 : i32
        %add3A_268 = arith.addi %add3A_253, %add3A_267 : i32
        %dma_start3A_269 = arith.constant 0 : i32
        %dma_start3A_270 = tpu.memref_slice %arg9[%add3A_268, %dma_start3A_269] : memref<80x125xi32, #tpu.memory_space<vmem>> -> memref<1x125xi32, #tpu.memory_space<vmem>>
        %dma_start3A_271 = tpu.memref_squeeze %dma_start3A_270 : memref<1x125xi32, #tpu.memory_space<vmem>> -> memref<125xi32, #tpu.memory_space<vmem>>
        %dma_start3A_272 = arith.constant 0 : i32
        %dma_start3A_273 = arith.constant 0 : i32
        %dma_start3A_274 = tpu.memref_slice %arg2[%dma_start3A_272, %dma_start3A_273] : memref<10112x64xf32, #tpu.memory_space<hbm>> -> memref<10112x64xf32, #tpu.memory_space<hbm>>
        tpu.enqueue_indirect_dma source(%dma_start3A_274 : memref<10112x64xf32, #tpu.memory_space<hbm>>) target(%arg17 : memref<125x64xf32, #tpu.memory_space<vmem>>) offsets(%dma_start3A_271 : memref<125xi32, #tpu.memory_space<vmem>>) semaphore(%arg27 : memref<!tpu.dma_semaphore, #tpu.memory_space<semaphore_mem>>)
      } else {
      }
      %dma_wait3A_261 = arith.constant 0 : i32
      %dma_wait3A_262 = arith.constant 0 : i32
      %dma_wait3A_263 = tpu.memref_slice %arg2[%dma_wait3A_261, %dma_wait3A_262] : memref<10112x64xf32, #tpu.memory_space<hbm>> -> memref<125x64xf32, #tpu.memory_space<hbm>>
      %dma_wait3A_264 = arith.constant 0 : i32
      %dma_wait3A_265 = arith.constant 0 : i32
      %dma_wait3A_266 = tpu.memref_slice %arg2[%dma_wait3A_264, %dma_wait3A_265] : memref<10112x64xf32, #tpu.memory_space<hbm>> -> memref<125x64xf32, #tpu.memory_space<hbm>>
      tpu.wait_dma2 semaphore(%arg28 : memref<!tpu.dma_semaphore, #tpu.memory_space<semaphore_mem>>) src(%dma_wait3A_266 : memref<125x64xf32, #tpu.memory_space<hbm>>) dst(%arg18 : memref<125x64xf32, #tpu.memory_space<vmem>>)
      "tpu.region"() ({
        %run_scoped3A = tpu.sem_alloc : memref<!tpu.dma_semaphore, #tpu.memory_space<semaphore_mem>>
        %dma_start3A_267 = arith.constant 0 : i32
        %dma_start3A_268 = tpu.memref_slice %arg10[%add3A_253, %dma_start3A_267] : memref<80x125xi32, #tpu.memory_space<vmem>> -> memref<1x125xi32, #tpu.memory_space<vmem>>
        %dma_start3A_269 = tpu.memref_squeeze %dma_start3A_268 : memref<1x125xi32, #tpu.memory_space<vmem>> -> memref<125xi32, #tpu.memory_space<vmem>>
        %dma_start3A_270 = arith.constant 0 : i32
        %dma_start3A_271 = arith.constant 0 : i32
        %dma_start3A_272 = tpu.memref_slice %arg19[%dma_start3A_270, %dma_start3A_271] : memref<10112x64xf32, #tpu.memory_space<vmem_shared>> -> memref<10112x64xf32, #tpu.memory_space<vmem_shared>>
        tpu.enqueue_indirect_dma source(%arg18 : memref<125x64xf32, #tpu.memory_space<vmem>>) target(%dma_start3A_272 : memref<10112x64xf32, #tpu.memory_space<vmem_shared>>) offsets(%dma_start3A_269 : memref<125xi32, #tpu.memory_space<vmem>>) semaphore(%run_scoped3A : memref<!tpu.dma_semaphore, #tpu.memory_space<semaphore_mem>>) {add = true}
        %dma_wait3A_273 = arith.constant 0 : i32
        %dma_wait3A_274 = tpu.memref_slice %arg10[%add3A_253, %dma_wait3A_273] : memref<80x125xi32, #tpu.memory_space<vmem>> -> memref<1x125xi32, #tpu.memory_space<vmem>>
        %dma_wait3A_275 = tpu.memref_squeeze %dma_wait3A_274 : memref<1x125xi32, #tpu.memory_space<vmem>> -> memref<125xi32, #tpu.memory_space<vmem>>
        %dma_wait3A_276 = arith.constant 0 : i32
        %dma_wait3A_277 = arith.constant 0 : i32
        %dma_wait3A_278 = tpu.memref_slice %arg19[%dma_wait3A_276, %dma_wait3A_277] : memref<10112x64xf32, #tpu.memory_space<vmem_shared>> -> memref<10112x64xf32, #tpu.memory_space<vmem_shared>>
        tpu.wait_indirect_dma semaphore(%run_scoped3A : memref<!tpu.dma_semaphore, #tpu.memory_space<semaphore_mem>>) src(%arg18 : memref<125x64xf32, #tpu.memory_space<vmem>>) dst(%dma_wait3A_278 : memref<10112x64xf32, #tpu.memory_space<vmem_shared>>)
        tpu.yield
      }) : () -> ()
    }
    %scan3A_85 = arith.constant 10 : i32
    %barrier3A_86 = arith.constant 0 : index
    tpu.barrier barrier_id(%barrier3A_86)
    "tpu.region"() ({
      %run_scoped3A = tpu.sem_alloc : memref<!tpu.dma_semaphore, #tpu.memory_space<semaphore_mem>>
      %dma_start3A_145 = arith.constant 0 : i32
      %dma_start3A_146 = tpu.memref_slice %arg7[%arg0, %multiple_of3A, %dma_start3A_145] : memref<2x10112x64xf32, #tpu.memory_space<hbm>> -> memref<1x632x64xf32, #tpu.memory_space<hbm>>
      %dma_start3A_147 = tpu.memref_squeeze %dma_start3A_146 : memref<1x632x64xf32, #tpu.memory_space<hbm>> -> memref<632x64xf32, #tpu.memory_space<hbm>>
      %dma_start3A_148 = arith.constant 0 : i32
      %dma_start3A_149 = tpu.memref_slice %arg19[%multiple_of3A, %dma_start3A_148] : memref<10112x64xf32, #tpu.memory_space<vmem_shared>> -> memref<632x64xf32, #tpu.memory_space<vmem_shared>>
      tpu.enqueue_dma source(%dma_start3A_149 : memref<632x64xf32, #tpu.memory_space<vmem_shared>>) target(%dma_start3A_147 : memref<632x64xf32, #tpu.memory_space<hbm>>) target_semaphore(%run_scoped3A : memref<!tpu.dma_semaphore, #tpu.memory_space<semaphore_mem>>)
      %dma_wait3A_150 = arith.constant 0 : i32
      %dma_wait3A_151 = tpu.memref_slice %arg7[%arg0, %multiple_of3A, %dma_wait3A_150] : memref<2x10112x64xf32, #tpu.memory_space<hbm>> -> memref<1x632x64xf32, #tpu.memory_space<hbm>>
      %dma_wait3A_152 = tpu.memref_squeeze %dma_wait3A_151 : memref<1x632x64xf32, #tpu.memory_space<hbm>> -> memref<632x64xf32, #tpu.memory_space<hbm>>
      %dma_wait3A_153 = arith.constant 0 : i32
      %dma_wait3A_154 = tpu.memref_slice %arg19[%multiple_of3A, %dma_wait3A_153] : memref<10112x64xf32, #tpu.memory_space<vmem_shared>> -> memref<632x64xf32, #tpu.memory_space<vmem_shared>>
      tpu.wait_dma2 semaphore(%run_scoped3A : memref<!tpu.dma_semaphore, #tpu.memory_space<semaphore_mem>>) src(%dma_wait3A_154 : memref<632x64xf32, #tpu.memory_space<vmem_shared>>) dst(%dma_wait3A_152 : memref<632x64xf32, #tpu.memory_space<hbm>>)
      tpu.yield
    }) : () -> ()
    %barrier3A_87 = arith.constant 0 : index
    tpu.barrier barrier_id(%barrier3A_87)
    "tpu.region"() ({
      %run_scoped3A = tpu.sem_alloc : memref<!tpu.dma_semaphore, #tpu.memory_space<semaphore_mem>>
      %dma_start3A_145 = arith.constant 0 : i32
      %dma_start3A_146 = tpu.memref_slice %arg19[%multiple_of3A, %dma_start3A_145] : memref<10112x64xf32, #tpu.memory_space<vmem_shared>> -> memref<632x64xf32, #tpu.memory_space<vmem_shared>>
      %dma_start3A_147 = arith.constant 0 : i32
      %dma_start3A_148 = tpu.memref_slice %arg6[%multiple_of3A, %dma_start3A_147] : memref<10112x64xf32, #tpu.memory_space<hbm>> -> memref<632x64xf32, #tpu.memory_space<hbm>>
      tpu.enqueue_dma source(%dma_start3A_148 : memref<632x64xf32, #tpu.memory_space<hbm>>) target(%dma_start3A_146 : memref<632x64xf32, #tpu.memory_space<vmem_shared>>) target_semaphore(%run_scoped3A : memref<!tpu.dma_semaphore, #tpu.memory_space<semaphore_mem>>)
      %dma_wait3A_149 = arith.constant 0 : i32
      %dma_wait3A_150 = tpu.memref_slice %arg19[%multiple_of3A, %dma_wait3A_149] : memref<10112x64xf32, #tpu.memory_space<vmem_shared>> -> memref<632x64xf32, #tpu.memory_space<vmem_shared>>
      %dma_wait3A_151 = arith.constant 0 : i32
      %dma_wait3A_152 = tpu.memref_slice %arg6[%multiple_of3A, %dma_wait3A_151] : memref<10112x64xf32, #tpu.memory_space<hbm>> -> memref<632x64xf32, #tpu.memory_space<hbm>>
      tpu.wait_dma2 semaphore(%run_scoped3A : memref<!tpu.dma_semaphore, #tpu.memory_space<semaphore_mem>>) src(%dma_wait3A_152 : memref<632x64xf32, #tpu.memory_space<hbm>>) dst(%dma_wait3A_150 : memref<632x64xf32, #tpu.memory_space<vmem_shared>>)
      tpu.yield
    }) : () -> ()
    %barrier3A_88 = arith.constant 0 : index
    tpu.barrier barrier_id(%barrier3A_88)
    %dma_start3A_89 = arith.constant 0 : i32
    %dma_start3A_90 = arith.constant 0 : i32
    %dma_start3A_91 = tpu.memref_slice %arg9[%dma_start3A_89, %dma_start3A_90] : memref<80x125xi32, #tpu.memory_space<vmem>> -> memref<1x125xi32, #tpu.memory_space<vmem>>
    %dma_start3A_92 = tpu.memref_squeeze %dma_start3A_91 : memref<1x125xi32, #tpu.memory_space<vmem>> -> memref<125xi32, #tpu.memory_space<vmem>>
    %dma_start3A_93 = arith.constant 0 : i32
    %dma_start3A_94 = arith.constant 0 : i32
    %dma_start3A_95 = tpu.memref_slice %arg3[%dma_start3A_93, %dma_start3A_94] : memref<10112x64xf32, #tpu.memory_space<hbm>> -> memref<10112x64xf32, #tpu.memory_space<hbm>>
    tpu.enqueue_indirect_dma source(%dma_start3A_95 : memref<10112x64xf32, #tpu.memory_space<hbm>>) target(%arg11 : memref<125x64xf32, #tpu.memory_space<vmem>>) offsets(%dma_start3A_92 : memref<125xi32, #tpu.memory_space<vmem>>) semaphore(%arg21 : memref<!tpu.dma_semaphore, #tpu.memory_space<semaphore_mem>>)
    %dma_start3A_96 = arith.constant 1 : i32
    %dma_start3A_97 = arith.constant 0 : i32
    %dma_start3A_98 = tpu.memref_slice %arg9[%dma_start3A_96, %dma_start3A_97] : memref<80x125xi32, #tpu.memory_space<vmem>> -> memref<1x125xi32, #tpu.memory_space<vmem>>
    %dma_start3A_99 = tpu.memref_squeeze %dma_start3A_98 : memref<1x125xi32, #tpu.memory_space<vmem>> -> memref<125xi32, #tpu.memory_space<vmem>>
    %dma_start3A_100 = arith.constant 0 : i32
    %dma_start3A_101 = arith.constant 0 : i32
    %dma_start3A_102 = tpu.memref_slice %arg3[%dma_start3A_100, %dma_start3A_101] : memref<10112x64xf32, #tpu.memory_space<hbm>> -> memref<10112x64xf32, #tpu.memory_space<hbm>>
    tpu.enqueue_indirect_dma source(%dma_start3A_102 : memref<10112x64xf32, #tpu.memory_space<hbm>>) target(%arg12 : memref<125x64xf32, #tpu.memory_space<vmem>>) offsets(%dma_start3A_99 : memref<125xi32, #tpu.memory_space<vmem>>) semaphore(%arg22 : memref<!tpu.dma_semaphore, #tpu.memory_space<semaphore_mem>>)
    %dma_start3A_103 = arith.constant 2 : i32
    %dma_start3A_104 = arith.constant 0 : i32
    %dma_start3A_105 = tpu.memref_slice %arg9[%dma_start3A_103, %dma_start3A_104] : memref<80x125xi32, #tpu.memory_space<vmem>> -> memref<1x125xi32, #tpu.memory_space<vmem>>
    %dma_start3A_106 = tpu.memref_squeeze %dma_start3A_105 : memref<1x125xi32, #tpu.memory_space<vmem>> -> memref<125xi32, #tpu.memory_space<vmem>>
    %dma_start3A_107 = arith.constant 0 : i32
    %dma_start3A_108 = arith.constant 0 : i32
    %dma_start3A_109 = tpu.memref_slice %arg3[%dma_start3A_107, %dma_start3A_108] : memref<10112x64xf32, #tpu.memory_space<hbm>> -> memref<10112x64xf32, #tpu.memory_space<hbm>>
    tpu.enqueue_indirect_dma source(%dma_start3A_109 : memref<10112x64xf32, #tpu.memory_space<hbm>>) target(%arg13 : memref<125x64xf32, #tpu.memory_space<vmem>>) offsets(%dma_start3A_106 : memref<125xi32, #tpu.memory_space<vmem>>) semaphore(%arg23 : memref<!tpu.dma_semaphore, #tpu.memory_space<semaphore_mem>>)
    %dma_start3A_110 = arith.constant 3 : i32
    %dma_start3A_111 = arith.constant 0 : i32
    %dma_start3A_112 = tpu.memref_slice %arg9[%dma_start3A_110, %dma_start3A_111] : memref<80x125xi32, #tpu.memory_space<vmem>> -> memref<1x125xi32, #tpu.memory_space<vmem>>
    %dma_start3A_113 = tpu.memref_squeeze %dma_start3A_112 : memref<1x125xi32, #tpu.memory_space<vmem>> -> memref<125xi32, #tpu.memory_space<vmem>>
    %dma_start3A_114 = arith.constant 0 : i32
    %dma_start3A_115 = arith.constant 0 : i32
    %dma_start3A_116 = tpu.memref_slice %arg3[%dma_start3A_114, %dma_start3A_115] : memref<10112x64xf32, #tpu.memory_space<hbm>> -> memref<10112x64xf32, #tpu.memory_space<hbm>>
    tpu.enqueue_indirect_dma source(%dma_start3A_116 : memref<10112x64xf32, #tpu.memory_space<hbm>>) target(%arg14 : memref<125x64xf32, #tpu.memory_space<vmem>>) offsets(%dma_start3A_113 : memref<125xi32, #tpu.memory_space<vmem>>) semaphore(%arg24 : memref<!tpu.dma_semaphore, #tpu.memory_space<semaphore_mem>>)
    %dma_start3A_117 = arith.constant 4 : i32
    %dma_start3A_118 = arith.constant 0 : i32
    %dma_start3A_119 = tpu.memref_slice %arg9[%dma_start3A_117, %dma_start3A_118] : memref<80x125xi32, #tpu.memory_space<vmem>> -> memref<1x125xi32, #tpu.memory_space<vmem>>
    %dma_start3A_120 = tpu.memref_squeeze %dma_start3A_119 : memref<1x125xi32, #tpu.memory_space<vmem>> -> memref<125xi32, #tpu.memory_space<vmem>>
    %dma_start3A_121 = arith.constant 0 : i32
    %dma_start3A_122 = arith.constant 0 : i32
    %dma_start3A_123 = tpu.memref_slice %arg3[%dma_start3A_121, %dma_start3A_122] : memref<10112x64xf32, #tpu.memory_space<hbm>> -> memref<10112x64xf32, #tpu.memory_space<hbm>>
    tpu.enqueue_indirect_dma source(%dma_start3A_123 : memref<10112x64xf32, #tpu.memory_space<hbm>>) target(%arg15 : memref<125x64xf32, #tpu.memory_space<vmem>>) offsets(%dma_start3A_120 : memref<125xi32, #tpu.memory_space<vmem>>) semaphore(%arg25 : memref<!tpu.dma_semaphore, #tpu.memory_space<semaphore_mem>>)
    %dma_start3A_124 = arith.constant 5 : i32
    %dma_start3A_125 = arith.constant 0 : i32
    %dma_start3A_126 = tpu.memref_slice %arg9[%dma_start3A_124, %dma_start3A_125] : memref<80x125xi32, #tpu.memory_space<vmem>> -> memref<1x125xi32, #tpu.memory_space<vmem>>
    %dma_start3A_127 = tpu.memref_squeeze %dma_start3A_126 : memref<1x125xi32, #tpu.memory_space<vmem>> -> memref<125xi32, #tpu.memory_space<vmem>>
    %dma_start3A_128 = arith.constant 0 : i32
    %dma_start3A_129 = arith.constant 0 : i32
    %dma_start3A_130 = tpu.memref_slice %arg3[%dma_start3A_128, %dma_start3A_129] : memref<10112x64xf32, #tpu.memory_space<hbm>> -> memref<10112x64xf32, #tpu.memory_space<hbm>>
    tpu.enqueue_indirect_dma source(%dma_start3A_130 : memref<10112x64xf32, #tpu.memory_space<hbm>>) target(%arg16 : memref<125x64xf32, #tpu.memory_space<vmem>>) offsets(%dma_start3A_127 : memref<125xi32, #tpu.memory_space<vmem>>) semaphore(%arg26 : memref<!tpu.dma_semaphore, #tpu.memory_space<semaphore_mem>>)
    %dma_start3A_131 = arith.constant 6 : i32
    %dma_start3A_132 = arith.constant 0 : i32
    %dma_start3A_133 = tpu.memref_slice %arg9[%dma_start3A_131, %dma_start3A_132] : memref<80x125xi32, #tpu.memory_space<vmem>> -> memref<1x125xi32, #tpu.memory_space<vmem>>
    %dma_start3A_134 = tpu.memref_squeeze %dma_start3A_133 : memref<1x125xi32, #tpu.memory_space<vmem>> -> memref<125xi32, #tpu.memory_space<vmem>>
    %dma_start3A_135 = arith.constant 0 : i32
    %dma_start3A_136 = arith.constant 0 : i32
    %dma_start3A_137 = tpu.memref_slice %arg3[%dma_start3A_135, %dma_start3A_136] : memref<10112x64xf32, #tpu.memory_space<hbm>> -> memref<10112x64xf32, #tpu.memory_space<hbm>>
    tpu.enqueue_indirect_dma source(%dma_start3A_137 : memref<10112x64xf32, #tpu.memory_space<hbm>>) target(%arg17 : memref<125x64xf32, #tpu.memory_space<vmem>>) offsets(%dma_start3A_134 : memref<125xi32, #tpu.memory_space<vmem>>) semaphore(%arg27 : memref<!tpu.dma_semaphore, #tpu.memory_space<semaphore_mem>>)
    %scan3A_138 = arith.constant 0 : i32
    %scan3A_139 = arith.constant 10 : i32
    %scan3A_140 = arith.addi %scan3A_138, %scan3A_139 : i32
    %scan3A_141 = arith.constant 1 : i32
    scf.for %scan3A_145 = %scan3A_138 to %scan3A_140 step %scan3A_141  : i32 {
      %mul3A_146 = arith.constant 8 : i32
      %mul3A_147 = arith.muli %scan3A_145, %mul3A_146 : i32
      %add3A_148 = arith.constant 0 : i32
      %add3A_149 = arith.addi %add3A_148, %mul3A_147 : i32
      %add3A_150 = arith.constant 0 : i32
      %add3A_151 = arith.addi %add3A_149, %add3A_150 : i32
      %add3A_152 = arith.constant 7 : i32
      %add3A_153 = arith.addi %add3A_151, %add3A_152 : i32
      %lt3A = arith.constant 80 : i32
      %lt3A_154 = arith.cmpi slt, %add3A_153, %lt3A : i32
      %convert_element_type3A = arith.extui %lt3A_154 : i1 to i32
      %cond3A = arith.constant 0 : i32
      %cond3A_155 = arith.cmpi ne, %convert_element_type3A, %cond3A : i32
      scf.if %cond3A_155 {
        %add3A_267 = arith.constant 7 : i32
        %add3A_268 = arith.addi %add3A_151, %add3A_267 : i32
        %dma_start3A_269 = arith.constant 0 : i32
        %dma_start3A_270 = tpu.memref_slice %arg9[%add3A_268, %dma_start3A_269] : memref<80x125xi32, #tpu.memory_space<vmem>> -> memref<1x125xi32, #tpu.memory_space<vmem>>
        %dma_start3A_271 = tpu.memref_squeeze %dma_start3A_270 : memref<1x125xi32, #tpu.memory_space<vmem>> -> memref<125xi32, #tpu.memory_space<vmem>>
        %dma_start3A_272 = arith.constant 0 : i32
        %dma_start3A_273 = arith.constant 0 : i32
        %dma_start3A_274 = tpu.memref_slice %arg3[%dma_start3A_272, %dma_start3A_273] : memref<10112x64xf32, #tpu.memory_space<hbm>> -> memref<10112x64xf32, #tpu.memory_space<hbm>>
        tpu.enqueue_indirect_dma source(%dma_start3A_274 : memref<10112x64xf32, #tpu.memory_space<hbm>>) target(%arg18 : memref<125x64xf32, #tpu.memory_space<vmem>>) offsets(%dma_start3A_271 : memref<125xi32, #tpu.memory_space<vmem>>) semaphore(%arg28 : memref<!tpu.dma_semaphore, #tpu.memory_space<semaphore_mem>>)
      } else {
      }
      %dma_wait3A_156 = arith.constant 0 : i32
      %dma_wait3A_157 = arith.constant 0 : i32
      %dma_wait3A_158 = tpu.memref_slice %arg2[%dma_wait3A_156, %dma_wait3A_157] : memref<10112x64xf32, #tpu.memory_space<hbm>> -> memref<125x64xf32, #tpu.memory_space<hbm>>
      %dma_wait3A_159 = arith.constant 0 : i32
      %dma_wait3A_160 = arith.constant 0 : i32
      %dma_wait3A_161 = tpu.memref_slice %arg2[%dma_wait3A_159, %dma_wait3A_160] : memref<10112x64xf32, #tpu.memory_space<hbm>> -> memref<125x64xf32, #tpu.memory_space<hbm>>
      tpu.wait_dma2 semaphore(%arg21 : memref<!tpu.dma_semaphore, #tpu.memory_space<semaphore_mem>>) src(%dma_wait3A_161 : memref<125x64xf32, #tpu.memory_space<hbm>>) dst(%arg11 : memref<125x64xf32, #tpu.memory_space<vmem>>)
      "tpu.region"() ({
        %run_scoped3A = tpu.sem_alloc : memref<!tpu.dma_semaphore, #tpu.memory_space<semaphore_mem>>
        %dma_start3A_267 = arith.constant 0 : i32
        %dma_start3A_268 = tpu.memref_slice %arg10[%add3A_151, %dma_start3A_267] : memref<80x125xi32, #tpu.memory_space<vmem>> -> memref<1x125xi32, #tpu.memory_space<vmem>>
        %dma_start3A_269 = tpu.memref_squeeze %dma_start3A_268 : memref<1x125xi32, #tpu.memory_space<vmem>> -> memref<125xi32, #tpu.memory_space<vmem>>
        %dma_start3A_270 = arith.constant 0 : i32
        %dma_start3A_271 = arith.constant 0 : i32
        %dma_start3A_272 = tpu.memref_slice %arg19[%dma_start3A_270, %dma_start3A_271] : memref<10112x64xf32, #tpu.memory_space<vmem_shared>> -> memref<10112x64xf32, #tpu.memory_space<vmem_shared>>
        tpu.enqueue_indirect_dma source(%arg11 : memref<125x64xf32, #tpu.memory_space<vmem>>) target(%dma_start3A_272 : memref<10112x64xf32, #tpu.memory_space<vmem_shared>>) offsets(%dma_start3A_269 : memref<125xi32, #tpu.memory_space<vmem>>) semaphore(%run_scoped3A : memref<!tpu.dma_semaphore, #tpu.memory_space<semaphore_mem>>) {add = true}
        %dma_wait3A_273 = arith.constant 0 : i32
        %dma_wait3A_274 = tpu.memref_slice %arg10[%add3A_151, %dma_wait3A_273] : memref<80x125xi32, #tpu.memory_space<vmem>> -> memref<1x125xi32, #tpu.memory_space<vmem>>
        %dma_wait3A_275 = tpu.memref_squeeze %dma_wait3A_274 : memref<1x125xi32, #tpu.memory_space<vmem>> -> memref<125xi32, #tpu.memory_space<vmem>>
        %dma_wait3A_276 = arith.constant 0 : i32
        %dma_wait3A_277 = arith.constant 0 : i32
        %dma_wait3A_278 = tpu.memref_slice %arg19[%dma_wait3A_276, %dma_wait3A_277] : memref<10112x64xf32, #tpu.memory_space<vmem_shared>> -> memref<10112x64xf32, #tpu.memory_space<vmem_shared>>
        tpu.wait_indirect_dma semaphore(%run_scoped3A : memref<!tpu.dma_semaphore, #tpu.memory_space<semaphore_mem>>) src(%arg11 : memref<125x64xf32, #tpu.memory_space<vmem>>) dst(%dma_wait3A_278 : memref<10112x64xf32, #tpu.memory_space<vmem_shared>>)
        tpu.yield
      }) : () -> ()
      %add3A_162 = arith.constant 1 : i32
      %add3A_163 = arith.addi %add3A_149, %add3A_162 : i32
      %add3A_164 = arith.constant 7 : i32
      %add3A_165 = arith.addi %add3A_163, %add3A_164 : i32
      %lt3A_166 = arith.constant 80 : i32
      %lt3A_167 = arith.cmpi slt, %add3A_165, %lt3A_166 : i32
      %convert_element_type3A_168 = arith.extui %lt3A_167 : i1 to i32
      %cond3A_169 = arith.constant 0 : i32
      %cond3A_170 = arith.cmpi ne, %convert_element_type3A_168, %cond3A_169 : i32
      scf.if %cond3A_170 {
        %add3A_267 = arith.constant 7 : i32
        %add3A_268 = arith.addi %add3A_163, %add3A_267 : i32
        %dma_start3A_269 = arith.constant 0 : i32
        %dma_start3A_270 = tpu.memref_slice %arg9[%add3A_268, %dma_start3A_269] : memref<80x125xi32, #tpu.memory_space<vmem>> -> memref<1x125xi32, #tpu.memory_space<vmem>>
        %dma_start3A_271 = tpu.memref_squeeze %dma_start3A_270 : memref<1x125xi32, #tpu.memory_space<vmem>> -> memref<125xi32, #tpu.memory_space<vmem>>
        %dma_start3A_272 = arith.constant 0 : i32
        %dma_start3A_273 = arith.constant 0 : i32
        %dma_start3A_274 = tpu.memref_slice %arg3[%dma_start3A_272, %dma_start3A_273] : memref<10112x64xf32, #tpu.memory_space<hbm>> -> memref<10112x64xf32, #tpu.memory_space<hbm>>
        tpu.enqueue_indirect_dma source(%dma_start3A_274 : memref<10112x64xf32, #tpu.memory_space<hbm>>) target(%arg11 : memref<125x64xf32, #tpu.memory_space<vmem>>) offsets(%dma_start3A_271 : memref<125xi32, #tpu.memory_space<vmem>>) semaphore(%arg21 : memref<!tpu.dma_semaphore, #tpu.memory_space<semaphore_mem>>)
      } else {
      }
      %dma_wait3A_171 = arith.constant 0 : i32
      %dma_wait3A_172 = arith.constant 0 : i32
      %dma_wait3A_173 = tpu.memref_slice %arg2[%dma_wait3A_171, %dma_wait3A_172] : memref<10112x64xf32, #tpu.memory_space<hbm>> -> memref<125x64xf32, #tpu.memory_space<hbm>>
      %dma_wait3A_174 = arith.constant 0 : i32
      %dma_wait3A_175 = arith.constant 0 : i32
      %dma_wait3A_176 = tpu.memref_slice %arg2[%dma_wait3A_174, %dma_wait3A_175] : memref<10112x64xf32, #tpu.memory_space<hbm>> -> memref<125x64xf32, #tpu.memory_space<hbm>>
      tpu.wait_dma2 semaphore(%arg22 : memref<!tpu.dma_semaphore, #tpu.memory_space<semaphore_mem>>) src(%dma_wait3A_176 : memref<125x64xf32, #tpu.memory_space<hbm>>) dst(%arg12 : memref<125x64xf32, #tpu.memory_space<vmem>>)
      "tpu.region"() ({
        %run_scoped3A = tpu.sem_alloc : memref<!tpu.dma_semaphore, #tpu.memory_space<semaphore_mem>>
        %dma_start3A_267 = arith.constant 0 : i32
        %dma_start3A_268 = tpu.memref_slice %arg10[%add3A_163, %dma_start3A_267] : memref<80x125xi32, #tpu.memory_space<vmem>> -> memref<1x125xi32, #tpu.memory_space<vmem>>
        %dma_start3A_269 = tpu.memref_squeeze %dma_start3A_268 : memref<1x125xi32, #tpu.memory_space<vmem>> -> memref<125xi32, #tpu.memory_space<vmem>>
        %dma_start3A_270 = arith.constant 0 : i32
        %dma_start3A_271 = arith.constant 0 : i32
        %dma_start3A_272 = tpu.memref_slice %arg19[%dma_start3A_270, %dma_start3A_271] : memref<10112x64xf32, #tpu.memory_space<vmem_shared>> -> memref<10112x64xf32, #tpu.memory_space<vmem_shared>>
        tpu.enqueue_indirect_dma source(%arg12 : memref<125x64xf32, #tpu.memory_space<vmem>>) target(%dma_start3A_272 : memref<10112x64xf32, #tpu.memory_space<vmem_shared>>) offsets(%dma_start3A_269 : memref<125xi32, #tpu.memory_space<vmem>>) semaphore(%run_scoped3A : memref<!tpu.dma_semaphore, #tpu.memory_space<semaphore_mem>>) {add = true}
        %dma_wait3A_273 = arith.constant 0 : i32
        %dma_wait3A_274 = tpu.memref_slice %arg10[%add3A_163, %dma_wait3A_273] : memref<80x125xi32, #tpu.memory_space<vmem>> -> memref<1x125xi32, #tpu.memory_space<vmem>>
        %dma_wait3A_275 = tpu.memref_squeeze %dma_wait3A_274 : memref<1x125xi32, #tpu.memory_space<vmem>> -> memref<125xi32, #tpu.memory_space<vmem>>
        %dma_wait3A_276 = arith.constant 0 : i32
        %dma_wait3A_277 = arith.constant 0 : i32
        %dma_wait3A_278 = tpu.memref_slice %arg19[%dma_wait3A_276, %dma_wait3A_277] : memref<10112x64xf32, #tpu.memory_space<vmem_shared>> -> memref<10112x64xf32, #tpu.memory_space<vmem_shared>>
        tpu.wait_indirect_dma semaphore(%run_scoped3A : memref<!tpu.dma_semaphore, #tpu.memory_space<semaphore_mem>>) src(%arg12 : memref<125x64xf32, #tpu.memory_space<vmem>>) dst(%dma_wait3A_278 : memref<10112x64xf32, #tpu.memory_space<vmem_shared>>)
        tpu.yield
      }) : () -> ()
      %add3A_177 = arith.constant 2 : i32
      %add3A_178 = arith.addi %add3A_149, %add3A_177 : i32
      %add3A_179 = arith.constant 7 : i32
      %add3A_180 = arith.addi %add3A_178, %add3A_179 : i32
      %lt3A_181 = arith.constant 80 : i32
      %lt3A_182 = arith.cmpi slt, %add3A_180, %lt3A_181 : i32
      %convert_element_type3A_183 = arith.extui %lt3A_182 : i1 to i32
      %cond3A_184 = arith.constant 0 : i32
      %cond3A_185 = arith.cmpi ne, %convert_element_type3A_183, %cond3A_184 : i32
      scf.if %cond3A_185 {
        %add3A_267 = arith.constant 7 : i32
        %add3A_268 = arith.addi %add3A_178, %add3A_267 : i32
        %dma_start3A_269 = arith.constant 0 : i32
        %dma_start3A_270 = tpu.memref_slice %arg9[%add3A_268, %dma_start3A_269] : memref<80x125xi32, #tpu.memory_space<vmem>> -> memref<1x125xi32, #tpu.memory_space<vmem>>
        %dma_start3A_271 = tpu.memref_squeeze %dma_start3A_270 : memref<1x125xi32, #tpu.memory_space<vmem>> -> memref<125xi32, #tpu.memory_space<vmem>>
        %dma_start3A_272 = arith.constant 0 : i32
        %dma_start3A_273 = arith.constant 0 : i32
        %dma_start3A_274 = tpu.memref_slice %arg3[%dma_start3A_272, %dma_start3A_273] : memref<10112x64xf32, #tpu.memory_space<hbm>> -> memref<10112x64xf32, #tpu.memory_space<hbm>>
        tpu.enqueue_indirect_dma source(%dma_start3A_274 : memref<10112x64xf32, #tpu.memory_space<hbm>>) target(%arg12 : memref<125x64xf32, #tpu.memory_space<vmem>>) offsets(%dma_start3A_271 : memref<125xi32, #tpu.memory_space<vmem>>) semaphore(%arg22 : memref<!tpu.dma_semaphore, #tpu.memory_space<semaphore_mem>>)
      } else {
      }
      %dma_wait3A_186 = arith.constant 0 : i32
      %dma_wait3A_187 = arith.constant 0 : i32
      %dma_wait3A_188 = tpu.memref_slice %arg2[%dma_wait3A_186, %dma_wait3A_187] : memref<10112x64xf32, #tpu.memory_space<hbm>> -> memref<125x64xf32, #tpu.memory_space<hbm>>
      %dma_wait3A_189 = arith.constant 0 : i32
      %dma_wait3A_190 = arith.constant 0 : i32
      %dma_wait3A_191 = tpu.memref_slice %arg2[%dma_wait3A_189, %dma_wait3A_190] : memref<10112x64xf32, #tpu.memory_space<hbm>> -> memref<125x64xf32, #tpu.memory_space<hbm>>
      tpu.wait_dma2 semaphore(%arg23 : memref<!tpu.dma_semaphore, #tpu.memory_space<semaphore_mem>>) src(%dma_wait3A_191 : memref<125x64xf32, #tpu.memory_space<hbm>>) dst(%arg13 : memref<125x64xf32, #tpu.memory_space<vmem>>)
      "tpu.region"() ({
        %run_scoped3A = tpu.sem_alloc : memref<!tpu.dma_semaphore, #tpu.memory_space<semaphore_mem>>
        %dma_start3A_267 = arith.constant 0 : i32
        %dma_start3A_268 = tpu.memref_slice %arg10[%add3A_178, %dma_start3A_267] : memref<80x125xi32, #tpu.memory_space<vmem>> -> memref<1x125xi32, #tpu.memory_space<vmem>>
        %dma_start3A_269 = tpu.memref_squeeze %dma_start3A_268 : memref<1x125xi32, #tpu.memory_space<vmem>> -> memref<125xi32, #tpu.memory_space<vmem>>
        %dma_start3A_270 = arith.constant 0 : i32
        %dma_start3A_271 = arith.constant 0 : i32
        %dma_start3A_272 = tpu.memref_slice %arg19[%dma_start3A_270, %dma_start3A_271] : memref<10112x64xf32, #tpu.memory_space<vmem_shared>> -> memref<10112x64xf32, #tpu.memory_space<vmem_shared>>
        tpu.enqueue_indirect_dma source(%arg13 : memref<125x64xf32, #tpu.memory_space<vmem>>) target(%dma_start3A_272 : memref<10112x64xf32, #tpu.memory_space<vmem_shared>>) offsets(%dma_start3A_269 : memref<125xi32, #tpu.memory_space<vmem>>) semaphore(%run_scoped3A : memref<!tpu.dma_semaphore, #tpu.memory_space<semaphore_mem>>) {add = true}
        %dma_wait3A_273 = arith.constant 0 : i32
        %dma_wait3A_274 = tpu.memref_slice %arg10[%add3A_178, %dma_wait3A_273] : memref<80x125xi32, #tpu.memory_space<vmem>> -> memref<1x125xi32, #tpu.memory_space<vmem>>
        %dma_wait3A_275 = tpu.memref_squeeze %dma_wait3A_274 : memref<1x125xi32, #tpu.memory_space<vmem>> -> memref<125xi32, #tpu.memory_space<vmem>>
        %dma_wait3A_276 = arith.constant 0 : i32
        %dma_wait3A_277 = arith.constant 0 : i32
        %dma_wait3A_278 = tpu.memref_slice %arg19[%dma_wait3A_276, %dma_wait3A_277] : memref<10112x64xf32, #tpu.memory_space<vmem_shared>> -> memref<10112x64xf32, #tpu.memory_space<vmem_shared>>
        tpu.wait_indirect_dma semaphore(%run_scoped3A : memref<!tpu.dma_semaphore, #tpu.memory_space<semaphore_mem>>) src(%arg13 : memref<125x64xf32, #tpu.memory_space<vmem>>) dst(%dma_wait3A_278 : memref<10112x64xf32, #tpu.memory_space<vmem_shared>>)
        tpu.yield
      }) : () -> ()
      %add3A_192 = arith.constant 3 : i32
      %add3A_193 = arith.addi %add3A_149, %add3A_192 : i32
      %add3A_194 = arith.constant 7 : i32
      %add3A_195 = arith.addi %add3A_193, %add3A_194 : i32
      %lt3A_196 = arith.constant 80 : i32
      %lt3A_197 = arith.cmpi slt, %add3A_195, %lt3A_196 : i32
      %convert_element_type3A_198 = arith.extui %lt3A_197 : i1 to i32
      %cond3A_199 = arith.constant 0 : i32
      %cond3A_200 = arith.cmpi ne, %convert_element_type3A_198, %cond3A_199 : i32
      scf.if %cond3A_200 {
        %add3A_267 = arith.constant 7 : i32
        %add3A_268 = arith.addi %add3A_193, %add3A_267 : i32
        %dma_start3A_269 = arith.constant 0 : i32
        %dma_start3A_270 = tpu.memref_slice %arg9[%add3A_268, %dma_start3A_269] : memref<80x125xi32, #tpu.memory_space<vmem>> -> memref<1x125xi32, #tpu.memory_space<vmem>>
        %dma_start3A_271 = tpu.memref_squeeze %dma_start3A_270 : memref<1x125xi32, #tpu.memory_space<vmem>> -> memref<125xi32, #tpu.memory_space<vmem>>
        %dma_start3A_272 = arith.constant 0 : i32
        %dma_start3A_273 = arith.constant 0 : i32
        %dma_start3A_274 = tpu.memref_slice %arg3[%dma_start3A_272, %dma_start3A_273] : memref<10112x64xf32, #tpu.memory_space<hbm>> -> memref<10112x64xf32, #tpu.memory_space<hbm>>
        tpu.enqueue_indirect_dma source(%dma_start3A_274 : memref<10112x64xf32, #tpu.memory_space<hbm>>) target(%arg13 : memref<125x64xf32, #tpu.memory_space<vmem>>) offsets(%dma_start3A_271 : memref<125xi32, #tpu.memory_space<vmem>>) semaphore(%arg23 : memref<!tpu.dma_semaphore, #tpu.memory_space<semaphore_mem>>)
      } else {
      }
      %dma_wait3A_201 = arith.constant 0 : i32
      %dma_wait3A_202 = arith.constant 0 : i32
      %dma_wait3A_203 = tpu.memref_slice %arg2[%dma_wait3A_201, %dma_wait3A_202] : memref<10112x64xf32, #tpu.memory_space<hbm>> -> memref<125x64xf32, #tpu.memory_space<hbm>>
      %dma_wait3A_204 = arith.constant 0 : i32
      %dma_wait3A_205 = arith.constant 0 : i32
      %dma_wait3A_206 = tpu.memref_slice %arg2[%dma_wait3A_204, %dma_wait3A_205] : memref<10112x64xf32, #tpu.memory_space<hbm>> -> memref<125x64xf32, #tpu.memory_space<hbm>>
      tpu.wait_dma2 semaphore(%arg24 : memref<!tpu.dma_semaphore, #tpu.memory_space<semaphore_mem>>) src(%dma_wait3A_206 : memref<125x64xf32, #tpu.memory_space<hbm>>) dst(%arg14 : memref<125x64xf32, #tpu.memory_space<vmem>>)
      "tpu.region"() ({
        %run_scoped3A = tpu.sem_alloc : memref<!tpu.dma_semaphore, #tpu.memory_space<semaphore_mem>>
        %dma_start3A_267 = arith.constant 0 : i32
        %dma_start3A_268 = tpu.memref_slice %arg10[%add3A_193, %dma_start3A_267] : memref<80x125xi32, #tpu.memory_space<vmem>> -> memref<1x125xi32, #tpu.memory_space<vmem>>
        %dma_start3A_269 = tpu.memref_squeeze %dma_start3A_268 : memref<1x125xi32, #tpu.memory_space<vmem>> -> memref<125xi32, #tpu.memory_space<vmem>>
        %dma_start3A_270 = arith.constant 0 : i32
        %dma_start3A_271 = arith.constant 0 : i32
        %dma_start3A_272 = tpu.memref_slice %arg19[%dma_start3A_270, %dma_start3A_271] : memref<10112x64xf32, #tpu.memory_space<vmem_shared>> -> memref<10112x64xf32, #tpu.memory_space<vmem_shared>>
        tpu.enqueue_indirect_dma source(%arg14 : memref<125x64xf32, #tpu.memory_space<vmem>>) target(%dma_start3A_272 : memref<10112x64xf32, #tpu.memory_space<vmem_shared>>) offsets(%dma_start3A_269 : memref<125xi32, #tpu.memory_space<vmem>>) semaphore(%run_scoped3A : memref<!tpu.dma_semaphore, #tpu.memory_space<semaphore_mem>>) {add = true}
        %dma_wait3A_273 = arith.constant 0 : i32
        %dma_wait3A_274 = tpu.memref_slice %arg10[%add3A_193, %dma_wait3A_273] : memref<80x125xi32, #tpu.memory_space<vmem>> -> memref<1x125xi32, #tpu.memory_space<vmem>>
        %dma_wait3A_275 = tpu.memref_squeeze %dma_wait3A_274 : memref<1x125xi32, #tpu.memory_space<vmem>> -> memref<125xi32, #tpu.memory_space<vmem>>
        %dma_wait3A_276 = arith.constant 0 : i32
        %dma_wait3A_277 = arith.constant 0 : i32
        %dma_wait3A_278 = tpu.memref_slice %arg19[%dma_wait3A_276, %dma_wait3A_277] : memref<10112x64xf32, #tpu.memory_space<vmem_shared>> -> memref<10112x64xf32, #tpu.memory_space<vmem_shared>>
        tpu.wait_indirect_dma semaphore(%run_scoped3A : memref<!tpu.dma_semaphore, #tpu.memory_space<semaphore_mem>>) src(%arg14 : memref<125x64xf32, #tpu.memory_space<vmem>>) dst(%dma_wait3A_278 : memref<10112x64xf32, #tpu.memory_space<vmem_shared>>)
        tpu.yield
      }) : () -> ()
      %add3A_207 = arith.constant 4 : i32
      %add3A_208 = arith.addi %add3A_149, %add3A_207 : i32
      %add3A_209 = arith.constant 7 : i32
      %add3A_210 = arith.addi %add3A_208, %add3A_209 : i32
      %lt3A_211 = arith.constant 80 : i32
      %lt3A_212 = arith.cmpi slt, %add3A_210, %lt3A_211 : i32
      %convert_element_type3A_213 = arith.extui %lt3A_212 : i1 to i32
      %cond3A_214 = arith.constant 0 : i32
      %cond3A_215 = arith.cmpi ne, %convert_element_type3A_213, %cond3A_214 : i32
      scf.if %cond3A_215 {
        %add3A_267 = arith.constant 7 : i32
        %add3A_268 = arith.addi %add3A_208, %add3A_267 : i32
        %dma_start3A_269 = arith.constant 0 : i32
        %dma_start3A_270 = tpu.memref_slice %arg9[%add3A_268, %dma_start3A_269] : memref<80x125xi32, #tpu.memory_space<vmem>> -> memref<1x125xi32, #tpu.memory_space<vmem>>
        %dma_start3A_271 = tpu.memref_squeeze %dma_start3A_270 : memref<1x125xi32, #tpu.memory_space<vmem>> -> memref<125xi32, #tpu.memory_space<vmem>>
        %dma_start3A_272 = arith.constant 0 : i32
        %dma_start3A_273 = arith.constant 0 : i32
        %dma_start3A_274 = tpu.memref_slice %arg3[%dma_start3A_272, %dma_start3A_273] : memref<10112x64xf32, #tpu.memory_space<hbm>> -> memref<10112x64xf32, #tpu.memory_space<hbm>>
        tpu.enqueue_indirect_dma source(%dma_start3A_274 : memref<10112x64xf32, #tpu.memory_space<hbm>>) target(%arg14 : memref<125x64xf32, #tpu.memory_space<vmem>>) offsets(%dma_start3A_271 : memref<125xi32, #tpu.memory_space<vmem>>) semaphore(%arg24 : memref<!tpu.dma_semaphore, #tpu.memory_space<semaphore_mem>>)
      } else {
      }
      %dma_wait3A_216 = arith.constant 0 : i32
      %dma_wait3A_217 = arith.constant 0 : i32
      %dma_wait3A_218 = tpu.memref_slice %arg2[%dma_wait3A_216, %dma_wait3A_217] : memref<10112x64xf32, #tpu.memory_space<hbm>> -> memref<125x64xf32, #tpu.memory_space<hbm>>
      %dma_wait3A_219 = arith.constant 0 : i32
      %dma_wait3A_220 = arith.constant 0 : i32
      %dma_wait3A_221 = tpu.memref_slice %arg2[%dma_wait3A_219, %dma_wait3A_220] : memref<10112x64xf32, #tpu.memory_space<hbm>> -> memref<125x64xf32, #tpu.memory_space<hbm>>
      tpu.wait_dma2 semaphore(%arg25 : memref<!tpu.dma_semaphore, #tpu.memory_space<semaphore_mem>>) src(%dma_wait3A_221 : memref<125x64xf32, #tpu.memory_space<hbm>>) dst(%arg15 : memref<125x64xf32, #tpu.memory_space<vmem>>)
      "tpu.region"() ({
        %run_scoped3A = tpu.sem_alloc : memref<!tpu.dma_semaphore, #tpu.memory_space<semaphore_mem>>
        %dma_start3A_267 = arith.constant 0 : i32
        %dma_start3A_268 = tpu.memref_slice %arg10[%add3A_208, %dma_start3A_267] : memref<80x125xi32, #tpu.memory_space<vmem>> -> memref<1x125xi32, #tpu.memory_space<vmem>>
        %dma_start3A_269 = tpu.memref_squeeze %dma_start3A_268 : memref<1x125xi32, #tpu.memory_space<vmem>> -> memref<125xi32, #tpu.memory_space<vmem>>
        %dma_start3A_270 = arith.constant 0 : i32
        %dma_start3A_271 = arith.constant 0 : i32
        %dma_start3A_272 = tpu.memref_slice %arg19[%dma_start3A_270, %dma_start3A_271] : memref<10112x64xf32, #tpu.memory_space<vmem_shared>> -> memref<10112x64xf32, #tpu.memory_space<vmem_shared>>
        tpu.enqueue_indirect_dma source(%arg15 : memref<125x64xf32, #tpu.memory_space<vmem>>) target(%dma_start3A_272 : memref<10112x64xf32, #tpu.memory_space<vmem_shared>>) offsets(%dma_start3A_269 : memref<125xi32, #tpu.memory_space<vmem>>) semaphore(%run_scoped3A : memref<!tpu.dma_semaphore, #tpu.memory_space<semaphore_mem>>) {add = true}
        %dma_wait3A_273 = arith.constant 0 : i32
        %dma_wait3A_274 = tpu.memref_slice %arg10[%add3A_208, %dma_wait3A_273] : memref<80x125xi32, #tpu.memory_space<vmem>> -> memref<1x125xi32, #tpu.memory_space<vmem>>
        %dma_wait3A_275 = tpu.memref_squeeze %dma_wait3A_274 : memref<1x125xi32, #tpu.memory_space<vmem>> -> memref<125xi32, #tpu.memory_space<vmem>>
        %dma_wait3A_276 = arith.constant 0 : i32
        %dma_wait3A_277 = arith.constant 0 : i32
        %dma_wait3A_278 = tpu.memref_slice %arg19[%dma_wait3A_276, %dma_wait3A_277] : memref<10112x64xf32, #tpu.memory_space<vmem_shared>> -> memref<10112x64xf32, #tpu.memory_space<vmem_shared>>
        tpu.wait_indirect_dma semaphore(%run_scoped3A : memref<!tpu.dma_semaphore, #tpu.memory_space<semaphore_mem>>) src(%arg15 : memref<125x64xf32, #tpu.memory_space<vmem>>) dst(%dma_wait3A_278 : memref<10112x64xf32, #tpu.memory_space<vmem_shared>>)
        tpu.yield
      }) : () -> ()
      %add3A_222 = arith.constant 5 : i32
      %add3A_223 = arith.addi %add3A_149, %add3A_222 : i32
      %add3A_224 = arith.constant 7 : i32
      %add3A_225 = arith.addi %add3A_223, %add3A_224 : i32
      %lt3A_226 = arith.constant 80 : i32
      %lt3A_227 = arith.cmpi slt, %add3A_225, %lt3A_226 : i32
      %convert_element_type3A_228 = arith.extui %lt3A_227 : i1 to i32
      %cond3A_229 = arith.constant 0 : i32
      %cond3A_230 = arith.cmpi ne, %convert_element_type3A_228, %cond3A_229 : i32
      scf.if %cond3A_230 {
        %add3A_267 = arith.constant 7 : i32
        %add3A_268 = arith.addi %add3A_223, %add3A_267 : i32
        %dma_start3A_269 = arith.constant 0 : i32
        %dma_start3A_270 = tpu.memref_slice %arg9[%add3A_268, %dma_start3A_269] : memref<80x125xi32, #tpu.memory_space<vmem>> -> memref<1x125xi32, #tpu.memory_space<vmem>>
        %dma_start3A_271 = tpu.memref_squeeze %dma_start3A_270 : memref<1x125xi32, #tpu.memory_space<vmem>> -> memref<125xi32, #tpu.memory_space<vmem>>
        %dma_start3A_272 = arith.constant 0 : i32
        %dma_start3A_273 = arith.constant 0 : i32
        %dma_start3A_274 = tpu.memref_slice %arg3[%dma_start3A_272, %dma_start3A_273] : memref<10112x64xf32, #tpu.memory_space<hbm>> -> memref<10112x64xf32, #tpu.memory_space<hbm>>
        tpu.enqueue_indirect_dma source(%dma_start3A_274 : memref<10112x64xf32, #tpu.memory_space<hbm>>) target(%arg15 : memref<125x64xf32, #tpu.memory_space<vmem>>) offsets(%dma_start3A_271 : memref<125xi32, #tpu.memory_space<vmem>>) semaphore(%arg25 : memref<!tpu.dma_semaphore, #tpu.memory_space<semaphore_mem>>)
      } else {
      }
      %dma_wait3A_231 = arith.constant 0 : i32
      %dma_wait3A_232 = arith.constant 0 : i32
      %dma_wait3A_233 = tpu.memref_slice %arg2[%dma_wait3A_231, %dma_wait3A_232] : memref<10112x64xf32, #tpu.memory_space<hbm>> -> memref<125x64xf32, #tpu.memory_space<hbm>>
      %dma_wait3A_234 = arith.constant 0 : i32
      %dma_wait3A_235 = arith.constant 0 : i32
      %dma_wait3A_236 = tpu.memref_slice %arg2[%dma_wait3A_234, %dma_wait3A_235] : memref<10112x64xf32, #tpu.memory_space<hbm>> -> memref<125x64xf32, #tpu.memory_space<hbm>>
      tpu.wait_dma2 semaphore(%arg26 : memref<!tpu.dma_semaphore, #tpu.memory_space<semaphore_mem>>) src(%dma_wait3A_236 : memref<125x64xf32, #tpu.memory_space<hbm>>) dst(%arg16 : memref<125x64xf32, #tpu.memory_space<vmem>>)
      "tpu.region"() ({
        %run_scoped3A = tpu.sem_alloc : memref<!tpu.dma_semaphore, #tpu.memory_space<semaphore_mem>>
        %dma_start3A_267 = arith.constant 0 : i32
        %dma_start3A_268 = tpu.memref_slice %arg10[%add3A_223, %dma_start3A_267] : memref<80x125xi32, #tpu.memory_space<vmem>> -> memref<1x125xi32, #tpu.memory_space<vmem>>
        %dma_start3A_269 = tpu.memref_squeeze %dma_start3A_268 : memref<1x125xi32, #tpu.memory_space<vmem>> -> memref<125xi32, #tpu.memory_space<vmem>>
        %dma_start3A_270 = arith.constant 0 : i32
        %dma_start3A_271 = arith.constant 0 : i32
        %dma_start3A_272 = tpu.memref_slice %arg19[%dma_start3A_270, %dma_start3A_271] : memref<10112x64xf32, #tpu.memory_space<vmem_shared>> -> memref<10112x64xf32, #tpu.memory_space<vmem_shared>>
        tpu.enqueue_indirect_dma source(%arg16 : memref<125x64xf32, #tpu.memory_space<vmem>>) target(%dma_start3A_272 : memref<10112x64xf32, #tpu.memory_space<vmem_shared>>) offsets(%dma_start3A_269 : memref<125xi32, #tpu.memory_space<vmem>>) semaphore(%run_scoped3A : memref<!tpu.dma_semaphore, #tpu.memory_space<semaphore_mem>>) {add = true}
        %dma_wait3A_273 = arith.constant 0 : i32
        %dma_wait3A_274 = tpu.memref_slice %arg10[%add3A_223, %dma_wait3A_273] : memref<80x125xi32, #tpu.memory_space<vmem>> -> memref<1x125xi32, #tpu.memory_space<vmem>>
        %dma_wait3A_275 = tpu.memref_squeeze %dma_wait3A_274 : memref<1x125xi32, #tpu.memory_space<vmem>> -> memref<125xi32, #tpu.memory_space<vmem>>
        %dma_wait3A_276 = arith.constant 0 : i32
        %dma_wait3A_277 = arith.constant 0 : i32
        %dma_wait3A_278 = tpu.memref_slice %arg19[%dma_wait3A_276, %dma_wait3A_277] : memref<10112x64xf32, #tpu.memory_space<vmem_shared>> -> memref<10112x64xf32, #tpu.memory_space<vmem_shared>>
        tpu.wait_indirect_dma semaphore(%run_scoped3A : memref<!tpu.dma_semaphore, #tpu.memory_space<semaphore_mem>>) src(%arg16 : memref<125x64xf32, #tpu.memory_space<vmem>>) dst(%dma_wait3A_278 : memref<10112x64xf32, #tpu.memory_space<vmem_shared>>)
        tpu.yield
      }) : () -> ()
      %add3A_237 = arith.constant 6 : i32
      %add3A_238 = arith.addi %add3A_149, %add3A_237 : i32
      %add3A_239 = arith.constant 7 : i32
      %add3A_240 = arith.addi %add3A_238, %add3A_239 : i32
      %lt3A_241 = arith.constant 80 : i32
      %lt3A_242 = arith.cmpi slt, %add3A_240, %lt3A_241 : i32
      %convert_element_type3A_243 = arith.extui %lt3A_242 : i1 to i32
      %cond3A_244 = arith.constant 0 : i32
      %cond3A_245 = arith.cmpi ne, %convert_element_type3A_243, %cond3A_244 : i32
      scf.if %cond3A_245 {
        %add3A_267 = arith.constant 7 : i32
        %add3A_268 = arith.addi %add3A_238, %add3A_267 : i32
        %dma_start3A_269 = arith.constant 0 : i32
        %dma_start3A_270 = tpu.memref_slice %arg9[%add3A_268, %dma_start3A_269] : memref<80x125xi32, #tpu.memory_space<vmem>> -> memref<1x125xi32, #tpu.memory_space<vmem>>
        %dma_start3A_271 = tpu.memref_squeeze %dma_start3A_270 : memref<1x125xi32, #tpu.memory_space<vmem>> -> memref<125xi32, #tpu.memory_space<vmem>>
        %dma_start3A_272 = arith.constant 0 : i32
        %dma_start3A_273 = arith.constant 0 : i32
        %dma_start3A_274 = tpu.memref_slice %arg3[%dma_start3A_272, %dma_start3A_273] : memref<10112x64xf32, #tpu.memory_space<hbm>> -> memref<10112x64xf32, #tpu.memory_space<hbm>>
        tpu.enqueue_indirect_dma source(%dma_start3A_274 : memref<10112x64xf32, #tpu.memory_space<hbm>>) target(%arg16 : memref<125x64xf32, #tpu.memory_space<vmem>>) offsets(%dma_start3A_271 : memref<125xi32, #tpu.memory_space<vmem>>) semaphore(%arg26 : memref<!tpu.dma_semaphore, #tpu.memory_space<semaphore_mem>>)
      } else {
      }
      %dma_wait3A_246 = arith.constant 0 : i32
      %dma_wait3A_247 = arith.constant 0 : i32
      %dma_wait3A_248 = tpu.memref_slice %arg2[%dma_wait3A_246, %dma_wait3A_247] : memref<10112x64xf32, #tpu.memory_space<hbm>> -> memref<125x64xf32, #tpu.memory_space<hbm>>
      %dma_wait3A_249 = arith.constant 0 : i32
      %dma_wait3A_250 = arith.constant 0 : i32
      %dma_wait3A_251 = tpu.memref_slice %arg2[%dma_wait3A_249, %dma_wait3A_250] : memref<10112x64xf32, #tpu.memory_space<hbm>> -> memref<125x64xf32, #tpu.memory_space<hbm>>
      tpu.wait_dma2 semaphore(%arg27 : memref<!tpu.dma_semaphore, #tpu.memory_space<semaphore_mem>>) src(%dma_wait3A_251 : memref<125x64xf32, #tpu.memory_space<hbm>>) dst(%arg17 : memref<125x64xf32, #tpu.memory_space<vmem>>)
      "tpu.region"() ({
        %run_scoped3A = tpu.sem_alloc : memref<!tpu.dma_semaphore, #tpu.memory_space<semaphore_mem>>
        %dma_start3A_267 = arith.constant 0 : i32
        %dma_start3A_268 = tpu.memref_slice %arg10[%add3A_238, %dma_start3A_267] : memref<80x125xi32, #tpu.memory_space<vmem>> -> memref<1x125xi32, #tpu.memory_space<vmem>>
        %dma_start3A_269 = tpu.memref_squeeze %dma_start3A_268 : memref<1x125xi32, #tpu.memory_space<vmem>> -> memref<125xi32, #tpu.memory_space<vmem>>
        %dma_start3A_270 = arith.constant 0 : i32
        %dma_start3A_271 = arith.constant 0 : i32
        %dma_start3A_272 = tpu.memref_slice %arg19[%dma_start3A_270, %dma_start3A_271] : memref<10112x64xf32, #tpu.memory_space<vmem_shared>> -> memref<10112x64xf32, #tpu.memory_space<vmem_shared>>
        tpu.enqueue_indirect_dma source(%arg17 : memref<125x64xf32, #tpu.memory_space<vmem>>) target(%dma_start3A_272 : memref<10112x64xf32, #tpu.memory_space<vmem_shared>>) offsets(%dma_start3A_269 : memref<125xi32, #tpu.memory_space<vmem>>) semaphore(%run_scoped3A : memref<!tpu.dma_semaphore, #tpu.memory_space<semaphore_mem>>) {add = true}
        %dma_wait3A_273 = arith.constant 0 : i32
        %dma_wait3A_274 = tpu.memref_slice %arg10[%add3A_238, %dma_wait3A_273] : memref<80x125xi32, #tpu.memory_space<vmem>> -> memref<1x125xi32, #tpu.memory_space<vmem>>
        %dma_wait3A_275 = tpu.memref_squeeze %dma_wait3A_274 : memref<1x125xi32, #tpu.memory_space<vmem>> -> memref<125xi32, #tpu.memory_space<vmem>>
        %dma_wait3A_276 = arith.constant 0 : i32
        %dma_wait3A_277 = arith.constant 0 : i32
        %dma_wait3A_278 = tpu.memref_slice %arg19[%dma_wait3A_276, %dma_wait3A_277] : memref<10112x64xf32, #tpu.memory_space<vmem_shared>> -> memref<10112x64xf32, #tpu.memory_space<vmem_shared>>
        tpu.wait_indirect_dma semaphore(%run_scoped3A : memref<!tpu.dma_semaphore, #tpu.memory_space<semaphore_mem>>) src(%arg17 : memref<125x64xf32, #tpu.memory_space<vmem>>) dst(%dma_wait3A_278 : memref<10112x64xf32, #tpu.memory_space<vmem_shared>>)
        tpu.yield
      }) : () -> ()
      %add3A_252 = arith.constant 7 : i32
      %add3A_253 = arith.addi %add3A_149, %add3A_252 : i32
      %add3A_254 = arith.constant 7 : i32
      %add3A_255 = arith.addi %add3A_253, %add3A_254 : i32
      %lt3A_256 = arith.constant 80 : i32
      %lt3A_257 = arith.cmpi slt, %add3A_255, %lt3A_256 : i32
      %convert_element_type3A_258 = arith.extui %lt3A_257 : i1 to i32
      %cond3A_259 = arith.constant 0 : i32
      %cond3A_260 = arith.cmpi ne, %convert_element_type3A_258, %cond3A_259 : i32
      scf.if %cond3A_260 {
        %add3A_267 = arith.constant 7 : i32
        %add3A_268 = arith.addi %add3A_253, %add3A_267 : i32
        %dma_start3A_269 = arith.constant 0 : i32
        %dma_start3A_270 = tpu.memref_slice %arg9[%add3A_268, %dma_start3A_269] : memref<80x125xi32, #tpu.memory_space<vmem>> -> memref<1x125xi32, #tpu.memory_space<vmem>>
        %dma_start3A_271 = tpu.memref_squeeze %dma_start3A_270 : memref<1x125xi32, #tpu.memory_space<vmem>> -> memref<125xi32, #tpu.memory_space<vmem>>
        %dma_start3A_272 = arith.constant 0 : i32
        %dma_start3A_273 = arith.constant 0 : i32
        %dma_start3A_274 = tpu.memref_slice %arg3[%dma_start3A_272, %dma_start3A_273] : memref<10112x64xf32, #tpu.memory_space<hbm>> -> memref<10112x64xf32, #tpu.memory_space<hbm>>
        tpu.enqueue_indirect_dma source(%dma_start3A_274 : memref<10112x64xf32, #tpu.memory_space<hbm>>) target(%arg17 : memref<125x64xf32, #tpu.memory_space<vmem>>) offsets(%dma_start3A_271 : memref<125xi32, #tpu.memory_space<vmem>>) semaphore(%arg27 : memref<!tpu.dma_semaphore, #tpu.memory_space<semaphore_mem>>)
      } else {
      }
      %dma_wait3A_261 = arith.constant 0 : i32
      %dma_wait3A_262 = arith.constant 0 : i32
      %dma_wait3A_263 = tpu.memref_slice %arg2[%dma_wait3A_261, %dma_wait3A_262] : memref<10112x64xf32, #tpu.memory_space<hbm>> -> memref<125x64xf32, #tpu.memory_space<hbm>>
      %dma_wait3A_264 = arith.constant 0 : i32
      %dma_wait3A_265 = arith.constant 0 : i32
      %dma_wait3A_266 = tpu.memref_slice %arg2[%dma_wait3A_264, %dma_wait3A_265] : memref<10112x64xf32, #tpu.memory_space<hbm>> -> memref<125x64xf32, #tpu.memory_space<hbm>>
      tpu.wait_dma2 semaphore(%arg28 : memref<!tpu.dma_semaphore, #tpu.memory_space<semaphore_mem>>) src(%dma_wait3A_266 : memref<125x64xf32, #tpu.memory_space<hbm>>) dst(%arg18 : memref<125x64xf32, #tpu.memory_space<vmem>>)
      "tpu.region"() ({
        %run_scoped3A = tpu.sem_alloc : memref<!tpu.dma_semaphore, #tpu.memory_space<semaphore_mem>>
        %dma_start3A_267 = arith.constant 0 : i32
        %dma_start3A_268 = tpu.memref_slice %arg10[%add3A_253, %dma_start3A_267] : memref<80x125xi32, #tpu.memory_space<vmem>> -> memref<1x125xi32, #tpu.memory_space<vmem>>
        %dma_start3A_269 = tpu.memref_squeeze %dma_start3A_268 : memref<1x125xi32, #tpu.memory_space<vmem>> -> memref<125xi32, #tpu.memory_space<vmem>>
        %dma_start3A_270 = arith.constant 0 : i32
        %dma_start3A_271 = arith.constant 0 : i32
        %dma_start3A_272 = tpu.memref_slice %arg19[%dma_start3A_270, %dma_start3A_271] : memref<10112x64xf32, #tpu.memory_space<vmem_shared>> -> memref<10112x64xf32, #tpu.memory_space<vmem_shared>>
        tpu.enqueue_indirect_dma source(%arg18 : memref<125x64xf32, #tpu.memory_space<vmem>>) target(%dma_start3A_272 : memref<10112x64xf32, #tpu.memory_space<vmem_shared>>) offsets(%dma_start3A_269 : memref<125xi32, #tpu.memory_space<vmem>>) semaphore(%run_scoped3A : memref<!tpu.dma_semaphore, #tpu.memory_space<semaphore_mem>>) {add = true}
        %dma_wait3A_273 = arith.constant 0 : i32
        %dma_wait3A_274 = tpu.memref_slice %arg10[%add3A_253, %dma_wait3A_273] : memref<80x125xi32, #tpu.memory_space<vmem>> -> memref<1x125xi32, #tpu.memory_space<vmem>>
        %dma_wait3A_275 = tpu.memref_squeeze %dma_wait3A_274 : memref<1x125xi32, #tpu.memory_space<vmem>> -> memref<125xi32, #tpu.memory_space<vmem>>
        %dma_wait3A_276 = arith.constant 0 : i32
        %dma_wait3A_277 = arith.constant 0 : i32
        %dma_wait3A_278 = tpu.memref_slice %arg19[%dma_wait3A_276, %dma_wait3A_277] : memref<10112x64xf32, #tpu.memory_space<vmem_shared>> -> memref<10112x64xf32, #tpu.memory_space<vmem_shared>>
        tpu.wait_indirect_dma semaphore(%run_scoped3A : memref<!tpu.dma_semaphore, #tpu.memory_space<semaphore_mem>>) src(%arg18 : memref<125x64xf32, #tpu.memory_space<vmem>>) dst(%dma_wait3A_278 : memref<10112x64xf32, #tpu.memory_space<vmem_shared>>)
        tpu.yield
      }) : () -> ()
    }
    %scan3A_142 = arith.constant 10 : i32
    %barrier3A_143 = arith.constant 0 : index
    tpu.barrier barrier_id(%barrier3A_143)
    "tpu.region"() ({
      %run_scoped3A = tpu.sem_alloc : memref<!tpu.dma_semaphore, #tpu.memory_space<semaphore_mem>>
      %dma_start3A_145 = arith.constant 0 : i32
      %dma_start3A_146 = tpu.memref_slice %arg8[%arg0, %multiple_of3A, %dma_start3A_145] : memref<2x10112x64xf32, #tpu.memory_space<hbm>> -> memref<1x632x64xf32, #tpu.memory_space<hbm>>
      %dma_start3A_147 = tpu.memref_squeeze %dma_start3A_146 : memref<1x632x64xf32, #tpu.memory_space<hbm>> -> memref<632x64xf32, #tpu.memory_space<hbm>>
      %dma_start3A_148 = arith.constant 0 : i32
      %dma_start3A_149 = tpu.memref_slice %arg19[%multiple_of3A, %dma_start3A_148] : memref<10112x64xf32, #tpu.memory_space<vmem_shared>> -> memref<632x64xf32, #tpu.memory_space<vmem_shared>>
      tpu.enqueue_dma source(%dma_start3A_149 : memref<632x64xf32, #tpu.memory_space<vmem_shared>>) target(%dma_start3A_147 : memref<632x64xf32, #tpu.memory_space<hbm>>) target_semaphore(%run_scoped3A : memref<!tpu.dma_semaphore, #tpu.memory_space<semaphore_mem>>)
      %dma_wait3A_150 = arith.constant 0 : i32
      %dma_wait3A_151 = tpu.memref_slice %arg8[%arg0, %multiple_of3A, %dma_wait3A_150] : memref<2x10112x64xf32, #tpu.memory_space<hbm>> -> memref<1x632x64xf32, #tpu.memory_space<hbm>>
      %dma_wait3A_152 = tpu.memref_squeeze %dma_wait3A_151 : memref<1x632x64xf32, #tpu.memory_space<hbm>> -> memref<632x64xf32, #tpu.memory_space<hbm>>
      %dma_wait3A_153 = arith.constant 0 : i32
      %dma_wait3A_154 = tpu.memref_slice %arg19[%multiple_of3A, %dma_wait3A_153] : memref<10112x64xf32, #tpu.memory_space<vmem_shared>> -> memref<632x64xf32, #tpu.memory_space<vmem_shared>>
      tpu.wait_dma2 semaphore(%run_scoped3A : memref<!tpu.dma_semaphore, #tpu.memory_space<semaphore_mem>>) src(%dma_wait3A_154 : memref<632x64xf32, #tpu.memory_space<vmem_shared>>) dst(%dma_wait3A_152 : memref<632x64xf32, #tpu.memory_space<hbm>>)
      tpu.yield
    }) : () -> ()
    %barrier3A_144 = arith.constant 0 : index
    tpu.barrier barrier_id(%barrier3A_144)
    return
  }
}

module attributes {stable_mosaic.version = 14 : i64} {
  func.func @_tc_matmul_body(%arg0: i32, %arg1: memref<1000x128xf32, #tpu.memory_space<vmem>>, %arg2: memref<128x128xf32, #tpu.memory_space<vmem>>, %arg3: memref<1000x128xf32, #tpu.memory_space<vmem>>) attributes {dimension_semantics = [#tpu.dimension_semantics<arbitrary>], iteration_bounds = array<i64: 10>, scalar_prefetch = 0 : i64, scratch_operands = 0 : i64, tpu.core_type = #tpu.core_type<tc>, window_params = [{transform_indices = @transform_0, window_bounds = array<i64: 1000, 128>}, {pipeline_mode = #tpu.pipeline_mode<synchronous>, transform_indices = @transform_1, window_bounds = array<i64: 128, 128>}, {transform_indices = @transform_2, window_bounds = array<i64: 1000, 128>}]} {
    %get3A = arith.constant 0 : index
    %get3A_0 = arith.constant 0 : index
    %get3A_1 = vector.load %arg1[%get3A, %get3A_0] : memref<1000x128xf32, #tpu.memory_space<vmem>>, vector<1000x128xf32>
    %get3A_2 = arith.constant 0 : index
    %get3A_3 = arith.constant 0 : index
    %get3A_4 = vector.load %arg2[%get3A_2, %get3A_3] : memref<128x128xf32, #tpu.memory_space<vmem>>, vector<128x128xf32>
    %dot_general3A = arith.constant dense<0.000000e+00> : vector<1000x128xf32>
    %dot_general3A_5 = tpu.matmul %get3A_1, %get3A_4, %dot_general3A {dimension_numbers = #tpu.dot_dimension_numbers<[1], [0], [0], [1], [0, 0, 1, 1], [], []>, transpose_lhs_hint = false} : vector<1000x128xf32>, vector<128x128xf32>, vector<1000x128xf32> -> vector<1000x128xf32>
    %swap3A = arith.constant 0 : index
    %swap3A_6 = arith.constant 0 : index
    %swap3A_7 = vector.load %arg3[%swap3A, %swap3A_6] : memref<1000x128xf32, #tpu.memory_space<vmem>>, vector<1000x128xf32>
    tpu.vector_store %arg3[%swap3A, %swap3A_6], %dot_general3A_5 {strides = array<i32>} : memref<1000x128xf32, #tpu.memory_space<vmem>>, vector<1000x128xf32>,
    return
  }
  func.func @transform_0(%arg0: i32) -> (i32, i32) {
    %c0_i32 = arith.constant 0 : i32
    %c0_i32_0 = arith.constant 0 : i32
    return %arg0, %c0_i32 : i32, i32
  }
  func.func @transform_1(%arg0: i32) -> (i32, i32) {
    %c0_i32 = arith.constant 0 : i32
    %c0_i32_0 = arith.constant 0 : i32
    %c0_i32_1 = arith.constant 0 : i32
    return %c0_i32, %c0_i32_0 : i32, i32
  }
  func.func @transform_2(%arg0: i32) -> (i32, i32) {
    %c0_i32 = arith.constant 0 : i32
    %c0_i32_0 = arith.constant 0 : i32
    return %arg0, %c0_i32 : i32, i32
  }
}

module attributes {stable_mosaic.version = 14 : i64} {
  func.func @_tc_scale_body(%arg0: i32, %arg1: memref<1000x1xf32, #tpu.memory_space<vmem>>, %arg2: memref<1000x1xf32, #tpu.memory_space<vmem>>, %arg3: memref<1000x128xf32, #tpu.memory_space<vmem>>, %arg4: memref<1000x64xf32, #tpu.memory_space<vmem>>, %arg5: memref<1000x64xf32, #tpu.memory_space<vmem>>, %arg6: memref<1000x1xf32, #tpu.memory_space<vmem>>) attributes {dimension_semantics = [#tpu.dimension_semantics<arbitrary>], iteration_bounds = array<i64: 10>, scalar_prefetch = 0 : i64, scratch_operands = 0 : i64, tpu.core_type = #tpu.core_type<tc>, window_params = [{transform_indices = @transform_0, window_bounds = array<i64: 1000, 1>}, {transform_indices = @transform_1, window_bounds = array<i64: 1000, 1>}, {transform_indices = @transform_2, window_bounds = array<i64: 1000, 128>}, {transform_indices = @transform_3, window_bounds = array<i64: 1000, 64>}, {transform_indices = @transform_4, window_bounds = array<i64: 1000, 64>}, {transform_indices = @transform_5, window_bounds = array<i64: 1000, 1>}]} {
    %get3A = arith.constant 0 : index
    %get3A_0 = arith.constant 0 : index
    %get3A_1 = vector.load %arg1[%get3A, %get3A_0] : memref<1000x1xf32, #tpu.memory_space<vmem>>, vector<1000x1xf32>
    %get3A_2 = arith.constant 0 : index
    %get3A_3 = arith.constant 0 : index
    %get3A_4 = vector.load %arg2[%get3A_2, %get3A_3] : memref<1000x1xf32, #tpu.memory_space<vmem>>, vector<1000x1xf32>
    %add3A = arith.addf %get3A_1, %get3A_4 : vector<1000x1xf32>
    %add3A_5 = arith.constant 1.000000e+00 : f32
    %add3A_6 = vector.broadcast %add3A_5 : f32 to vector<1000x1xf32>
    %add3A_7 = arith.addf %add3A, %add3A_6 : vector<1000x1xf32>
    %rsqrt3A = math.rsqrt %add3A_7 : vector<1000x1xf32>
    %swap3A = arith.constant 0 : index
    %swap3A_8 = arith.constant 0 : index
    %swap3A_9 = vector.load %arg6[%swap3A, %swap3A_8] : memref<1000x1xf32, #tpu.memory_space<vmem>>, vector<1000x1xf32>
    tpu.vector_store %arg6[%swap3A, %swap3A_8], %rsqrt3A {strides = array<i32>} : memref<1000x1xf32, #tpu.memory_space<vmem>>, vector<1000x1xf32>,
    %get3A_10 = arith.constant 0 : index
    %get3A_11 = arith.constant 0 : index
    %get3A_12 = vector.load %arg3[%get3A_10, %get3A_11] : memref<1000x128xf32, #tpu.memory_space<vmem>>, vector<1000x128xf32>
    %mul3A = vector.broadcast %rsqrt3A : vector<1000x1xf32> to vector<1000x128xf32>
    %mul3A_13 = arith.mulf %get3A_12, %mul3A : vector<1000x128xf32>
    %slice3A = vector.extract_strided_slice %mul3A_13 {offsets = [0, 0], sizes = [1000, 64], strides = [1, 1]} : vector<1000x128xf32> to vector<1000x64xf32>
    %swap3A_14 = arith.constant 0 : index
    %swap3A_15 = arith.constant 0 : index
    %swap3A_16 = vector.load %arg4[%swap3A_14, %swap3A_15] : memref<1000x64xf32, #tpu.memory_space<vmem>>, vector<1000x64xf32>
    tpu.vector_store %arg4[%swap3A_14, %swap3A_15], %slice3A {strides = array<i32>} : memref<1000x64xf32, #tpu.memory_space<vmem>>, vector<1000x64xf32>,
    %slice3A_17 = vector.extract_strided_slice %mul3A_13 {offsets = [0, 64], sizes = [1000, 64], strides = [1, 1]} : vector<1000x128xf32> to vector<1000x64xf32>
    %swap3A_18 = arith.constant 0 : index
    %swap3A_19 = arith.constant 0 : index
    %swap3A_20 = vector.load %arg5[%swap3A_18, %swap3A_19] : memref<1000x64xf32, #tpu.memory_space<vmem>>, vector<1000x64xf32>
    tpu.vector_store %arg5[%swap3A_18, %swap3A_19], %slice3A_17 {strides = array<i32>} : memref<1000x64xf32, #tpu.memory_space<vmem>>, vector<1000x64xf32>,
    return
  }
  func.func @transform_0(%arg0: i32) -> (i32, i32) {
    %c0_i32 = arith.constant 0 : i32
    %c0_i32_0 = arith.constant 0 : i32
    return %arg0, %c0_i32 : i32, i32
  }
  func.func @transform_1(%arg0: i32) -> (i32, i32) {
    %c0_i32 = arith.constant 0 : i32
    %c0_i32_0 = arith.constant 0 : i32
    return %arg0, %c0_i32 : i32, i32
  }
  func.func @transform_2(%arg0: i32) -> (i32, i32) {
    %c0_i32 = arith.constant 0 : i32
    %c0_i32_0 = arith.constant 0 : i32
    return %arg0, %c0_i32 : i32, i32
  }
  func.func @transform_3(%arg0: i32) -> (i32, i32) {
    %c0_i32 = arith.constant 0 : i32
    %c0_i32_0 = arith.constant 0 : i32
    return %arg0, %c0_i32 : i32, i32
  }
  func.func @transform_4(%arg0: i32) -> (i32, i32) {
    %c0_i32 = arith.constant 0 : i32
    %c0_i32_0 = arith.constant 0 : i32
    return %arg0, %c0_i32 : i32, i32
  }
  func.func @transform_5(%arg0: i32) -> (i32, i32) {
    %c0_i32 = arith.constant 0 : i32
    %c0_i32_0 = arith.constant 0 : i32
    return %arg0, %c0_i32 : i32, i32
  }
}

module attributes {stable_mosaic.version = 14 : i64} {
  func.func @_tc_mid_body(%arg0: i32, %arg1: memref<1x1000x64xf32, #tpu.memory_space<vmem>>, %arg2: memref<1x1000x64xf32, #tpu.memory_space<vmem>>, %arg3: memref<1x1000x64xf32, #tpu.memory_space<vmem>>, %arg4: memref<1x1000x64xf32, #tpu.memory_space<vmem>>, %arg5: memref<1000x64xf32, #tpu.memory_space<vmem>>, %arg6: memref<1000x64xf32, #tpu.memory_space<vmem>>, %arg7: memref<1000x1xf32, #tpu.memory_space<vmem>>, %arg8: memref<1x128xf32, #tpu.memory_space<vmem>>, %arg9: memref<128x128xf32, #tpu.memory_space<vmem>>, %arg10: memref<1000x64xf32, #tpu.memory_space<vmem>>, %arg11: memref<1000x64xf32, #tpu.memory_space<vmem>>) attributes {dimension_semantics = [#tpu.dimension_semantics<arbitrary>], iteration_bounds = array<i64: 10>, scalar_prefetch = 0 : i64, scratch_operands = 0 : i64, tpu.core_type = #tpu.core_type<tc>, window_params = [{transform_indices = @transform_0, window_bounds = array<i64: 1, 1000, 64>}, {transform_indices = @transform_1, window_bounds = array<i64: 1, 1000, 64>}, {transform_indices = @transform_2, window_bounds = array<i64: 1, 1000, 64>}, {transform_indices = @transform_3, window_bounds = array<i64: 1, 1000, 64>}, {transform_indices = @transform_4, window_bounds = array<i64: 1000, 64>}, {transform_indices = @transform_5, window_bounds = array<i64: 1000, 64>}, {transform_indices = @transform_6, window_bounds = array<i64: 1000, 1>}, {pipeline_mode = #tpu.pipeline_mode<synchronous>, transform_indices = @transform_7, window_bounds = array<i64: 1, 128>}, {pipeline_mode = #tpu.pipeline_mode<synchronous>, transform_indices = @transform_8, window_bounds = array<i64: 128, 128>}, {transform_indices = @transform_9, window_bounds = array<i64: 1000, 64>}, {transform_indices = @transform_10, window_bounds = array<i64: 1000, 64>}]} {
    %get3A = arith.constant 0 : index
    %get3A_0 = arith.constant 0 : index
    %get3A_1 = vector.load %arg7[%get3A, %get3A_0] : memref<1000x1xf32, #tpu.memory_space<vmem>>, vector<1000x1xf32>
    %get3A_2 = arith.constant 0 : index
    %get3A_3 = arith.constant 0 : index
    %get3A_4 = arith.constant 0 : index
    %get3A_5 = vector.load %arg1[%get3A_2, %get3A_3, %get3A_4] : memref<1x1000x64xf32, #tpu.memory_space<vmem>>, vector<1x1000x64xf32>
    %get3A_6 = vector.shape_cast %get3A_5 : vector<1x1000x64xf32> to vector<1000x64xf32>
    %get3A_7 = arith.constant 0 : index
    %get3A_8 = arith.constant 0 : index
    %get3A_9 = arith.constant 0 : index
    %get3A_10 = vector.load %arg2[%get3A_7, %get3A_8, %get3A_9] : memref<1x1000x64xf32, #tpu.memory_space<vmem>>, vector<1x1000x64xf32>
    %get3A_11 = vector.shape_cast %get3A_10 : vector<1x1000x64xf32> to vector<1000x64xf32>
    %add3A = arith.addf %get3A_6, %get3A_11 : vector<1000x64xf32>
    %get3A_12 = arith.constant 0 : index
    %get3A_13 = arith.constant 0 : index
    %get3A_14 = vector.load %arg5[%get3A_12, %get3A_13] : memref<1000x64xf32, #tpu.memory_space<vmem>>, vector<1000x64xf32>
    %add3A_15 = arith.addf %add3A, %get3A_14 : vector<1000x64xf32>
    %get3A_16 = arith.constant 0 : index
    %get3A_17 = arith.constant 0 : index
    %get3A_18 = arith.constant 0 : index
    %get3A_19 = vector.load %arg3[%get3A_16, %get3A_17, %get3A_18] : memref<1x1000x64xf32, #tpu.memory_space<vmem>>, vector<1x1000x64xf32>
    %get3A_20 = vector.shape_cast %get3A_19 : vector<1x1000x64xf32> to vector<1000x64xf32>
    %get3A_21 = arith.constant 0 : index
    %get3A_22 = arith.constant 0 : index
    %get3A_23 = arith.constant 0 : index
    %get3A_24 = vector.load %arg4[%get3A_21, %get3A_22, %get3A_23] : memref<1x1000x64xf32, #tpu.memory_space<vmem>>, vector<1x1000x64xf32>
    %get3A_25 = vector.shape_cast %get3A_24 : vector<1x1000x64xf32> to vector<1000x64xf32>
    %add3A_26 = arith.addf %get3A_20, %get3A_25 : vector<1000x64xf32>
    %get3A_27 = arith.constant 0 : index
    %get3A_28 = arith.constant 0 : index
    %get3A_29 = vector.load %arg6[%get3A_27, %get3A_28] : memref<1000x64xf32, #tpu.memory_space<vmem>>, vector<1000x64xf32>
    %add3A_30 = arith.addf %add3A_26, %get3A_29 : vector<1000x64xf32>
    %concatenate3A = tpu.concatenate %add3A_15, %add3A_30 in 1 : vector<1000x64xf32>, vector<1000x64xf32> -> vector<1000x128xf32>
    %mul3A = vector.broadcast %get3A_1 : vector<1000x1xf32> to vector<1000x128xf32>
    %mul3A_31 = arith.mulf %concatenate3A, %mul3A : vector<1000x128xf32>
    %get3A_32 = arith.constant 0 : index
    %get3A_33 = arith.constant 0 : index
    %get3A_34 = vector.load %arg8[%get3A_32, %get3A_33] : memref<1x128xf32, #tpu.memory_space<vmem>>, vector<1x128xf32>
    %add3A_35 = vector.broadcast %get3A_34 : vector<1x128xf32> to vector<1000x128xf32>
    %add3A_36 = arith.addf %mul3A_31, %add3A_35 : vector<1000x128xf32>
    %max3A = arith.constant 0.000000e+00 : f32
    %max3A_37 = vector.broadcast %max3A : f32 to vector<1000x128xf32>
    %max3A_38 = arith.maximumf %add3A_36, %max3A_37 : vector<1000x128xf32>
    %get3A_39 = arith.constant 0 : index
    %get3A_40 = arith.constant 0 : index
    %get3A_41 = vector.load %arg9[%get3A_39, %get3A_40] : memref<128x128xf32, #tpu.memory_space<vmem>>, vector<128x128xf32>
    %dot_general3A = arith.constant dense<0.000000e+00> : vector<1000x128xf32>
    %dot_general3A_42 = tpu.matmul %max3A_38, %get3A_41, %dot_general3A {dimension_numbers = #tpu.dot_dimension_numbers<[1], [0], [0], [1], [0, 0, 1, 1], [], []>, transpose_lhs_hint = false} : vector<1000x128xf32>, vector<128x128xf32>, vector<1000x128xf32> -> vector<1000x128xf32>
    %mul3A_43 = vector.broadcast %get3A_1 : vector<1000x1xf32> to vector<1000x128xf32>
    %mul3A_44 = arith.mulf %dot_general3A_42, %mul3A_43 : vector<1000x128xf32>
    %slice3A = vector.extract_strided_slice %mul3A_44 {offsets = [0, 0], sizes = [1000, 64], strides = [1, 1]} : vector<1000x128xf32> to vector<1000x64xf32>
    %swap3A = arith.constant 0 : index
    %swap3A_45 = arith.constant 0 : index
    %swap3A_46 = vector.load %arg10[%swap3A, %swap3A_45] : memref<1000x64xf32, #tpu.memory_space<vmem>>, vector<1000x64xf32>
    tpu.vector_store %arg10[%swap3A, %swap3A_45], %slice3A {strides = array<i32>} : memref<1000x64xf32, #tpu.memory_space<vmem>>, vector<1000x64xf32>,
    %slice3A_47 = vector.extract_strided_slice %mul3A_44 {offsets = [0, 64], sizes = [1000, 64], strides = [1, 1]} : vector<1000x128xf32> to vector<1000x64xf32>
    %swap3A_48 = arith.constant 0 : index
    %swap3A_49 = arith.constant 0 : index
    %swap3A_50 = vector.load %arg11[%swap3A_48, %swap3A_49] : memref<1000x64xf32, #tpu.memory_space<vmem>>, vector<1000x64xf32>
    tpu.vector_store %arg11[%swap3A_48, %swap3A_49], %slice3A_47 {strides = array<i32>} : memref<1000x64xf32, #tpu.memory_space<vmem>>, vector<1000x64xf32>,
    return
  }
  func.func @transform_0(%arg0: i32) -> (i32, i32, i32) {
    %c0_i32 = arith.constant 0 : i32
    %c0_i32_0 = arith.constant 0 : i32
    %c0_i32_1 = arith.constant 0 : i32
    return %c0_i32, %arg0, %c0_i32_0 : i32, i32, i32
  }
  func.func @transform_1(%arg0: i32) -> (i32, i32, i32) {
    %c1_i32 = arith.constant 1 : i32
    %c0_i32 = arith.constant 0 : i32
    %c0_i32_0 = arith.constant 0 : i32
    return %c1_i32, %arg0, %c0_i32 : i32, i32, i32
  }
  func.func @transform_2(%arg0: i32) -> (i32, i32, i32) {
    %c0_i32 = arith.constant 0 : i32
    %c0_i32_0 = arith.constant 0 : i32
    %c0_i32_1 = arith.constant 0 : i32
    return %c0_i32, %arg0, %c0_i32_0 : i32, i32, i32
  }
  func.func @transform_3(%arg0: i32) -> (i32, i32, i32) {
    %c1_i32 = arith.constant 1 : i32
    %c0_i32 = arith.constant 0 : i32
    %c0_i32_0 = arith.constant 0 : i32
    return %c1_i32, %arg0, %c0_i32 : i32, i32, i32
  }
  func.func @transform_4(%arg0: i32) -> (i32, i32) {
    %c0_i32 = arith.constant 0 : i32
    %c0_i32_0 = arith.constant 0 : i32
    return %arg0, %c0_i32 : i32, i32
  }
  func.func @transform_5(%arg0: i32) -> (i32, i32) {
    %c0_i32 = arith.constant 0 : i32
    %c0_i32_0 = arith.constant 0 : i32
    return %arg0, %c0_i32 : i32, i32
  }
  func.func @transform_6(%arg0: i32) -> (i32, i32) {
    %c0_i32 = arith.constant 0 : i32
    %c0_i32_0 = arith.constant 0 : i32
    return %arg0, %c0_i32 : i32, i32
  }
  func.func @transform_7(%arg0: i32) -> (i32, i32) {
    %c0_i32 = arith.constant 0 : i32
    %c0_i32_0 = arith.constant 0 : i32
    %c0_i32_1 = arith.constant 0 : i32
    return %c0_i32, %c0_i32_0 : i32, i32
  }
  func.func @transform_8(%arg0: i32) -> (i32, i32) {
    %c0_i32 = arith.constant 0 : i32
    %c0_i32_0 = arith.constant 0 : i32
    %c0_i32_1 = arith.constant 0 : i32
    return %c0_i32, %c0_i32_0 : i32, i32
  }
  func.func @transform_9(%arg0: i32) -> (i32, i32) {
    %c0_i32 = arith.constant 0 : i32
    %c0_i32_0 = arith.constant 0 : i32
    return %arg0, %c0_i32 : i32, i32
  }
  func.func @transform_10(%arg0: i32) -> (i32, i32) {
    %c0_i32 = arith.constant 0 : i32
    %c0_i32_0 = arith.constant 0 : i32
    return %arg0, %c0_i32 : i32, i32
  }
}

module attributes {stable_mosaic.version = 14 : i64} {
  func.func @_tc_head_body(%arg0: i32, %arg1: memref<1x1000x64xf32, #tpu.memory_space<vmem>>, %arg2: memref<1x1000x64xf32, #tpu.memory_space<vmem>>, %arg3: memref<1x1000x64xf32, #tpu.memory_space<vmem>>, %arg4: memref<1x1000x64xf32, #tpu.memory_space<vmem>>, %arg5: memref<1000x64xf32, #tpu.memory_space<vmem>>, %arg6: memref<1000x64xf32, #tpu.memory_space<vmem>>, %arg7: memref<1000x1xf32, #tpu.memory_space<vmem>>, %arg8: memref<1x128xf32, #tpu.memory_space<vmem>>, %arg9: memref<1000x1xi32, #tpu.memory_space<vmem>>, %arg10: memref<64x128xf32, #tpu.memory_space<vmem>>, %arg11: memref<64x128xf32, #tpu.memory_space<vmem>>) attributes {dimension_semantics = [#tpu.dimension_semantics<arbitrary>], iteration_bounds = array<i64: 10>, scalar_prefetch = 0 : i64, scratch_operands = 1 : i64, tpu.core_type = #tpu.core_type<tc>, window_params = [{transform_indices = @transform_0, window_bounds = array<i64: 1, 1000, 64>}, {transform_indices = @transform_1, window_bounds = array<i64: 1, 1000, 64>}, {transform_indices = @transform_2, window_bounds = array<i64: 1, 1000, 64>}, {transform_indices = @transform_3, window_bounds = array<i64: 1, 1000, 64>}, {transform_indices = @transform_4, window_bounds = array<i64: 1000, 64>}, {transform_indices = @transform_5, window_bounds = array<i64: 1000, 64>}, {transform_indices = @transform_6, window_bounds = array<i64: 1000, 1>}, {pipeline_mode = #tpu.pipeline_mode<synchronous>, transform_indices = @transform_7, window_bounds = array<i64: 1, 128>}, {transform_indices = @transform_8, window_bounds = array<i64: 1000, 1>}, {pipeline_mode = #tpu.pipeline_mode<synchronous>, transform_indices = @transform_9, window_bounds = array<i64: 64, 128>}]} {
    %eq3A = arith.constant 0 : i32
    %eq3A_0 = arith.cmpi eq, %arg0, %eq3A : i32
    %convert_element_type3A = arith.extui %eq3A_0 : i1 to i32
    %cond3A = arith.constant 0 : i32
    %cond3A_1 = arith.cmpi ne, %convert_element_type3A, %cond3A : i32
    scf.if %cond3A_1 {
      %broadcast_in_dim3A = arith.constant 0xFF800000 : f32
      %broadcast_in_dim3A_65 = vector.broadcast %broadcast_in_dim3A : f32 to vector<64x128xf32>
      %swap3A = arith.constant 0 : index
      %swap3A_66 = arith.constant 0 : index
      %swap3A_67 = vector.load %arg11[%swap3A, %swap3A_66] : memref<64x128xf32, #tpu.memory_space<vmem>>, vector<64x128xf32>
      tpu.vector_store %arg11[%swap3A, %swap3A_66], %broadcast_in_dim3A_65 {strides = array<i32>} : memref<64x128xf32, #tpu.memory_space<vmem>>, vector<64x128xf32>,
    } else {
    }
    %get3A = arith.constant 0 : index
    %get3A_2 = arith.constant 0 : index
    %get3A_3 = arith.constant 0 : index
    %get3A_4 = vector.load %arg1[%get3A, %get3A_2, %get3A_3] : memref<1x1000x64xf32, #tpu.memory_space<vmem>>, vector<1x1000x64xf32>
    %get3A_5 = vector.shape_cast %get3A_4 : vector<1x1000x64xf32> to vector<1000x64xf32>
    %get3A_6 = arith.constant 0 : index
    %get3A_7 = arith.constant 0 : index
    %get3A_8 = arith.constant 0 : index
    %get3A_9 = vector.load %arg2[%get3A_6, %get3A_7, %get3A_8] : memref<1x1000x64xf32, #tpu.memory_space<vmem>>, vector<1x1000x64xf32>
    %get3A_10 = vector.shape_cast %get3A_9 : vector<1x1000x64xf32> to vector<1000x64xf32>
    %add3A = arith.addf %get3A_5, %get3A_10 : vector<1000x64xf32>
    %get3A_11 = arith.constant 0 : index
    %get3A_12 = arith.constant 0 : index
    %get3A_13 = vector.load %arg5[%get3A_11, %get3A_12] : memref<1000x64xf32, #tpu.memory_space<vmem>>, vector<1000x64xf32>
    %add3A_14 = arith.addf %add3A, %get3A_13 : vector<1000x64xf32>
    %get3A_15 = arith.constant 0 : index
    %get3A_16 = arith.constant 0 : index
    %get3A_17 = arith.constant 0 : index
    %get3A_18 = vector.load %arg3[%get3A_15, %get3A_16, %get3A_17] : memref<1x1000x64xf32, #tpu.memory_space<vmem>>, vector<1x1000x64xf32>
    %get3A_19 = vector.shape_cast %get3A_18 : vector<1x1000x64xf32> to vector<1000x64xf32>
    %get3A_20 = arith.constant 0 : index
    %get3A_21 = arith.constant 0 : index
    %get3A_22 = arith.constant 0 : index
    %get3A_23 = vector.load %arg4[%get3A_20, %get3A_21, %get3A_22] : memref<1x1000x64xf32, #tpu.memory_space<vmem>>, vector<1x1000x64xf32>
    %get3A_24 = vector.shape_cast %get3A_23 : vector<1x1000x64xf32> to vector<1000x64xf32>
    %add3A_25 = arith.addf %get3A_19, %get3A_24 : vector<1000x64xf32>
    %get3A_26 = arith.constant 0 : index
    %get3A_27 = arith.constant 0 : index
    %get3A_28 = vector.load %arg6[%get3A_26, %get3A_27] : memref<1000x64xf32, #tpu.memory_space<vmem>>, vector<1000x64xf32>
    %add3A_29 = arith.addf %add3A_25, %get3A_28 : vector<1000x64xf32>
    %concatenate3A = tpu.concatenate %add3A_14, %add3A_29 in 1 : vector<1000x64xf32>, vector<1000x64xf32> -> vector<1000x128xf32>
    %get3A_30 = arith.constant 0 : index
    %get3A_31 = arith.constant 0 : index
    %get3A_32 = vector.load %arg7[%get3A_30, %get3A_31] : memref<1000x1xf32, #tpu.memory_space<vmem>>, vector<1000x1xf32>
    %mul3A = vector.broadcast %get3A_32 : vector<1000x1xf32> to vector<1000x128xf32>
    %mul3A_33 = arith.mulf %concatenate3A, %mul3A : vector<1000x128xf32>
    %get3A_34 = arith.constant 0 : index
    %get3A_35 = arith.constant 0 : index
    %get3A_36 = vector.load %arg8[%get3A_34, %get3A_35] : memref<1x128xf32, #tpu.memory_space<vmem>>, vector<1x128xf32>
    %add3A_37 = vector.broadcast %get3A_36 : vector<1x128xf32> to vector<1000x128xf32>
    %add3A_38 = arith.addf %mul3A_33, %add3A_37 : vector<1000x128xf32>
    %get3A_39 = arith.constant 0 : index
    %get3A_40 = arith.constant 0 : index
    %get3A_41 = vector.load %arg9[%get3A_39, %get3A_40] : memref<1000x1xi32, #tpu.memory_space<vmem>>, vector<1000x1xi32>
    %reduce_min3A = vector.shape_cast %get3A_41 : vector<1000x1xi32> to vector<1x1000x1xi32>
    %reduce_min3A_42 = arith.constant dense<2147483647> : vector<1xi32>
    %reduce_min3A_43 = vector.multi_reduction <minsi>, %reduce_min3A, %reduce_min3A_42 [1, 2] : vector<1x1000x1xi32> to vector<1xi32>
    %reduce_min3A_44 = vector.shape_cast %reduce_min3A_43 : vector<1xi32> to vector<1x1x1xi32>
    %reduce_min3A_45 = vector.extract %reduce_min3A_44[0, 0, 0] : i32 from vector<1x1x1xi32>
    %reduce_max3A = vector.shape_cast %get3A_41 : vector<1000x1xi32> to vector<1x1000x1xi32>
    %reduce_max3A_46 = arith.constant dense<-2147483648> : vector<1xi32>
    %reduce_max3A_47 = vector.multi_reduction <maxsi>, %reduce_max3A, %reduce_max3A_46 [1, 2] : vector<1x1000x1xi32> to vector<1xi32>
    %reduce_max3A_48 = vector.shape_cast %reduce_max3A_47 : vector<1xi32> to vector<1x1x1xi32>
    %reduce_max3A_49 = vector.extract %reduce_max3A_48[0, 0, 0] : i32 from vector<1x1x1xi32>
    %add3A_50 = arith.constant 1 : i32
    %add3A_51 = arith.addi %reduce_max3A_49, %add3A_50 : i32
    %while3A = arith.constant 0 : i32
    %while3A_52 = arith.subi %add3A_51, %reduce_min3A_45 : i32
    %while3A_53 = arith.addi %reduce_min3A_45, %while3A_52 : i32
    %while3A_54 = arith.constant 1 : i32
    %while3A_55 = arith.divsi %while3A_52, %while3A_54 : i32
    %while3A_56 = arith.muli %while3A_55, %while3A_54 : i32
    %while3A_57 = arith.addi %reduce_min3A_45, %while3A_56 : i32
    %while3A_58 = arith.constant 1 : i32
    scf.for %while3A_65 = %reduce_min3A_45 to %while3A_57 step %while3A_58  : i32 {
      %eq3A_66 = vector.broadcast %while3A_65 : i32 to vector<1000x1xi32>
      %eq3A_67 = arith.cmpi eq, %get3A_41, %eq3A_66 : vector<1000x1xi32>
      %jit3A = arith.constant 0xFF800000 : f32
      %broadcast_in_dim3A = vector.shape_cast %eq3A_67 : vector<1000x1xi1> to vector<1000x1xi1>
      %broadcast_in_dim3A_68 = vector.broadcast %broadcast_in_dim3A : vector<1000x1xi1> to vector<1000x128xi1>
      %broadcast_in_dim3A_69 = vector.broadcast %jit3A : f32 to vector<1000x128xf32>
      %select_n3A = arith.select %broadcast_in_dim3A_68, %add3A_38, %broadcast_in_dim3A_69 : vector<1000x128xi1>, vector<1000x128xf32>
      %reduce_max3A_70 = arith.constant dense<0xFF800000> : vector<128xf32>
      %reduce_max3A_71 = vector.multi_reduction <maximumf>, %select_n3A, %reduce_max3A_70 [0] : vector<1000x128xf32> to vector<128xf32>
      %broadcast_in_dim3A_72 = vector.shape_cast %reduce_max3A_71 : vector<128xf32> to vector<1x128xf32>
      %get3A_73 = arith.index_cast %while3A_65 : i32 to index
      %get3A_74 = arith.constant 0 : index
      %get3A_75 = vector.load %arg11[%get3A_73, %get3A_74] : memref<64x128xf32, #tpu.memory_space<vmem>>, vector<1x128xf32>
      %max3A = arith.maximumf %get3A_75, %broadcast_in_dim3A_72 : vector<1x128xf32>
      %swap3A = arith.index_cast %while3A_65 : i32 to index
      %swap3A_76 = arith.constant 0 : index
      %swap3A_77 = vector.load %arg11[%swap3A, %swap3A_76] : memref<64x128xf32, #tpu.memory_space<vmem>>, vector<1x128xf32>
      tpu.vector_store %arg11[%swap3A, %swap3A_76], %max3A {strides = array<i32>} : memref<64x128xf32, #tpu.memory_space<vmem>>, vector<1x128xf32>,
    }
    %while3A_59 = arith.constant 1 : i32
    scf.for %while3A_65 = %while3A_57 to %while3A_53 step %while3A_59  : i32 {
      %eq3A_66 = vector.broadcast %while3A_65 : i32 to vector<1000x1xi32>
      %eq3A_67 = arith.cmpi eq, %get3A_41, %eq3A_66 : vector<1000x1xi32>
      %jit3A = arith.constant 0xFF800000 : f32
      %broadcast_in_dim3A = vector.shape_cast %eq3A_67 : vector<1000x1xi1> to vector<1000x1xi1>
      %broadcast_in_dim3A_68 = vector.broadcast %broadcast_in_dim3A : vector<1000x1xi1> to vector<1000x128xi1>
      %broadcast_in_dim3A_69 = vector.broadcast %jit3A : f32 to vector<1000x128xf32>
      %select_n3A = arith.select %broadcast_in_dim3A_68, %add3A_38, %broadcast_in_dim3A_69 : vector<1000x128xi1>, vector<1000x128xf32>
      %reduce_max3A_70 = arith.constant dense<0xFF800000> : vector<128xf32>
      %reduce_max3A_71 = vector.multi_reduction <maximumf>, %select_n3A, %reduce_max3A_70 [0] : vector<1000x128xf32> to vector<128xf32>
      %broadcast_in_dim3A_72 = vector.shape_cast %reduce_max3A_71 : vector<128xf32> to vector<1x128xf32>
      %get3A_73 = arith.index_cast %while3A_65 : i32 to index
      %get3A_74 = arith.constant 0 : index
      %get3A_75 = vector.load %arg11[%get3A_73, %get3A_74] : memref<64x128xf32, #tpu.memory_space<vmem>>, vector<1x128xf32>
      %max3A = arith.maximumf %get3A_75, %broadcast_in_dim3A_72 : vector<1x128xf32>
      %swap3A = arith.index_cast %while3A_65 : i32 to index
      %swap3A_76 = arith.constant 0 : index
      %swap3A_77 = vector.load %arg11[%swap3A, %swap3A_76] : memref<64x128xf32, #tpu.memory_space<vmem>>, vector<1x128xf32>
      tpu.vector_store %arg11[%swap3A, %swap3A_76], %max3A {strides = array<i32>} : memref<64x128xf32, #tpu.memory_space<vmem>>, vector<1x128xf32>,
    }
    %eq3A_60 = arith.constant 9 : i32
    %eq3A_61 = arith.cmpi eq, %arg0, %eq3A_60 : i32
    %convert_element_type3A_62 = arith.extui %eq3A_61 : i1 to i32
    %cond3A_63 = arith.constant 0 : i32
    %cond3A_64 = arith.cmpi ne, %convert_element_type3A_62, %cond3A_63 : i32
    scf.if %cond3A_64 {
      %get3A_65 = arith.constant 0 : index
      %get3A_66 = arith.constant 0 : index
      %get3A_67 = vector.load %arg11[%get3A_65, %get3A_66] : memref<64x128xf32, #tpu.memory_space<vmem>>, vector<64x128xf32>
      %reduce_max3A_68 = arith.constant dense<0xFF800000> : vector<64xf32>
      %reduce_max3A_69 = vector.multi_reduction <maximumf>, %get3A_67, %reduce_max3A_68 [1] : vector<64x128xf32> to vector<64xf32>
      %broadcast_in_dim3A = vector.shape_cast %reduce_max3A_69 : vector<64xf32> to vector<64x1xf32>
      %sub3A = vector.broadcast %broadcast_in_dim3A : vector<64x1xf32> to vector<64x128xf32>
      %sub3A_70 = arith.subf %get3A_67, %sub3A : vector<64x128xf32>
      %exp3A = math.exp %sub3A_70 : vector<64x128xf32>
      %reduce_sum3A = arith.constant dense<0.000000e+00> : vector<64xf32>
      %reduce_sum3A_71 = vector.multi_reduction <add>, %exp3A, %reduce_sum3A [1] : vector<64x128xf32> to vector<64xf32>
      %broadcast_in_dim3A_72 = vector.shape_cast %reduce_sum3A_71 : vector<64xf32> to vector<64x1xf32>
      %sub3A_73 = vector.broadcast %broadcast_in_dim3A : vector<64x1xf32> to vector<64x128xf32>
      %sub3A_74 = arith.subf %get3A_67, %sub3A_73 : vector<64x128xf32>
      %log3A = math.log %broadcast_in_dim3A_72 : vector<64x1xf32>
      %sub3A_75 = vector.broadcast %log3A : vector<64x1xf32> to vector<64x128xf32>
      %sub3A_76 = arith.subf %sub3A_74, %sub3A_75 : vector<64x128xf32>
      %swap3A = arith.constant 0 : index
      %swap3A_77 = arith.constant 0 : index
      %swap3A_78 = vector.load %arg10[%swap3A, %swap3A_77] : memref<64x128xf32, #tpu.memory_space<vmem>>, vector<64x128xf32>
      tpu.vector_store %arg10[%swap3A, %swap3A_77], %sub3A_76 {strides = array<i32>} : memref<64x128xf32, #tpu.memory_space<vmem>>, vector<64x128xf32>,
    } else {
    }
    return
  }
  func.func @transform_0(%arg0: i32) -> (i32, i32, i32) {
    %c0_i32 = arith.constant 0 : i32
    %c0_i32_0 = arith.constant 0 : i32
    %c0_i32_1 = arith.constant 0 : i32
    return %c0_i32, %arg0, %c0_i32_0 : i32, i32, i32
  }
  func.func @transform_1(%arg0: i32) -> (i32, i32, i32) {
    %c1_i32 = arith.constant 1 : i32
    %c0_i32 = arith.constant 0 : i32
    %c0_i32_0 = arith.constant 0 : i32
    return %c1_i32, %arg0, %c0_i32 : i32, i32, i32
  }
  func.func @transform_2(%arg0: i32) -> (i32, i32, i32) {
    %c0_i32 = arith.constant 0 : i32
    %c0_i32_0 = arith.constant 0 : i32
    %c0_i32_1 = arith.constant 0 : i32
    return %c0_i32, %arg0, %c0_i32_0 : i32, i32, i32
  }
  func.func @transform_3(%arg0: i32) -> (i32, i32, i32) {
    %c1_i32 = arith.constant 1 : i32
    %c0_i32 = arith.constant 0 : i32
    %c0_i32_0 = arith.constant 0 : i32
    return %c1_i32, %arg0, %c0_i32 : i32, i32, i32
  }
  func.func @transform_4(%arg0: i32) -> (i32, i32) {
    %c0_i32 = arith.constant 0 : i32
    %c0_i32_0 = arith.constant 0 : i32
    return %arg0, %c0_i32 : i32, i32
  }
  func.func @transform_5(%arg0: i32) -> (i32, i32) {
    %c0_i32 = arith.constant 0 : i32
    %c0_i32_0 = arith.constant 0 : i32
    return %arg0, %c0_i32 : i32, i32
  }
  func.func @transform_6(%arg0: i32) -> (i32, i32) {
    %c0_i32 = arith.constant 0 : i32
    %c0_i32_0 = arith.constant 0 : i32
    return %arg0, %c0_i32 : i32, i32
  }
  func.func @transform_7(%arg0: i32) -> (i32, i32) {
    %c0_i32 = arith.constant 0 : i32
    %c0_i32_0 = arith.constant 0 : i32
    %c0_i32_1 = arith.constant 0 : i32
    return %c0_i32, %c0_i32_0 : i32, i32
  }
  func.func @transform_8(%arg0: i32) -> (i32, i32) {
    %c0_i32 = arith.constant 0 : i32
    %c0_i32_0 = arith.constant 0 : i32
    return %arg0, %c0_i32 : i32, i32
  }
  func.func @transform_9(%arg0: i32) -> (i32, i32) {
    %c0_i32 = arith.constant 0 : i32
    %c0_i32_0 = arith.constant 0 : i32
    %c0_i32_1 = arith.constant 0 : i32
    return %c0_i32, %c0_i32_0 : i32, i32
  }
}

</mosaic_0001>

<sc_bundles>
// kernel: kernel.12.cloned.1.call-start
scs
__scs_entry_jumppad:
0x0: {  	(pc) =	sbr.rel $0x88, $3  }
0x1: {  	(tag) =	ssettag $0x0;
	lr =	simm.s32 $0x1  }
0x2: {  	[smem:$0x3F9A] =	sst lr;
	_ =	strace $0xD0000000  }
0x3: {  	_ = 	snop  }
0x4: {  	_ = 	snop  }
0x5: {  	_ = 	snop  }
0x6: {  	_ = 	snop  }
0x7: {  	_ = 	snop  }
__scs_overlays_trampoline_lowered:
0x8: {  	[smem:$0x3FA9] =	sst s0  }
0x9: {  	[smem:$0x3FAA] =	sst s1  }
0xa: {  	[smem:$0x3FAB] =	sst s2  }
0xb: {  	[smem:$0x3FAC] =	sst s3  }
0xc: {  	[smem:$0x3FAD] =	sst s4  }
0xd: {  	[smem:$0x3FAE] =	sst s5  }
0xe: {  	[smem:$0x3FAF] =	sst s6  }
0xf: {  	[smem:$0x3FB0] =	sst s7  }
0x10: {  	[smem:$0x3FB1] =	sst s8  }
0x11: {  	[smem:$0x3FB2] =	sst s9;
	s0 =	simm.s32 @!p0 $0x0  }
0x12: {  	s1 =	sld [smem:$0x3F98];
	s0 =	simm.s32 @p0 $0x1  }
0x13: {  	[smem:$0x3FB3] =	sst s0;
	s0 =	simm.s32 @!p1 $0x0  }
0x14: {  	s2 =	sld [smem:$0x3F97];
	s0 =	simm.s32 @p1 $0x1  }
0x15: {  	[smem:$0x3FB4] =	sst s0;
	s0 =	simm.s32 @!p2 $0x0  }
0x16: {  	s3 =	sld [smem:$0x3FDB];
	s0 =	simm.s32 @p2 $0x1  }
0x17: {  	s4 =	simm.s32 $0x1BF5;
	[smem:$0x3FB6] =	sst s0  }
0x18: {  	s0 =	sld [smem:$0x3F99];
	_ =	swait.ge [sflag:s4], $0x0  }
0x19: {  	s7 =	sld [smem:$0x3F9A]  }
0x1a: {  	s8 =	sadd.s32 $0xFFFFE003, lr  }
0x1b: {  	s9 =	sadd.s32 $0xFFFFFEF7, lr;
	s5 =	simm.s32 $0xFFFFFFFF;
	p2 =	slt.u32 s8, $0xFFFFF086  }
0x1c: {  	p1 =	slt.u32 s9, $0xF7A;
	s5 =	simm.s32 @!p2 $0x0  }
0x1d: {  	s5 =	simm.s32 @p1 $0x1;
	p0 =	seq.s32 s7, s2  }
0x1e: {  	s7 =	smul.u32 @!p0 $0xF7A, s2;
	p2 =	seq.s32 @!p0 s5, $0x0  }
0x1f: {  	s9 =	smul.u32 $0xF7A, s1;
	s8 =	simm.s32 @!p0 $0x1BF5;
	p2 =	por !p2, p0  }
0x20: {  	[sflag:s8] =	ssyncset.s32 @!p0 $0xFFFFF086;
	s6 =	sadd.s32 @!p0 s3, s7;
	s7 =	simm.s32 @!p0 $0x108  }
0x21: {  	s3 =	sadd.s32 s3, s9;
	s6 =	sadd.s32 @!p0 $0x88, s6;
	s7 =	simm.s32 @p2 $0x1082  }
0x22: {  	[simem:s7], [sflag:s8] =	dma.local @!p0 [hbm:s6], $0xF7A  }
0x23: {  	s9 =	sor.u32 $0xD0000000, s2;
	s6 =	simm.s32 $0x108;
	_ =	swait.ge @!p0 [sflag:s8], $0x0  }
0x24: {  	s3 =	sadd.s32 $0x88, s3;
	s6 =	simm.s32 @!p1 $0x1082;
	[sflag:s4] =	ssyncset.s32 $0xFFFFF086  }
0x25: {  	[simem:s6], [sflag:s4] =	dma.local [hbm:s3], $0xF7A  }
0x26: {  	[smem:$0x3F9A] =	sst s1;
	(tag) =	ssettag s2;
	_ =	strace s9  }
0x27: {  	s1 =	sld [smem:$0x3FAA]  }
0x28: {  	s2 =	sld [smem:$0x3FAB]  }
0x29: {  	s4 =	sld [smem:$0x3FAD]  }
0x2a: {  	p0 =	seq.s32 s5, $0x0;
	s5 =	sld [smem:$0x3FAE]  }
0x2b: {  	s6 =	sld [smem:$0x3FAF]  }
0x2c: {  	s7 =	sld [smem:$0x3FB0]  }
0x2d: {  	s3 =	simm.s32 $0x108;
	s8 =	sld [smem:$0x3FB1]  }
0x2e: {  	s3 =	simm.s32 @!p0 $0x1082;
	s9 =	sld [smem:$0x3FB2]  }
0x2f: {  	lr =	sadd.s32 s0, s3;
	s0 =	sld [smem:$0x3FA9]  }
0x30: {  	s3 =	sld [smem:$0x3FAC]  }
0x31: {  	[smem:$0x3FB5] =	sst s10  }
0x32: {  	s10 =	sld [smem:$0x3FB3];
	_ =	sdelay $0x3  }
0x33: {  	p0 =	seq.s32 s10, $0x1;
	s10 =	sld [smem:$0x3FB5];
	_ =	sdelay $0x3  }
0x34: {  	[smem:$0x3FB5] =	sst s10  }
0x35: {  	s10 =	sld [smem:$0x3FB4];
	_ =	sdelay $0x3  }
0x36: {  	p1 =	seq.s32 s10, $0x1;
	s10 =	sld [smem:$0x3FB5];
	_ =	sdelay $0x3  }
0x37: {  	[smem:$0x3FB5] =	sst s10  }
0x38: {  	s10 =	sld [smem:$0x3FB6]  }
0x39: {  	_ = 	snop;
	(pc) =	sbr.ind lr, $3  }
0x3a: {  	_ = 	snop  }
0x3b: {  	_ = 	snop  }
0x3c: {  	p2 =	seq.s32 s10, $0x1;
	s10 =	sld [smem:$0x3FB5]  }
0x3d: {  	_ =	shalt  }
0x3e: {  	_ =	shalt  }
0x3f: {  	_ =	shalt  }
0x40: {  	_ =	shalt  }
0x41: {  	_ =	shalt  }
0x42: {  	_ =	shalt  }
0x43: {  	_ =	shalt  }
0x44: {  	_ =	shalt  }
0x45: {  	_ =	shalt  }
0x46: {  	_ =	shalt  }
0x47: {  	_ =	shalt  }
0x48: {  	_ =	shalt  }
0x49: {  	_ =	shalt  }
0x4a: {  	_ =	shalt  }
0x4b: {  	_ =	shalt  }
0x4c: {  	_ =	shalt  }
0x4d: {  	_ =	shalt  }
0x4e: {  	_ =	shalt  }
0x4f: {  	_ =	shalt  }
0x50: {  	_ =	shalt  }
0x51: {  	_ =	shalt  }
0x52: {  	_ =	shalt  }
0x53: {  	_ =	shalt  }
0x54: {  	_ =	shalt  }
0x55: {  	_ =	shalt  }
0x56: {  	_ =	shalt  }
0x57: {  	_ =	shalt  }
0x58: {  	_ =	shalt  }
0x59: {  	_ =	shalt  }
0x5a: {  	_ =	shalt  }
0x5b: {  	_ =	shalt  }
0x5c: {  	_ =	shalt  }
0x5d: {  	_ =	shalt  }
0x5e: {  	_ =	shalt  }
0x5f: {  	_ =	shalt  }
0x60: {  	_ =	shalt  }
0x61: {  	_ =	shalt  }
0x62: {  	_ =	shalt  }
0x63: {  	_ =	shalt  }
0x64: {  	_ =	shalt  }
0x65: {  	_ =	shalt  }
0x66: {  	_ =	shalt  }
0x67: {  	_ =	shalt  }
0x68: {  	_ =	shalt  }
0x69: {  	_ =	shalt  }
0x6a: {  	_ =	shalt  }
0x6b: {  	_ =	shalt  }
0x6c: {  	_ =	shalt  }
0x6d: {  	_ =	shalt  }
0x6e: {  	_ =	shalt  }
0x6f: {  	_ =	shalt  }
0x70: {  	_ =	shalt  }
0x71: {  	_ =	shalt  }
0x72: {  	_ =	shalt  }
0x73: {  	_ =	shalt  }
0x74: {  	_ =	shalt  }
0x75: {  	_ =	shalt  }
0x76: {  	_ =	shalt  }
0x77: {  	_ =	shalt  }
0x78: {  	_ =	shalt  }
0x79: {  	_ =	shalt  }
0x7a: {  	_ =	shalt  }
0x7b: {  	_ =	shalt  }
0x7c: {  	_ =	shalt  }
0x7d: {  	_ =	shalt  }
0x7e: {  	_ =	shalt  }
0x7f: {  	_ =	shalt  }
0x80: {  	_ =	shalt  }
0x81: {  	_ =	shalt  }
0x82: {  	_ =	shalt  }
0x83: {  	_ =	shalt  }
0x84: {  	_ =	shalt  }
0x85: {  	_ =	shalt  }
0x86: {  	_ =	shalt  }
0x87: {  	_ =	shalt  }
.Lfunc_end0:
.L_simem_size_0:
called_computation.1_lowered:
.L_overlay_start_0:
0x88: {  	s2 =	sld [smem:$0x3FD9]  }
0x89: {  	s3 =	sld [smem:$0x3FFE];
	_ =	sdelay $0x1  }
0x8a: {  	s1 =	srdreg.scid  }
0x8b: {  	s0 =	sand.u32 $0x1, s1  }
0x8c: {  	s16 =	sshll.u32 s0, $0xA;
	s2 =	sadd.s32 s3, s2  }
0x8d: {  	s2 =	sadd.s32 s2, s16  }
0x8e: {  	[smem:$0x3FC1] =	sst s2  }
0x8f: {  	_ = 	snop  }
0x90: {  	(tm) =	ssettm $0x1  }
0x91: {  	s17 =	sld [smem:$0x3FFB];
	_ =	sdelay $0x3  }
0x92: {  	_ =	strace s17  }
0x93: {  	s2 =	sld [smem:$0x3FFC];
	_ =	sdelay $0x3  }
0x94: {  	_ =	strace s2  }
0x95: {  	s2 =	sld [smem:$0x3FFD];
	_ =	sdelay $0x3  }
0x96: {  	_ =	strace s2  }
0x97: {  	_ =	strace $0x8FFFFFFF  }
0x98: {  	s18 =	sld [smem:$0x3FDB];
	_ =	sdelay $0x1  }
0x99: {  	s19 =	simm.s32 $_scs_section_size  }
0x9a: {  	s4 =	simm.s32 $_size__tile_overlayer_lowered;
	s5 =	simm.s32 $_tile_overlayer_lowered  }
0x9b: {  	s22 =	simm.s32 $0x1BFF;
	s21 =	sshll.u32 s5, $0x1;
	s2 =	sadd.s32 s19, s18  }
0x9c: {  	s6 =	simm.s32 $0x0;
	s20 =	sshll.u32 s4, $0x1;
	s4 =	sadd.s32 s21, s2  }
0x9d: {  	[timem:s6], [sflag:s22] =	dma.local [hbm:s4], s20  }
0x9e: {  	_ =	swait.ge [sflag:s22], s20  }
0x9f: {  	s3 =	ssub.s32 $0x0, s20;
	[sflag:s22] =	ssyncset.done $0x0  }
0xa0: {  	[sflag:s22] =	ssyncadd.s32 s3;
	_ =	sdelay $0x1  }
0xa1: {  	s23 =	simm.s32 $0x1B8B  }
0xa2: {  	_ =	swait.ge [sflag:s23], $0x1  }
0xa3: {  	[sflag:s23] =	ssyncset.done $0x0  }
0xa4: {  	s25 =	simm.s32 $0x1B8E;
	s24 =	sld [smem:$0x3FFE];
	[sflag:s23] =	ssyncadd.s32 $0xFFFFFFFF  }
0xa5: {  	s26 =	simm.s32 $execute0_lowered;
	[smem:$0x3FD2] =	sst s25  }
0xa6: {  	s4 =	sshll.u32 s26, $0x1;
	_ =	strace $0x80000049;
	[dreg:$0x1] =	wrdreg $0xFFFFFFFF  }
0xa7: {  	s28 =	simm.s32 $_size_execute0_lowered;
	s2 =	sadd.s32 s2, s4;
	[dreg:$0x0] =	wrdreg $0x0  }
0xa8: {  	s4 =	sshll.u32 s28, $0x1;
	[dreg:$0x2] =	wrdreg s2  }
0xa9: {  	[dreg:$0x3] =	wrdreg s4  }
0xaa: {  	[dreg:$0x4] =	wrdreg $0xC0  }
0xab: {  	_ =	task [dreg:s6], $0x5FFFF  }
0xac: {  	[dreg:$0x1] =	wrdreg $0xFFFFFFFF  }
0xad: {  	[dreg:$0x0] =	wrdreg $0x60  }
0xae: {  	[dreg:$0x2] =	wrdreg s24  }
0xaf: {  	[dreg:$0x3] =	wrdreg $0x14A000  }
0xb0: {  	[dreg:$0x4] =	wrdreg $0x9  }
0xb1: {  	_ =	task.clear_ibuf [dreg:s6], $0x5FFFF;
	_ =	strace $0x90000049  }
0xb2: {  	s29 =	simm.s32 $0x9;
	_ =	strace $0x8000004B  }
0xb3: {  	_ =	swait.ge [sflag:s29], $0x1  }
0xb4: {  	[sflag:s29] =	ssyncadd.s32 $0xFFFFFFFF  }
0xb5: {  	_ =	strace $0x9000004B  }
0xb6: {  	_ =	sfence  }
0xb7: {  	s30 =	sld [smem:$0x0];
	_ =	sdelay $0x2  }
0xb8: {  	s31 =	sshll.u32 s1, $0xD;
	s1 =	sshrl.u32 s1, $0x2  }
0xb9: {  	s3 =	sand.u32 $0x4000, s31;
	s1 =	sadd.s32 s1, s30  }
0xba: {  	s0 =	sor.u32 s3, s0;
	s1 =	sshll.u32 s1, $0x11  }
0xbb: {  	s0 =	sor.u32 s1, s0  }
0xbc: {  	s0 =	sadd.s32 $0x8F2B, s0  }
0xbd: {  	[sflag:s0] =	ssyncadd.remote.s32 $0x1  }
0xbe: {  	_ =	sfence.sel $0xFFFF  }
0xbf: {  	[dreg:$0x0] =	wrdreg $0xFFFFFFFF;
	(pc) =	sbr.abs _section_cstart, $3  }
0xc0: {  	[dreg:$0x1] =	wrdreg $0xFFFFFFFF  }
0xc1: {  	_ =	task.clear_ibuf [dreg:s6], $0x2FFFF;
	_ =	strace $0x9FFFFFFF  }
0xc2: {  	(tm) =	ssettm $0x7FFFFFFF  }
0xc3: {  	_ =	shalt  }
tec
execute0_lowered:
.L_overlay_start_1:
0x0: {  	(tag) =	ssettag $0x1  }
0x1: {  	s0 =	srdreg.scid  }
0x2: {  	s1 =	rddreg [dreg:$0x0];
	s10 =	stileid.u32  }
0x3: {  	s2 =	rddreg [dreg:$0x1];
	s4 =	simm.s32 $0x0;
	s16 =	simm.s32 $0xA  }
0x4: {  	s17 =	simm.s32 $0x7D;
	s13 =	simm.s32 $0x4;
	s19 =	simm.s32 $0x6  }
0x5: {  	s20 =	simm.s32 $0x8;
	s0 =	sand.u32 $0x1, s0;
	[smem:$0x7FF] =	sst s4  }
0x6: {  	s6 =	smul.u32 $0x9E00, s10;
	s4 =	sadd.s32 $0xACA00, s1;
	s5 =	sadd.s32 $0x98E00, s1  }
0x7: {  	s31 =	sshll.u32 s10, $0x6;
	s3 =	sshll.u32 s0, $0x4;
	_ =	strace $0x8000004A  }
0x8: {  	s7 =	smul.u32 $0x9E000, s0;
	s0 =	ssub.s32 $0x2, s0;
	s3 =	sor.u32 s10, s3  }
0x9: {  	s8 =	sshrl.u32 s6, $0x3;
	s9 =	sshrl.u32 s0, $0x1;
	s29 =	sadd.s32 s6, s2  }
0xa: {  	s10 =	sor.u32 $0x1C0A, s31;
	s3 =	smul.u32 $0x500, s3;
	s7 =	sadd.s32 s6, s7  }
0xb: {  	s0 =	ssub.s32 s0, s9;
	s11 =	sshrl.u32 s29, $0x3;
	[dreg:$0x9] =	wrdreg s10  }
0xc: {  	s8 =	sadd.s32 s8, s1;
	s0 =	smax.u32 s0, $0x1;
	[dreg:$0xa] =	wrdreg s11  }
0xd: {  	s12 =	sadd.s32 $0xC0600, s8;
	s3 =	sadd.s32 s3, s1;
	[dreg:$0x8] =	wrdreg s0  }
0xe: {  	s7 =	sshrl.u32 s7, $0x3;
	[dreg:$0x5] =	wrdreg s12;
	s28 =	sadd.s32 $0x18C00, s3  }
0xf: {  	s1 =	sadd.s32 s7, s1;
	s3 =	sadd.s32 $0xEC00, s3;
	[dreg:$0x3] =	wrdreg s28  }
0x10: {  	s6 =	simm.s32 $0x9;
	s30 =	sadd.s32 $0xFBA00, s1;
	[dreg:$0x4] =	wrdreg s3  }
0x11: {  	s0 =	simm.s32 $0x2;
	s1 =	sadd.s32 $0xD4200, s1;
	[dreg:$0x6] =	wrdreg s30  }
0x12: {  	s7 =	simm.s32 $0x0;
	[dreg:$0x7] =	wrdreg s1;
	s1 =	simm.s32 $0x12AC0  }
.LBB2_1:
0x13: {  	[dreg:$0xb] =	wrdreg s7  }
0x14: {  	s3 =	simm.s32 $0x0;
	s29 =	rddreg [dreg:$0x3];
	s8 =	simm.s32 $0x1  }
0x15: {  	[tilespmem:s3], [sflag:$0x1] =	stream.linear.gather [hbm4b:s29+s3], $0x2800, $0x38;
	[tilespmem:$0x1E800] =	vst v63  }
0x16: {  	_ =	swait.ge [sflag:s8], $0x2800  }
0x17: {  	[sflag:s8] =	ssyncset.done $0x0  }
0x18: {  	s9 =	simm.s32 $0x2800;
	s30 =	rddreg [dreg:$0x4];
	[sflag:s8] =	ssyncadd.s32 $0xFFFFD800  }
0x19: {  	[tilespmem:s9], [sflag:$0x1] =	stream.linear.gather [hbm4b:s30+s3], $0x2800, $0x38;
	[tilespmem:$0x1E800] =	vst v63  }
0x1a: {  	_ =	swait.ge [sflag:s8], $0x2800  }
0x1b: {  	[sflag:s8] =	ssyncset.done $0x0  }
0x1c: {  	[sflag:s8] =	ssyncadd.s32 $0xFFFFD800  }
0x1d: {  	[spmem:s11], [sflag:s10] =	dma.local [hbm:s12], $0x13C0  }
0x1e: {  	_ =	swait.ge [sflag:s16], $0x13C0  }
0x1f: {  	[sflag:s16] =	ssyncset.done $0x0  }
0x20: {  	[sflag:s16] =	ssyncadd.s32 $0xFFFFEC40  }
0x21: {  	s12 =	simm.s32 $0x5000;
	[bflag:$0x0] =	sbarrier.arrive $0xFFFF  }
0x22: {  	[tilespmem:s12], [sflag:$0x2] =	stream.indirect.gather [hbm4b:s4+s17], $0x40, s3, s17, $0xb8;
	[tilespmem:$0x1E800] =	vst v63  }
0x23: {  	s26 =	simm.s32 $0x80;
	s28 =	simm.s32 $0x6F40  }
0x24: {  	[tilespmem:s28], [sflag:$0x3] =	stream.indirect.gather [hbm4b:s4+s17], $0x40, s26, s17, $0xb8;
	[tilespmem:$0x1E800] =	vst v63  }
0x25: {  	s29 =	simm.s32 $0x100;
	s30 =	simm.s32 $0x8E80  }
0x26: {  	[tilespmem:s30], [sflag:$0x4] =	stream.indirect.gather [hbm4b:s4+s17], $0x40, s29, s17, $0xb8;
	[tilespmem:$0x1E800] =	vst v63  }
0x27: {  	s14 =	simm.s32 $0x180;
	s15 =	simm.s32 $0xADC0  }
0x28: {  	[tilespmem:s15], [sflag:$0x5] =	stream.indirect.gather [hbm4b:s4+s17], $0x40, s14, s17, $0xb8;
	[tilespmem:$0x1E800] =	vst v63  }
0x29: {  	s18 =	simm.s32 $0x200;
	s14 =	simm.s32 $0xCD00  }
0x2a: {  	[tilespmem:s14], [sflag:$0x6] =	stream.indirect.gather [hbm4b:s4+s17], $0x40, s18, s17, $0xb8;
	[tilespmem:$0x1E800] =	vst v63  }
0x2b: {  	s21 =	simm.s32 $0x280;
	s22 =	simm.s32 $0xEC40  }
0x2c: {  	[tilespmem:s22], [sflag:$0x7] =	stream.indirect.gather [hbm4b:s4+s17], $0x40, s21, s17, $0xb8;
	[tilespmem:$0x1E800] =	vst v63  }
0x2d: {  	s23 =	simm.s32 $0x300;
	s15 =	simm.s32 $0x10B80  }
0x2e: {  	[tilespmem:s15], [sflag:$0x8] =	stream.indirect.gather [hbm4b:s4+s17], $0x40, s23, s17, $0xb8;
	[tilespmem:$0x1E800] =	vst v63  }
0x2f: {  	s24 =	simm.s32 $0x380  }
0x30: {  	[tilespmem:s1], [sflag:$0x9] =	stream.indirect.gather [hbm4b:s4+s17], $0x40, s24, s17, $0xb8;
	[tilespmem:$0x1E800] =	vst v63  }
0x31: {  	_ =	swait.ge [sflag:s0], $0x1F40  }
0x32: {  	[sflag:s0] =	ssyncset.done $0x0  }
0x33: {  	s25 =	simm.s32 $0x2800;
	[sflag:s0] =	ssyncadd.s32 $0xFFFFE0C0  }
0x34: {  	[spmem:s2] =	stream.indirect.scatter.add.f32 [tilespmem:s12], [sflag:$0xA], $0x40, s25, s17, $0xb8;
	[tilespmem:$0x1E800] =	vst v63  }
0x35: {  	_ =	swait.ge [sflag:s16], $0x1F40  }
0x36: {  	p0 =	por $0x0, $0x0;
	[sflag:s16] =	ssyncset.done $0x0  }
0x37: {  	s3 =	simm.s32 @p0 $0x3;
	[sflag:s16] =	ssyncadd.s32 $0xFFFFE0C0  }
0x38: {  	_ =	swait.ge @p0 [sflag:s3], $0x1F40  }
0x39: {  	s7 =	simm.s32 @p0 $0xA;
	s9 =	simm.s32 @p0 $0x2880;
	[sflag:s3] =	ssyncset.done @p0 $0x0  }
0x3a: {  	s8 =	simm.s32 @p0 $0x7D;
	[sflag:s3] =	ssyncadd.s32 @p0 $0xFFFFE0C0;
	s3 =	simm.s32 @p0 $0x6F40  }
0x3b: {  	[spmem:s2] =	stream.indirect.scatter.add.f32 @p0 [tilespmem:s3], [sflag:$0xA], $0x40, s9, s8, $0xb8;
	[tilespmem:$0x1E800] =	vst v63  }
0x3c: {  	_ =	swait.ge @p0 [sflag:s7], $0x1F40  }
0x3d: {  	s10 =	simm.s32 @!p0 $0x3;
	s11 =	simm.s32 @!p0 $0x5000;
	[sflag:s7] =	ssyncset.done @p0 $0x0  }
0x3e: {  	s9 =	simm.s32 @!p0 $0x400;
	s3 =	simm.s32 @!p0 $0x7D;
	[sflag:s7] =	ssyncadd.s32 @p0 $0xFFFFE0C0  }
0x3f: {  	[tilespmem:s11], [sflag:$0x2] =	stream.indirect.gather @!p0 [hbm4b:s4+s3], $0x40, s9, s3, $0xb8;
	[tilespmem:$0x1E800] =	vst v63  }
0x40: {  	_ =	swait.ge @!p0 [sflag:s10], $0x1F40  }
0x41: {  	s11 =	simm.s32 @!p0 $0x2880;
	[sflag:s10] =	ssyncset.done @!p0 $0x0  }
0x42: {  	s9 =	simm.s32 @!p0 $0xA;
	[sflag:s10] =	ssyncadd.s32 @!p0 $0xFFFFE0C0;
	s10 =	simm.s32 @!p0 $0x6F40  }
0x43: {  	[spmem:s2] =	stream.indirect.scatter.add.f32 @!p0 [tilespmem:s10], [sflag:$0xA], $0x40, s11, s3, $0xb8;
	[tilespmem:$0x1E800] =	vst v63  }
0x44: {  	_ =	swait.ge @!p0 [sflag:s9], $0x1F40  }
0x45: {  	[sflag:s9] =	ssyncset.done @!p0 $0x0  }
0x46: {  	s11 =	simm.s32 @!p0 $0x480;
	[sflag:s9] =	ssyncadd.s32 @!p0 $0xFFFFE0C0  }
0x47: {  	[tilespmem:s10], [sflag:$0x3] =	stream.indirect.gather @!p0 [hbm4b:s4+s3], $0x40, s11, s3, $0xb8;
	[tilespmem:$0x1E800] =	vst v63  }
0x48: {  	_ =	swait.ge [sflag:s13], $0x1F40  }
0x49: {  	[sflag:s13] =	ssyncset.done $0x0  }
0x4a: {  	s26 =	simm.s32 $0x2900;
	[sflag:s13] =	ssyncadd.s32 $0xFFFFE0C0  }
0x4b: {  	[spmem:s2] =	stream.indirect.scatter.add.f32 [tilespmem:s30], [sflag:$0xA], $0x40, s26, s17, $0xb8;
	[tilespmem:$0x1E800] =	vst v63  }
0x4c: {  	_ =	swait.ge [sflag:s16], $0x1F40  }
0x4d: {  	[sflag:s16] =	ssyncset.done $0x0  }
0x4e: {  	s10 =	simm.s32 @p0 $0x5;
	[sflag:s16] =	ssyncadd.s32 $0xFFFFE0C0  }
0x4f: {  	_ =	swait.ge @p0 [sflag:s10], $0x1F40  }
0x50: {  	[sflag:s10] =	ssyncset.done @p0 $0x0  }
0x51: {  	s11 =	simm.s32 @p0 $0x2980;
	[sflag:s10] =	ssyncadd.s32 @p0 $0xFFFFE0C0;
	s10 =	simm.s32 @p0 $0xADC0  }
0x52: {  	[spmem:s2] =	stream.indirect.scatter.add.f32 @p0 [tilespmem:s10], [sflag:$0xA], $0x40, s11, s8, $0xb8;
	[tilespmem:$0x1E800] =	vst v63  }
0x53: {  	_ =	swait.ge @p0 [sflag:s7], $0x1F40  }
0x54: {  	[sflag:s7] =	ssyncset.done @p0 $0x0  }
0x55: {  	s10 =	simm.s32 @!p0 $0x500;
	s11 =	simm.s32 @!p0 $0x8E80;
	[sflag:s7] =	ssyncadd.s32 @p0 $0xFFFFE0C0  }
0x56: {  	[tilespmem:s11], [sflag:$0x4] =	stream.indirect.gather @!p0 [hbm4b:s4+s3], $0x40, s10, s3, $0xb8;
	[tilespmem:$0x1E800] =	vst v63  }
0x57: {  	s10 =	simm.s32 @!p0 $0x5  }
0x58: {  	_ =	swait.ge @!p0 [sflag:s10], $0x1F40  }
0x59: {  	[sflag:s10] =	ssyncset.done @!p0 $0x0  }
0x5a: {  	s11 =	simm.s32 @!p0 $0x2980;
	[sflag:s10] =	ssyncadd.s32 @!p0 $0xFFFFE0C0;
	s10 =	simm.s32 @!p0 $0xADC0  }
0x5b: {  	[spmem:s2] =	stream.indirect.scatter.add.f32 @!p0 [tilespmem:s10], [sflag:$0xA], $0x40, s11, s3, $0xb8;
	[tilespmem:$0x1E800] =	vst v63  }
0x5c: {  	_ =	swait.ge @!p0 [sflag:s9], $0x1F40  }
0x5d: {  	[sflag:s9] =	ssyncset.done @!p0 $0x0  }
0x5e: {  	s11 =	simm.s32 @!p0 $0x580;
	[sflag:s9] =	ssyncadd.s32 @!p0 $0xFFFFE0C0  }
0x5f: {  	[tilespmem:s10], [sflag:$0x5] =	stream.indirect.gather @!p0 [hbm4b:s4+s3], $0x40, s11, s3, $0xb8;
	[tilespmem:$0x1E800] =	vst v63  }
0x60: {  	_ =	swait.ge [sflag:s19], $0x1F40  }
0x61: {  	[sflag:s19] =	ssyncset.done $0x0  }
0x62: {  	s28 =	simm.s32 $0x2A00;
	[sflag:s19] =	ssyncadd.s32 $0xFFFFE0C0  }
0x63: {  	[spmem:s2] =	stream.indirect.scatter.add.f32 [tilespmem:s14], [sflag:$0xA], $0x40, s28, s17, $0xb8;
	[tilespmem:$0x1E800] =	vst v63  }
0x64: {  	_ =	swait.ge [sflag:s16], $0x1F40  }
0x65: {  	[sflag:s16] =	ssyncset.done $0x0  }
0x66: {  	s10 =	simm.s32 @p0 $0x7;
	[sflag:s16] =	ssyncadd.s32 $0xFFFFE0C0  }
0x67: {  	_ =	swait.ge @p0 [sflag:s10], $0x1F40  }
0x68: {  	[sflag:s10] =	ssyncset.done @p0 $0x0  }
0x69: {  	s11 =	simm.s32 @p0 $0x2A80;
	[sflag:s10] =	ssyncadd.s32 @p0 $0xFFFFE0C0;
	s10 =	simm.s32 @p0 $0xEC40  }
0x6a: {  	[spmem:s2] =	stream.indirect.scatter.add.f32 @p0 [tilespmem:s10], [sflag:$0xA], $0x40, s11, s8, $0xb8;
	[tilespmem:$0x1E800] =	vst v63  }
0x6b: {  	_ =	swait.ge @p0 [sflag:s7], $0x1F40  }
0x6c: {  	[sflag:s7] =	ssyncset.done @p0 $0x0  }
0x6d: {  	s8 =	simm.s32 @!p0 $0x600;
	[sflag:s7] =	ssyncadd.s32 @p0 $0xFFFFE0C0;
	s7 =	simm.s32 @!p0 $0xCD00  }
0x6e: {  	[tilespmem:s7], [sflag:$0x6] =	stream.indirect.gather @!p0 [hbm4b:s4+s3], $0x40, s8, s3, $0xb8;
	[tilespmem:$0x1E800] =	vst v63  }
0x6f: {  	s7 =	simm.s32 @!p0 $0x7  }
0x70: {  	_ =	swait.ge @!p0 [sflag:s7], $0x1F40  }
0x71: {  	[sflag:s7] =	ssyncset.done @!p0 $0x0  }
0x72: {  	s8 =	simm.s32 @!p0 $0x2A80;
	[sflag:s7] =	ssyncadd.s32 @!p0 $0xFFFFE0C0;
	s7 =	simm.s32 @!p0 $0xEC40  }
0x73: {  	[spmem:s2] =	stream.indirect.scatter.add.f32 @!p0 [tilespmem:s7], [sflag:$0xA], $0x40, s8, s3, $0xb8;
	[tilespmem:$0x1E800] =	vst v63  }
0x74: {  	_ =	swait.ge @!p0 [sflag:s9], $0x1F40  }
0x75: {  	[sflag:s9] =	ssyncset.done @!p0 $0x0  }
0x76: {  	s8 =	simm.s32 @!p0 $0x680;
	[sflag:s9] =	ssyncadd.s32 @!p0 $0xFFFFE0C0  }
0x77: {  	[tilespmem:s7], [sflag:$0x7] =	stream.indirect.gather @!p0 [hbm4b:s4+s3], $0x40, s8, s3, $0xb8;
	[tilespmem:$0x1E800] =	vst v63  }
0x78: {  	_ =	swait.ge [sflag:s20], $0x1F40  }
0x79: {  	[sflag:s20] =	ssyncset.done $0x0  }
0x7a: {  	s29 =	simm.s32 $0x2B00;
	[sflag:s20] =	ssyncadd.s32 $0xFFFFE0C0  }
0x7b: {  	[spmem:s2] =	stream.indirect.scatter.add.f32 [tilespmem:s15], [sflag:$0xA], $0x40, s29, s17, $0xb8;
	[tilespmem:$0x1E800] =	vst v63  }
0x7c: {  	_ =	swait.ge [sflag:s16], $0x1F40  }
0x7d: {  	[sflag:s16] =	ssyncset.done $0x0  }
0x7e: {  	s7 =	simm.s32 @!p0 $0x700;
	s8 =	simm.s32 @!p0 $0x10B80;
	[sflag:s16] =	ssyncadd.s32 $0xFFFFE0C0  }
0x7f: {  	[tilespmem:s8], [sflag:$0x8] =	stream.indirect.gather @!p0 [hbm4b:s4+s3], $0x40, s7, s3, $0xb8;
	[tilespmem:$0x1E800] =	vst v63  }
0x80: {  	_ =	swait.ge [sflag:s6], $0x1F40  }
0x81: {  	[sflag:s6] =	ssyncset.done $0x0  }
0x82: {  	s30 =	simm.s32 $0x2B80;
	[sflag:s6] =	ssyncadd.s32 $0xFFFFE0C0  }
0x83: {  	[spmem:s2] =	stream.indirect.scatter.add.f32 [tilespmem:s1], [sflag:$0xA], $0x40, s30, s17, $0xb8;
	[tilespmem:$0x1E800] =	vst v63  }
0x84: {  	s31 =	simm.s32 $0x10B80;
	s23 =	simm.s32 $0x2000;
	_ =	swait.ge [sflag:s16], $0x1F40  }
0x85: {  	s24 =	simm.s32 $0x1000;
	s7 =	simm.s32 $0x400;
	[sflag:s16] =	ssyncset.done $0x0  }
.LBB2_2:
0x86: {  	s3 =	sadd.s32 $0x380, s7  }
0x87: {  	[sflag:s16] =	ssyncadd.s32 $0xFFFFE0C0;
	s12 =	smov.u32 s23;
	s23 =	sadd.s32 $0x1000, s23  }
0x88: {  	[tilespmem:s1], [sflag:$0x9] =	stream.indirect.gather [hbm4b:s4+s17], $0x40, s3, s17, $0xb8;
	[tilespmem:$0x1E800] =	vst v63  }
0x89: {  	p0 =	sne.s32 s23, $0xA000;
	_ =	swait.ge [sflag:s0], $0x1F40  }
0x8a: {  	[sflag:s0] =	ssyncset.done $0x0  }
0x8b: {  	s8 =	simm.s32 $0x5000;
	s3 =	sadd.s32 $0x2800, s7;
	[sflag:s0] =	ssyncadd.s32 $0xFFFFE0C0  }
0x8c: {  	[spmem:s2] =	stream.indirect.scatter.add.f32 [tilespmem:s8], [sflag:$0xA], $0x40, s3, s17, $0xb8;
	[tilespmem:$0x1E800] =	vst v63  }
0x8d: {  	_ =	swait.ge [sflag:s16], $0x1F40  }
0x8e: {  	p1 =	seq.s32 s24, $0x9000;
	[sflag:s16] =	ssyncset.done $0x0  }
0x8f: {  	s3 =	simm.s32 @p1 $0x3;
	s8 =	sshra.s32 @p1 s24, $0x2;
	[sflag:s16] =	ssyncadd.s32 $0xFFFFE0C0  }
0x90: {  	s24 =	sshra.s32 @!p1 s24, $0x2;
	s9 =	sadd.s32 @p1 $0x2880, s8;
	_ =	swait.ge @p1 [sflag:s3], $0x1F40  }
0x91: {  	s10 =	simm.s32 @p1 $0xA;
	s14 =	sadd.s32 @!p1 $0x400, s24;
	[sflag:s3] =	ssyncset.done @p1 $0x0  }
0x92: {  	s11 =	simm.s32 @p1 $0x7D;
	[sflag:s3] =	ssyncadd.s32 @p1 $0xFFFFE0C0;
	s3 =	simm.s32 @p1 $0x6F40  }
0x93: {  	[spmem:s2] =	stream.indirect.scatter.add.f32 @p1 [tilespmem:s3], [sflag:$0xA], $0x40, s9, s11, $0xb8;
	[tilespmem:$0x1E800] =	vst v63  }
0x94: {  	s21 =	sadd.s32 @!p1 $0x480, s24;
	s3 =	sadd.s32 @!p1 $0x2880, s24;
	_ =	swait.ge @p1 [sflag:s10], $0x1F40  }
0x95: {  	s25 =	simm.s32 @!p1 $0x3;
	s18 =	sadd.s32 @p1 $0x2980, s8;
	[sflag:s10] =	ssyncset.done @p1 $0x0  }
0x96: {  	s15 =	simm.s32 @!p1 $0x5000;
	s9 =	simm.s32 @!p1 $0x7D;
	[sflag:s10] =	ssyncadd.s32 @p1 $0xFFFFE0C0  }
0x97: {  	[tilespmem:s15], [sflag:$0x2] =	stream.indirect.gather @!p1 [hbm4b:s4+s9], $0x40, s14, s9, $0xb8;
	[tilespmem:$0x1E800] =	vst v63  }
0x98: {  	s22 =	sadd.s32 @!p1 $0x500, s24;
	s15 =	sadd.s32 @!p1 $0x2980, s24;
	_ =	swait.ge @!p1 [sflag:s25], $0x1F40  }
0x99: {  	s8 =	sadd.s32 @p1 $0x2A80, s8;
	s14 =	sadd.s32 @!p1 $0x580, s24;
	[sflag:s25] =	ssyncset.done @!p1 $0x0  }
0x9a: {  	s26 =	simm.s32 @!p1 $0x6F40;
	s28 =	simm.s32 @!p1 $0xA;
	[sflag:s25] =	ssyncadd.s32 @!p1 $0xFFFFE0C0  }
0x9b: {  	[spmem:s2] =	stream.indirect.scatter.add.f32 @!p1 [tilespmem:s26], [sflag:$0xA], $0x40, s3, s9, $0xb8;
	[tilespmem:$0x1E800] =	vst v63  }
0x9c: {  	s30 =	sadd.s32 @!p1 $0x2A80, s24;
	s3 =	sadd.s32 @!p1 $0x600, s24;
	_ =	swait.ge @!p1 [sflag:s28], $0x1F40  }
0x9d: {  	s29 =	sadd.s32 @!p1 $0x680, s24;
	s25 =	sadd.s32 @!p1 $0x700, s24;
	[sflag:s28] =	ssyncset.done @!p1 $0x0  }
0x9e: {  	s24 =	smov.u32 s12;
	[sflag:s28] =	ssyncadd.s32 @!p1 $0xFFFFE0C0  }
0x9f: {  	[tilespmem:s26], [sflag:$0x3] =	stream.indirect.gather @!p1 [hbm4b:s4+s9], $0x40, s21, s9, $0xb8;
	[tilespmem:$0x1E800] =	vst v63  }
0xa0: {  	_ =	swait.ge [sflag:s13], $0x1F40  }
0xa1: {  	[sflag:s13] =	ssyncset.done $0x0  }
0xa2: {  	s12 =	sadd.s32 $0x2900, s7;
	s21 =	simm.s32 $0x8E80;
	[sflag:s13] =	ssyncadd.s32 $0xFFFFE0C0  }
0xa3: {  	[spmem:s2] =	stream.indirect.scatter.add.f32 [tilespmem:s21], [sflag:$0xA], $0x40, s12, s17, $0xb8;
	[tilespmem:$0x1E800] =	vst v63  }
0xa4: {  	_ =	swait.ge [sflag:s16], $0x1F40  }
0xa5: {  	[sflag:s16] =	ssyncset.done $0x0  }
0xa6: {  	s12 =	simm.s32 @p1 $0x5;
	[sflag:s16] =	ssyncadd.s32 $0xFFFFE0C0  }
0xa7: {  	_ =	swait.ge @p1 [sflag:s12], $0x1F40  }
0xa8: {  	[sflag:s12] =	ssyncset.done @p1 $0x0  }
0xa9: {  	[sflag:s12] =	ssyncadd.s32 @p1 $0xFFFFE0C0;
	s12 =	simm.s32 @p1 $0xADC0  }
0xaa: {  	[spmem:s2] =	stream.indirect.scatter.add.f32 @p1 [tilespmem:s12], [sflag:$0xA], $0x40, s18, s11, $0xb8;
	[tilespmem:$0x1E800] =	vst v63  }
0xab: {  	_ =	swait.ge @p1 [sflag:s10], $0x1F40  }
0xac: {  	[sflag:s10] =	ssyncset.done @p1 $0x0  }
0xad: {  	s12 =	simm.s32 @!p1 $0x8E80;
	s18 =	simm.s32 @!p1 $0x5;
	[sflag:s10] =	ssyncadd.s32 @p1 $0xFFFFE0C0  }
0xae: {  	[tilespmem:s12], [sflag:$0x4] =	stream.indirect.gather @!p1 [hbm4b:s4+s9], $0x40, s22, s9, $0xb8;
	[tilespmem:$0x1E800] =	vst v63  }
0xaf: {  	_ =	swait.ge @!p1 [sflag:s18], $0x1F40  }
0xb0: {  	[sflag:s18] =	ssyncset.done @!p1 $0x0  }
0xb1: {  	s12 =	simm.s32 @!p1 $0xADC0;
	[sflag:s18] =	ssyncadd.s32 @!p1 $0xFFFFE0C0  }
0xb2: {  	[spmem:s2] =	stream.indirect.scatter.add.f32 @!p1 [tilespmem:s12], [sflag:$0xA], $0x40, s15, s9, $0xb8;
	[tilespmem:$0x1E800] =	vst v63  }
0xb3: {  	_ =	swait.ge @!p1 [sflag:s28], $0x1F40  }
0xb4: {  	[sflag:s28] =	ssyncset.done @!p1 $0x0  }
0xb5: {  	[sflag:s28] =	ssyncadd.s32 @!p1 $0xFFFFE0C0  }
0xb6: {  	[tilespmem:s12], [sflag:$0x5] =	stream.indirect.gather @!p1 [hbm4b:s4+s9], $0x40, s14, s9, $0xb8;
	[tilespmem:$0x1E800] =	vst v63  }
0xb7: {  	_ =	swait.ge [sflag:s19], $0x1F40  }
0xb8: {  	[sflag:s19] =	ssyncset.done $0x0  }
0xb9: {  	s12 =	sadd.s32 $0x2A00, s7;
	s14 =	simm.s32 $0xCD00;
	[sflag:s19] =	ssyncadd.s32 $0xFFFFE0C0  }
0xba: {  	[spmem:s2] =	stream.indirect.scatter.add.f32 [tilespmem:s14], [sflag:$0xA], $0x40, s12, s17, $0xb8;
	[tilespmem:$0x1E800] =	vst v63  }
0xbb: {  	_ =	swait.ge [sflag:s16], $0x1F40  }
0xbc: {  	[sflag:s16] =	ssyncset.done $0x0  }
0xbd: {  	s12 =	simm.s32 @p1 $0x7;
	[sflag:s16] =	ssyncadd.s32 $0xFFFFE0C0  }
0xbe: {  	_ =	swait.ge @p1 [sflag:s12], $0x1F40  }
0xbf: {  	[sflag:s12] =	ssyncset.done @p1 $0x0  }
0xc0: {  	[sflag:s12] =	ssyncadd.s32 @p1 $0xFFFFE0C0;
	s12 =	simm.s32 @p1 $0xEC40  }
0xc1: {  	[spmem:s2] =	stream.indirect.scatter.add.f32 @p1 [tilespmem:s12], [sflag:$0xA], $0x40, s8, s11, $0xb8;
	[tilespmem:$0x1E800] =	vst v63  }
0xc2: {  	_ =	swait.ge @p1 [sflag:s10], $0x1F40  }
0xc3: {  	[sflag:s10] =	ssyncset.done @p1 $0x0  }
0xc4: {  	s8 =	simm.s32 @!p1 $0xCD00;
	[sflag:s10] =	ssyncadd.s32 @p1 $0xFFFFE0C0;
	s10 =	simm.s32 @!p1 $0x7  }
0xc5: {  	[tilespmem:s8], [sflag:$0x6] =	stream.indirect.gather @!p1 [hbm4b:s4+s9], $0x40, s3, s9, $0xb8;
	[tilespmem:$0x1E800] =	vst v63  }
0xc6: {  	_ =	swait.ge @!p1 [sflag:s10], $0x1F40  }
0xc7: {  	[sflag:s10] =	ssyncset.done @!p1 $0x0  }
0xc8: {  	s3 =	simm.s32 @!p1 $0xEC40;
	[sflag:s10] =	ssyncadd.s32 @!p1 $0xFFFFE0C0  }
0xc9: {  	[spmem:s2] =	stream.indirect.scatter.add.f32 @!p1 [tilespmem:s3], [sflag:$0xA], $0x40, s30, s9, $0xb8;
	[tilespmem:$0x1E800] =	vst v63  }
0xca: {  	_ =	swait.ge @!p1 [sflag:s28], $0x1F40  }
0xcb: {  	[sflag:s28] =	ssyncset.done @!p1 $0x0  }
0xcc: {  	[sflag:s28] =	ssyncadd.s32 @!p1 $0xFFFFE0C0  }
0xcd: {  	[tilespmem:s3], [sflag:$0x7] =	stream.indirect.gather @!p1 [hbm4b:s4+s9], $0x40, s29, s9, $0xb8;
	[tilespmem:$0x1E800] =	vst v63  }
0xce: {  	_ =	swait.ge [sflag:s20], $0x1F40  }
0xcf: {  	[sflag:s20] =	ssyncset.done $0x0  }
0xd0: {  	s3 =	sadd.s32 $0x2B00, s7;
	[sflag:s20] =	ssyncadd.s32 $0xFFFFE0C0  }
0xd1: {  	[spmem:s2] =	stream.indirect.scatter.add.f32 [tilespmem:s31], [sflag:$0xA], $0x40, s3, s17, $0xb8;
	[tilespmem:$0x1E800] =	vst v63  }
0xd2: {  	_ =	swait.ge [sflag:s16], $0x1F40  }
0xd3: {  	[sflag:s16] =	ssyncset.done $0x0  }
0xd4: {  	s3 =	simm.s32 @!p1 $0x10B80;
	[sflag:s16] =	ssyncadd.s32 $0xFFFFE0C0  }
0xd5: {  	[tilespmem:s3], [sflag:$0x8] =	stream.indirect.gather @!p1 [hbm4b:s4+s9], $0x40, s25, s9, $0xb8;
	[tilespmem:$0x1E800] =	vst v63  }
0xd6: {  	_ =	swait.ge [sflag:s6], $0x1F40  }
.Ltmp0:
0xd7: {  	[sflag:s6] =	ssyncset.done $0x0;
	(pc) =	sbr.rel @p0 .LBB2_2-.Ltmp0, $4  }
0xd8: {  	s3 =	sadd.s32 $0x2B80, s7;
	[sflag:s6] =	ssyncadd.s32 $0xFFFFE0C0  }
0xd9: {  	[spmem:s2] =	stream.indirect.scatter.add.f32 [tilespmem:s1], [sflag:$0xA], $0x40, s3, s17, $0xb8;
	[tilespmem:$0x1E800] =	vst v63  }
0xda: {  	_ =	swait.ge [sflag:s16], $0x1F40  }
0xdb: {  	s7 =	sshra.s32 s24, $0x2;
	[sflag:s16] =	ssyncset.done $0x0  }
0xdc: {  	s3 =	sadd.s32 $0x380, s7;
	[sflag:s16] =	ssyncadd.s32 $0xFFFFE0C0  }
0xdd: {  	[tilespmem:s1], [sflag:$0x9] =	stream.indirect.gather [hbm4b:s4+s17], $0x40, s3, s17, $0xb8;
	[tilespmem:$0x1E800] =	vst v63  }
0xde: {  	_ =	swait.ge [sflag:s0], $0x1F40  }
0xdf: {  	[sflag:s0] =	ssyncset.done $0x0  }
0xe0: {  	s21 =	sadd.s32 $0x2800, s7;
	s18 =	simm.s32 $0x5000;
	[sflag:s0] =	ssyncadd.s32 $0xFFFFE0C0  }
0xe1: {  	[spmem:s2] =	stream.indirect.scatter.add.f32 [tilespmem:s18], [sflag:$0xA], $0x40, s21, s17, $0xb8;
	[tilespmem:$0x1E800] =	vst v63  }
0xe2: {  	_ =	swait.ge [sflag:s16], $0x1F40  }
0xe3: {  	p0 =	seq.s32 s24, $0x9000;
	[sflag:s16] =	ssyncset.done $0x0  }
0xe4: {  	s3 =	simm.s32 @p0 $0x3;
	[sflag:s16] =	ssyncadd.s32 $0xFFFFE0C0  }
0xe5: {  	s10 =	sshra.s32 @p0 s24, $0x2;
	_ =	swait.ge @p0 [sflag:s3], $0x1F40  }
0xe6: {  	s9 =	simm.s32 @p0 $0xA;
	s11 =	simm.s32 @p0 $0x7D;
	[sflag:s3] =	ssyncset.done @p0 $0x0  }
0xe7: {  	s8 =	sadd.s32 @p0 $0x2880, s10;
	[sflag:s3] =	ssyncadd.s32 @p0 $0xFFFFE0C0;
	s3 =	simm.s32 @p0 $0x6F40  }
0xe8: {  	[spmem:s2] =	stream.indirect.scatter.add.f32 @p0 [tilespmem:s3], [sflag:$0xA], $0x40, s8, s11, $0xb8;
	[tilespmem:$0x1E800] =	vst v63  }
0xe9: {  	s14 =	simm.s32 @!p0 $0x3;
	_ =	swait.ge @p0 [sflag:s9], $0x1F40  }
0xea: {  	s15 =	simm.s32 @!p0 $0x5000;
	s3 =	sshra.s32 @!p0 s24, $0x2;
	[sflag:s9] =	ssyncset.done @p0 $0x0  }
0xeb: {  	s8 =	simm.s32 @!p0 $0x7D;
	s12 =	sadd.s32 @!p0 $0x400, s3;
	[sflag:s9] =	ssyncadd.s32 @p0 $0xFFFFE0C0  }
0xec: {  	[tilespmem:s15], [sflag:$0x2] =	stream.indirect.gather @!p0 [hbm4b:s4+s8], $0x40, s12, s8, $0xb8;
	[tilespmem:$0x1E800] =	vst v63  }
0xed: {  	_ =	swait.ge @!p0 [sflag:s14], $0x1F40  }
0xee: {  	s15 =	sadd.s32 @!p0 $0x2880, s3;
	[sflag:s14] =	ssyncset.done @!p0 $0x0  }
0xef: {  	s12 =	simm.s32 @!p0 $0xA;
	[sflag:s14] =	ssyncadd.s32 @!p0 $0xFFFFE0C0;
	s14 =	simm.s32 @!p0 $0x6F40  }
0xf0: {  	[spmem:s2] =	stream.indirect.scatter.add.f32 @!p0 [tilespmem:s14], [sflag:$0xA], $0x40, s15, s8, $0xb8;
	[tilespmem:$0x1E800] =	vst v63  }
0xf1: {  	_ =	swait.ge @!p0 [sflag:s12], $0x1F40  }
0xf2: {  	[sflag:s12] =	ssyncset.done @!p0 $0x0  }
0xf3: {  	s15 =	sadd.s32 @!p0 $0x480, s3;
	[sflag:s12] =	ssyncadd.s32 @!p0 $0xFFFFE0C0  }
0xf4: {  	[tilespmem:s14], [sflag:$0x3] =	stream.indirect.gather @!p0 [hbm4b:s4+s8], $0x40, s15, s8, $0xb8;
	[tilespmem:$0x1E800] =	vst v63  }
0xf5: {  	_ =	swait.ge [sflag:s13], $0x1F40  }
0xf6: {  	[sflag:s13] =	ssyncset.done $0x0  }
0xf7: {  	s22 =	sadd.s32 $0x2900, s7;
	s21 =	simm.s32 $0x8E80;
	[sflag:s13] =	ssyncadd.s32 $0xFFFFE0C0  }
0xf8: {  	[spmem:s2] =	stream.indirect.scatter.add.f32 [tilespmem:s21], [sflag:$0xA], $0x40, s22, s17, $0xb8;
	[tilespmem:$0x1E800] =	vst v63  }
0xf9: {  	_ =	swait.ge [sflag:s16], $0x1F40  }
0xfa: {  	[sflag:s16] =	ssyncset.done $0x0  }
0xfb: {  	s14 =	simm.s32 @p0 $0x5;
	[sflag:s16] =	ssyncadd.s32 $0xFFFFE0C0  }
0xfc: {  	_ =	swait.ge @p0 [sflag:s14], $0x1F40  }
0xfd: {  	[sflag:s14] =	ssyncset.done @p0 $0x0  }
0xfe: {  	s15 =	sadd.s32 @p0 $0x2980, s10;
	[sflag:s14] =	ssyncadd.s32 @p0 $0xFFFFE0C0;
	s14 =	simm.s32 @p0 $0xADC0  }
0xff: {  	[spmem:s2] =	stream.indirect.scatter.add.f32 @p0 [tilespmem:s14], [sflag:$0xA], $0x40, s15, s11, $0xb8;
	[tilespmem:$0x1E800] =	vst v63  }
0x100: {  	_ =	swait.ge @p0 [sflag:s9], $0x1F40  }
0x101: {  	[sflag:s9] =	ssyncset.done @p0 $0x0  }
0x102: {  	s14 =	sadd.s32 @!p0 $0x500, s3;
	s15 =	simm.s32 @!p0 $0x8E80;
	[sflag:s9] =	ssyncadd.s32 @p0 $0xFFFFE0C0  }
0x103: {  	[tilespmem:s15], [sflag:$0x4] =	stream.indirect.gather @!p0 [hbm4b:s4+s8], $0x40, s14, s8, $0xb8;
	[tilespmem:$0x1E800] =	vst v63  }
0x104: {  	s14 =	simm.s32 @!p0 $0x5  }
0x105: {  	_ =	swait.ge @!p0 [sflag:s14], $0x1F40  }
0x106: {  	[sflag:s14] =	ssyncset.done @!p0 $0x0  }
0x107: {  	s15 =	sadd.s32 @!p0 $0x2980, s3;
	[sflag:s14] =	ssyncadd.s32 @!p0 $0xFFFFE0C0;
	s14 =	simm.s32 @!p0 $0xADC0  }
0x108: {  	[spmem:s2] =	stream.indirect.scatter.add.f32 @!p0 [tilespmem:s14], [sflag:$0xA], $0x40, s15, s8, $0xb8;
	[tilespmem:$0x1E800] =	vst v63  }
0x109: {  	_ =	swait.ge @!p0 [sflag:s12], $0x1F40  }
0x10a: {  	[sflag:s12] =	ssyncset.done @!p0 $0x0  }
0x10b: {  	s15 =	sadd.s32 @!p0 $0x580, s3;
	[sflag:s12] =	ssyncadd.s32 @!p0 $0xFFFFE0C0  }
0x10c: {  	[tilespmem:s14], [sflag:$0x5] =	stream.indirect.gather @!p0 [hbm4b:s4+s8], $0x40, s15, s8, $0xb8;
	[tilespmem:$0x1E800] =	vst v63  }
0x10d: {  	_ =	swait.ge [sflag:s19], $0x1F40  }
0x10e: {  	[sflag:s19] =	ssyncset.done $0x0  }
0x10f: {  	s23 =	sadd.s32 $0x2A00, s7;
	s15 =	simm.s32 $0xCD00;
	[sflag:s19] =	ssyncadd.s32 $0xFFFFE0C0  }
0x110: {  	[spmem:s2] =	stream.indirect.scatter.add.f32 [tilespmem:s15], [sflag:$0xA], $0x40, s23, s17, $0xb8;
	[tilespmem:$0x1E800] =	vst v63  }
0x111: {  	_ =	swait.ge [sflag:s16], $0x1F40  }
0x112: {  	[sflag:s16] =	ssyncset.done $0x0  }
0x113: {  	s14 =	simm.s32 @p0 $0x7;
	[sflag:s16] =	ssyncadd.s32 $0xFFFFE0C0  }
0x114: {  	_ =	swait.ge @p0 [sflag:s14], $0x1F40  }
0x115: {  	[sflag:s14] =	ssyncset.done @p0 $0x0  }
0x116: {  	s10 =	sadd.s32 @p0 $0x2A80, s10;
	[sflag:s14] =	ssyncadd.s32 @p0 $0xFFFFE0C0;
	s14 =	simm.s32 @p0 $0xEC40  }
0x117: {  	[spmem:s2] =	stream.indirect.scatter.add.f32 @p0 [tilespmem:s14], [sflag:$0xA], $0x40, s10, s11, $0xb8;
	[tilespmem:$0x1E800] =	vst v63  }
0x118: {  	_ =	swait.ge @p0 [sflag:s9], $0x1F40  }
0x119: {  	[sflag:s9] =	ssyncset.done @p0 $0x0  }
0x11a: {  	s10 =	sadd.s32 @!p0 $0x600, s3;
	[sflag:s9] =	ssyncadd.s32 @p0 $0xFFFFE0C0;
	s9 =	simm.s32 @!p0 $0xCD00  }
0x11b: {  	[tilespmem:s9], [sflag:$0x6] =	stream.indirect.gather @!p0 [hbm4b:s4+s8], $0x40, s10, s8, $0xb8;
	[tilespmem:$0x1E800] =	vst v63  }
0x11c: {  	s9 =	simm.s32 @!p0 $0x7  }
0x11d: {  	_ =	swait.ge @!p0 [sflag:s9], $0x1F40  }
0x11e: {  	[sflag:s9] =	ssyncset.done @!p0 $0x0  }
0x11f: {  	s10 =	sadd.s32 @!p0 $0x2A80, s3;
	[sflag:s9] =	ssyncadd.s32 @!p0 $0xFFFFE0C0;
	s9 =	simm.s32 @!p0 $0xEC40  }
0x120: {  	[spmem:s2] =	stream.indirect.scatter.add.f32 @!p0 [tilespmem:s9], [sflag:$0xA], $0x40, s10, s8, $0xb8;
	[tilespmem:$0x1E800] =	vst v63  }
0x121: {  	_ =	swait.ge @!p0 [sflag:s12], $0x1F40  }
0x122: {  	[sflag:s12] =	ssyncset.done @!p0 $0x0  }
0x123: {  	s10 =	sadd.s32 @!p0 $0x680, s3;
	[sflag:s12] =	ssyncadd.s32 @!p0 $0xFFFFE0C0  }
0x124: {  	[tilespmem:s9], [sflag:$0x7] =	stream.indirect.gather @!p0 [hbm4b:s4+s8], $0x40, s10, s8, $0xb8;
	[tilespmem:$0x1E800] =	vst v63  }
0x125: {  	_ =	swait.ge [sflag:s20], $0x1F40  }
0x126: {  	[sflag:s20] =	ssyncset.done $0x0  }
0x127: {  	s24 =	sadd.s32 $0x2B00, s7;
	s12 =	simm.s32 $0x10B80;
	[sflag:s20] =	ssyncadd.s32 $0xFFFFE0C0  }
0x128: {  	[spmem:s2] =	stream.indirect.scatter.add.f32 [tilespmem:s12], [sflag:$0xA], $0x40, s24, s17, $0xb8;
	[tilespmem:$0x1E800] =	vst v63  }
0x129: {  	_ =	swait.ge [sflag:s16], $0x1F40  }
0x12a: {  	[sflag:s16] =	ssyncset.done $0x0  }
0x12b: {  	s3 =	sadd.s32 @!p0 $0x700, s3;
	s9 =	simm.s32 @!p0 $0x10B80;
	[sflag:s16] =	ssyncadd.s32 $0xFFFFE0C0  }
0x12c: {  	[tilespmem:s9], [sflag:$0x8] =	stream.indirect.gather @!p0 [hbm4b:s4+s8], $0x40, s3, s8, $0xb8;
	[tilespmem:$0x1E800] =	vst v63  }
0x12d: {  	_ =	swait.ge [sflag:s6], $0x1F40  }
0x12e: {  	[sflag:s6] =	ssyncset.done $0x0  }
0x12f: {  	s25 =	sadd.s32 $0x2B80, s7;
	[sflag:s6] =	ssyncadd.s32 $0xFFFFE0C0  }
0x130: {  	[spmem:s2] =	stream.indirect.scatter.add.f32 [tilespmem:s1], [sflag:$0xA], $0x40, s25, s17, $0xb8;
	[tilespmem:$0x1E800] =	vst v63  }
0x131: {  	_ =	swait.ge [sflag:s16], $0x1F40  }
0x132: {  	[sflag:s16] =	ssyncset.done $0x0  }
0x133: {  	[sflag:s16] =	ssyncadd.s32 $0xFFFFE0C0  }
0x134: {  	[bflag:$0x0] =	sbarrier.arrive $0xFFFF  }
0x135: {  	s26 =	rddreg [dreg:$0x6]  }
0x136: {  	s28 =	rddreg [dreg:$0x9]  }
0x137: {  	s29 =	rddreg [dreg:$0xa]  }
0x138: {  	[hbm:s26], [sflag:s28] =	dma.local [spmem:s29], $0x13C0  }
0x139: {  	_ =	swait.ge [sflag:s16], $0x13C0  }
0x13a: {  	[sflag:s16] =	ssyncset.done $0x0  }
0x13b: {  	[sflag:s16] =	ssyncadd.s32 $0xFFFFEC40  }
0x13c: {  	[bflag:$0x0] =	sbarrier.arrive $0xFFFF  }
0x13d: {  	s30 =	rddreg [dreg:$0x5]  }
0x13e: {  	[spmem:s29], [sflag:s28] =	dma.local [hbm:s30], $0x13C0  }
0x13f: {  	_ =	swait.ge [sflag:s16], $0x13C0  }
0x140: {  	[sflag:s16] =	ssyncset.done $0x0  }
0x141: {  	[sflag:s16] =	ssyncadd.s32 $0xFFFFEC40  }
0x142: {  	s31 =	simm.s32 $0x0;
	[bflag:$0x0] =	sbarrier.arrive $0xFFFF  }
0x143: {  	[tilespmem:s18], [sflag:$0x2] =	stream.indirect.gather [hbm4b:s5+s17], $0x40, s31, s17, $0xb8;
	[tilespmem:$0x1E800] =	vst v63  }
0x144: {  	s7 =	simm.s32 $0x80;
	s8 =	simm.s32 $0x6F40  }
0x145: {  	[tilespmem:s8], [sflag:$0x3] =	stream.indirect.gather [hbm4b:s5+s17], $0x40, s7, s17, $0xb8;
	[tilespmem:$0x1E800] =	vst v63  }
0x146: {  	s9 =	simm.s32 $0x100  }
0x147: {  	[tilespmem:s21], [sflag:$0x4] =	stream.indirect.gather [hbm4b:s5+s17], $0x40, s9, s17, $0xb8;
	[tilespmem:$0x1E800] =	vst v63  }
0x148: {  	s11 =	simm.s32 $0xADC0;
	s10 =	simm.s32 $0x180  }
0x149: {  	[tilespmem:s11], [sflag:$0x5] =	stream.indirect.gather [hbm4b:s5+s17], $0x40, s10, s17, $0xb8;
	[tilespmem:$0x1E800] =	vst v63  }
0x14a: {  	s14 =	simm.s32 $0x200  }
0x14b: {  	[tilespmem:s15], [sflag:$0x6] =	stream.indirect.gather [hbm4b:s5+s17], $0x40, s14, s17, $0xb8;
	[tilespmem:$0x1E800] =	vst v63  }
0x14c: {  	s22 =	simm.s32 $0x280;
	s23 =	simm.s32 $0xEC40  }
0x14d: {  	[tilespmem:s23], [sflag:$0x7] =	stream.indirect.gather [hbm4b:s5+s17], $0x40, s22, s17, $0xb8;
	[tilespmem:$0x1E800] =	vst v63  }
0x14e: {  	s24 =	simm.s32 $0x300  }
0x14f: {  	[tilespmem:s12], [sflag:$0x8] =	stream.indirect.gather [hbm4b:s5+s17], $0x40, s24, s17, $0xb8;
	[tilespmem:$0x1E800] =	vst v63  }
0x150: {  	s25 =	simm.s32 $0x380  }
0x151: {  	[tilespmem:s1], [sflag:$0x9] =	stream.indirect.gather [hbm4b:s5+s17], $0x40, s25, s17, $0xb8;
	[tilespmem:$0x1E800] =	vst v63  }
0x152: {  	_ =	swait.ge [sflag:s0], $0x1F40  }
0x153: {  	[sflag:s0] =	ssyncset.done $0x0  }
0x154: {  	s26 =	simm.s32 $0x2800;
	[sflag:s0] =	ssyncadd.s32 $0xFFFFE0C0  }
0x155: {  	[spmem:s2] =	stream.indirect.scatter.add.f32 [tilespmem:s18], [sflag:$0xA], $0x40, s26, s17, $0xb8;
	[tilespmem:$0x1E800] =	vst v63  }
0x156: {  	_ =	swait.ge [sflag:s16], $0x1F40  }
0x157: {  	p0 =	por $0x0, $0x0;
	[sflag:s16] =	ssyncset.done $0x0  }
0x158: {  	s3 =	simm.s32 @p0 $0x3;
	[sflag:s16] =	ssyncadd.s32 $0xFFFFE0C0  }
0x159: {  	_ =	swait.ge @p0 [sflag:s3], $0x1F40  }
0x15a: {  	s7 =	simm.s32 @p0 $0xA;
	s8 =	simm.s32 @p0 $0x7D;
	[sflag:s3] =	ssyncset.done @p0 $0x0  }
0x15b: {  	s9 =	simm.s32 @p0 $0x2880;
	[sflag:s3] =	ssyncadd.s32 @p0 $0xFFFFE0C0;
	s3 =	simm.s32 @p0 $0x6F40  }
0x15c: {  	[spmem:s2] =	stream.indirect.scatter.add.f32 @p0 [tilespmem:s3], [sflag:$0xA], $0x40, s9, s8, $0xb8;
	[tilespmem:$0x1E800] =	vst v63  }
0x15d: {  	_ =	swait.ge @p0 [sflag:s7], $0x1F40  }
0x15e: {  	s10 =	simm.s32 @!p0 $0x3;
	s11 =	simm.s32 @!p0 $0x5000;
	[sflag:s7] =	ssyncset.done @p0 $0x0  }
0x15f: {  	s9 =	simm.s32 @!p0 $0x400;
	s3 =	simm.s32 @!p0 $0x7D;
	[sflag:s7] =	ssyncadd.s32 @p0 $0xFFFFE0C0  }
0x160: {  	[tilespmem:s11], [sflag:$0x2] =	stream.indirect.gather @!p0 [hbm4b:s5+s3], $0x40, s9, s3, $0xb8;
	[tilespmem:$0x1E800] =	vst v63  }
0x161: {  	_ =	swait.ge @!p0 [sflag:s10], $0x1F40  }
0x162: {  	s11 =	simm.s32 @!p0 $0x2880;
	[sflag:s10] =	ssyncset.done @!p0 $0x0  }
0x163: {  	s9 =	simm.s32 @!p0 $0xA;
	[sflag:s10] =	ssyncadd.s32 @!p0 $0xFFFFE0C0;
	s10 =	simm.s32 @!p0 $0x6F40  }
0x164: {  	[spmem:s2] =	stream.indirect.scatter.add.f32 @!p0 [tilespmem:s10], [sflag:$0xA], $0x40, s11, s3, $0xb8;
	[tilespmem:$0x1E800] =	vst v63  }
0x165: {  	_ =	swait.ge @!p0 [sflag:s9], $0x1F40  }
0x166: {  	[sflag:s9] =	ssyncset.done @!p0 $0x0  }
0x167: {  	s11 =	simm.s32 @!p0 $0x480;
	[sflag:s9] =	ssyncadd.s32 @!p0 $0xFFFFE0C0  }
0x168: {  	[tilespmem:s10], [sflag:$0x3] =	stream.indirect.gather @!p0 [hbm4b:s5+s3], $0x40, s11, s3, $0xb8;
	[tilespmem:$0x1E800] =	vst v63  }
0x169: {  	_ =	swait.ge [sflag:s13], $0x1F40  }
0x16a: {  	[sflag:s13] =	ssyncset.done $0x0  }
0x16b: {  	s28 =	simm.s32 $0x2900;
	[sflag:s13] =	ssyncadd.s32 $0xFFFFE0C0  }
0x16c: {  	[spmem:s2] =	stream.indirect.scatter.add.f32 [tilespmem:s21], [sflag:$0xA], $0x40, s28, s17, $0xb8;
	[tilespmem:$0x1E800] =	vst v63  }
0x16d: {  	_ =	swait.ge [sflag:s16], $0x1F40  }
0x16e: {  	[sflag:s16] =	ssyncset.done $0x0  }
0x16f: {  	s10 =	simm.s32 @p0 $0x5;
	[sflag:s16] =	ssyncadd.s32 $0xFFFFE0C0  }
0x170: {  	_ =	swait.ge @p0 [sflag:s10], $0x1F40  }
0x171: {  	[sflag:s10] =	ssyncset.done @p0 $0x0  }
0x172: {  	s11 =	simm.s32 @p0 $0x2980;
	[sflag:s10] =	ssyncadd.s32 @p0 $0xFFFFE0C0;
	s10 =	simm.s32 @p0 $0xADC0  }
0x173: {  	[spmem:s2] =	stream.indirect.scatter.add.f32 @p0 [tilespmem:s10], [sflag:$0xA], $0x40, s11, s8, $0xb8;
	[tilespmem:$0x1E800] =	vst v63  }
0x174: {  	_ =	swait.ge @p0 [sflag:s7], $0x1F40  }
0x175: {  	[sflag:s7] =	ssyncset.done @p0 $0x0  }
0x176: {  	s10 =	simm.s32 @!p0 $0x500;
	s11 =	simm.s32 @!p0 $0x8E80;
	[sflag:s7] =	ssyncadd.s32 @p0 $0xFFFFE0C0  }
0x177: {  	[tilespmem:s11], [sflag:$0x4] =	stream.indirect.gather @!p0 [hbm4b:s5+s3], $0x40, s10, s3, $0xb8;
	[tilespmem:$0x1E800] =	vst v63  }
0x178: {  	s10 =	simm.s32 @!p0 $0x5  }
0x179: {  	_ =	swait.ge @!p0 [sflag:s10], $0x1F40  }
0x17a: {  	[sflag:s10] =	ssyncset.done @!p0 $0x0  }
0x17b: {  	s11 =	simm.s32 @!p0 $0x2980;
	[sflag:s10] =	ssyncadd.s32 @!p0 $0xFFFFE0C0;
	s10 =	simm.s32 @!p0 $0xADC0  }
0x17c: {  	[spmem:s2] =	stream.indirect.scatter.add.f32 @!p0 [tilespmem:s10], [sflag:$0xA], $0x40, s11, s3, $0xb8;
	[tilespmem:$0x1E800] =	vst v63  }
0x17d: {  	_ =	swait.ge @!p0 [sflag:s9], $0x1F40  }
0x17e: {  	[sflag:s9] =	ssyncset.done @!p0 $0x0  }
0x17f: {  	s11 =	simm.s32 @!p0 $0x580;
	[sflag:s9] =	ssyncadd.s32 @!p0 $0xFFFFE0C0  }
0x180: {  	[tilespmem:s10], [sflag:$0x5] =	stream.indirect.gather @!p0 [hbm4b:s5+s3], $0x40, s11, s3, $0xb8;
	[tilespmem:$0x1E800] =	vst v63  }
0x181: {  	_ =	swait.ge [sflag:s19], $0x1F40  }
0x182: {  	[sflag:s19] =	ssyncset.done $0x0  }
0x183: {  	s29 =	simm.s32 $0x2A00;
	[sflag:s19] =	ssyncadd.s32 $0xFFFFE0C0  }
0x184: {  	[spmem:s2] =	stream.indirect.scatter.add.f32 [tilespmem:s15], [sflag:$0xA], $0x40, s29, s17, $0xb8;
	[tilespmem:$0x1E800] =	vst v63  }
0x185: {  	_ =	swait.ge [sflag:s16], $0x1F40  }
0x186: {  	[sflag:s16] =	ssyncset.done $0x0  }
0x187: {  	s10 =	simm.s32 @p0 $0x7;
	[sflag:s16] =	ssyncadd.s32 $0xFFFFE0C0  }
0x188: {  	_ =	swait.ge @p0 [sflag:s10], $0x1F40  }
0x189: {  	[sflag:s10] =	ssyncset.done @p0 $0x0  }
0x18a: {  	s11 =	simm.s32 @p0 $0x2A80;
	[sflag:s10] =	ssyncadd.s32 @p0 $0xFFFFE0C0;
	s10 =	simm.s32 @p0 $0xEC40  }
0x18b: {  	[spmem:s2] =	stream.indirect.scatter.add.f32 @p0 [tilespmem:s10], [sflag:$0xA], $0x40, s11, s8, $0xb8;
	[tilespmem:$0x1E800] =	vst v63  }
0x18c: {  	_ =	swait.ge @p0 [sflag:s7], $0x1F40  }
0x18d: {  	[sflag:s7] =	ssyncset.done @p0 $0x0  }
0x18e: {  	s8 =	simm.s32 @!p0 $0x600;
	[sflag:s7] =	ssyncadd.s32 @p0 $0xFFFFE0C0;
	s7 =	simm.s32 @!p0 $0xCD00  }
0x18f: {  	[tilespmem:s7], [sflag:$0x6] =	stream.indirect.gather @!p0 [hbm4b:s5+s3], $0x40, s8, s3, $0xb8;
	[tilespmem:$0x1E800] =	vst v63  }
0x190: {  	s7 =	simm.s32 @!p0 $0x7  }
0x191: {  	_ =	swait.ge @!p0 [sflag:s7], $0x1F40  }
0x192: {  	[sflag:s7] =	ssyncset.done @!p0 $0x0  }
0x193: {  	s8 =	simm.s32 @!p0 $0x2A80;
	[sflag:s7] =	ssyncadd.s32 @!p0 $0xFFFFE0C0;
	s7 =	simm.s32 @!p0 $0xEC40  }
0x194: {  	[spmem:s2] =	stream.indirect.scatter.add.f32 @!p0 [tilespmem:s7], [sflag:$0xA], $0x40, s8, s3, $0xb8;
	[tilespmem:$0x1E800] =	vst v63  }
0x195: {  	_ =	swait.ge @!p0 [sflag:s9], $0x1F40  }
0x196: {  	[sflag:s9] =	ssyncset.done @!p0 $0x0  }
0x197: {  	s8 =	simm.s32 @!p0 $0x680;
	[sflag:s9] =	ssyncadd.s32 @!p0 $0xFFFFE0C0  }
0x198: {  	[tilespmem:s7], [sflag:$0x7] =	stream.indirect.gather @!p0 [hbm4b:s5+s3], $0x40, s8, s3, $0xb8;
	[tilespmem:$0x1E800] =	vst v63  }
0x199: {  	_ =	swait.ge [sflag:s20], $0x1F40  }
0x19a: {  	[sflag:s20] =	ssyncset.done $0x0  }
0x19b: {  	s30 =	simm.s32 $0x2B00;
	[sflag:s20] =	ssyncadd.s32 $0xFFFFE0C0  }
0x19c: {  	[spmem:s2] =	stream.indirect.scatter.add.f32 [tilespmem:s12], [sflag:$0xA], $0x40, s30, s17, $0xb8;
	[tilespmem:$0x1E800] =	vst v63  }
0x19d: {  	_ =	swait.ge [sflag:s16], $0x1F40  }
0x19e: {  	[sflag:s16] =	ssyncset.done $0x0  }
0x19f: {  	s7 =	simm.s32 @!p0 $0x700;
	s8 =	simm.s32 @!p0 $0x10B80;
	[sflag:s16] =	ssyncadd.s32 $0xFFFFE0C0  }
0x1a0: {  	[tilespmem:s8], [sflag:$0x8] =	stream.indirect.gather @!p0 [hbm4b:s5+s3], $0x40, s7, s3, $0xb8;
	[tilespmem:$0x1E800] =	vst v63  }
0x1a1: {  	_ =	swait.ge [sflag:s6], $0x1F40  }
0x1a2: {  	[sflag:s6] =	ssyncset.done $0x0  }
0x1a3: {  	s31 =	simm.s32 $0x2B80;
	[sflag:s6] =	ssyncadd.s32 $0xFFFFE0C0  }
0x1a4: {  	[spmem:s2] =	stream.indirect.scatter.add.f32 [tilespmem:s1], [sflag:$0xA], $0x40, s31, s17, $0xb8;
	[tilespmem:$0x1E800] =	vst v63  }
0x1a5: {  	s23 =	simm.s32 $0x2000;
	_ =	swait.ge [sflag:s16], $0x1F40  }
0x1a6: {  	s24 =	simm.s32 $0x1000;
	s7 =	simm.s32 $0x400;
	[sflag:s16] =	ssyncset.done $0x0  }
.LBB2_4:
0x1a7: {  	s3 =	sadd.s32 $0x380, s7  }
0x1a8: {  	[sflag:s16] =	ssyncadd.s32 $0xFFFFE0C0;
	s12 =	smov.u32 s23;
	s23 =	sadd.s32 $0x1000, s23  }
0x1a9: {  	[tilespmem:s1], [sflag:$0x9] =	stream.indirect.gather [hbm4b:s5+s17], $0x40, s3, s17, $0xb8;
	[tilespmem:$0x1E800] =	vst v63  }
0x1aa: {  	p0 =	sne.s32 s23, $0xA000;
	_ =	swait.ge [sflag:s0], $0x1F40  }
0x1ab: {  	[sflag:s0] =	ssyncset.done $0x0  }
0x1ac: {  	s8 =	simm.s32 $0x5000;
	s3 =	sadd.s32 $0x2800, s7;
	[sflag:s0] =	ssyncadd.s32 $0xFFFFE0C0  }
0x1ad: {  	[spmem:s2] =	stream.indirect.scatter.add.f32 [tilespmem:s8], [sflag:$0xA], $0x40, s3, s17, $0xb8;
	[tilespmem:$0x1E800] =	vst v63  }
0x1ae: {  	_ =	swait.ge [sflag:s16], $0x1F40  }
0x1af: {  	p1 =	seq.s32 s24, $0x9000;
	[sflag:s16] =	ssyncset.done $0x0  }
0x1b0: {  	s3 =	simm.s32 @p1 $0x3;
	s8 =	sshra.s32 @p1 s24, $0x2;
	[sflag:s16] =	ssyncadd.s32 $0xFFFFE0C0  }
0x1b1: {  	s18 =	sshra.s32 @!p1 s24, $0x2;
	s9 =	sadd.s32 @p1 $0x2880, s8;
	_ =	swait.ge @p1 [sflag:s3], $0x1F40  }
0x1b2: {  	s10 =	simm.s32 @p1 $0xA;
	s14 =	sadd.s32 @!p1 $0x400, s18;
	[sflag:s3] =	ssyncset.done @p1 $0x0  }
0x1b3: {  	s11 =	simm.s32 @p1 $0x7D;
	[sflag:s3] =	ssyncadd.s32 @p1 $0xFFFFE0C0;
	s3 =	simm.s32 @p1 $0x6F40  }
0x1b4: {  	[spmem:s2] =	stream.indirect.scatter.add.f32 @p1 [tilespmem:s3], [sflag:$0xA], $0x40, s9, s11, $0xb8;
	[tilespmem:$0x1E800] =	vst v63  }
0x1b5: {  	s21 =	sadd.s32 @!p1 $0x480, s18;
	s3 =	sadd.s32 @!p1 $0x2880, s18;
	_ =	swait.ge @p1 [sflag:s10], $0x1F40  }
0x1b6: {  	s22 =	simm.s32 @!p1 $0x3;
	s26 =	sadd.s32 @p1 $0x2980, s8;
	[sflag:s10] =	ssyncset.done @p1 $0x0  }
0x1b7: {  	s15 =	simm.s32 @!p1 $0x5000;
	s9 =	simm.s32 @!p1 $0x7D;
	[sflag:s10] =	ssyncadd.s32 @p1 $0xFFFFE0C0  }
0x1b8: {  	[tilespmem:s15], [sflag:$0x2] =	stream.indirect.gather @!p1 [hbm4b:s5+s9], $0x40, s14, s9, $0xb8;
	[tilespmem:$0x1E800] =	vst v63  }
0x1b9: {  	s31 =	sadd.s32 @!p1 $0x500, s18;
	s15 =	sadd.s32 @!p1 $0x2980, s18;
	_ =	swait.ge @!p1 [sflag:s22], $0x1F40  }
0x1ba: {  	s8 =	sadd.s32 @p1 $0x2A80, s8;
	s14 =	sadd.s32 @!p1 $0x580, s18;
	[sflag:s22] =	ssyncset.done @!p1 $0x0  }
0x1bb: {  	s28 =	simm.s32 @!p1 $0xA;
	[sflag:s22] =	ssyncadd.s32 @!p1 $0xFFFFE0C0;
	s22 =	simm.s32 @!p1 $0x6F40  }
0x1bc: {  	[spmem:s2] =	stream.indirect.scatter.add.f32 @!p1 [tilespmem:s22], [sflag:$0xA], $0x40, s3, s9, $0xb8;
	[tilespmem:$0x1E800] =	vst v63  }
0x1bd: {  	s30 =	sadd.s32 @!p1 $0x2A80, s18;
	s3 =	sadd.s32 @!p1 $0x600, s18;
	_ =	swait.ge @!p1 [sflag:s28], $0x1F40  }
0x1be: {  	s29 =	sadd.s32 @!p1 $0x680, s18;
	s25 =	sadd.s32 @!p1 $0x700, s18;
	[sflag:s28] =	ssyncset.done @!p1 $0x0  }
0x1bf: {  	s24 =	smov.u32 s12;
	[sflag:s28] =	ssyncadd.s32 @!p1 $0xFFFFE0C0  }
0x1c0: {  	[tilespmem:s22], [sflag:$0x3] =	stream.indirect.gather @!p1 [hbm4b:s5+s9], $0x40, s21, s9, $0xb8;
	[tilespmem:$0x1E800] =	vst v63  }
0x1c1: {  	_ =	swait.ge [sflag:s13], $0x1F40  }
0x1c2: {  	[sflag:s13] =	ssyncset.done $0x0  }
0x1c3: {  	s12 =	sadd.s32 $0x2900, s7;
	s18 =	simm.s32 $0x8E80;
	[sflag:s13] =	ssyncadd.s32 $0xFFFFE0C0  }
0x1c4: {  	[spmem:s2] =	stream.indirect.scatter.add.f32 [tilespmem:s18], [sflag:$0xA], $0x40, s12, s17, $0xb8;
	[tilespmem:$0x1E800] =	vst v63  }
0x1c5: {  	_ =	swait.ge [sflag:s16], $0x1F40  }
0x1c6: {  	[sflag:s16] =	ssyncset.done $0x0  }
0x1c7: {  	s12 =	simm.s32 @p1 $0x5;
	[sflag:s16] =	ssyncadd.s32 $0xFFFFE0C0  }
0x1c8: {  	_ =	swait.ge @p1 [sflag:s12], $0x1F40  }
0x1c9: {  	[sflag:s12] =	ssyncset.done @p1 $0x0  }
0x1ca: {  	[sflag:s12] =	ssyncadd.s32 @p1 $0xFFFFE0C0;
	s12 =	simm.s32 @p1 $0xADC0  }
0x1cb: {  	[spmem:s2] =	stream.indirect.scatter.add.f32 @p1 [tilespmem:s12], [sflag:$0xA], $0x40, s26, s11, $0xb8;
	[tilespmem:$0x1E800] =	vst v63  }
0x1cc: {  	_ =	swait.ge @p1 [sflag:s10], $0x1F40  }
0x1cd: {  	[sflag:s10] =	ssyncset.done @p1 $0x0  }
0x1ce: {  	s18 =	simm.s32 @!p1 $0x5;
	s12 =	simm.s32 @!p1 $0x8E80;
	[sflag:s10] =	ssyncadd.s32 @p1 $0xFFFFE0C0  }
0x1cf: {  	[tilespmem:s12], [sflag:$0x4] =	stream.indirect.gather @!p1 [hbm4b:s5+s9], $0x40, s31, s9, $0xb8;
	[tilespmem:$0x1E800] =	vst v63  }
0x1d0: {  	_ =	swait.ge @!p1 [sflag:s18], $0x1F40  }
0x1d1: {  	[sflag:s18] =	ssyncset.done @!p1 $0x0  }
0x1d2: {  	s12 =	simm.s32 @!p1 $0xADC0;
	[sflag:s18] =	ssyncadd.s32 @!p1 $0xFFFFE0C0  }
0x1d3: {  	[spmem:s2] =	stream.indirect.scatter.add.f32 @!p1 [tilespmem:s12], [sflag:$0xA], $0x40, s15, s9, $0xb8;
	[tilespmem:$0x1E800] =	vst v63  }
0x1d4: {  	_ =	swait.ge @!p1 [sflag:s28], $0x1F40  }
0x1d5: {  	[sflag:s28] =	ssyncset.done @!p1 $0x0  }
0x1d6: {  	[sflag:s28] =	ssyncadd.s32 @!p1 $0xFFFFE0C0  }
0x1d7: {  	[tilespmem:s12], [sflag:$0x5] =	stream.indirect.gather @!p1 [hbm4b:s5+s9], $0x40, s14, s9, $0xb8;
	[tilespmem:$0x1E800] =	vst v63  }
0x1d8: {  	_ =	swait.ge [sflag:s19], $0x1F40  }
0x1d9: {  	[sflag:s19] =	ssyncset.done $0x0  }
0x1da: {  	s12 =	sadd.s32 $0x2A00, s7;
	s14 =	simm.s32 $0xCD00;
	[sflag:s19] =	ssyncadd.s32 $0xFFFFE0C0  }
0x1db: {  	[spmem:s2] =	stream.indirect.scatter.add.f32 [tilespmem:s14], [sflag:$0xA], $0x40, s12, s17, $0xb8;
	[tilespmem:$0x1E800] =	vst v63  }
0x1dc: {  	_ =	swait.ge [sflag:s16], $0x1F40  }
0x1dd: {  	[sflag:s16] =	ssyncset.done $0x0  }
0x1de: {  	s12 =	simm.s32 @p1 $0x7;
	[sflag:s16] =	ssyncadd.s32 $0xFFFFE0C0  }
0x1df: {  	_ =	swait.ge @p1 [sflag:s12], $0x1F40  }
0x1e0: {  	[sflag:s12] =	ssyncset.done @p1 $0x0  }
0x1e1: {  	[sflag:s12] =	ssyncadd.s32 @p1 $0xFFFFE0C0;
	s12 =	simm.s32 @p1 $0xEC40  }
0x1e2: {  	[spmem:s2] =	stream.indirect.scatter.add.f32 @p1 [tilespmem:s12], [sflag:$0xA], $0x40, s8, s11, $0xb8;
	[tilespmem:$0x1E800] =	vst v63  }
0x1e3: {  	_ =	swait.ge @p1 [sflag:s10], $0x1F40  }
0x1e4: {  	[sflag:s10] =	ssyncset.done @p1 $0x0  }
0x1e5: {  	s8 =	simm.s32 @!p1 $0xCD00;
	[sflag:s10] =	ssyncadd.s32 @p1 $0xFFFFE0C0;
	s10 =	simm.s32 @!p1 $0x7  }
0x1e6: {  	[tilespmem:s8], [sflag:$0x6] =	stream.indirect.gather @!p1 [hbm4b:s5+s9], $0x40, s3, s9, $0xb8;
	[tilespmem:$0x1E800] =	vst v63  }
0x1e7: {  	_ =	swait.ge @!p1 [sflag:s10], $0x1F40  }
0x1e8: {  	[sflag:s10] =	ssyncset.done @!p1 $0x0  }
0x1e9: {  	s3 =	simm.s32 @!p1 $0xEC40;
	[sflag:s10] =	ssyncadd.s32 @!p1 $0xFFFFE0C0  }
0x1ea: {  	[spmem:s2] =	stream.indirect.scatter.add.f32 @!p1 [tilespmem:s3], [sflag:$0xA], $0x40, s30, s9, $0xb8;
	[tilespmem:$0x1E800] =	vst v63  }
0x1eb: {  	_ =	swait.ge @!p1 [sflag:s28], $0x1F40  }
0x1ec: {  	[sflag:s28] =	ssyncset.done @!p1 $0x0  }
0x1ed: {  	[sflag:s28] =	ssyncadd.s32 @!p1 $0xFFFFE0C0  }
0x1ee: {  	[tilespmem:s3], [sflag:$0x7] =	stream.indirect.gather @!p1 [hbm4b:s5+s9], $0x40, s29, s9, $0xb8;
	[tilespmem:$0x1E800] =	vst v63  }
0x1ef: {  	_ =	swait.ge [sflag:s20], $0x1F40  }
0x1f0: {  	[sflag:s20] =	ssyncset.done $0x0  }
0x1f1: {  	s8 =	simm.s32 $0x10B80;
	s3 =	sadd.s32 $0x2B00, s7;
	[sflag:s20] =	ssyncadd.s32 $0xFFFFE0C0  }
0x1f2: {  	[spmem:s2] =	stream.indirect.scatter.add.f32 [tilespmem:s8], [sflag:$0xA], $0x40, s3, s17, $0xb8;
	[tilespmem:$0x1E800] =	vst v63  }
0x1f3: {  	_ =	swait.ge [sflag:s16], $0x1F40  }
0x1f4: {  	[sflag:s16] =	ssyncset.done $0x0  }
0x1f5: {  	s3 =	simm.s32 @!p1 $0x10B80;
	[sflag:s16] =	ssyncadd.s32 $0xFFFFE0C0  }
0x1f6: {  	[tilespmem:s3], [sflag:$0x8] =	stream.indirect.gather @!p1 [hbm4b:s5+s9], $0x40, s25, s9, $0xb8;
	[tilespmem:$0x1E800] =	vst v63  }
0x1f7: {  	_ =	swait.ge [sflag:s6], $0x1F40  }
.Ltmp1:
0x1f8: {  	[sflag:s6] =	ssyncset.done $0x0;
	(pc) =	sbr.rel @p0 .LBB2_4-.Ltmp1, $4  }
0x1f9: {  	s3 =	sadd.s32 $0x2B80, s7;
	[sflag:s6] =	ssyncadd.s32 $0xFFFFE0C0  }
0x1fa: {  	[spmem:s2] =	stream.indirect.scatter.add.f32 [tilespmem:s1], [sflag:$0xA], $0x40, s3, s17, $0xb8;
	[tilespmem:$0x1E800] =	vst v63  }
0x1fb: {  	_ =	swait.ge [sflag:s16], $0x1F40  }
0x1fc: {  	s7 =	sshra.s32 s24, $0x2;
	[sflag:s16] =	ssyncset.done $0x0  }
0x1fd: {  	s3 =	sadd.s32 $0x380, s7;
	[sflag:s16] =	ssyncadd.s32 $0xFFFFE0C0  }
0x1fe: {  	[tilespmem:s1], [sflag:$0x9] =	stream.indirect.gather [hbm4b:s5+s17], $0x40, s3, s17, $0xb8;
	[tilespmem:$0x1E800] =	vst v63  }
0x1ff: {  	_ =	swait.ge [sflag:s0], $0x1F40  }
0x200: {  	[sflag:s0] =	ssyncset.done $0x0  }
0x201: {  	s18 =	sadd.s32 $0x2800, s7;
	s8 =	simm.s32 $0x5000;
	[sflag:s0] =	ssyncadd.s32 $0xFFFFE0C0  }
0x202: {  	[spmem:s2] =	stream.indirect.scatter.add.f32 [tilespmem:s8], [sflag:$0xA], $0x40, s18, s17, $0xb8;
	[tilespmem:$0x1E800] =	vst v63  }
0x203: {  	_ =	swait.ge [sflag:s16], $0x1F40  }
0x204: {  	p0 =	seq.s32 s24, $0x9000;
	[sflag:s16] =	ssyncset.done $0x0  }
0x205: {  	s3 =	simm.s32 @p0 $0x3;
	[sflag:s16] =	ssyncadd.s32 $0xFFFFE0C0  }
0x206: {  	s10 =	sshra.s32 @p0 s24, $0x2;
	_ =	swait.ge @p0 [sflag:s3], $0x1F40  }
0x207: {  	s9 =	simm.s32 @p0 $0xA;
	s11 =	simm.s32 @p0 $0x7D;
	[sflag:s3] =	ssyncset.done @p0 $0x0  }
0x208: {  	s8 =	sadd.s32 @p0 $0x2880, s10;
	[sflag:s3] =	ssyncadd.s32 @p0 $0xFFFFE0C0;
	s3 =	simm.s32 @p0 $0x6F40  }
0x209: {  	[spmem:s2] =	stream.indirect.scatter.add.f32 @p0 [tilespmem:s3], [sflag:$0xA], $0x40, s8, s11, $0xb8;
	[tilespmem:$0x1E800] =	vst v63  }
0x20a: {  	s14 =	simm.s32 @!p0 $0x3;
	_ =	swait.ge @p0 [sflag:s9], $0x1F40  }
0x20b: {  	s15 =	simm.s32 @!p0 $0x5000;
	s3 =	sshra.s32 @!p0 s24, $0x2;
	[sflag:s9] =	ssyncset.done @p0 $0x0  }
0x20c: {  	s8 =	simm.s32 @!p0 $0x7D;
	s12 =	sadd.s32 @!p0 $0x400, s3;
	[sflag:s9] =	ssyncadd.s32 @p0 $0xFFFFE0C0  }
0x20d: {  	[tilespmem:s15], [sflag:$0x2] =	stream.indirect.gather @!p0 [hbm4b:s5+s8], $0x40, s12, s8, $0xb8;
	[tilespmem:$0x1E800] =	vst v63  }
0x20e: {  	_ =	swait.ge @!p0 [sflag:s14], $0x1F40  }
0x20f: {  	s15 =	sadd.s32 @!p0 $0x2880, s3;
	[sflag:s14] =	ssyncset.done @!p0 $0x0  }
0x210: {  	s12 =	simm.s32 @!p0 $0xA;
	[sflag:s14] =	ssyncadd.s32 @!p0 $0xFFFFE0C0;
	s14 =	simm.s32 @!p0 $0x6F40  }
0x211: {  	[spmem:s2] =	stream.indirect.scatter.add.f32 @!p0 [tilespmem:s14], [sflag:$0xA], $0x40, s15, s8, $0xb8;
	[tilespmem:$0x1E800] =	vst v63  }
0x212: {  	_ =	swait.ge @!p0 [sflag:s12], $0x1F40  }
0x213: {  	[sflag:s12] =	ssyncset.done @!p0 $0x0  }
0x214: {  	s15 =	sadd.s32 @!p0 $0x480, s3;
	[sflag:s12] =	ssyncadd.s32 @!p0 $0xFFFFE0C0  }
0x215: {  	[tilespmem:s14], [sflag:$0x3] =	stream.indirect.gather @!p0 [hbm4b:s5+s8], $0x40, s15, s8, $0xb8;
	[tilespmem:$0x1E800] =	vst v63  }
0x216: {  	_ =	swait.ge [sflag:s13], $0x1F40  }
0x217: {  	[sflag:s13] =	ssyncset.done $0x0  }
0x218: {  	s21 =	sadd.s32 $0x2900, s7;
	s22 =	simm.s32 $0x8E80;
	[sflag:s13] =	ssyncadd.s32 $0xFFFFE0C0  }
0x219: {  	[spmem:s2] =	stream.indirect.scatter.add.f32 [tilespmem:s22], [sflag:$0xA], $0x40, s21, s17, $0xb8;
	[tilespmem:$0x1E800] =	vst v63  }
0x21a: {  	_ =	swait.ge [sflag:s16], $0x1F40  }
0x21b: {  	[sflag:s16] =	ssyncset.done $0x0  }
0x21c: {  	s14 =	simm.s32 @p0 $0x5;
	[sflag:s16] =	ssyncadd.s32 $0xFFFFE0C0  }
0x21d: {  	_ =	swait.ge @p0 [sflag:s14], $0x1F40  }
0x21e: {  	[sflag:s14] =	ssyncset.done @p0 $0x0  }
0x21f: {  	s15 =	sadd.s32 @p0 $0x2980, s10;
	[sflag:s14] =	ssyncadd.s32 @p0 $0xFFFFE0C0;
	s14 =	simm.s32 @p0 $0xADC0  }
0x220: {  	[spmem:s2] =	stream.indirect.scatter.add.f32 @p0 [tilespmem:s14], [sflag:$0xA], $0x40, s15, s11, $0xb8;
	[tilespmem:$0x1E800] =	vst v63  }
0x221: {  	_ =	swait.ge @p0 [sflag:s9], $0x1F40  }
0x222: {  	[sflag:s9] =	ssyncset.done @p0 $0x0  }
0x223: {  	s14 =	sadd.s32 @!p0 $0x500, s3;
	s15 =	simm.s32 @!p0 $0x8E80;
	[sflag:s9] =	ssyncadd.s32 @p0 $0xFFFFE0C0  }
0x224: {  	[tilespmem:s15], [sflag:$0x4] =	stream.indirect.gather @!p0 [hbm4b:s5+s8], $0x40, s14, s8, $0xb8;
	[tilespmem:$0x1E800] =	vst v63  }
0x225: {  	s14 =	simm.s32 @!p0 $0x5  }
0x226: {  	_ =	swait.ge @!p0 [sflag:s14], $0x1F40  }
0x227: {  	[sflag:s14] =	ssyncset.done @!p0 $0x0  }
0x228: {  	s15 =	sadd.s32 @!p0 $0x2980, s3;
	[sflag:s14] =	ssyncadd.s32 @!p0 $0xFFFFE0C0;
	s14 =	simm.s32 @!p0 $0xADC0  }
0x229: {  	[spmem:s2] =	stream.indirect.scatter.add.f32 @!p0 [tilespmem:s14], [sflag:$0xA], $0x40, s15, s8, $0xb8;
	[tilespmem:$0x1E800] =	vst v63  }
0x22a: {  	_ =	swait.ge @!p0 [sflag:s12], $0x1F40  }
0x22b: {  	[sflag:s12] =	ssyncset.done @!p0 $0x0  }
0x22c: {  	s15 =	sadd.s32 @!p0 $0x580, s3;
	[sflag:s12] =	ssyncadd.s32 @!p0 $0xFFFFE0C0  }
0x22d: {  	[tilespmem:s14], [sflag:$0x5] =	stream.indirect.gather @!p0 [hbm4b:s5+s8], $0x40, s15, s8, $0xb8;
	[tilespmem:$0x1E800] =	vst v63  }
0x22e: {  	_ =	swait.ge [sflag:s19], $0x1F40  }
0x22f: {  	[sflag:s19] =	ssyncset.done $0x0  }
0x230: {  	s23 =	sadd.s32 $0x2A00, s7;
	s24 =	simm.s32 $0xCD00;
	[sflag:s19] =	ssyncadd.s32 $0xFFFFE0C0  }
0x231: {  	[spmem:s2] =	stream.indirect.scatter.add.f32 [tilespmem:s24], [sflag:$0xA], $0x40, s23, s17, $0xb8;
	[tilespmem:$0x1E800] =	vst v63  }
0x232: {  	_ =	swait.ge [sflag:s16], $0x1F40  }
0x233: {  	[sflag:s16] =	ssyncset.done $0x0  }
0x234: {  	s14 =	simm.s32 @p0 $0x7;
	[sflag:s16] =	ssyncadd.s32 $0xFFFFE0C0  }
0x235: {  	_ =	swait.ge @p0 [sflag:s14], $0x1F40  }
0x236: {  	[sflag:s14] =	ssyncset.done @p0 $0x0  }
0x237: {  	s10 =	sadd.s32 @p0 $0x2A80, s10;
	[sflag:s14] =	ssyncadd.s32 @p0 $0xFFFFE0C0;
	s14 =	simm.s32 @p0 $0xEC40  }
0x238: {  	[spmem:s2] =	stream.indirect.scatter.add.f32 @p0 [tilespmem:s14], [sflag:$0xA], $0x40, s10, s11, $0xb8;
	[tilespmem:$0x1E800] =	vst v63  }
0x239: {  	_ =	swait.ge @p0 [sflag:s9], $0x1F40  }
0x23a: {  	[sflag:s9] =	ssyncset.done @p0 $0x0  }
0x23b: {  	s10 =	sadd.s32 @!p0 $0x600, s3;
	[sflag:s9] =	ssyncadd.s32 @p0 $0xFFFFE0C0;
	s9 =	simm.s32 @!p0 $0xCD00  }
0x23c: {  	[tilespmem:s9], [sflag:$0x6] =	stream.indirect.gather @!p0 [hbm4b:s5+s8], $0x40, s10, s8, $0xb8;
	[tilespmem:$0x1E800] =	vst v63  }
0x23d: {  	s9 =	simm.s32 @!p0 $0x7  }
0x23e: {  	_ =	swait.ge @!p0 [sflag:s9], $0x1F40  }
0x23f: {  	[sflag:s9] =	ssyncset.done @!p0 $0x0  }
0x240: {  	s10 =	sadd.s32 @!p0 $0x2A80, s3;
	[sflag:s9] =	ssyncadd.s32 @!p0 $0xFFFFE0C0;
	s9 =	simm.s32 @!p0 $0xEC40  }
0x241: {  	[spmem:s2] =	stream.indirect.scatter.add.f32 @!p0 [tilespmem:s9], [sflag:$0xA], $0x40, s10, s8, $0xb8;
	[tilespmem:$0x1E800] =	vst v63  }
0x242: {  	_ =	swait.ge @!p0 [sflag:s12], $0x1F40  }
0x243: {  	[sflag:s12] =	ssyncset.done @!p0 $0x0  }
0x244: {  	s10 =	sadd.s32 @!p0 $0x680, s3;
	[sflag:s12] =	ssyncadd.s32 @!p0 $0xFFFFE0C0  }
0x245: {  	[tilespmem:s9], [sflag:$0x7] =	stream.indirect.gather @!p0 [hbm4b:s5+s8], $0x40, s10, s8, $0xb8;
	[tilespmem:$0x1E800] =	vst v63  }
0x246: {  	_ =	swait.ge [sflag:s20], $0x1F40  }
0x247: {  	[sflag:s20] =	ssyncset.done $0x0  }
0x248: {  	s25 =	sadd.s32 $0x2B00, s7;
	s26 =	simm.s32 $0x10B80;
	[sflag:s20] =	ssyncadd.s32 $0xFFFFE0C0  }
0x249: {  	[spmem:s2] =	stream.indirect.scatter.add.f32 [tilespmem:s26], [sflag:$0xA], $0x40, s25, s17, $0xb8;
	[tilespmem:$0x1E800] =	vst v63  }
0x24a: {  	_ =	swait.ge [sflag:s16], $0x1F40  }
0x24b: {  	[sflag:s16] =	ssyncset.done $0x0  }
0x24c: {  	s3 =	sadd.s32 @!p0 $0x700, s3;
	s9 =	simm.s32 @!p0 $0x10B80;
	[sflag:s16] =	ssyncadd.s32 $0xFFFFE0C0  }
0x24d: {  	[tilespmem:s9], [sflag:$0x8] =	stream.indirect.gather @!p0 [hbm4b:s5+s8], $0x40, s3, s8, $0xb8;
	[tilespmem:$0x1E800] =	vst v63  }
0x24e: {  	_ =	swait.ge [sflag:s6], $0x1F40  }
0x24f: {  	[sflag:s6] =	ssyncset.done $0x0  }
0x250: {  	s28 =	sadd.s32 $0x2B80, s7;
	[sflag:s6] =	ssyncadd.s32 $0xFFFFE0C0  }
0x251: {  	[spmem:s2] =	stream.indirect.scatter.add.f32 [tilespmem:s1], [sflag:$0xA], $0x40, s28, s17, $0xb8;
	[tilespmem:$0x1E800] =	vst v63  }
0x252: {  	_ =	swait.ge [sflag:s16], $0x1F40  }
0x253: {  	[sflag:s16] =	ssyncset.done $0x0  }
0x254: {  	[sflag:s16] =	ssyncadd.s32 $0xFFFFE0C0  }
0x255: {  	[bflag:$0x0] =	sbarrier.arrive $0xFFFF  }
0x256: {  	s29 =	rddreg [dreg:$0x7]  }
0x257: {  	s10 =	rddreg [dreg:$0x9]  }
0x258: {  	s11 =	rddreg [dreg:$0xa]  }
0x259: {  	[hbm:s29], [sflag:s10] =	dma.local [spmem:s11], $0x13C0  }
0x25a: {  	_ =	swait.ge [sflag:s16], $0x13C0  }
0x25b: {  	s30 =	rddreg [dreg:$0xb]  }
0x25c: {  	s31 =	rddreg [dreg:$0x8];
	s7 =	sadd.s32 $0x1, s30  }
0x25d: {  	p0 =	sne.s32 s7, s31  }
.Ltmp2:
0x25e: {  	_ = 	snop;
	(pc) =	sbr.rel @p0 .LBB2_1-.Ltmp2, $4  }
0x25f: {  	[sflag:s16] =	ssyncset.done $0x0  }
0x260: {  	[sflag:s16] =	ssyncadd.s32 $0xFFFFEC40  }
0x261: {  	[bflag:$0x0] =	sbarrier.arrive $0xFFFF  }
0x262: {  	s12 =	rddreg [dreg:$0x5]  }
0x263: {  	_ =	sfence.sel $0x180000  }
0x264: {  	[bflag:$0x0] =	sbarrier.arrive $0xFFFF  }
0x265: {  	_ =	strace $0x9000004A  }
0x266: {  	s0 =	stileid.u32;
	[bflag:$0x2] =	sbarrier.arrive $0xFFFF  }
0x267: {  	p0 =	sne.s32 s0, $0x0;
	s0 =	rddreg [dreg:$0x2]  }
0x268: {  	s0 =	sadd.s32 @!p0 $0x100000, s0  }
0x269: {  	[sflag:s0] =	ssyncadd.tile.s32 @!p0 $0x1;
	_ =	shalt  }
.Lfunc_end2:
_tile_overlayer_lowered:
.L_overlay_start_2:
0x26a: {  	(tag) =	ssettag $0x2  }
0x26b: {  	s0 =	rddreg [dreg:$0x0];
	s2 =	stileid.u32  }
0x26c: {  	s1 =	rddreg [dreg:$0x1];
	p0 =	sne.s32 s2, $0x0  }
0x26d: {  	s3 =	rddreg [dreg:$0x2];
	[bflag:$0x3] =	sbarrier.arrive $0xFFFF;
	s2 =	simm.s32 @!p0 $0x1C0A  }
0x26e: {  	[timem:s3], [sflag:s2] =	dma.local @!p0 [hbm:s0], s1  }
0x26f: {  	s0 =	simm.s32 @!p0 $0xA  }
0x270: {  	_ =	swait.ge @!p0 [sflag:s0], s1  }
0x271: {  	s1 =	ssub.s32 @!p0 $0x0, s1;
	[sflag:s0] =	ssyncset.done @!p0 $0x0  }
0x272: {  	[sflag:s0] =	ssyncadd.s32 @!p0 s1  }
0x273: {  	[bflag:$0x3] =	sbarrier.arrive $0xFFFF  }
0x274: {  	_ =	shalt  }

// kernel: kernel.15.cloned.1.call-start
scs
__scs_entry_jumppad:
0x0: {  	(pc) =	sbr.rel $0x88, $3  }
0x1: {  	(tag) =	ssettag $0x0;
	lr =	simm.s32 $0x1  }
0x2: {  	[smem:$0x3F9A] =	sst lr;
	_ =	strace $0xD0000000  }
0x3: {  	_ = 	snop  }
0x4: {  	_ = 	snop  }
0x5: {  	_ = 	snop  }
0x6: {  	_ = 	snop  }
0x7: {  	_ = 	snop  }
__scs_overlays_trampoline_lowered:
0x8: {  	[smem:$0x3FA9] =	sst s0  }
0x9: {  	[smem:$0x3FAA] =	sst s1  }
0xa: {  	[smem:$0x3FAB] =	sst s2  }
0xb: {  	[smem:$0x3FAC] =	sst s3  }
0xc: {  	[smem:$0x3FAD] =	sst s4  }
0xd: {  	[smem:$0x3FAE] =	sst s5  }
0xe: {  	[smem:$0x3FAF] =	sst s6  }
0xf: {  	[smem:$0x3FB0] =	sst s7  }
0x10: {  	[smem:$0x3FB1] =	sst s8  }
0x11: {  	[smem:$0x3FB2] =	sst s9;
	s0 =	simm.s32 @!p0 $0x0  }
0x12: {  	s1 =	sld [smem:$0x3F98];
	s0 =	simm.s32 @p0 $0x1  }
0x13: {  	[smem:$0x3FB3] =	sst s0;
	s0 =	simm.s32 @!p1 $0x0  }
0x14: {  	s2 =	sld [smem:$0x3F97];
	s0 =	simm.s32 @p1 $0x1  }
0x15: {  	[smem:$0x3FB4] =	sst s0;
	s0 =	simm.s32 @!p2 $0x0  }
0x16: {  	s3 =	sld [smem:$0x3FDB];
	s0 =	simm.s32 @p2 $0x1  }
0x17: {  	s4 =	simm.s32 $0x1BF5;
	[smem:$0x3FB6] =	sst s0  }
0x18: {  	s0 =	sld [smem:$0x3F99];
	_ =	swait.ge [sflag:s4], $0x0  }
0x19: {  	s7 =	sld [smem:$0x3F9A]  }
0x1a: {  	s8 =	sadd.s32 $0xFFFFE003, lr  }
0x1b: {  	s9 =	sadd.s32 $0xFFFFFEF7, lr;
	s5 =	simm.s32 $0xFFFFFFFF;
	p2 =	slt.u32 s8, $0xFFFFF086  }
0x1c: {  	p1 =	slt.u32 s9, $0xF7A;
	s5 =	simm.s32 @!p2 $0x0  }
0x1d: {  	s5 =	simm.s32 @p1 $0x1;
	p0 =	seq.s32 s7, s2  }
0x1e: {  	s7 =	smul.u32 @!p0 $0xF7A, s2;
	p2 =	seq.s32 @!p0 s5, $0x0  }
0x1f: {  	s9 =	smul.u32 $0xF7A, s1;
	s8 =	simm.s32 @!p0 $0x1BF5;
	p2 =	por !p2, p0  }
0x20: {  	[sflag:s8] =	ssyncset.s32 @!p0 $0xFFFFF086;
	s6 =	sadd.s32 @!p0 s3, s7;
	s7 =	simm.s32 @!p0 $0x108  }
0x21: {  	s3 =	sadd.s32 s3, s9;
	s6 =	sadd.s32 @!p0 $0x88, s6;
	s7 =	simm.s32 @p2 $0x1082  }
0x22: {  	[simem:s7], [sflag:s8] =	dma.local @!p0 [hbm:s6], $0xF7A  }
0x23: {  	s9 =	sor.u32 $0xD0000000, s2;
	s6 =	simm.s32 $0x108;
	_ =	swait.ge @!p0 [sflag:s8], $0x0  }
0x24: {  	s3 =	sadd.s32 $0x88, s3;
	s6 =	simm.s32 @!p1 $0x1082;
	[sflag:s4] =	ssyncset.s32 $0xFFFFF086  }
0x25: {  	[simem:s6], [sflag:s4] =	dma.local [hbm:s3], $0xF7A  }
0x26: {  	[smem:$0x3F9A] =	sst s1;
	(tag) =	ssettag s2;
	_ =	strace s9  }
0x27: {  	s1 =	sld [smem:$0x3FAA]  }
0x28: {  	s2 =	sld [smem:$0x3FAB]  }
0x29: {  	s4 =	sld [smem:$0x3FAD]  }
0x2a: {  	p0 =	seq.s32 s5, $0x0;
	s5 =	sld [smem:$0x3FAE]  }
0x2b: {  	s6 =	sld [smem:$0x3FAF]  }
0x2c: {  	s7 =	sld [smem:$0x3FB0]  }
0x2d: {  	s3 =	simm.s32 $0x108;
	s8 =	sld [smem:$0x3FB1]  }
0x2e: {  	s3 =	simm.s32 @!p0 $0x1082;
	s9 =	sld [smem:$0x3FB2]  }
0x2f: {  	lr =	sadd.s32 s0, s3;
	s0 =	sld [smem:$0x3FA9]  }
0x30: {  	s3 =	sld [smem:$0x3FAC]  }
0x31: {  	[smem:$0x3FB5] =	sst s10  }
0x32: {  	s10 =	sld [smem:$0x3FB3];
	_ =	sdelay $0x3  }
0x33: {  	p0 =	seq.s32 s10, $0x1;
	s10 =	sld [smem:$0x3FB5];
	_ =	sdelay $0x3  }
0x34: {  	[smem:$0x3FB5] =	sst s10  }
0x35: {  	s10 =	sld [smem:$0x3FB4];
	_ =	sdelay $0x3  }
0x36: {  	p1 =	seq.s32 s10, $0x1;
	s10 =	sld [smem:$0x3FB5];
	_ =	sdelay $0x3  }
0x37: {  	[smem:$0x3FB5] =	sst s10  }
0x38: {  	s10 =	sld [smem:$0x3FB6]  }
0x39: {  	_ = 	snop;
	(pc) =	sbr.ind lr, $3  }
0x3a: {  	_ = 	snop  }
0x3b: {  	_ = 	snop  }
0x3c: {  	p2 =	seq.s32 s10, $0x1;
	s10 =	sld [smem:$0x3FB5]  }
0x3d: {  	_ =	shalt  }
0x3e: {  	_ =	shalt  }
0x3f: {  	_ =	shalt  }
0x40: {  	_ =	shalt  }
0x41: {  	_ =	shalt  }
0x42: {  	_ =	shalt  }
0x43: {  	_ =	shalt  }
0x44: {  	_ =	shalt  }
0x45: {  	_ =	shalt  }
0x46: {  	_ =	shalt  }
0x47: {  	_ =	shalt  }
0x48: {  	_ =	shalt  }
0x49: {  	_ =	shalt  }
0x4a: {  	_ =	shalt  }
0x4b: {  	_ =	shalt  }
0x4c: {  	_ =	shalt  }
0x4d: {  	_ =	shalt  }
0x4e: {  	_ =	shalt  }
0x4f: {  	_ =	shalt  }
0x50: {  	_ =	shalt  }
0x51: {  	_ =	shalt  }
0x52: {  	_ =	shalt  }
0x53: {  	_ =	shalt  }
0x54: {  	_ =	shalt  }
0x55: {  	_ =	shalt  }
0x56: {  	_ =	shalt  }
0x57: {  	_ =	shalt  }
0x58: {  	_ =	shalt  }
0x59: {  	_ =	shalt  }
0x5a: {  	_ =	shalt  }
0x5b: {  	_ =	shalt  }
0x5c: {  	_ =	shalt  }
0x5d: {  	_ =	shalt  }
0x5e: {  	_ =	shalt  }
0x5f: {  	_ =	shalt  }
0x60: {  	_ =	shalt  }
0x61: {  	_ =	shalt  }
0x62: {  	_ =	shalt  }
0x63: {  	_ =	shalt  }
0x64: {  	_ =	shalt  }
0x65: {  	_ =	shalt  }
0x66: {  	_ =	shalt  }
0x67: {  	_ =	shalt  }
0x68: {  	_ =	shalt  }
0x69: {  	_ =	shalt  }
0x6a: {  	_ =	shalt  }
0x6b: {  	_ =	shalt  }
0x6c: {  	_ =	shalt  }
0x6d: {  	_ =	shalt  }
0x6e: {  	_ =	shalt  }
0x6f: {  	_ =	shalt  }
0x70: {  	_ =	shalt  }
0x71: {  	_ =	shalt  }
0x72: {  	_ =	shalt  }
0x73: {  	_ =	shalt  }
0x74: {  	_ =	shalt  }
0x75: {  	_ =	shalt  }
0x76: {  	_ =	shalt  }
0x77: {  	_ =	shalt  }
0x78: {  	_ =	shalt  }
0x79: {  	_ =	shalt  }
0x7a: {  	_ =	shalt  }
0x7b: {  	_ =	shalt  }
0x7c: {  	_ =	shalt  }
0x7d: {  	_ =	shalt  }
0x7e: {  	_ =	shalt  }
0x7f: {  	_ =	shalt  }
0x80: {  	_ =	shalt  }
0x81: {  	_ =	shalt  }
0x82: {  	_ =	shalt  }
0x83: {  	_ =	shalt  }
0x84: {  	_ =	shalt  }
0x85: {  	_ =	shalt  }
0x86: {  	_ =	shalt  }
0x87: {  	_ =	shalt  }
.Lfunc_end0:
.L_simem_size_0:
called_computation.2_lowered:
.L_overlay_start_0:
0x88: {  	s2 =	sld [smem:$0x3FD9]  }
0x89: {  	s3 =	sld [smem:$0x3FFE];
	_ =	sdelay $0x1  }
0x8a: {  	s1 =	srdreg.scid  }
0x8b: {  	s0 =	sand.u32 $0x1, s1  }
0x8c: {  	s16 =	sshll.u32 s0, $0xA;
	s2 =	sadd.s32 s3, s2  }
0x8d: {  	s2 =	sadd.s32 s2, s16  }
0x8e: {  	[smem:$0x3FC1] =	sst s2  }
0x8f: {  	_ = 	snop  }
0x90: {  	(tm) =	ssettm $0x1  }
0x91: {  	s17 =	sld [smem:$0x3FFB];
	_ =	sdelay $0x3  }
0x92: {  	_ =	strace s17  }
0x93: {  	s2 =	sld [smem:$0x3FFC];
	_ =	sdelay $0x3  }
0x94: {  	_ =	strace s2  }
0x95: {  	s2 =	sld [smem:$0x3FFD];
	_ =	sdelay $0x3  }
0x96: {  	_ =	strace s2  }
0x97: {  	_ =	strace $0x8FFFFFFF  }
0x98: {  	s18 =	sld [smem:$0x3FDB];
	_ =	sdelay $0x1  }
0x99: {  	s19 =	simm.s32 $_scs_section_size  }
0x9a: {  	s4 =	simm.s32 $_size__tile_overlayer_lowered;
	s5 =	simm.s32 $_tile_overlayer_lowered  }
0x9b: {  	s22 =	simm.s32 $0x1BFF;
	s21 =	sshll.u32 s5, $0x1;
	s2 =	sadd.s32 s19, s18  }
0x9c: {  	s6 =	simm.s32 $0x0;
	s20 =	sshll.u32 s4, $0x1;
	s4 =	sadd.s32 s21, s2  }
0x9d: {  	[timem:s6], [sflag:s22] =	dma.local [hbm:s4], s20  }
0x9e: {  	_ =	swait.ge [sflag:s22], s20  }
0x9f: {  	s3 =	ssub.s32 $0x0, s20;
	[sflag:s22] =	ssyncset.done $0x0  }
0xa0: {  	[sflag:s22] =	ssyncadd.s32 s3;
	_ =	sdelay $0x1  }
0xa1: {  	s23 =	simm.s32 $0x1B8B  }
0xa2: {  	_ =	swait.ge [sflag:s23], $0x1  }
0xa3: {  	[sflag:s23] =	ssyncset.done $0x0  }
0xa4: {  	s25 =	simm.s32 $0x1B8E;
	s24 =	sld [smem:$0x3FFE];
	[sflag:s23] =	ssyncadd.s32 $0xFFFFFFFF  }
0xa5: {  	s26 =	simm.s32 $execute0_lowered;
	[smem:$0x3FD2] =	sst s25  }
0xa6: {  	s4 =	sshll.u32 s26, $0x1;
	_ =	strace $0x8000004C;
	[dreg:$0x1] =	wrdreg $0xFFFFFFFF  }
0xa7: {  	s28 =	simm.s32 $_size_execute0_lowered;
	s2 =	sadd.s32 s2, s4;
	[dreg:$0x0] =	wrdreg $0x0  }
0xa8: {  	s4 =	sshll.u32 s28, $0x1;
	[dreg:$0x2] =	wrdreg s2  }
0xa9: {  	[dreg:$0x3] =	wrdreg s4  }
0xaa: {  	[dreg:$0x4] =	wrdreg $0xC0  }
0xab: {  	_ =	task [dreg:s6], $0x5FFFF  }
0xac: {  	[dreg:$0x1] =	wrdreg $0xFFFFFFFF  }
0xad: {  	[dreg:$0x0] =	wrdreg $0x60  }
0xae: {  	[dreg:$0x2] =	wrdreg s24  }
0xaf: {  	[dreg:$0x3] =	wrdreg $0x14A000  }
0xb0: {  	[dreg:$0x4] =	wrdreg $0x9  }
0xb1: {  	_ =	task.clear_ibuf [dreg:s6], $0x5FFFF;
	_ =	strace $0x9000004C  }
0xb2: {  	s29 =	simm.s32 $0x9;
	_ =	strace $0x8000004E  }
0xb3: {  	_ =	swait.ge [sflag:s29], $0x1  }
0xb4: {  	[sflag:s29] =	ssyncadd.s32 $0xFFFFFFFF  }
0xb5: {  	_ =	strace $0x9000004E  }
0xb6: {  	_ =	sfence  }
0xb7: {  	s30 =	sld [smem:$0x0];
	_ =	sdelay $0x2  }
0xb8: {  	s31 =	sshll.u32 s1, $0xD;
	s1 =	sshrl.u32 s1, $0x2  }
0xb9: {  	s3 =	sand.u32 $0x4000, s31;
	s1 =	sadd.s32 s1, s30  }
0xba: {  	s0 =	sor.u32 s3, s0;
	s1 =	sshll.u32 s1, $0x11  }
0xbb: {  	s0 =	sor.u32 s1, s0  }
0xbc: {  	s0 =	sadd.s32 $0x8F2B, s0  }
0xbd: {  	[sflag:s0] =	ssyncadd.remote.s32 $0x1  }
0xbe: {  	_ =	sfence.sel $0xFFFF  }
0xbf: {  	[dreg:$0x0] =	wrdreg $0xFFFFFFFF;
	(pc) =	sbr.abs _section_cstart, $3  }
0xc0: {  	[dreg:$0x1] =	wrdreg $0xFFFFFFFF  }
0xc1: {  	_ =	task.clear_ibuf [dreg:s6], $0x2FFFF;
	_ =	strace $0x9FFFFFFF  }
0xc2: {  	(tm) =	ssettm $0x7FFFFFFF  }
0xc3: {  	_ =	shalt  }
tec
execute0_lowered:
.L_overlay_start_1:
0x0: {  	(tag) =	ssettag $0x1  }
0x1: {  	s0 =	srdreg.scid  }
0x2: {  	s1 =	rddreg [dreg:$0x0];
	s10 =	stileid.u32  }
0x3: {  	s2 =	rddreg [dreg:$0x1];
	s4 =	simm.s32 $0x0;
	s16 =	simm.s32 $0xA  }
0x4: {  	s17 =	simm.s32 $0x7D;
	s13 =	simm.s32 $0x4;
	s19 =	simm.s32 $0x6  }
0x5: {  	s20 =	simm.s32 $0x8;
	s0 =	sand.u32 $0x1, s0;
	[smem:$0x7FF] =	sst s4  }
0x6: {  	s6 =	smul.u32 $0x9E00, s10;
	s4 =	sadd.s32 $0xACA00, s1;
	s5 =	sadd.s32 $0x98E00, s1  }
0x7: {  	s31 =	sshll.u32 s10, $0x6;
	s3 =	sshll.u32 s0, $0x4;
	_ =	strace $0x8000004D  }
0x8: {  	s7 =	smul.u32 $0x9E000, s0;
	s0 =	ssub.s32 $0x2, s0;
	s3 =	sor.u32 s10, s3  }
0x9: {  	s8 =	sshrl.u32 s6, $0x3;
	s9 =	sshrl.u32 s0, $0x1;
	s29 =	sadd.s32 s6, s2  }
0xa: {  	s10 =	sor.u32 $0x1C0A, s31;
	s3 =	smul.u32 $0x500, s3;
	s7 =	sadd.s32 s6, s7  }
0xb: {  	s0 =	ssub.s32 s0, s9;
	s11 =	sshrl.u32 s29, $0x3;
	[dreg:$0x9] =	wrdreg s10  }
0xc: {  	s8 =	sadd.s32 s8, s1;
	s0 =	smax.u32 s0, $0x1;
	[dreg:$0xa] =	wrdreg s11  }
0xd: {  	s12 =	sadd.s32 $0xC0600, s8;
	s3 =	sadd.s32 s3, s1;
	[dreg:$0x8] =	wrdreg s0  }
0xe: {  	s7 =	sshrl.u32 s7, $0x3;
	[dreg:$0x5] =	wrdreg s12;
	s28 =	sadd.s32 $0x18C00, s3  }
0xf: {  	s1 =	sadd.s32 s7, s1;
	s3 =	sadd.s32 $0xEC00, s3;
	[dreg:$0x3] =	wrdreg s28  }
0x10: {  	s6 =	simm.s32 $0x9;
	s30 =	sadd.s32 $0x4A400, s1;
	[dreg:$0x4] =	wrdreg s3  }
0x11: {  	s0 =	simm.s32 $0x2;
	s1 =	sadd.s32 $0x22C00, s1;
	[dreg:$0x6] =	wrdreg s30  }
0x12: {  	s7 =	simm.s32 $0x0;
	[dreg:$0x7] =	wrdreg s1;
	s1 =	simm.s32 $0x12AC0  }
.LBB2_1:
0x13: {  	[dreg:$0xb] =	wrdreg s7  }
0x14: {  	s3 =	simm.s32 $0x0;
	s29 =	rddreg [dreg:$0x3];
	s8 =	simm.s32 $0x1  }
0x15: {  	[tilespmem:s3], [sflag:$0x1] =	stream.linear.gather [hbm4b:s29+s3], $0x2800, $0x38;
	[tilespmem:$0x1E800] =	vst v63  }
0x16: {  	_ =	swait.ge [sflag:s8], $0x2800  }
0x17: {  	[sflag:s8] =	ssyncset.done $0x0  }
0x18: {  	s9 =	simm.s32 $0x2800;
	s30 =	rddreg [dreg:$0x4];
	[sflag:s8] =	ssyncadd.s32 $0xFFFFD800  }
0x19: {  	[tilespmem:s9], [sflag:$0x1] =	stream.linear.gather [hbm4b:s30+s3], $0x2800, $0x38;
	[tilespmem:$0x1E800] =	vst v63  }
0x1a: {  	_ =	swait.ge [sflag:s8], $0x2800  }
0x1b: {  	[sflag:s8] =	ssyncset.done $0x0  }
0x1c: {  	[sflag:s8] =	ssyncadd.s32 $0xFFFFD800  }
0x1d: {  	[spmem:s11], [sflag:s10] =	dma.local [hbm:s12], $0x13C0  }
0x1e: {  	_ =	swait.ge [sflag:s16], $0x13C0  }
0x1f: {  	[sflag:s16] =	ssyncset.done $0x0  }
0x20: {  	[sflag:s16] =	ssyncadd.s32 $0xFFFFEC40  }
0x21: {  	s12 =	simm.s32 $0x5000;
	[bflag:$0x0] =	sbarrier.arrive $0xFFFF  }
0x22: {  	[tilespmem:s12], [sflag:$0x2] =	stream.indirect.gather [hbm4b:s4+s17], $0x40, s3, s17, $0xb8;
	[tilespmem:$0x1E800] =	vst v63  }
0x23: {  	s26 =	simm.s32 $0x80;
	s28 =	simm.s32 $0x6F40  }
0x24: {  	[tilespmem:s28], [sflag:$0x3] =	stream.indirect.gather [hbm4b:s4+s17], $0x40, s26, s17, $0xb8;
	[tilespmem:$0x1E800] =	vst v63  }
0x25: {  	s29 =	simm.s32 $0x100;
	s30 =	simm.s32 $0x8E80  }
0x26: {  	[tilespmem:s30], [sflag:$0x4] =	stream.indirect.gather [hbm4b:s4+s17], $0x40, s29, s17, $0xb8;
	[tilespmem:$0x1E800] =	vst v63  }
0x27: {  	s14 =	simm.s32 $0x180;
	s15 =	simm.s32 $0xADC0  }
0x28: {  	[tilespmem:s15], [sflag:$0x5] =	stream.indirect.gather [hbm4b:s4+s17], $0x40, s14, s17, $0xb8;
	[tilespmem:$0x1E800] =	vst v63  }
0x29: {  	s18 =	simm.s32 $0x200;
	s14 =	simm.s32 $0xCD00  }
0x2a: {  	[tilespmem:s14], [sflag:$0x6] =	stream.indirect.gather [hbm4b:s4+s17], $0x40, s18, s17, $0xb8;
	[tilespmem:$0x1E800] =	vst v63  }
0x2b: {  	s21 =	simm.s32 $0x280;
	s22 =	simm.s32 $0xEC40  }
0x2c: {  	[tilespmem:s22], [sflag:$0x7] =	stream.indirect.gather [hbm4b:s4+s17], $0x40, s21, s17, $0xb8;
	[tilespmem:$0x1E800] =	vst v63  }
0x2d: {  	s23 =	simm.s32 $0x300;
	s15 =	simm.s32 $0x10B80  }
0x2e: {  	[tilespmem:s15], [sflag:$0x8] =	stream.indirect.gather [hbm4b:s4+s17], $0x40, s23, s17, $0xb8;
	[tilespmem:$0x1E800] =	vst v63  }
0x2f: {  	s24 =	simm.s32 $0x380  }
0x30: {  	[tilespmem:s1], [sflag:$0x9] =	stream.indirect.gather [hbm4b:s4+s17], $0x40, s24, s17, $0xb8;
	[tilespmem:$0x1E800] =	vst v63  }
0x31: {  	_ =	swait.ge [sflag:s0], $0x1F40  }
0x32: {  	[sflag:s0] =	ssyncset.done $0x0  }
0x33: {  	s25 =	simm.s32 $0x2800;
	[sflag:s0] =	ssyncadd.s32 $0xFFFFE0C0  }
0x34: {  	[spmem:s2] =	stream.indirect.scatter.add.f32 [tilespmem:s12], [sflag:$0xA], $0x40, s25, s17, $0xb8;
	[tilespmem:$0x1E800] =	vst v63  }
0x35: {  	_ =	swait.ge [sflag:s16], $0x1F40  }
0x36: {  	p0 =	por $0x0, $0x0;
	[sflag:s16] =	ssyncset.done $0x0  }
0x37: {  	s3 =	simm.s32 @p0 $0x3;
	[sflag:s16] =	ssyncadd.s32 $0xFFFFE0C0  }
0x38: {  	_ =	swait.ge @p0 [sflag:s3], $0x1F40  }
0x39: {  	s7 =	simm.s32 @p0 $0xA;
	s9 =	simm.s32 @p0 $0x2880;
	[sflag:s3] =	ssyncset.done @p0 $0x0  }
0x3a: {  	s8 =	simm.s32 @p0 $0x7D;
	[sflag:s3] =	ssyncadd.s32 @p0 $0xFFFFE0C0;
	s3 =	simm.s32 @p0 $0x6F40  }
0x3b: {  	[spmem:s2] =	stream.indirect.scatter.add.f32 @p0 [tilespmem:s3], [sflag:$0xA], $0x40, s9, s8, $0xb8;
	[tilespmem:$0x1E800] =	vst v63  }
0x3c: {  	_ =	swait.ge @p0 [sflag:s7], $0x1F40  }
0x3d: {  	s10 =	simm.s32 @!p0 $0x3;
	s11 =	simm.s32 @!p0 $0x5000;
	[sflag:s7] =	ssyncset.done @p0 $0x0  }
0x3e: {  	s9 =	simm.s32 @!p0 $0x400;
	s3 =	simm.s32 @!p0 $0x7D;
	[sflag:s7] =	ssyncadd.s32 @p0 $0xFFFFE0C0  }
0x3f: {  	[tilespmem:s11], [sflag:$0x2] =	stream.indirect.gather @!p0 [hbm4b:s4+s3], $0x40, s9, s3, $0xb8;
	[tilespmem:$0x1E800] =	vst v63  }
0x40: {  	_ =	swait.ge @!p0 [sflag:s10], $0x1F40  }
0x41: {  	s11 =	simm.s32 @!p0 $0x2880;
	[sflag:s10] =	ssyncset.done @!p0 $0x0  }
0x42: {  	s9 =	simm.s32 @!p0 $0xA;
	[sflag:s10] =	ssyncadd.s32 @!p0 $0xFFFFE0C0;
	s10 =	simm.s32 @!p0 $0x6F40  }
0x43: {  	[spmem:s2] =	stream.indirect.scatter.add.f32 @!p0 [tilespmem:s10], [sflag:$0xA], $0x40, s11, s3, $0xb8;
	[tilespmem:$0x1E800] =	vst v63  }
0x44: {  	_ =	swait.ge @!p0 [sflag:s9], $0x1F40  }
0x45: {  	[sflag:s9] =	ssyncset.done @!p0 $0x0  }
0x46: {  	s11 =	simm.s32 @!p0 $0x480;
	[sflag:s9] =	ssyncadd.s32 @!p0 $0xFFFFE0C0  }
0x47: {  	[tilespmem:s10], [sflag:$0x3] =	stream.indirect.gather @!p0 [hbm4b:s4+s3], $0x40, s11, s3, $0xb8;
	[tilespmem:$0x1E800] =	vst v63  }
0x48: {  	_ =	swait.ge [sflag:s13], $0x1F40  }
0x49: {  	[sflag:s13] =	ssyncset.done $0x0  }
0x4a: {  	s26 =	simm.s32 $0x2900;
	[sflag:s13] =	ssyncadd.s32 $0xFFFFE0C0  }
0x4b: {  	[spmem:s2] =	stream.indirect.scatter.add.f32 [tilespmem:s30], [sflag:$0xA], $0x40, s26, s17, $0xb8;
	[tilespmem:$0x1E800] =	vst v63  }
0x4c: {  	_ =	swait.ge [sflag:s16], $0x1F40  }
0x4d: {  	[sflag:s16] =	ssyncset.done $0x0  }
0x4e: {  	s10 =	simm.s32 @p0 $0x5;
	[sflag:s16] =	ssyncadd.s32 $0xFFFFE0C0  }
0x4f: {  	_ =	swait.ge @p0 [sflag:s10], $0x1F40  }
0x50: {  	[sflag:s10] =	ssyncset.done @p0 $0x0  }
0x51: {  	s11 =	simm.s32 @p0 $0x2980;
	[sflag:s10] =	ssyncadd.s32 @p0 $0xFFFFE0C0;
	s10 =	simm.s32 @p0 $0xADC0  }
0x52: {  	[spmem:s2] =	stream.indirect.scatter.add.f32 @p0 [tilespmem:s10], [sflag:$0xA], $0x40, s11, s8, $0xb8;
	[tilespmem:$0x1E800] =	vst v63  }
0x53: {  	_ =	swait.ge @p0 [sflag:s7], $0x1F40  }
0x54: {  	[sflag:s7] =	ssyncset.done @p0 $0x0  }
0x55: {  	s10 =	simm.s32 @!p0 $0x500;
	s11 =	simm.s32 @!p0 $0x8E80;
	[sflag:s7] =	ssyncadd.s32 @p0 $0xFFFFE0C0  }
0x56: {  	[tilespmem:s11], [sflag:$0x4] =	stream.indirect.gather @!p0 [hbm4b:s4+s3], $0x40, s10, s3, $0xb8;
	[tilespmem:$0x1E800] =	vst v63  }
0x57: {  	s10 =	simm.s32 @!p0 $0x5  }
0x58: {  	_ =	swait.ge @!p0 [sflag:s10], $0x1F40  }
0x59: {  	[sflag:s10] =	ssyncset.done @!p0 $0x0  }
0x5a: {  	s11 =	simm.s32 @!p0 $0x2980;
	[sflag:s10] =	ssyncadd.s32 @!p0 $0xFFFFE0C0;
	s10 =	simm.s32 @!p0 $0xADC0  }
0x5b: {  	[spmem:s2] =	stream.indirect.scatter.add.f32 @!p0 [tilespmem:s10], [sflag:$0xA], $0x40, s11, s3, $0xb8;
	[tilespmem:$0x1E800] =	vst v63  }
0x5c: {  	_ =	swait.ge @!p0 [sflag:s9], $0x1F40  }
0x5d: {  	[sflag:s9] =	ssyncset.done @!p0 $0x0  }
0x5e: {  	s11 =	simm.s32 @!p0 $0x580;
	[sflag:s9] =	ssyncadd.s32 @!p0 $0xFFFFE0C0  }
0x5f: {  	[tilespmem:s10], [sflag:$0x5] =	stream.indirect.gather @!p0 [hbm4b:s4+s3], $0x40, s11, s3, $0xb8;
	[tilespmem:$0x1E800] =	vst v63  }
0x60: {  	_ =	swait.ge [sflag:s19], $0x1F40  }
0x61: {  	[sflag:s19] =	ssyncset.done $0x0  }
0x62: {  	s28 =	simm.s32 $0x2A00;
	[sflag:s19] =	ssyncadd.s32 $0xFFFFE0C0  }
0x63: {  	[spmem:s2] =	stream.indirect.scatter.add.f32 [tilespmem:s14], [sflag:$0xA], $0x40, s28, s17, $0xb8;
	[tilespmem:$0x1E800] =	vst v63  }
0x64: {  	_ =	swait.ge [sflag:s16], $0x1F40  }
0x65: {  	[sflag:s16] =	ssyncset.done $0x0  }
0x66: {  	s10 =	simm.s32 @p0 $0x7;
	[sflag:s16] =	ssyncadd.s32 $0xFFFFE0C0  }
0x67: {  	_ =	swait.ge @p0 [sflag:s10], $0x1F40  }
0x68: {  	[sflag:s10] =	ssyncset.done @p0 $0x0  }
0x69: {  	s11 =	simm.s32 @p0 $0x2A80;
	[sflag:s10] =	ssyncadd.s32 @p0 $0xFFFFE0C0;
	s10 =	simm.s32 @p0 $0xEC40  }
0x6a: {  	[spmem:s2] =	stream.indirect.scatter.add.f32 @p0 [tilespmem:s10], [sflag:$0xA], $0x40, s11, s8, $0xb8;
	[tilespmem:$0x1E800] =	vst v63  }
0x6b: {  	_ =	swait.ge @p0 [sflag:s7], $0x1F40  }
0x6c: {  	[sflag:s7] =	ssyncset.done @p0 $0x0  }
0x6d: {  	s8 =	simm.s32 @!p0 $0x600;
	[sflag:s7] =	ssyncadd.s32 @p0 $0xFFFFE0C0;
	s7 =	simm.s32 @!p0 $0xCD00  }
0x6e: {  	[tilespmem:s7], [sflag:$0x6] =	stream.indirect.gather @!p0 [hbm4b:s4+s3], $0x40, s8, s3, $0xb8;
	[tilespmem:$0x1E800] =	vst v63  }
0x6f: {  	s7 =	simm.s32 @!p0 $0x7  }
0x70: {  	_ =	swait.ge @!p0 [sflag:s7], $0x1F40  }
0x71: {  	[sflag:s7] =	ssyncset.done @!p0 $0x0  }
0x72: {  	s8 =	simm.s32 @!p0 $0x2A80;
	[sflag:s7] =	ssyncadd.s32 @!p0 $0xFFFFE0C0;
	s7 =	simm.s32 @!p0 $0xEC40  }
0x73: {  	[spmem:s2] =	stream.indirect.scatter.add.f32 @!p0 [tilespmem:s7], [sflag:$0xA], $0x40, s8, s3, $0xb8;
	[tilespmem:$0x1E800] =	vst v63  }
0x74: {  	_ =	swait.ge @!p0 [sflag:s9], $0x1F40  }
0x75: {  	[sflag:s9] =	ssyncset.done @!p0 $0x0  }
0x76: {  	s8 =	simm.s32 @!p0 $0x680;
	[sflag:s9] =	ssyncadd.s32 @!p0 $0xFFFFE0C0  }
0x77: {  	[tilespmem:s7], [sflag:$0x7] =	stream.indirect.gather @!p0 [hbm4b:s4+s3], $0x40, s8, s3, $0xb8;
	[tilespmem:$0x1E800] =	vst v63  }
0x78: {  	_ =	swait.ge [sflag:s20], $0x1F40  }
0x79: {  	[sflag:s20] =	ssyncset.done $0x0  }
0x7a: {  	s29 =	simm.s32 $0x2B00;
	[sflag:s20] =	ssyncadd.s32 $0xFFFFE0C0  }
0x7b: {  	[spmem:s2] =	stream.indirect.scatter.add.f32 [tilespmem:s15], [sflag:$0xA], $0x40, s29, s17, $0xb8;
	[tilespmem:$0x1E800] =	vst v63  }
0x7c: {  	_ =	swait.ge [sflag:s16], $0x1F40  }
0x7d: {  	[sflag:s16] =	ssyncset.done $0x0  }
0x7e: {  	s7 =	simm.s32 @!p0 $0x700;
	s8 =	simm.s32 @!p0 $0x10B80;
	[sflag:s16] =	ssyncadd.s32 $0xFFFFE0C0  }
0x7f: {  	[tilespmem:s8], [sflag:$0x8] =	stream.indirect.gather @!p0 [hbm4b:s4+s3], $0x40, s7, s3, $0xb8;
	[tilespmem:$0x1E800] =	vst v63  }
0x80: {  	_ =	swait.ge [sflag:s6], $0x1F40  }
0x81: {  	[sflag:s6] =	ssyncset.done $0x0  }
0x82: {  	s30 =	simm.s32 $0x2B80;
	[sflag:s6] =	ssyncadd.s32 $0xFFFFE0C0  }
0x83: {  	[spmem:s2] =	stream.indirect.scatter.add.f32 [tilespmem:s1], [sflag:$0xA], $0x40, s30, s17, $0xb8;
	[tilespmem:$0x1E800] =	vst v63  }
0x84: {  	s31 =	simm.s32 $0x10B80;
	s23 =	simm.s32 $0x2000;
	_ =	swait.ge [sflag:s16], $0x1F40  }
0x85: {  	s24 =	simm.s32 $0x1000;
	s7 =	simm.s32 $0x400;
	[sflag:s16] =	ssyncset.done $0x0  }
.LBB2_2:
0x86: {  	s3 =	sadd.s32 $0x380, s7  }
0x87: {  	[sflag:s16] =	ssyncadd.s32 $0xFFFFE0C0;
	s12 =	smov.u32 s23;
	s23 =	sadd.s32 $0x1000, s23  }
0x88: {  	[tilespmem:s1], [sflag:$0x9] =	stream.indirect.gather [hbm4b:s4+s17], $0x40, s3, s17, $0xb8;
	[tilespmem:$0x1E800] =	vst v63  }
0x89: {  	p0 =	sne.s32 s23, $0xA000;
	_ =	swait.ge [sflag:s0], $0x1F40  }
0x8a: {  	[sflag:s0] =	ssyncset.done $0x0  }
0x8b: {  	s8 =	simm.s32 $0x5000;
	s3 =	sadd.s32 $0x2800, s7;
	[sflag:s0] =	ssyncadd.s32 $0xFFFFE0C0  }
0x8c: {  	[spmem:s2] =	stream.indirect.scatter.add.f32 [tilespmem:s8], [sflag:$0xA], $0x40, s3, s17, $0xb8;
	[tilespmem:$0x1E800] =	vst v63  }
0x8d: {  	_ =	swait.ge [sflag:s16], $0x1F40  }
0x8e: {  	p1 =	seq.s32 s24, $0x9000;
	[sflag:s16] =	ssyncset.done $0x0  }
0x8f: {  	s3 =	simm.s32 @p1 $0x3;
	s8 =	sshra.s32 @p1 s24, $0x2;
	[sflag:s16] =	ssyncadd.s32 $0xFFFFE0C0  }
0x90: {  	s24 =	sshra.s32 @!p1 s24, $0x2;
	s9 =	sadd.s32 @p1 $0x2880, s8;
	_ =	swait.ge @p1 [sflag:s3], $0x1F40  }
0x91: {  	s10 =	simm.s32 @p1 $0xA;
	s14 =	sadd.s32 @!p1 $0x400, s24;
	[sflag:s3] =	ssyncset.done @p1 $0x0  }
0x92: {  	s11 =	simm.s32 @p1 $0x7D;
	[sflag:s3] =	ssyncadd.s32 @p1 $0xFFFFE0C0;
	s3 =	simm.s32 @p1 $0x6F40  }
0x93: {  	[spmem:s2] =	stream.indirect.scatter.add.f32 @p1 [tilespmem:s3], [sflag:$0xA], $0x40, s9, s11, $0xb8;
	[tilespmem:$0x1E800] =	vst v63  }
0x94: {  	s21 =	sadd.s32 @!p1 $0x480, s24;
	s3 =	sadd.s32 @!p1 $0x2880, s24;
	_ =	swait.ge @p1 [sflag:s10], $0x1F40  }
0x95: {  	s25 =	simm.s32 @!p1 $0x3;
	s18 =	sadd.s32 @p1 $0x2980, s8;
	[sflag:s10] =	ssyncset.done @p1 $0x0  }
0x96: {  	s15 =	simm.s32 @!p1 $0x5000;
	s9 =	simm.s32 @!p1 $0x7D;
	[sflag:s10] =	ssyncadd.s32 @p1 $0xFFFFE0C0  }
0x97: {  	[tilespmem:s15], [sflag:$0x2] =	stream.indirect.gather @!p1 [hbm4b:s4+s9], $0x40, s14, s9, $0xb8;
	[tilespmem:$0x1E800] =	vst v63  }
0x98: {  	s22 =	sadd.s32 @!p1 $0x500, s24;
	s15 =	sadd.s32 @!p1 $0x2980, s24;
	_ =	swait.ge @!p1 [sflag:s25], $0x1F40  }
0x99: {  	s8 =	sadd.s32 @p1 $0x2A80, s8;
	s14 =	sadd.s32 @!p1 $0x580, s24;
	[sflag:s25] =	ssyncset.done @!p1 $0x0  }
0x9a: {  	s26 =	simm.s32 @!p1 $0x6F40;
	s28 =	simm.s32 @!p1 $0xA;
	[sflag:s25] =	ssyncadd.s32 @!p1 $0xFFFFE0C0  }
0x9b: {  	[spmem:s2] =	stream.indirect.scatter.add.f32 @!p1 [tilespmem:s26], [sflag:$0xA], $0x40, s3, s9, $0xb8;
	[tilespmem:$0x1E800] =	vst v63  }
0x9c: {  	s30 =	sadd.s32 @!p1 $0x2A80, s24;
	s3 =	sadd.s32 @!p1 $0x600, s24;
	_ =	swait.ge @!p1 [sflag:s28], $0x1F40  }
0x9d: {  	s29 =	sadd.s32 @!p1 $0x680, s24;
	s25 =	sadd.s32 @!p1 $0x700, s24;
	[sflag:s28] =	ssyncset.done @!p1 $0x0  }
0x9e: {  	s24 =	smov.u32 s12;
	[sflag:s28] =	ssyncadd.s32 @!p1 $0xFFFFE0C0  }
0x9f: {  	[tilespmem:s26], [sflag:$0x3] =	stream.indirect.gather @!p1 [hbm4b:s4+s9], $0x40, s21, s9, $0xb8;
	[tilespmem:$0x1E800] =	vst v63  }
0xa0: {  	_ =	swait.ge [sflag:s13], $0x1F40  }
0xa1: {  	[sflag:s13] =	ssyncset.done $0x0  }
0xa2: {  	s12 =	sadd.s32 $0x2900, s7;
	s21 =	simm.s32 $0x8E80;
	[sflag:s13] =	ssyncadd.s32 $0xFFFFE0C0  }
0xa3: {  	[spmem:s2] =	stream.indirect.scatter.add.f32 [tilespmem:s21], [sflag:$0xA], $0x40, s12, s17, $0xb8;
	[tilespmem:$0x1E800] =	vst v63  }
0xa4: {  	_ =	swait.ge [sflag:s16], $0x1F40  }
0xa5: {  	[sflag:s16] =	ssyncset.done $0x0  }
0xa6: {  	s12 =	simm.s32 @p1 $0x5;
	[sflag:s16] =	ssyncadd.s32 $0xFFFFE0C0  }
0xa7: {  	_ =	swait.ge @p1 [sflag:s12], $0x1F40  }
0xa8: {  	[sflag:s12] =	ssyncset.done @p1 $0x0  }
0xa9: {  	[sflag:s12] =	ssyncadd.s32 @p1 $0xFFFFE0C0;
	s12 =	simm.s32 @p1 $0xADC0  }
0xaa: {  	[spmem:s2] =	stream.indirect.scatter.add.f32 @p1 [tilespmem:s12], [sflag:$0xA], $0x40, s18, s11, $0xb8;
	[tilespmem:$0x1E800] =	vst v63  }
0xab: {  	_ =	swait.ge @p1 [sflag:s10], $0x1F40  }
0xac: {  	[sflag:s10] =	ssyncset.done @p1 $0x0  }
0xad: {  	s12 =	simm.s32 @!p1 $0x8E80;
	s18 =	simm.s32 @!p1 $0x5;
	[sflag:s10] =	ssyncadd.s32 @p1 $0xFFFFE0C0  }
0xae: {  	[tilespmem:s12], [sflag:$0x4] =	stream.indirect.gather @!p1 [hbm4b:s4+s9], $0x40, s22, s9, $0xb8;
	[tilespmem:$0x1E800] =	vst v63  }
0xaf: {  	_ =	swait.ge @!p1 [sflag:s18], $0x1F40  }
0xb0: {  	[sflag:s18] =	ssyncset.done @!p1 $0x0  }
0xb1: {  	s12 =	simm.s32 @!p1 $0xADC0;
	[sflag:s18] =	ssyncadd.s32 @!p1 $0xFFFFE0C0  }
0xb2: {  	[spmem:s2] =	stream.indirect.scatter.add.f32 @!p1 [tilespmem:s12], [sflag:$0xA], $0x40, s15, s9, $0xb8;
	[tilespmem:$0x1E800] =	vst v63  }
0xb3: {  	_ =	swait.ge @!p1 [sflag:s28], $0x1F40  }
0xb4: {  	[sflag:s28] =	ssyncset.done @!p1 $0x0  }
0xb5: {  	[sflag:s28] =	ssyncadd.s32 @!p1 $0xFFFFE0C0  }
0xb6: {  	[tilespmem:s12], [sflag:$0x5] =	stream.indirect.gather @!p1 [hbm4b:s4+s9], $0x40, s14, s9, $0xb8;
	[tilespmem:$0x1E800] =	vst v63  }
0xb7: {  	_ =	swait.ge [sflag:s19], $0x1F40  }
0xb8: {  	[sflag:s19] =	ssyncset.done $0x0  }
0xb9: {  	s12 =	sadd.s32 $0x2A00, s7;
	s14 =	simm.s32 $0xCD00;
	[sflag:s19] =	ssyncadd.s32 $0xFFFFE0C0  }
0xba: {  	[spmem:s2] =	stream.indirect.scatter.add.f32 [tilespmem:s14], [sflag:$0xA], $0x40, s12, s17, $0xb8;
	[tilespmem:$0x1E800] =	vst v63  }
0xbb: {  	_ =	swait.ge [sflag:s16], $0x1F40  }
0xbc: {  	[sflag:s16] =	ssyncset.done $0x0  }
0xbd: {  	s12 =	simm.s32 @p1 $0x7;
	[sflag:s16] =	ssyncadd.s32 $0xFFFFE0C0  }
0xbe: {  	_ =	swait.ge @p1 [sflag:s12], $0x1F40  }
0xbf: {  	[sflag:s12] =	ssyncset.done @p1 $0x0  }
0xc0: {  	[sflag:s12] =	ssyncadd.s32 @p1 $0xFFFFE0C0;
	s12 =	simm.s32 @p1 $0xEC40  }
0xc1: {  	[spmem:s2] =	stream.indirect.scatter.add.f32 @p1 [tilespmem:s12], [sflag:$0xA], $0x40, s8, s11, $0xb8;
	[tilespmem:$0x1E800] =	vst v63  }
0xc2: {  	_ =	swait.ge @p1 [sflag:s10], $0x1F40  }
0xc3: {  	[sflag:s10] =	ssyncset.done @p1 $0x0  }
0xc4: {  	s8 =	simm.s32 @!p1 $0xCD00;
	[sflag:s10] =	ssyncadd.s32 @p1 $0xFFFFE0C0;
	s10 =	simm.s32 @!p1 $0x7  }
0xc5: {  	[tilespmem:s8], [sflag:$0x6] =	stream.indirect.gather @!p1 [hbm4b:s4+s9], $0x40, s3, s9, $0xb8;
	[tilespmem:$0x1E800] =	vst v63  }
0xc6: {  	_ =	swait.ge @!p1 [sflag:s10], $0x1F40  }
0xc7: {  	[sflag:s10] =	ssyncset.done @!p1 $0x0  }
0xc8: {  	s3 =	simm.s32 @!p1 $0xEC40;
	[sflag:s10] =	ssyncadd.s32 @!p1 $0xFFFFE0C0  }
0xc9: {  	[spmem:s2] =	stream.indirect.scatter.add.f32 @!p1 [tilespmem:s3], [sflag:$0xA], $0x40, s30, s9, $0xb8;
	[tilespmem:$0x1E800] =	vst v63  }
0xca: {  	_ =	swait.ge @!p1 [sflag:s28], $0x1F40  }
0xcb: {  	[sflag:s28] =	ssyncset.done @!p1 $0x0  }
0xcc: {  	[sflag:s28] =	ssyncadd.s32 @!p1 $0xFFFFE0C0  }
0xcd: {  	[tilespmem:s3], [sflag:$0x7] =	stream.indirect.gather @!p1 [hbm4b:s4+s9], $0x40, s29, s9, $0xb8;
	[tilespmem:$0x1E800] =	vst v63  }
0xce: {  	_ =	swait.ge [sflag:s20], $0x1F40  }
0xcf: {  	[sflag:s20] =	ssyncset.done $0x0  }
0xd0: {  	s3 =	sadd.s32 $0x2B00, s7;
	[sflag:s20] =	ssyncadd.s32 $0xFFFFE0C0  }
0xd1: {  	[spmem:s2] =	stream.indirect.scatter.add.f32 [tilespmem:s31], [sflag:$0xA], $0x40, s3, s17, $0xb8;
	[tilespmem:$0x1E800] =	vst v63  }
0xd2: {  	_ =	swait.ge [sflag:s16], $0x1F40  }
0xd3: {  	[sflag:s16] =	ssyncset.done $0x0  }
0xd4: {  	s3 =	simm.s32 @!p1 $0x10B80;
	[sflag:s16] =	ssyncadd.s32 $0xFFFFE0C0  }
0xd5: {  	[tilespmem:s3], [sflag:$0x8] =	stream.indirect.gather @!p1 [hbm4b:s4+s9], $0x40, s25, s9, $0xb8;
	[tilespmem:$0x1E800] =	vst v63  }
0xd6: {  	_ =	swait.ge [sflag:s6], $0x1F40  }
.Ltmp0:
0xd7: {  	[sflag:s6] =	ssyncset.done $0x0;
	(pc) =	sbr.rel @p0 .LBB2_2-.Ltmp0, $4  }
0xd8: {  	s3 =	sadd.s32 $0x2B80, s7;
	[sflag:s6] =	ssyncadd.s32 $0xFFFFE0C0  }
0xd9: {  	[spmem:s2] =	stream.indirect.scatter.add.f32 [tilespmem:s1], [sflag:$0xA], $0x40, s3, s17, $0xb8;
	[tilespmem:$0x1E800] =	vst v63  }
0xda: {  	_ =	swait.ge [sflag:s16], $0x1F40  }
0xdb: {  	s7 =	sshra.s32 s24, $0x2;
	[sflag:s16] =	ssyncset.done $0x0  }
0xdc: {  	s3 =	sadd.s32 $0x380, s7;
	[sflag:s16] =	ssyncadd.s32 $0xFFFFE0C0  }
0xdd: {  	[tilespmem:s1], [sflag:$0x9] =	stream.indirect.gather [hbm4b:s4+s17], $0x40, s3, s17, $0xb8;
	[tilespmem:$0x1E800] =	vst v63  }
0xde: {  	_ =	swait.ge [sflag:s0], $0x1F40  }
0xdf: {  	[sflag:s0] =	ssyncset.done $0x0  }
0xe0: {  	s21 =	sadd.s32 $0x2800, s7;
	s18 =	simm.s32 $0x5000;
	[sflag:s0] =	ssyncadd.s32 $0xFFFFE0C0  }
0xe1: {  	[spmem:s2] =	stream.indirect.scatter.add.f32 [tilespmem:s18], [sflag:$0xA], $0x40, s21, s17, $0xb8;
	[tilespmem:$0x1E800] =	vst v63  }
0xe2: {  	_ =	swait.ge [sflag:s16], $0x1F40  }
0xe3: {  	p0 =	seq.s32 s24, $0x9000;
	[sflag:s16] =	ssyncset.done $0x0  }
0xe4: {  	s3 =	simm.s32 @p0 $0x3;
	[sflag:s16] =	ssyncadd.s32 $0xFFFFE0C0  }
0xe5: {  	s10 =	sshra.s32 @p0 s24, $0x2;
	_ =	swait.ge @p0 [sflag:s3], $0x1F40  }
0xe6: {  	s9 =	simm.s32 @p0 $0xA;
	s11 =	simm.s32 @p0 $0x7D;
	[sflag:s3] =	ssyncset.done @p0 $0x0  }
0xe7: {  	s8 =	sadd.s32 @p0 $0x2880, s10;
	[sflag:s3] =	ssyncadd.s32 @p0 $0xFFFFE0C0;
	s3 =	simm.s32 @p0 $0x6F40  }
0xe8: {  	[spmem:s2] =	stream.indirect.scatter.add.f32 @p0 [tilespmem:s3], [sflag:$0xA], $0x40, s8, s11, $0xb8;
	[tilespmem:$0x1E800] =	vst v63  }
0xe9: {  	s14 =	simm.s32 @!p0 $0x3;
	_ =	swait.ge @p0 [sflag:s9], $0x1F40  }
0xea: {  	s15 =	simm.s32 @!p0 $0x5000;
	s3 =	sshra.s32 @!p0 s24, $0x2;
	[sflag:s9] =	ssyncset.done @p0 $0x0  }
0xeb: {  	s8 =	simm.s32 @!p0 $0x7D;
	s12 =	sadd.s32 @!p0 $0x400, s3;
	[sflag:s9] =	ssyncadd.s32 @p0 $0xFFFFE0C0  }
0xec: {  	[tilespmem:s15], [sflag:$0x2] =	stream.indirect.gather @!p0 [hbm4b:s4+s8], $0x40, s12, s8, $0xb8;
	[tilespmem:$0x1E800] =	vst v63  }
0xed: {  	_ =	swait.ge @!p0 [sflag:s14], $0x1F40  }
0xee: {  	s15 =	sadd.s32 @!p0 $0x2880, s3;
	[sflag:s14] =	ssyncset.done @!p0 $0x0  }
0xef: {  	s12 =	simm.s32 @!p0 $0xA;
	[sflag:s14] =	ssyncadd.s32 @!p0 $0xFFFFE0C0;
	s14 =	simm.s32 @!p0 $0x6F40  }
0xf0: {  	[spmem:s2] =	stream.indirect.scatter.add.f32 @!p0 [tilespmem:s14], [sflag:$0xA], $0x40, s15, s8, $0xb8;
	[tilespmem:$0x1E800] =	vst v63  }
0xf1: {  	_ =	swait.ge @!p0 [sflag:s12], $0x1F40  }
0xf2: {  	[sflag:s12] =	ssyncset.done @!p0 $0x0  }
0xf3: {  	s15 =	sadd.s32 @!p0 $0x480, s3;
	[sflag:s12] =	ssyncadd.s32 @!p0 $0xFFFFE0C0  }
0xf4: {  	[tilespmem:s14], [sflag:$0x3] =	stream.indirect.gather @!p0 [hbm4b:s4+s8], $0x40, s15, s8, $0xb8;
	[tilespmem:$0x1E800] =	vst v63  }
0xf5: {  	_ =	swait.ge [sflag:s13], $0x1F40  }
0xf6: {  	[sflag:s13] =	ssyncset.done $0x0  }
0xf7: {  	s22 =	sadd.s32 $0x2900, s7;
	s21 =	simm.s32 $0x8E80;
	[sflag:s13] =	ssyncadd.s32 $0xFFFFE0C0  }
0xf8: {  	[spmem:s2] =	stream.indirect.scatter.add.f32 [tilespmem:s21], [sflag:$0xA], $0x40, s22, s17, $0xb8;
	[tilespmem:$0x1E800] =	vst v63  }
0xf9: {  	_ =	swait.ge [sflag:s16], $0x1F40  }
0xfa: {  	[sflag:s16] =	ssyncset.done $0x0  }
0xfb: {  	s14 =	simm.s32 @p0 $0x5;
	[sflag:s16] =	ssyncadd.s32 $0xFFFFE0C0  }
0xfc: {  	_ =	swait.ge @p0 [sflag:s14], $0x1F40  }
0xfd: {  	[sflag:s14] =	ssyncset.done @p0 $0x0  }
0xfe: {  	s15 =	sadd.s32 @p0 $0x2980, s10;
	[sflag:s14] =	ssyncadd.s32 @p0 $0xFFFFE0C0;
	s14 =	simm.s32 @p0 $0xADC0  }
0xff: {  	[spmem:s2] =	stream.indirect.scatter.add.f32 @p0 [tilespmem:s14], [sflag:$0xA], $0x40, s15, s11, $0xb8;
	[tilespmem:$0x1E800] =	vst v63  }
0x100: {  	_ =	swait.ge @p0 [sflag:s9], $0x1F40  }
0x101: {  	[sflag:s9] =	ssyncset.done @p0 $0x0  }
0x102: {  	s14 =	sadd.s32 @!p0 $0x500, s3;
	s15 =	simm.s32 @!p0 $0x8E80;
	[sflag:s9] =	ssyncadd.s32 @p0 $0xFFFFE0C0  }
0x103: {  	[tilespmem:s15], [sflag:$0x4] =	stream.indirect.gather @!p0 [hbm4b:s4+s8], $0x40, s14, s8, $0xb8;
	[tilespmem:$0x1E800] =	vst v63  }
0x104: {  	s14 =	simm.s32 @!p0 $0x5  }
0x105: {  	_ =	swait.ge @!p0 [sflag:s14], $0x1F40  }
0x106: {  	[sflag:s14] =	ssyncset.done @!p0 $0x0  }
0x107: {  	s15 =	sadd.s32 @!p0 $0x2980, s3;
	[sflag:s14] =	ssyncadd.s32 @!p0 $0xFFFFE0C0;
	s14 =	simm.s32 @!p0 $0xADC0  }
0x108: {  	[spmem:s2] =	stream.indirect.scatter.add.f32 @!p0 [tilespmem:s14], [sflag:$0xA], $0x40, s15, s8, $0xb8;
	[tilespmem:$0x1E800] =	vst v63  }
0x109: {  	_ =	swait.ge @!p0 [sflag:s12], $0x1F40  }
0x10a: {  	[sflag:s12] =	ssyncset.done @!p0 $0x0  }
0x10b: {  	s15 =	sadd.s32 @!p0 $0x580, s3;
	[sflag:s12] =	ssyncadd.s32 @!p0 $0xFFFFE0C0  }
0x10c: {  	[tilespmem:s14], [sflag:$0x5] =	stream.indirect.gather @!p0 [hbm4b:s4+s8], $0x40, s15, s8, $0xb8;
	[tilespmem:$0x1E800] =	vst v63  }
0x10d: {  	_ =	swait.ge [sflag:s19], $0x1F40  }
0x10e: {  	[sflag:s19] =	ssyncset.done $0x0  }
0x10f: {  	s23 =	sadd.s32 $0x2A00, s7;
	s15 =	simm.s32 $0xCD00;
	[sflag:s19] =	ssyncadd.s32 $0xFFFFE0C0  }
0x110: {  	[spmem:s2] =	stream.indirect.scatter.add.f32 [tilespmem:s15], [sflag:$0xA], $0x40, s23, s17, $0xb8;
	[tilespmem:$0x1E800] =	vst v63  }
0x111: {  	_ =	swait.ge [sflag:s16], $0x1F40  }
0x112: {  	[sflag:s16] =	ssyncset.done $0x0  }
0x113: {  	s14 =	simm.s32 @p0 $0x7;
	[sflag:s16] =	ssyncadd.s32 $0xFFFFE0C0  }
0x114: {  	_ =	swait.ge @p0 [sflag:s14], $0x1F40  }
0x115: {  	[sflag:s14] =	ssyncset.done @p0 $0x0  }
0x116: {  	s10 =	sadd.s32 @p0 $0x2A80, s10;
	[sflag:s14] =	ssyncadd.s32 @p0 $0xFFFFE0C0;
	s14 =	simm.s32 @p0 $0xEC40  }
0x117: {  	[spmem:s2] =	stream.indirect.scatter.add.f32 @p0 [tilespmem:s14], [sflag:$0xA], $0x40, s10, s11, $0xb8;
	[tilespmem:$0x1E800] =	vst v63  }
0x118: {  	_ =	swait.ge @p0 [sflag:s9], $0x1F40  }
0x119: {  	[sflag:s9] =	ssyncset.done @p0 $0x0  }
0x11a: {  	s10 =	sadd.s32 @!p0 $0x600, s3;
	[sflag:s9] =	ssyncadd.s32 @p0 $0xFFFFE0C0;
	s9 =	simm.s32 @!p0 $0xCD00  }
0x11b: {  	[tilespmem:s9], [sflag:$0x6] =	stream.indirect.gather @!p0 [hbm4b:s4+s8], $0x40, s10, s8, $0xb8;
	[tilespmem:$0x1E800] =	vst v63  }
0x11c: {  	s9 =	simm.s32 @!p0 $0x7  }
0x11d: {  	_ =	swait.ge @!p0 [sflag:s9], $0x1F40  }
0x11e: {  	[sflag:s9] =	ssyncset.done @!p0 $0x0  }
0x11f: {  	s10 =	sadd.s32 @!p0 $0x2A80, s3;
	[sflag:s9] =	ssyncadd.s32 @!p0 $0xFFFFE0C0;
	s9 =	simm.s32 @!p0 $0xEC40  }
0x120: {  	[spmem:s2] =	stream.indirect.scatter.add.f32 @!p0 [tilespmem:s9], [sflag:$0xA], $0x40, s10, s8, $0xb8;
	[tilespmem:$0x1E800] =	vst v63  }
0x121: {  	_ =	swait.ge @!p0 [sflag:s12], $0x1F40  }
0x122: {  	[sflag:s12] =	ssyncset.done @!p0 $0x0  }
0x123: {  	s10 =	sadd.s32 @!p0 $0x680, s3;
	[sflag:s12] =	ssyncadd.s32 @!p0 $0xFFFFE0C0  }
0x124: {  	[tilespmem:s9], [sflag:$0x7] =	stream.indirect.gather @!p0 [hbm4b:s4+s8], $0x40, s10, s8, $0xb8;
	[tilespmem:$0x1E800] =	vst v63  }
0x125: {  	_ =	swait.ge [sflag:s20], $0x1F40  }
0x126: {  	[sflag:s20] =	ssyncset.done $0x0  }
0x127: {  	s24 =	sadd.s32 $0x2B00, s7;
	s12 =	simm.s32 $0x10B80;
	[sflag:s20] =	ssyncadd.s32 $0xFFFFE0C0  }
0x128: {  	[spmem:s2] =	stream.indirect.scatter.add.f32 [tilespmem:s12], [sflag:$0xA], $0x40, s24, s17, $0xb8;
	[tilespmem:$0x1E800] =	vst v63  }
0x129: {  	_ =	swait.ge [sflag:s16], $0x1F40  }
0x12a: {  	[sflag:s16] =	ssyncset.done $0x0  }
0x12b: {  	s3 =	sadd.s32 @!p0 $0x700, s3;
	s9 =	simm.s32 @!p0 $0x10B80;
	[sflag:s16] =	ssyncadd.s32 $0xFFFFE0C0  }
0x12c: {  	[tilespmem:s9], [sflag:$0x8] =	stream.indirect.gather @!p0 [hbm4b:s4+s8], $0x40, s3, s8, $0xb8;
	[tilespmem:$0x1E800] =	vst v63  }
0x12d: {  	_ =	swait.ge [sflag:s6], $0x1F40  }
0x12e: {  	[sflag:s6] =	ssyncset.done $0x0  }
0x12f: {  	s25 =	sadd.s32 $0x2B80, s7;
	[sflag:s6] =	ssyncadd.s32 $0xFFFFE0C0  }
0x130: {  	[spmem:s2] =	stream.indirect.scatter.add.f32 [tilespmem:s1], [sflag:$0xA], $0x40, s25, s17, $0xb8;
	[tilespmem:$0x1E800] =	vst v63  }
0x131: {  	_ =	swait.ge [sflag:s16], $0x1F40  }
0x132: {  	[sflag:s16] =	ssyncset.done $0x0  }
0x133: {  	[sflag:s16] =	ssyncadd.s32 $0xFFFFE0C0  }
0x134: {  	[bflag:$0x0] =	sbarrier.arrive $0xFFFF  }
0x135: {  	s26 =	rddreg [dreg:$0x6]  }
0x136: {  	s28 =	rddreg [dreg:$0x9]  }
0x137: {  	s29 =	rddreg [dreg:$0xa]  }
0x138: {  	[hbm:s26], [sflag:s28] =	dma.local [spmem:s29], $0x13C0  }
0x139: {  	_ =	swait.ge [sflag:s16], $0x13C0  }
0x13a: {  	[sflag:s16] =	ssyncset.done $0x0  }
0x13b: {  	[sflag:s16] =	ssyncadd.s32 $0xFFFFEC40  }
0x13c: {  	[bflag:$0x0] =	sbarrier.arrive $0xFFFF  }
0x13d: {  	s30 =	rddreg [dreg:$0x5]  }
0x13e: {  	[spmem:s29], [sflag:s28] =	dma.local [hbm:s30], $0x13C0  }
0x13f: {  	_ =	swait.ge [sflag:s16], $0x13C0  }
0x140: {  	[sflag:s16] =	ssyncset.done $0x0  }
0x141: {  	[sflag:s16] =	ssyncadd.s32 $0xFFFFEC40  }
0x142: {  	s31 =	simm.s32 $0x0;
	[bflag:$0x0] =	sbarrier.arrive $0xFFFF  }
0x143: {  	[tilespmem:s18], [sflag:$0x2] =	stream.indirect.gather [hbm4b:s5+s17], $0x40, s31, s17, $0xb8;
	[tilespmem:$0x1E800] =	vst v63  }
0x144: {  	s7 =	simm.s32 $0x80;
	s8 =	simm.s32 $0x6F40  }
0x145: {  	[tilespmem:s8], [sflag:$0x3] =	stream.indirect.gather [hbm4b:s5+s17], $0x40, s7, s17, $0xb8;
	[tilespmem:$0x1E800] =	vst v63  }
0x146: {  	s9 =	simm.s32 $0x100  }
0x147: {  	[tilespmem:s21], [sflag:$0x4] =	stream.indirect.gather [hbm4b:s5+s17], $0x40, s9, s17, $0xb8;
	[tilespmem:$0x1E800] =	vst v63  }
0x148: {  	s11 =	simm.s32 $0xADC0;
	s10 =	simm.s32 $0x180  }
0x149: {  	[tilespmem:s11], [sflag:$0x5] =	stream.indirect.gather [hbm4b:s5+s17], $0x40, s10, s17, $0xb8;
	[tilespmem:$0x1E800] =	vst v63  }
0x14a: {  	s14 =	simm.s32 $0x200  }
0x14b: {  	[tilespmem:s15], [sflag:$0x6] =	stream.indirect.gather [hbm4b:s5+s17], $0x40, s14, s17, $0xb8;
	[tilespmem:$0x1E800] =	vst v63  }
0x14c: {  	s22 =	simm.s32 $0x280;
	s23 =	simm.s32 $0xEC40  }
0x14d: {  	[tilespmem:s23], [sflag:$0x7] =	stream.indirect.gather [hbm4b:s5+s17], $0x40, s22, s17, $0xb8;
	[tilespmem:$0x1E800] =	vst v63  }
0x14e: {  	s24 =	simm.s32 $0x300  }
0x14f: {  	[tilespmem:s12], [sflag:$0x8] =	stream.indirect.gather [hbm4b:s5+s17], $0x40, s24, s17, $0xb8;
	[tilespmem:$0x1E800] =	vst v63  }
0x150: {  	s25 =	simm.s32 $0x380  }
0x151: {  	[tilespmem:s1], [sflag:$0x9] =	stream.indirect.gather [hbm4b:s5+s17], $0x40, s25, s17, $0xb8;
	[tilespmem:$0x1E800] =	vst v63  }
0x152: {  	_ =	swait.ge [sflag:s0], $0x1F40  }
0x153: {  	[sflag:s0] =	ssyncset.done $0x0  }
0x154: {  	s26 =	simm.s32 $0x2800;
	[sflag:s0] =	ssyncadd.s32 $0xFFFFE0C0  }
0x155: {  	[spmem:s2] =	stream.indirect.scatter.add.f32 [tilespmem:s18], [sflag:$0xA], $0x40, s26, s17, $0xb8;
	[tilespmem:$0x1E800] =	vst v63  }
0x156: {  	_ =	swait.ge [sflag:s16], $0x1F40  }
0x157: {  	p0 =	por $0x0, $0x0;
	[sflag:s16] =	ssyncset.done $0x0  }
0x158: {  	s3 =	simm.s32 @p0 $0x3;
	[sflag:s16] =	ssyncadd.s32 $0xFFFFE0C0  }
0x159: {  	_ =	swait.ge @p0 [sflag:s3], $0x1F40  }
0x15a: {  	s7 =	simm.s32 @p0 $0xA;
	s8 =	simm.s32 @p0 $0x7D;
	[sflag:s3] =	ssyncset.done @p0 $0x0  }
0x15b: {  	s9 =	simm.s32 @p0 $0x2880;
	[sflag:s3] =	ssyncadd.s32 @p0 $0xFFFFE0C0;
	s3 =	simm.s32 @p0 $0x6F40  }
0x15c: {  	[spmem:s2] =	stream.indirect.scatter.add.f32 @p0 [tilespmem:s3], [sflag:$0xA], $0x40, s9, s8, $0xb8;
	[tilespmem:$0x1E800] =	vst v63  }
0x15d: {  	_ =	swait.ge @p0 [sflag:s7], $0x1F40  }
0x15e: {  	s10 =	simm.s32 @!p0 $0x3;
	s11 =	simm.s32 @!p0 $0x5000;
	[sflag:s7] =	ssyncset.done @p0 $0x0  }
0x15f: {  	s9 =	simm.s32 @!p0 $0x400;
	s3 =	simm.s32 @!p0 $0x7D;
	[sflag:s7] =	ssyncadd.s32 @p0 $0xFFFFE0C0  }
0x160: {  	[tilespmem:s11], [sflag:$0x2] =	stream.indirect.gather @!p0 [hbm4b:s5+s3], $0x40, s9, s3, $0xb8;
	[tilespmem:$0x1E800] =	vst v63  }
0x161: {  	_ =	swait.ge @!p0 [sflag:s10], $0x1F40  }
0x162: {  	s11 =	simm.s32 @!p0 $0x2880;
	[sflag:s10] =	ssyncset.done @!p0 $0x0  }
0x163: {  	s9 =	simm.s32 @!p0 $0xA;
	[sflag:s10] =	ssyncadd.s32 @!p0 $0xFFFFE0C0;
	s10 =	simm.s32 @!p0 $0x6F40  }
0x164: {  	[spmem:s2] =	stream.indirect.scatter.add.f32 @!p0 [tilespmem:s10], [sflag:$0xA], $0x40, s11, s3, $0xb8;
	[tilespmem:$0x1E800] =	vst v63  }
0x165: {  	_ =	swait.ge @!p0 [sflag:s9], $0x1F40  }
0x166: {  	[sflag:s9] =	ssyncset.done @!p0 $0x0  }
0x167: {  	s11 =	simm.s32 @!p0 $0x480;
	[sflag:s9] =	ssyncadd.s32 @!p0 $0xFFFFE0C0  }
0x168: {  	[tilespmem:s10], [sflag:$0x3] =	stream.indirect.gather @!p0 [hbm4b:s5+s3], $0x40, s11, s3, $0xb8;
	[tilespmem:$0x1E800] =	vst v63  }
0x169: {  	_ =	swait.ge [sflag:s13], $0x1F40  }
0x16a: {  	[sflag:s13] =	ssyncset.done $0x0  }
0x16b: {  	s28 =	simm.s32 $0x2900;
	[sflag:s13] =	ssyncadd.s32 $0xFFFFE0C0  }
0x16c: {  	[spmem:s2] =	stream.indirect.scatter.add.f32 [tilespmem:s21], [sflag:$0xA], $0x40, s28, s17, $0xb8;
	[tilespmem:$0x1E800] =	vst v63  }
0x16d: {  	_ =	swait.ge [sflag:s16], $0x1F40  }
0x16e: {  	[sflag:s16] =	ssyncset.done $0x0  }
0x16f: {  	s10 =	simm.s32 @p0 $0x5;
	[sflag:s16] =	ssyncadd.s32 $0xFFFFE0C0  }
0x170: {  	_ =	swait.ge @p0 [sflag:s10], $0x1F40  }
0x171: {  	[sflag:s10] =	ssyncset.done @p0 $0x0  }
0x172: {  	s11 =	simm.s32 @p0 $0x2980;
	[sflag:s10] =	ssyncadd.s32 @p0 $0xFFFFE0C0;
	s10 =	simm.s32 @p0 $0xADC0  }
0x173: {  	[spmem:s2] =	stream.indirect.scatter.add.f32 @p0 [tilespmem:s10], [sflag:$0xA], $0x40, s11, s8, $0xb8;
	[tilespmem:$0x1E800] =	vst v63  }
0x174: {  	_ =	swait.ge @p0 [sflag:s7], $0x1F40  }
0x175: {  	[sflag:s7] =	ssyncset.done @p0 $0x0  }
0x176: {  	s10 =	simm.s32 @!p0 $0x500;
	s11 =	simm.s32 @!p0 $0x8E80;
	[sflag:s7] =	ssyncadd.s32 @p0 $0xFFFFE0C0  }
0x177: {  	[tilespmem:s11], [sflag:$0x4] =	stream.indirect.gather @!p0 [hbm4b:s5+s3], $0x40, s10, s3, $0xb8;
	[tilespmem:$0x1E800] =	vst v63  }
0x178: {  	s10 =	simm.s32 @!p0 $0x5  }
0x179: {  	_ =	swait.ge @!p0 [sflag:s10], $0x1F40  }
0x17a: {  	[sflag:s10] =	ssyncset.done @!p0 $0x0  }
0x17b: {  	s11 =	simm.s32 @!p0 $0x2980;
	[sflag:s10] =	ssyncadd.s32 @!p0 $0xFFFFE0C0;
	s10 =	simm.s32 @!p0 $0xADC0  }
0x17c: {  	[spmem:s2] =	stream.indirect.scatter.add.f32 @!p0 [tilespmem:s10], [sflag:$0xA], $0x40, s11, s3, $0xb8;
	[tilespmem:$0x1E800] =	vst v63  }
0x17d: {  	_ =	swait.ge @!p0 [sflag:s9], $0x1F40  }
0x17e: {  	[sflag:s9] =	ssyncset.done @!p0 $0x0  }
0x17f: {  	s11 =	simm.s32 @!p0 $0x580;
	[sflag:s9] =	ssyncadd.s32 @!p0 $0xFFFFE0C0  }
0x180: {  	[tilespmem:s10], [sflag:$0x5] =	stream.indirect.gather @!p0 [hbm4b:s5+s3], $0x40, s11, s3, $0xb8;
	[tilespmem:$0x1E800] =	vst v63  }
0x181: {  	_ =	swait.ge [sflag:s19], $0x1F40  }
0x182: {  	[sflag:s19] =	ssyncset.done $0x0  }
0x183: {  	s29 =	simm.s32 $0x2A00;
	[sflag:s19] =	ssyncadd.s32 $0xFFFFE0C0  }
0x184: {  	[spmem:s2] =	stream.indirect.scatter.add.f32 [tilespmem:s15], [sflag:$0xA], $0x40, s29, s17, $0xb8;
	[tilespmem:$0x1E800] =	vst v63  }
0x185: {  	_ =	swait.ge [sflag:s16], $0x1F40  }
0x186: {  	[sflag:s16] =	ssyncset.done $0x0  }
0x187: {  	s10 =	simm.s32 @p0 $0x7;
	[sflag:s16] =	ssyncadd.s32 $0xFFFFE0C0  }
0x188: {  	_ =	swait.ge @p0 [sflag:s10], $0x1F40  }
0x189: {  	[sflag:s10] =	ssyncset.done @p0 $0x0  }
0x18a: {  	s11 =	simm.s32 @p0 $0x2A80;
	[sflag:s10] =	ssyncadd.s32 @p0 $0xFFFFE0C0;
	s10 =	simm.s32 @p0 $0xEC40  }
0x18b: {  	[spmem:s2] =	stream.indirect.scatter.add.f32 @p0 [tilespmem:s10], [sflag:$0xA], $0x40, s11, s8, $0xb8;
	[tilespmem:$0x1E800] =	vst v63  }
0x18c: {  	_ =	swait.ge @p0 [sflag:s7], $0x1F40  }
0x18d: {  	[sflag:s7] =	ssyncset.done @p0 $0x0  }
0x18e: {  	s8 =	simm.s32 @!p0 $0x600;
	[sflag:s7] =	ssyncadd.s32 @p0 $0xFFFFE0C0;
	s7 =	simm.s32 @!p0 $0xCD00  }
0x18f: {  	[tilespmem:s7], [sflag:$0x6] =	stream.indirect.gather @!p0 [hbm4b:s5+s3], $0x40, s8, s3, $0xb8;
	[tilespmem:$0x1E800] =	vst v63  }
0x190: {  	s7 =	simm.s32 @!p0 $0x7  }
0x191: {  	_ =	swait.ge @!p0 [sflag:s7], $0x1F40  }
0x192: {  	[sflag:s7] =	ssyncset.done @!p0 $0x0  }
0x193: {  	s8 =	simm.s32 @!p0 $0x2A80;
	[sflag:s7] =	ssyncadd.s32 @!p0 $0xFFFFE0C0;
	s7 =	simm.s32 @!p0 $0xEC40  }
0x194: {  	[spmem:s2] =	stream.indirect.scatter.add.f32 @!p0 [tilespmem:s7], [sflag:$0xA], $0x40, s8, s3, $0xb8;
	[tilespmem:$0x1E800] =	vst v63  }
0x195: {  	_ =	swait.ge @!p0 [sflag:s9], $0x1F40  }
0x196: {  	[sflag:s9] =	ssyncset.done @!p0 $0x0  }
0x197: {  	s8 =	simm.s32 @!p0 $0x680;
	[sflag:s9] =	ssyncadd.s32 @!p0 $0xFFFFE0C0  }
0x198: {  	[tilespmem:s7], [sflag:$0x7] =	stream.indirect.gather @!p0 [hbm4b:s5+s3], $0x40, s8, s3, $0xb8;
	[tilespmem:$0x1E800] =	vst v63  }
0x199: {  	_ =	swait.ge [sflag:s20], $0x1F40  }
0x19a: {  	[sflag:s20] =	ssyncset.done $0x0  }
0x19b: {  	s30 =	simm.s32 $0x2B00;
	[sflag:s20] =	ssyncadd.s32 $0xFFFFE0C0  }
0x19c: {  	[spmem:s2] =	stream.indirect.scatter.add.f32 [tilespmem:s12], [sflag:$0xA], $0x40, s30, s17, $0xb8;
	[tilespmem:$0x1E800] =	vst v63  }
0x19d: {  	_ =	swait.ge [sflag:s16], $0x1F40  }
0x19e: {  	[sflag:s16] =	ssyncset.done $0x0  }
0x19f: {  	s7 =	simm.s32 @!p0 $0x700;
	s8 =	simm.s32 @!p0 $0x10B80;
	[sflag:s16] =	ssyncadd.s32 $0xFFFFE0C0  }
0x1a0: {  	[tilespmem:s8], [sflag:$0x8] =	stream.indirect.gather @!p0 [hbm4b:s5+s3], $0x40, s7, s3, $0xb8;
	[tilespmem:$0x1E800] =	vst v63  }
0x1a1: {  	_ =	swait.ge [sflag:s6], $0x1F40  }
0x1a2: {  	[sflag:s6] =	ssyncset.done $0x0  }
0x1a3: {  	s31 =	simm.s32 $0x2B80;
	[sflag:s6] =	ssyncadd.s32 $0xFFFFE0C0  }
0x1a4: {  	[spmem:s2] =	stream.indirect.scatter.add.f32 [tilespmem:s1], [sflag:$0xA], $0x40, s31, s17, $0xb8;
	[tilespmem:$0x1E800] =	vst v63  }
0x1a5: {  	s23 =	simm.s32 $0x2000;
	_ =	swait.ge [sflag:s16], $0x1F40  }
0x1a6: {  	s24 =	simm.s32 $0x1000;
	s7 =	simm.s32 $0x400;
	[sflag:s16] =	ssyncset.done $0x0  }
.LBB2_4:
0x1a7: {  	s3 =	sadd.s32 $0x380, s7  }
0x1a8: {  	[sflag:s16] =	ssyncadd.s32 $0xFFFFE0C0;
	s12 =	smov.u32 s23;
	s23 =	sadd.s32 $0x1000, s23  }
0x1a9: {  	[tilespmem:s1], [sflag:$0x9] =	stream.indirect.gather [hbm4b:s5+s17], $0x40, s3, s17, $0xb8;
	[tilespmem:$0x1E800] =	vst v63  }
0x1aa: {  	p0 =	sne.s32 s23, $0xA000;
	_ =	swait.ge [sflag:s0], $0x1F40  }
0x1ab: {  	[sflag:s0] =	ssyncset.done $0x0  }
0x1ac: {  	s8 =	simm.s32 $0x5000;
	s3 =	sadd.s32 $0x2800, s7;
	[sflag:s0] =	ssyncadd.s32 $0xFFFFE0C0  }
0x1ad: {  	[spmem:s2] =	stream.indirect.scatter.add.f32 [tilespmem:s8], [sflag:$0xA], $0x40, s3, s17, $0xb8;
	[tilespmem:$0x1E800] =	vst v63  }
0x1ae: {  	_ =	swait.ge [sflag:s16], $0x1F40  }
0x1af: {  	p1 =	seq.s32 s24, $0x9000;
	[sflag:s16] =	ssyncset.done $0x0  }
0x1b0: {  	s3 =	simm.s32 @p1 $0x3;
	s8 =	sshra.s32 @p1 s24, $0x2;
	[sflag:s16] =	ssyncadd.s32 $0xFFFFE0C0  }
0x1b1: {  	s18 =	sshra.s32 @!p1 s24, $0x2;
	s9 =	sadd.s32 @p1 $0x2880, s8;
	_ =	swait.ge @p1 [sflag:s3], $0x1F40  }
0x1b2: {  	s10 =	simm.s32 @p1 $0xA;
	s14 =	sadd.s32 @!p1 $0x400, s18;
	[sflag:s3] =	ssyncset.done @p1 $0x0  }
0x1b3: {  	s11 =	simm.s32 @p1 $0x7D;
	[sflag:s3] =	ssyncadd.s32 @p1 $0xFFFFE0C0;
	s3 =	simm.s32 @p1 $0x6F40  }
0x1b4: {  	[spmem:s2] =	stream.indirect.scatter.add.f32 @p1 [tilespmem:s3], [sflag:$0xA], $0x40, s9, s11, $0xb8;
	[tilespmem:$0x1E800] =	vst v63  }
0x1b5: {  	s21 =	sadd.s32 @!p1 $0x480, s18;
	s3 =	sadd.s32 @!p1 $0x2880, s18;
	_ =	swait.ge @p1 [sflag:s10], $0x1F40  }
0x1b6: {  	s22 =	simm.s32 @!p1 $0x3;
	s26 =	sadd.s32 @p1 $0x2980, s8;
	[sflag:s10] =	ssyncset.done @p1 $0x0  }
0x1b7: {  	s15 =	simm.s32 @!p1 $0x5000;
	s9 =	simm.s32 @!p1 $0x7D;
	[sflag:s10] =	ssyncadd.s32 @p1 $0xFFFFE0C0  }
0x1b8: {  	[tilespmem:s15], [sflag:$0x2] =	stream.indirect.gather @!p1 [hbm4b:s5+s9], $0x40, s14, s9, $0xb8;
	[tilespmem:$0x1E800] =	vst v63  }
0x1b9: {  	s31 =	sadd.s32 @!p1 $0x500, s18;
	s15 =	sadd.s32 @!p1 $0x2980, s18;
	_ =	swait.ge @!p1 [sflag:s22], $0x1F40  }
0x1ba: {  	s8 =	sadd.s32 @p1 $0x2A80, s8;
	s14 =	sadd.s32 @!p1 $0x580, s18;
	[sflag:s22] =	ssyncset.done @!p1 $0x0  }
0x1bb: {  	s28 =	simm.s32 @!p1 $0xA;
	[sflag:s22] =	ssyncadd.s32 @!p1 $0xFFFFE0C0;
	s22 =	simm.s32 @!p1 $0x6F40  }
0x1bc: {  	[spmem:s2] =	stream.indirect.scatter.add.f32 @!p1 [tilespmem:s22], [sflag:$0xA], $0x40, s3, s9, $0xb8;
	[tilespmem:$0x1E800] =	vst v63  }
0x1bd: {  	s30 =	sadd.s32 @!p1 $0x2A80, s18;
	s3 =	sadd.s32 @!p1 $0x600, s18;
	_ =	swait.ge @!p1 [sflag:s28], $0x1F40  }
0x1be: {  	s29 =	sadd.s32 @!p1 $0x680, s18;
	s25 =	sadd.s32 @!p1 $0x700, s18;
	[sflag:s28] =	ssyncset.done @!p1 $0x0  }
0x1bf: {  	s24 =	smov.u32 s12;
	[sflag:s28] =	ssyncadd.s32 @!p1 $0xFFFFE0C0  }
0x1c0: {  	[tilespmem:s22], [sflag:$0x3] =	stream.indirect.gather @!p1 [hbm4b:s5+s9], $0x40, s21, s9, $0xb8;
	[tilespmem:$0x1E800] =	vst v63  }
0x1c1: {  	_ =	swait.ge [sflag:s13], $0x1F40  }
0x1c2: {  	[sflag:s13] =	ssyncset.done $0x0  }
0x1c3: {  	s12 =	sadd.s32 $0x2900, s7;
	s18 =	simm.s32 $0x8E80;
	[sflag:s13] =	ssyncadd.s32 $0xFFFFE0C0  }
0x1c4: {  	[spmem:s2] =	stream.indirect.scatter.add.f32 [tilespmem:s18], [sflag:$0xA], $0x40, s12, s17, $0xb8;
	[tilespmem:$0x1E800] =	vst v63  }
0x1c5: {  	_ =	swait.ge [sflag:s16], $0x1F40  }
0x1c6: {  	[sflag:s16] =	ssyncset.done $0x0  }
0x1c7: {  	s12 =	simm.s32 @p1 $0x5;
	[sflag:s16] =	ssyncadd.s32 $0xFFFFE0C0  }
0x1c8: {  	_ =	swait.ge @p1 [sflag:s12], $0x1F40  }
0x1c9: {  	[sflag:s12] =	ssyncset.done @p1 $0x0  }
0x1ca: {  	[sflag:s12] =	ssyncadd.s32 @p1 $0xFFFFE0C0;
	s12 =	simm.s32 @p1 $0xADC0  }
0x1cb: {  	[spmem:s2] =	stream.indirect.scatter.add.f32 @p1 [tilespmem:s12], [sflag:$0xA], $0x40, s26, s11, $0xb8;
	[tilespmem:$0x1E800] =	vst v63  }
0x1cc: {  	_ =	swait.ge @p1 [sflag:s10], $0x1F40  }
0x1cd: {  	[sflag:s10] =	ssyncset.done @p1 $0x0  }
0x1ce: {  	s18 =	simm.s32 @!p1 $0x5;
	s12 =	simm.s32 @!p1 $0x8E80;
	[sflag:s10] =	ssyncadd.s32 @p1 $0xFFFFE0C0  }
0x1cf: {  	[tilespmem:s12], [sflag:$0x4] =	stream.indirect.gather @!p1 [hbm4b:s5+s9], $0x40, s31, s9, $0xb8;
	[tilespmem:$0x1E800] =	vst v63  }
0x1d0: {  	_ =	swait.ge @!p1 [sflag:s18], $0x1F40  }
0x1d1: {  	[sflag:s18] =	ssyncset.done @!p1 $0x0  }
0x1d2: {  	s12 =	simm.s32 @!p1 $0xADC0;
	[sflag:s18] =	ssyncadd.s32 @!p1 $0xFFFFE0C0  }
0x1d3: {  	[spmem:s2] =	stream.indirect.scatter.add.f32 @!p1 [tilespmem:s12], [sflag:$0xA], $0x40, s15, s9, $0xb8;
	[tilespmem:$0x1E800] =	vst v63  }
0x1d4: {  	_ =	swait.ge @!p1 [sflag:s28], $0x1F40  }
0x1d5: {  	[sflag:s28] =	ssyncset.done @!p1 $0x0  }
0x1d6: {  	[sflag:s28] =	ssyncadd.s32 @!p1 $0xFFFFE0C0  }
0x1d7: {  	[tilespmem:s12], [sflag:$0x5] =	stream.indirect.gather @!p1 [hbm4b:s5+s9], $0x40, s14, s9, $0xb8;
	[tilespmem:$0x1E800] =	vst v63  }
0x1d8: {  	_ =	swait.ge [sflag:s19], $0x1F40  }
0x1d9: {  	[sflag:s19] =	ssyncset.done $0x0  }
0x1da: {  	s12 =	sadd.s32 $0x2A00, s7;
	s14 =	simm.s32 $0xCD00;
	[sflag:s19] =	ssyncadd.s32 $0xFFFFE0C0  }
0x1db: {  	[spmem:s2] =	stream.indirect.scatter.add.f32 [tilespmem:s14], [sflag:$0xA], $0x40, s12, s17, $0xb8;
	[tilespmem:$0x1E800] =	vst v63  }
0x1dc: {  	_ =	swait.ge [sflag:s16], $0x1F40  }
0x1dd: {  	[sflag:s16] =	ssyncset.done $0x0  }
0x1de: {  	s12 =	simm.s32 @p1 $0x7;
	[sflag:s16] =	ssyncadd.s32 $0xFFFFE0C0  }
0x1df: {  	_ =	swait.ge @p1 [sflag:s12], $0x1F40  }
0x1e0: {  	[sflag:s12] =	ssyncset.done @p1 $0x0  }
0x1e1: {  	[sflag:s12] =	ssyncadd.s32 @p1 $0xFFFFE0C0;
	s12 =	simm.s32 @p1 $0xEC40  }
0x1e2: {  	[spmem:s2] =	stream.indirect.scatter.add.f32 @p1 [tilespmem:s12], [sflag:$0xA], $0x40, s8, s11, $0xb8;
	[tilespmem:$0x1E800] =	vst v63  }
0x1e3: {  	_ =	swait.ge @p1 [sflag:s10], $0x1F40  }
0x1e4: {  	[sflag:s10] =	ssyncset.done @p1 $0x0  }
0x1e5: {  	s8 =	simm.s32 @!p1 $0xCD00;
	[sflag:s10] =	ssyncadd.s32 @p1 $0xFFFFE0C0;
	s10 =	simm.s32 @!p1 $0x7  }
0x1e6: {  	[tilespmem:s8], [sflag:$0x6] =	stream.indirect.gather @!p1 [hbm4b:s5+s9], $0x40, s3, s9, $0xb8;
	[tilespmem:$0x1E800] =	vst v63  }
0x1e7: {  	_ =	swait.ge @!p1 [sflag:s10], $0x1F40  }
0x1e8: {  	[sflag:s10] =	ssyncset.done @!p1 $0x0  }
0x1e9: {  	s3 =	simm.s32 @!p1 $0xEC40;
	[sflag:s10] =	ssyncadd.s32 @!p1 $0xFFFFE0C0  }
0x1ea: {  	[spmem:s2] =	stream.indirect.scatter.add.f32 @!p1 [tilespmem:s3], [sflag:$0xA], $0x40, s30, s9, $0xb8;
	[tilespmem:$0x1E800] =	vst v63  }
0x1eb: {  	_ =	swait.ge @!p1 [sflag:s28], $0x1F40  }
0x1ec: {  	[sflag:s28] =	ssyncset.done @!p1 $0x0  }
0x1ed: {  	[sflag:s28] =	ssyncadd.s32 @!p1 $0xFFFFE0C0  }
0x1ee: {  	[tilespmem:s3], [sflag:$0x7] =	stream.indirect.gather @!p1 [hbm4b:s5+s9], $0x40, s29, s9, $0xb8;
	[tilespmem:$0x1E800] =	vst v63  }
0x1ef: {  	_ =	swait.ge [sflag:s20], $0x1F40  }
0x1f0: {  	[sflag:s20] =	ssyncset.done $0x0  }
0x1f1: {  	s8 =	simm.s32 $0x10B80;
	s3 =	sadd.s32 $0x2B00, s7;
	[sflag:s20] =	ssyncadd.s32 $0xFFFFE0C0  }
0x1f2: {  	[spmem:s2] =	stream.indirect.scatter.add.f32 [tilespmem:s8], [sflag:$0xA], $0x40, s3, s17, $0xb8;
	[tilespmem:$0x1E800] =	vst v63  }
0x1f3: {  	_ =	swait.ge [sflag:s16], $0x1F40  }
0x1f4: {  	[sflag:s16] =	ssyncset.done $0x0  }
0x1f5: {  	s3 =	simm.s32 @!p1 $0x10B80;
	[sflag:s16] =	ssyncadd.s32 $0xFFFFE0C0  }
0x1f6: {  	[tilespmem:s3], [sflag:$0x8] =	stream.indirect.gather @!p1 [hbm4b:s5+s9], $0x40, s25, s9, $0xb8;
	[tilespmem:$0x1E800] =	vst v63  }
0x1f7: {  	_ =	swait.ge [sflag:s6], $0x1F40  }
.Ltmp1:
0x1f8: {  	[sflag:s6] =	ssyncset.done $0x0;
	(pc) =	sbr.rel @p0 .LBB2_4-.Ltmp1, $4  }
0x1f9: {  	s3 =	sadd.s32 $0x2B80, s7;
	[sflag:s6] =	ssyncadd.s32 $0xFFFFE0C0  }
0x1fa: {  	[spmem:s2] =	stream.indirect.scatter.add.f32 [tilespmem:s1], [sflag:$0xA], $0x40, s3, s17, $0xb8;
	[tilespmem:$0x1E800] =	vst v63  }
0x1fb: {  	_ =	swait.ge [sflag:s16], $0x1F40  }
0x1fc: {  	s7 =	sshra.s32 s24, $0x2;
	[sflag:s16] =	ssyncset.done $0x0  }
0x1fd: {  	s3 =	sadd.s32 $0x380, s7;
	[sflag:s16] =	ssyncadd.s32 $0xFFFFE0C0  }
0x1fe: {  	[tilespmem:s1], [sflag:$0x9] =	stream.indirect.gather [hbm4b:s5+s17], $0x40, s3, s17, $0xb8;
	[tilespmem:$0x1E800] =	vst v63  }
0x1ff: {  	_ =	swait.ge [sflag:s0], $0x1F40  }
0x200: {  	[sflag:s0] =	ssyncset.done $0x0  }
0x201: {  	s18 =	sadd.s32 $0x2800, s7;
	s8 =	simm.s32 $0x5000;
	[sflag:s0] =	ssyncadd.s32 $0xFFFFE0C0  }
0x202: {  	[spmem:s2] =	stream.indirect.scatter.add.f32 [tilespmem:s8], [sflag:$0xA], $0x40, s18, s17, $0xb8;
	[tilespmem:$0x1E800] =	vst v63  }
0x203: {  	_ =	swait.ge [sflag:s16], $0x1F40  }
0x204: {  	p0 =	seq.s32 s24, $0x9000;
	[sflag:s16] =	ssyncset.done $0x0  }
0x205: {  	s3 =	simm.s32 @p0 $0x3;
	[sflag:s16] =	ssyncadd.s32 $0xFFFFE0C0  }
0x206: {  	s10 =	sshra.s32 @p0 s24, $0x2;
	_ =	swait.ge @p0 [sflag:s3], $0x1F40  }
0x207: {  	s9 =	simm.s32 @p0 $0xA;
	s11 =	simm.s32 @p0 $0x7D;
	[sflag:s3] =	ssyncset.done @p0 $0x0  }
0x208: {  	s8 =	sadd.s32 @p0 $0x2880, s10;
	[sflag:s3] =	ssyncadd.s32 @p0 $0xFFFFE0C0;
	s3 =	simm.s32 @p0 $0x6F40  }
0x209: {  	[spmem:s2] =	stream.indirect.scatter.add.f32 @p0 [tilespmem:s3], [sflag:$0xA], $0x40, s8, s11, $0xb8;
	[tilespmem:$0x1E800] =	vst v63  }
0x20a: {  	s14 =	simm.s32 @!p0 $0x3;
	_ =	swait.ge @p0 [sflag:s9], $0x1F40  }
0x20b: {  	s15 =	simm.s32 @!p0 $0x5000;
	s3 =	sshra.s32 @!p0 s24, $0x2;
	[sflag:s9] =	ssyncset.done @p0 $0x0  }
0x20c: {  	s8 =	simm.s32 @!p0 $0x7D;
	s12 =	sadd.s32 @!p0 $0x400, s3;
	[sflag:s9] =	ssyncadd.s32 @p0 $0xFFFFE0C0  }
0x20d: {  	[tilespmem:s15], [sflag:$0x2] =	stream.indirect.gather @!p0 [hbm4b:s5+s8], $0x40, s12, s8, $0xb8;
	[tilespmem:$0x1E800] =	vst v63  }
0x20e: {  	_ =	swait.ge @!p0 [sflag:s14], $0x1F40  }
0x20f: {  	s15 =	sadd.s32 @!p0 $0x2880, s3;
	[sflag:s14] =	ssyncset.done @!p0 $0x0  }
0x210: {  	s12 =	simm.s32 @!p0 $0xA;
	[sflag:s14] =	ssyncadd.s32 @!p0 $0xFFFFE0C0;
	s14 =	simm.s32 @!p0 $0x6F40  }
0x211: {  	[spmem:s2] =	stream.indirect.scatter.add.f32 @!p0 [tilespmem:s14], [sflag:$0xA], $0x40, s15, s8, $0xb8;
	[tilespmem:$0x1E800] =	vst v63  }
0x212: {  	_ =	swait.ge @!p0 [sflag:s12], $0x1F40  }
0x213: {  	[sflag:s12] =	ssyncset.done @!p0 $0x0  }
0x214: {  	s15 =	sadd.s32 @!p0 $0x480, s3;
	[sflag:s12] =	ssyncadd.s32 @!p0 $0xFFFFE0C0  }
0x215: {  	[tilespmem:s14], [sflag:$0x3] =	stream.indirect.gather @!p0 [hbm4b:s5+s8], $0x40, s15, s8, $0xb8;
	[tilespmem:$0x1E800] =	vst v63  }
0x216: {  	_ =	swait.ge [sflag:s13], $0x1F40  }
0x217: {  	[sflag:s13] =	ssyncset.done $0x0  }
0x218: {  	s21 =	sadd.s32 $0x2900, s7;
	s22 =	simm.s32 $0x8E80;
	[sflag:s13] =	ssyncadd.s32 $0xFFFFE0C0  }
0x219: {  	[spmem:s2] =	stream.indirect.scatter.add.f32 [tilespmem:s22], [sflag:$0xA], $0x40, s21, s17, $0xb8;
	[tilespmem:$0x1E800] =	vst v63  }
0x21a: {  	_ =	swait.ge [sflag:s16], $0x1F40  }
0x21b: {  	[sflag:s16] =	ssyncset.done $0x0  }
0x21c: {  	s14 =	simm.s32 @p0 $0x5;
	[sflag:s16] =	ssyncadd.s32 $0xFFFFE0C0  }
0x21d: {  	_ =	swait.ge @p0 [sflag:s14], $0x1F40  }
0x21e: {  	[sflag:s14] =	ssyncset.done @p0 $0x0  }
0x21f: {  	s15 =	sadd.s32 @p0 $0x2980, s10;
	[sflag:s14] =	ssyncadd.s32 @p0 $0xFFFFE0C0;
	s14 =	simm.s32 @p0 $0xADC0  }
0x220: {  	[spmem:s2] =	stream.indirect.scatter.add.f32 @p0 [tilespmem:s14], [sflag:$0xA], $0x40, s15, s11, $0xb8;
	[tilespmem:$0x1E800] =	vst v63  }
0x221: {  	_ =	swait.ge @p0 [sflag:s9], $0x1F40  }
0x222: {  	[sflag:s9] =	ssyncset.done @p0 $0x0  }
0x223: {  	s14 =	sadd.s32 @!p0 $0x500, s3;
	s15 =	simm.s32 @!p0 $0x8E80;
	[sflag:s9] =	ssyncadd.s32 @p0 $0xFFFFE0C0  }
0x224: {  	[tilespmem:s15], [sflag:$0x4] =	stream.indirect.gather @!p0 [hbm4b:s5+s8], $0x40, s14, s8, $0xb8;
	[tilespmem:$0x1E800] =	vst v63  }
0x225: {  	s14 =	simm.s32 @!p0 $0x5  }
0x226: {  	_ =	swait.ge @!p0 [sflag:s14], $0x1F40  }
0x227: {  	[sflag:s14] =	ssyncset.done @!p0 $0x0  }
0x228: {  	s15 =	sadd.s32 @!p0 $0x2980, s3;
	[sflag:s14] =	ssyncadd.s32 @!p0 $0xFFFFE0C0;
	s14 =	simm.s32 @!p0 $0xADC0  }
0x229: {  	[spmem:s2] =	stream.indirect.scatter.add.f32 @!p0 [tilespmem:s14], [sflag:$0xA], $0x40, s15, s8, $0xb8;
	[tilespmem:$0x1E800] =	vst v63  }
0x22a: {  	_ =	swait.ge @!p0 [sflag:s12], $0x1F40  }
0x22b: {  	[sflag:s12] =	ssyncset.done @!p0 $0x0  }
0x22c: {  	s15 =	sadd.s32 @!p0 $0x580, s3;
	[sflag:s12] =	ssyncadd.s32 @!p0 $0xFFFFE0C0  }
0x22d: {  	[tilespmem:s14], [sflag:$0x5] =	stream.indirect.gather @!p0 [hbm4b:s5+s8], $0x40, s15, s8, $0xb8;
	[tilespmem:$0x1E800] =	vst v63  }
0x22e: {  	_ =	swait.ge [sflag:s19], $0x1F40  }
0x22f: {  	[sflag:s19] =	ssyncset.done $0x0  }
0x230: {  	s23 =	sadd.s32 $0x2A00, s7;
	s24 =	simm.s32 $0xCD00;
	[sflag:s19] =	ssyncadd.s32 $0xFFFFE0C0  }
0x231: {  	[spmem:s2] =	stream.indirect.scatter.add.f32 [tilespmem:s24], [sflag:$0xA], $0x40, s23, s17, $0xb8;
	[tilespmem:$0x1E800] =	vst v63  }
0x232: {  	_ =	swait.ge [sflag:s16], $0x1F40  }
0x233: {  	[sflag:s16] =	ssyncset.done $0x0  }
0x234: {  	s14 =	simm.s32 @p0 $0x7;
	[sflag:s16] =	ssyncadd.s32 $0xFFFFE0C0  }
0x235: {  	_ =	swait.ge @p0 [sflag:s14], $0x1F40  }
0x236: {  	[sflag:s14] =	ssyncset.done @p0 $0x0  }
0x237: {  	s10 =	sadd.s32 @p0 $0x2A80, s10;
	[sflag:s14] =	ssyncadd.s32 @p0 $0xFFFFE0C0;
	s14 =	simm.s32 @p0 $0xEC40  }
0x238: {  	[spmem:s2] =	stream.indirect.scatter.add.f32 @p0 [tilespmem:s14], [sflag:$0xA], $0x40, s10, s11, $0xb8;
	[tilespmem:$0x1E800] =	vst v63  }
0x239: {  	_ =	swait.ge @p0 [sflag:s9], $0x1F40  }
0x23a: {  	[sflag:s9] =	ssyncset.done @p0 $0x0  }
0x23b: {  	s10 =	sadd.s32 @!p0 $0x600, s3;
	[sflag:s9] =	ssyncadd.s32 @p0 $0xFFFFE0C0;
	s9 =	simm.s32 @!p0 $0xCD00  }
0x23c: {  	[tilespmem:s9], [sflag:$0x6] =	stream.indirect.gather @!p0 [hbm4b:s5+s8], $0x40, s10, s8, $0xb8;
	[tilespmem:$0x1E800] =	vst v63  }
0x23d: {  	s9 =	simm.s32 @!p0 $0x7  }
0x23e: {  	_ =	swait.ge @!p0 [sflag:s9], $0x1F40  }
0x23f: {  	[sflag:s9] =	ssyncset.done @!p0 $0x0  }
0x240: {  	s10 =	sadd.s32 @!p0 $0x2A80, s3;
	[sflag:s9] =	ssyncadd.s32 @!p0 $0xFFFFE0C0;
	s9 =	simm.s32 @!p0 $0xEC40  }
0x241: {  	[spmem:s2] =	stream.indirect.scatter.add.f32 @!p0 [tilespmem:s9], [sflag:$0xA], $0x40, s10, s8, $0xb8;
	[tilespmem:$0x1E800] =	vst v63  }
0x242: {  	_ =	swait.ge @!p0 [sflag:s12], $0x1F40  }
0x243: {  	[sflag:s12] =	ssyncset.done @!p0 $0x0  }
0x244: {  	s10 =	sadd.s32 @!p0 $0x680, s3;
	[sflag:s12] =	ssyncadd.s32 @!p0 $0xFFFFE0C0  }
0x245: {  	[tilespmem:s9], [sflag:$0x7] =	stream.indirect.gather @!p0 [hbm4b:s5+s8], $0x40, s10, s8, $0xb8;
	[tilespmem:$0x1E800] =	vst v63  }
0x246: {  	_ =	swait.ge [sflag:s20], $0x1F40  }
0x247: {  	[sflag:s20] =	ssyncset.done $0x0  }
0x248: {  	s25 =	sadd.s32 $0x2B00, s7;
	s26 =	simm.s32 $0x10B80;
	[sflag:s20] =	ssyncadd.s32 $0xFFFFE0C0  }
0x249: {  	[spmem:s2] =	stream.indirect.scatter.add.f32 [tilespmem:s26], [sflag:$0xA], $0x40, s25, s17, $0xb8;
	[tilespmem:$0x1E800] =	vst v63  }
0x24a: {  	_ =	swait.ge [sflag:s16], $0x1F40  }
0x24b: {  	[sflag:s16] =	ssyncset.done $0x0  }
0x24c: {  	s3 =	sadd.s32 @!p0 $0x700, s3;
	s9 =	simm.s32 @!p0 $0x10B80;
	[sflag:s16] =	ssyncadd.s32 $0xFFFFE0C0  }
0x24d: {  	[tilespmem:s9], [sflag:$0x8] =	stream.indirect.gather @!p0 [hbm4b:s5+s8], $0x40, s3, s8, $0xb8;
	[tilespmem:$0x1E800] =	vst v63  }
0x24e: {  	_ =	swait.ge [sflag:s6], $0x1F40  }
0x24f: {  	[sflag:s6] =	ssyncset.done $0x0  }
0x250: {  	s28 =	sadd.s32 $0x2B80, s7;
	[sflag:s6] =	ssyncadd.s32 $0xFFFFE0C0  }
0x251: {  	[spmem:s2] =	stream.indirect.scatter.add.f32 [tilespmem:s1], [sflag:$0xA], $0x40, s28, s17, $0xb8;
	[tilespmem:$0x1E800] =	vst v63  }
0x252: {  	_ =	swait.ge [sflag:s16], $0x1F40  }
0x253: {  	[sflag:s16] =	ssyncset.done $0x0  }
0x254: {  	[sflag:s16] =	ssyncadd.s32 $0xFFFFE0C0  }
0x255: {  	[bflag:$0x0] =	sbarrier.arrive $0xFFFF  }
0x256: {  	s29 =	rddreg [dreg:$0x7]  }
0x257: {  	s10 =	rddreg [dreg:$0x9]  }
0x258: {  	s11 =	rddreg [dreg:$0xa]  }
0x259: {  	[hbm:s29], [sflag:s10] =	dma.local [spmem:s11], $0x13C0  }
0x25a: {  	_ =	swait.ge [sflag:s16], $0x13C0  }
0x25b: {  	s30 =	rddreg [dreg:$0xb]  }
0x25c: {  	s31 =	rddreg [dreg:$0x8];
	s7 =	sadd.s32 $0x1, s30  }
0x25d: {  	p0 =	sne.s32 s7, s31  }
.Ltmp2:
0x25e: {  	_ = 	snop;
	(pc) =	sbr.rel @p0 .LBB2_1-.Ltmp2, $4  }
0x25f: {  	[sflag:s16] =	ssyncset.done $0x0  }
0x260: {  	[sflag:s16] =	ssyncadd.s32 $0xFFFFEC40  }
0x261: {  	[bflag:$0x0] =	sbarrier.arrive $0xFFFF  }
0x262: {  	s12 =	rddreg [dreg:$0x5]  }
0x263: {  	_ =	sfence.sel $0x180000  }
0x264: {  	[bflag:$0x0] =	sbarrier.arrive $0xFFFF  }
0x265: {  	_ =	strace $0x9000004D  }
0x266: {  	s0 =	stileid.u32;
	[bflag:$0x2] =	sbarrier.arrive $0xFFFF  }
0x267: {  	p0 =	sne.s32 s0, $0x0;
	s0 =	rddreg [dreg:$0x2]  }
0x268: {  	s0 =	sadd.s32 @!p0 $0x100000, s0  }
0x269: {  	[sflag:s0] =	ssyncadd.tile.s32 @!p0 $0x1;
	_ =	shalt  }
.Lfunc_end2:
_tile_overlayer_lowered:
.L_overlay_start_2:
0x26a: {  	(tag) =	ssettag $0x2  }
0x26b: {  	s0 =	rddreg [dreg:$0x0];
	s2 =	stileid.u32  }
0x26c: {  	s1 =	rddreg [dreg:$0x1];
	p0 =	sne.s32 s2, $0x0  }
0x26d: {  	s3 =	rddreg [dreg:$0x2];
	[bflag:$0x3] =	sbarrier.arrive $0xFFFF;
	s2 =	simm.s32 @!p0 $0x1C0A  }
0x26e: {  	[timem:s3], [sflag:s2] =	dma.local @!p0 [hbm:s0], s1  }
0x26f: {  	s0 =	simm.s32 @!p0 $0xA  }
0x270: {  	_ =	swait.ge @!p0 [sflag:s0], s1  }
0x271: {  	s1 =	ssub.s32 @!p0 $0x0, s1;
	[sflag:s0] =	ssyncset.done @!p0 $0x0  }
0x272: {  	[sflag:s0] =	ssyncadd.s32 @!p0 s1  }
0x273: {  	[bflag:$0x3] =	sbarrier.arrive $0xFFFF  }
0x274: {  	_ =	shalt  }

// kernel: kernel.9.cloned.1.call-start
scs
__scs_entry_jumppad:
0x0: {  	(pc) =	sbr.rel $0x88, $3  }
0x1: {  	(tag) =	ssettag $0x0;
	lr =	simm.s32 $0x1  }
0x2: {  	[smem:$0x3F9A] =	sst lr;
	_ =	strace $0xD0000000  }
0x3: {  	_ = 	snop  }
0x4: {  	_ = 	snop  }
0x5: {  	_ = 	snop  }
0x6: {  	_ = 	snop  }
0x7: {  	_ = 	snop  }
__scs_overlays_trampoline_lowered:
0x8: {  	[smem:$0x3FA9] =	sst s0  }
0x9: {  	[smem:$0x3FAA] =	sst s1  }
0xa: {  	[smem:$0x3FAB] =	sst s2  }
0xb: {  	[smem:$0x3FAC] =	sst s3  }
0xc: {  	[smem:$0x3FAD] =	sst s4  }
0xd: {  	[smem:$0x3FAE] =	sst s5  }
0xe: {  	[smem:$0x3FAF] =	sst s6  }
0xf: {  	[smem:$0x3FB0] =	sst s7  }
0x10: {  	[smem:$0x3FB1] =	sst s8  }
0x11: {  	[smem:$0x3FB2] =	sst s9;
	s0 =	simm.s32 @!p0 $0x0  }
0x12: {  	s1 =	sld [smem:$0x3F98];
	s0 =	simm.s32 @p0 $0x1  }
0x13: {  	[smem:$0x3FB3] =	sst s0;
	s0 =	simm.s32 @!p1 $0x0  }
0x14: {  	s2 =	sld [smem:$0x3F97];
	s0 =	simm.s32 @p1 $0x1  }
0x15: {  	[smem:$0x3FB4] =	sst s0;
	s0 =	simm.s32 @!p2 $0x0  }
0x16: {  	s3 =	sld [smem:$0x3FDB];
	s0 =	simm.s32 @p2 $0x1  }
0x17: {  	s4 =	simm.s32 $0x1BF5;
	[smem:$0x3FB6] =	sst s0  }
0x18: {  	s0 =	sld [smem:$0x3F99];
	_ =	swait.ge [sflag:s4], $0x0  }
0x19: {  	s7 =	sld [smem:$0x3F9A]  }
0x1a: {  	s8 =	sadd.s32 $0xFFFFE003, lr  }
0x1b: {  	s9 =	sadd.s32 $0xFFFFFEF7, lr;
	s5 =	simm.s32 $0xFFFFFFFF;
	p2 =	slt.u32 s8, $0xFFFFF086  }
0x1c: {  	p1 =	slt.u32 s9, $0xF7A;
	s5 =	simm.s32 @!p2 $0x0  }
0x1d: {  	s5 =	simm.s32 @p1 $0x1;
	p0 =	seq.s32 s7, s2  }
0x1e: {  	s7 =	smul.u32 @!p0 $0xF7A, s2;
	p2 =	seq.s32 @!p0 s5, $0x0  }
0x1f: {  	s9 =	smul.u32 $0xF7A, s1;
	s8 =	simm.s32 @!p0 $0x1BF5;
	p2 =	por !p2, p0  }
0x20: {  	[sflag:s8] =	ssyncset.s32 @!p0 $0xFFFFF086;
	s6 =	sadd.s32 @!p0 s3, s7;
	s7 =	simm.s32 @!p0 $0x108  }
0x21: {  	s3 =	sadd.s32 s3, s9;
	s6 =	sadd.s32 @!p0 $0x88, s6;
	s7 =	simm.s32 @p2 $0x1082  }
0x22: {  	[simem:s7], [sflag:s8] =	dma.local @!p0 [hbm:s6], $0xF7A  }
0x23: {  	s9 =	sor.u32 $0xD0000000, s2;
	s6 =	simm.s32 $0x108;
	_ =	swait.ge @!p0 [sflag:s8], $0x0  }
0x24: {  	s3 =	sadd.s32 $0x88, s3;
	s6 =	simm.s32 @!p1 $0x1082;
	[sflag:s4] =	ssyncset.s32 $0xFFFFF086  }
0x25: {  	[simem:s6], [sflag:s4] =	dma.local [hbm:s3], $0xF7A  }
0x26: {  	[smem:$0x3F9A] =	sst s1;
	(tag) =	ssettag s2;
	_ =	strace s9  }
0x27: {  	s1 =	sld [smem:$0x3FAA]  }
0x28: {  	s2 =	sld [smem:$0x3FAB]  }
0x29: {  	s4 =	sld [smem:$0x3FAD]  }
0x2a: {  	p0 =	seq.s32 s5, $0x0;
	s5 =	sld [smem:$0x3FAE]  }
0x2b: {  	s6 =	sld [smem:$0x3FAF]  }
0x2c: {  	s7 =	sld [smem:$0x3FB0]  }
0x2d: {  	s3 =	simm.s32 $0x108;
	s8 =	sld [smem:$0x3FB1]  }
0x2e: {  	s3 =	simm.s32 @!p0 $0x1082;
	s9 =	sld [smem:$0x3FB2]  }
0x2f: {  	lr =	sadd.s32 s0, s3;
	s0 =	sld [smem:$0x3FA9]  }
0x30: {  	s3 =	sld [smem:$0x3FAC]  }
0x31: {  	[smem:$0x3FB5] =	sst s10  }
0x32: {  	s10 =	sld [smem:$0x3FB3];
	_ =	sdelay $0x3  }
0x33: {  	p0 =	seq.s32 s10, $0x1;
	s10 =	sld [smem:$0x3FB5];
	_ =	sdelay $0x3  }
0x34: {  	[smem:$0x3FB5] =	sst s10  }
0x35: {  	s10 =	sld [smem:$0x3FB4];
	_ =	sdelay $0x3  }
0x36: {  	p1 =	seq.s32 s10, $0x1;
	s10 =	sld [smem:$0x3FB5];
	_ =	sdelay $0x3  }
0x37: {  	[smem:$0x3FB5] =	sst s10  }
0x38: {  	s10 =	sld [smem:$0x3FB6]  }
0x39: {  	_ = 	snop;
	(pc) =	sbr.ind lr, $3  }
0x3a: {  	_ = 	snop  }
0x3b: {  	_ = 	snop  }
0x3c: {  	p2 =	seq.s32 s10, $0x1;
	s10 =	sld [smem:$0x3FB5]  }
0x3d: {  	_ =	shalt  }
0x3e: {  	_ =	shalt  }
0x3f: {  	_ =	shalt  }
0x40: {  	_ =	shalt  }
0x41: {  	_ =	shalt  }
0x42: {  	_ =	shalt  }
0x43: {  	_ =	shalt  }
0x44: {  	_ =	shalt  }
0x45: {  	_ =	shalt  }
0x46: {  	_ =	shalt  }
0x47: {  	_ =	shalt  }
0x48: {  	_ =	shalt  }
0x49: {  	_ =	shalt  }
0x4a: {  	_ =	shalt  }
0x4b: {  	_ =	shalt  }
0x4c: {  	_ =	shalt  }
0x4d: {  	_ =	shalt  }
0x4e: {  	_ =	shalt  }
0x4f: {  	_ =	shalt  }
0x50: {  	_ =	shalt  }
0x51: {  	_ =	shalt  }
0x52: {  	_ =	shalt  }
0x53: {  	_ =	shalt  }
0x54: {  	_ =	shalt  }
0x55: {  	_ =	shalt  }
0x56: {  	_ =	shalt  }
0x57: {  	_ =	shalt  }
0x58: {  	_ =	shalt  }
0x59: {  	_ =	shalt  }
0x5a: {  	_ =	shalt  }
0x5b: {  	_ =	shalt  }
0x5c: {  	_ =	shalt  }
0x5d: {  	_ =	shalt  }
0x5e: {  	_ =	shalt  }
0x5f: {  	_ =	shalt  }
0x60: {  	_ =	shalt  }
0x61: {  	_ =	shalt  }
0x62: {  	_ =	shalt  }
0x63: {  	_ =	shalt  }
0x64: {  	_ =	shalt  }
0x65: {  	_ =	shalt  }
0x66: {  	_ =	shalt  }
0x67: {  	_ =	shalt  }
0x68: {  	_ =	shalt  }
0x69: {  	_ =	shalt  }
0x6a: {  	_ =	shalt  }
0x6b: {  	_ =	shalt  }
0x6c: {  	_ =	shalt  }
0x6d: {  	_ =	shalt  }
0x6e: {  	_ =	shalt  }
0x6f: {  	_ =	shalt  }
0x70: {  	_ =	shalt  }
0x71: {  	_ =	shalt  }
0x72: {  	_ =	shalt  }
0x73: {  	_ =	shalt  }
0x74: {  	_ =	shalt  }
0x75: {  	_ =	shalt  }
0x76: {  	_ =	shalt  }
0x77: {  	_ =	shalt  }
0x78: {  	_ =	shalt  }
0x79: {  	_ =	shalt  }
0x7a: {  	_ =	shalt  }
0x7b: {  	_ =	shalt  }
0x7c: {  	_ =	shalt  }
0x7d: {  	_ =	shalt  }
0x7e: {  	_ =	shalt  }
0x7f: {  	_ =	shalt  }
0x80: {  	_ =	shalt  }
0x81: {  	_ =	shalt  }
0x82: {  	_ =	shalt  }
0x83: {  	_ =	shalt  }
0x84: {  	_ =	shalt  }
0x85: {  	_ =	shalt  }
0x86: {  	_ =	shalt  }
0x87: {  	_ =	shalt  }
.Lfunc_end0:
.L_simem_size_0:
called_computation_lowered:
.L_overlay_start_0:
0x88: {  	s2 =	sld [smem:$0x3FD9]  }
0x89: {  	s3 =	sld [smem:$0x3FFE];
	_ =	sdelay $0x1  }
0x8a: {  	s1 =	srdreg.scid  }
0x8b: {  	s0 =	sand.u32 $0x1, s1  }
0x8c: {  	s16 =	sshll.u32 s0, $0xA;
	s2 =	sadd.s32 s3, s2  }
0x8d: {  	s2 =	sadd.s32 s2, s16  }
0x8e: {  	[smem:$0x3FC1] =	sst s2  }
0x8f: {  	_ = 	snop  }
0x90: {  	(tm) =	ssettm $0x1  }
0x91: {  	s17 =	sld [smem:$0x3FFB];
	_ =	sdelay $0x3  }
0x92: {  	_ =	strace s17  }
0x93: {  	s2 =	sld [smem:$0x3FFC];
	_ =	sdelay $0x3  }
0x94: {  	_ =	strace s2  }
0x95: {  	s2 =	sld [smem:$0x3FFD];
	_ =	sdelay $0x3  }
0x96: {  	_ =	strace s2  }
0x97: {  	_ =	strace $0x8FFFFFFF  }
0x98: {  	s18 =	sld [smem:$0x3FDB];
	_ =	sdelay $0x1  }
0x99: {  	s19 =	simm.s32 $_scs_section_size  }
0x9a: {  	s4 =	simm.s32 $_size__tile_overlayer_lowered;
	s5 =	simm.s32 $_tile_overlayer_lowered  }
0x9b: {  	s22 =	simm.s32 $0x1BFF;
	s21 =	sshll.u32 s5, $0x1;
	s2 =	sadd.s32 s19, s18  }
0x9c: {  	s6 =	simm.s32 $0x0;
	s20 =	sshll.u32 s4, $0x1;
	s4 =	sadd.s32 s21, s2  }
0x9d: {  	[timem:s6], [sflag:s22] =	dma.local [hbm:s4], s20  }
0x9e: {  	_ =	swait.ge [sflag:s22], s20  }
0x9f: {  	s3 =	ssub.s32 $0x0, s20;
	[sflag:s22] =	ssyncset.done $0x0  }
0xa0: {  	[sflag:s22] =	ssyncadd.s32 s3;
	_ =	sdelay $0x1  }
0xa1: {  	s23 =	simm.s32 $0x1B8B  }
0xa2: {  	_ =	swait.ge [sflag:s23], $0x1  }
0xa3: {  	[sflag:s23] =	ssyncset.done $0x0  }
0xa4: {  	s25 =	simm.s32 $0x1B8E;
	s24 =	sld [smem:$0x3FFE];
	[sflag:s23] =	ssyncadd.s32 $0xFFFFFFFF  }
0xa5: {  	s26 =	simm.s32 $execute0_lowered;
	[smem:$0x3FD2] =	sst s25  }
0xa6: {  	s4 =	sshll.u32 s26, $0x1;
	_ =	strace $0x80000046;
	[dreg:$0x1] =	wrdreg $0xFFFFFFFF  }
0xa7: {  	s28 =	simm.s32 $_size_execute0_lowered;
	s2 =	sadd.s32 s2, s4;
	[dreg:$0x0] =	wrdreg $0x0  }
0xa8: {  	s4 =	sshll.u32 s28, $0x1;
	[dreg:$0x2] =	wrdreg s2  }
0xa9: {  	[dreg:$0x3] =	wrdreg s4  }
0xaa: {  	[dreg:$0x4] =	wrdreg $0xC0  }
0xab: {  	_ =	task [dreg:s6], $0x5FFFF  }
0xac: {  	[dreg:$0x1] =	wrdreg $0xFFFFFFFF  }
0xad: {  	[dreg:$0x0] =	wrdreg $0x60  }
0xae: {  	[dreg:$0x2] =	wrdreg s24  }
0xaf: {  	[dreg:$0x3] =	wrdreg $0x54000  }
0xb0: {  	[dreg:$0x4] =	wrdreg $0x9  }
0xb1: {  	_ =	task.clear_ibuf [dreg:s6], $0x5FFFF;
	_ =	strace $0x90000046  }
0xb2: {  	s29 =	simm.s32 $0x9;
	_ =	strace $0x80000048  }
0xb3: {  	_ =	swait.ge [sflag:s29], $0x1  }
0xb4: {  	[sflag:s29] =	ssyncadd.s32 $0xFFFFFFFF  }
0xb5: {  	_ =	strace $0x90000048  }
0xb6: {  	_ =	sfence  }
0xb7: {  	s30 =	sld [smem:$0x0];
	_ =	sdelay $0x2  }
0xb8: {  	s31 =	sshll.u32 s1, $0xD;
	s1 =	sshrl.u32 s1, $0x2  }
0xb9: {  	s3 =	sand.u32 $0x4000, s31;
	s1 =	sadd.s32 s1, s30  }
0xba: {  	s0 =	sor.u32 s3, s0;
	s1 =	sshll.u32 s1, $0x11  }
0xbb: {  	s0 =	sor.u32 s1, s0  }
0xbc: {  	s0 =	sadd.s32 $0x8F2B, s0  }
0xbd: {  	[sflag:s0] =	ssyncadd.remote.s32 $0x1  }
0xbe: {  	_ =	sfence.sel $0xFFFF  }
0xbf: {  	[dreg:$0x0] =	wrdreg $0xFFFFFFFF;
	(pc) =	sbr.abs _section_cstart, $3  }
0xc0: {  	[dreg:$0x1] =	wrdreg $0xFFFFFFFF  }
0xc1: {  	_ =	task.clear_ibuf [dreg:s6], $0x2FFFF;
	_ =	strace $0x9FFFFFFF  }
0xc2: {  	(tm) =	ssettm $0x7FFFFFFF  }
0xc3: {  	_ =	shalt  }
tec
execute0_lowered:
.L_overlay_start_1:
0x0: {  	(tag) =	ssettag $0x1  }
0x1: {  	s20 =	rddreg [dreg:$0x0]  }
0x2: {  	s0 =	srdreg.scid;
	s5 =	rddreg [dreg:$0x1];
	s2 =	simm.s32 $0x0  }
0x3: {  	s23 =	simm.s32 $0xE600;
	s25 =	simm.s32 $0x2;
	s26 =	simm.s32 $0x4F00  }
0x4: {  	s28 =	simm.s32 $0x5180;
	s17 =	sand.u32 $0x1, s0;
	s0 =	stileid.u32  }
0x5: {  	s29 =	simm.s32 $0x0;
	[smem:$0x7FF] =	sst s2;
	s4 =	smul.u32 $0x9E00, s0  }
0x6: {  	s1 =	sshll.u32 s17, $0x4;
	s6 =	ssub.s32 $0x2, s17;
	s21 =	smul.u32 $0x278, s0  }
0x7: {  	_ =	strace $0x80000047;
	p0 =	seq.s32 s17, $0x1;
	s1 =	sor.u32 s0, s1  }
0x8: {  	s30 =	sshrl.u32 s6, $0x1;
	s23 =	simm.s32 @!p0 $0xE000;
	s3 =	smul.u32 $0x4E2, s1  }
0x9: {  	s22 =	ssub.s32 s6, s30;
	s31 =	sshrl.u32 s4, $0x2;
	s24 =	sshrl.u32 s21, $0x3  }
0xa: {  	s23 =	sadd.s32 s23, s20;
	s7 =	sadd.s32 s3, s20;
	s3 =	sadd.s32 s21, s5  }
0xb: {  	s5 =	sadd.s32 s31, s5;
	s21 =	smax.u32 s22, $0x1;
	s22 =	sadd.s32 s23, s24  }
0xc: {  	s23 =	simm.s32 $0x1;
	s24 =	simm.s32 $0x2780;
	s4 =	sadd.s32 $0x4200, s7  }
0xd: {  	s6 =	sadd.s32 $0x2780, s3;
	s7 =	sadd.s32 $0x4F00, s3;
	s8 =	sadd.s32 $0x7680, s3  }
0xe: {  	s9 =	sadd.s32 $0x9E00, s3;
	s10 =	sadd.s32 $0xC580, s3;
	s11 =	sadd.s32 $0xED00, s3  }
0xf: {  	s12 =	sadd.s32 $0x11480, s3;
	s13 =	sadd.s32 $0x13C00, s3;
	s14 =	sadd.s32 $0x16380, s3  }
0x10: {  	s15 =	sadd.s32 $0x18B00, s3;
	s16 =	sadd.s32 $0x1B280, s3;
	s17 =	sadd.s32 $0x1DA00, s3  }
0x11: {  	v0 =	vimm.f32 $0.0e+00;
	v1 =	vimm.f32 $1.000000000e+00;
	s18 =	sadd.s32 $0x20180, s3;
	s19 =	sadd.s32 $0x22900, s3;
	s20 =	sadd.s32 $0x25080, s3  }
.LBB2_1:
0x12: {  	s30 =	simm.s32 $0x40;
	s31 =	simm.s32 $0x0  }
.LBB2_2:
0x13: {  	p0 =	sne.s32 s30, $0x9DC0;
	[tilespmem:s31+$0x2780] =	vst v0;
	s31 =	smov.u32 s30;
	s30 =	sadd.s32 $0x40, s30  }
.Ltmp0:
0x14: {  	(pc) =	sbr.rel @p0 .LBB2_2-.Ltmp0, $2  }
0x15: {  	_ =	sdelay $0x2  }
0x16: {  	s31 =	sshra.s32 s31, $0x2  }
0x17: {  	[tilespmem:s31+$0x2780] =	vst v0;
	s30 =	simm.s32 $0x0  }
0x18: {  	[tilespmem:s30], [sflag:$0x1] =	stream.linear.gather [hbm4b:s4+s30], $0x2710, $0x38;
	[tilespmem:$0x7B80] =	vst v63  }
0x19: {  	_ =	swait.ge [sflag:s23], $0x2710  }
0x1a: {  	[sflag:s23] =	ssyncset.done $0x0  }
0x1b: {  	s31 =	simm.s32 $0x0;
	s30 =	simm.s32 $0x40;
	[sflag:s23] =	ssyncadd.s32 $0xFFFFD8F0  }
.LBB2_4:
0x1c: {  	p0 =	sne.s32 s30, $0x9C00;
	v2 =	vld [tilespmem:s31+$0x0];
	_ =	sdelay $0x3  }
.Ltmp1:
0x1d: {  	(pc) =	sbr.rel @p0 .LBB2_4-.Ltmp1, $2  }
0x1e: {  	_ =	sdelay $0x2  }
0x1f: {  	s31 =	sshra.s32 s30, $0x2;
	s30 =	sadd.s32 $0x40, s30;
	[tilespmem:v2+s24+$0x0] =	vst.idx.add.f32.msk $0xffff, v1  }
0x20: {  	v2 =	vld [tilespmem:s31+$0x0];
	_ =	sdelay $0x7  }
0x21: {  	[tilespmem:v2+s24+$0x0] =	vst.idx.add.f32.msk $0xffff, v1  }
0x22: {  	[spmem:s5] =	stream.linear.scatter [tilespmem:s24], [sflag:$0x2], $0x2780, $0x38;
	[tilespmem:$0x7B80] =	vst v63  }
0x23: {  	_ =	swait.ge [sflag:s25], $0x2780  }
0x24: {  	[sflag:s25] =	ssyncset.done $0x0  }
0x25: {  	[sflag:s25] =	ssyncadd.s32 $0xFFFFD880  }
0x26: {  	[bflag:$0x0] =	sbarrier.arrive $0xFFFF  }
0x27: {  	[tilespmem:$0x5180] =	vst v0  }
0x28: {  	[tilespmem:$0x5190] =	vst v0  }
0x29: {  	[tilespmem:$0x51A0] =	vst v0  }
0x2a: {  	[tilespmem:$0x51B0] =	vst v0  }
0x2b: {  	[tilespmem:$0x51C0] =	vst v0  }
0x2c: {  	[tilespmem:$0x51D0] =	vst v0  }
0x2d: {  	[tilespmem:$0x51E0] =	vst v0  }
0x2e: {  	[tilespmem:$0x51F0] =	vst v0  }
0x2f: {  	[tilespmem:$0x5200] =	vst v0  }
0x30: {  	[tilespmem:$0x5210] =	vst v0  }
0x31: {  	[tilespmem:$0x5220] =	vst v0  }
0x32: {  	[tilespmem:$0x5230] =	vst v0  }
0x33: {  	[tilespmem:$0x5240] =	vst v0  }
0x34: {  	[tilespmem:$0x5250] =	vst v0  }
0x35: {  	[tilespmem:$0x5260] =	vst v0  }
0x36: {  	[tilespmem:$0x5270] =	vst v0  }
0x37: {  	[tilespmem:$0x5280] =	vst v0  }
0x38: {  	[tilespmem:$0x5290] =	vst v0  }
0x39: {  	[tilespmem:$0x52A0] =	vst v0  }
0x3a: {  	[tilespmem:$0x52B0] =	vst v0  }
0x3b: {  	[tilespmem:$0x52C0] =	vst v0  }
0x3c: {  	[tilespmem:$0x52D0] =	vst v0  }
0x3d: {  	[tilespmem:$0x52E0] =	vst v0  }
0x3e: {  	[tilespmem:$0x52F0] =	vst v0  }
0x3f: {  	[tilespmem:$0x5300] =	vst v0  }
0x40: {  	[tilespmem:$0x5310] =	vst v0  }
0x41: {  	[tilespmem:$0x5320] =	vst v0  }
0x42: {  	[tilespmem:$0x5330] =	vst v0  }
0x43: {  	[tilespmem:$0x5340] =	vst v0  }
0x44: {  	[tilespmem:$0x5350] =	vst v0  }
0x45: {  	[tilespmem:$0x5360] =	vst v0  }
0x46: {  	[tilespmem:$0x5370] =	vst v0  }
0x47: {  	[tilespmem:$0x5380] =	vst v0  }
0x48: {  	[tilespmem:$0x5390] =	vst v0  }
0x49: {  	[tilespmem:$0x53A0] =	vst v0  }
0x4a: {  	[tilespmem:$0x53B0] =	vst v0  }
0x4b: {  	[tilespmem:$0x53C0] =	vst v0  }
0x4c: {  	[tilespmem:$0x53D0] =	vst v0  }
0x4d: {  	[tilespmem:$0x53E0] =	vst v0  }
0x4e: {  	[tilespmem:$0x53F0] =	vst v0  }
0x4f: {  	[tilespmem:s26], [sflag:$0x2] =	stream.linear.gather [spmem:s3], $0x278, $0x38;
	[tilespmem:$0x7B80] =	vst v63  }
0x50: {  	_ =	swait.ge [sflag:s25], $0x278  }
0x51: {  	[sflag:s25] =	ssyncset.done $0x0  }
0x52: {  	s30 =	simm.s32 $0x0;
	[sflag:s25] =	ssyncadd.s32 $0xFFFFFD88  }
0x53: {  	s31 =	simm.s32 $0x40;
	v2 =	vld [tilespmem:s30+$0x4F00]  }
.LBB2_6:
0x54: {  	p0 =	sne.s32 s31, $0x9C0;
	v3 =	vld [tilespmem:s30+$0x5180];
	_ =	sdelay $0x2  }
.Ltmp2:
0x55: {  	(pc) =	sbr.rel @p0 .LBB2_6-.Ltmp2, $4  }
0x56: {  	_ = 	snop  }
0x57: {  	v3 =	vadd.f32 v2, v3  }
0x58: {  	s1 =	sshra.s32 s31, $0x2  }
0x59: {  	s31 =	sadd.s32 $0x40, s31;
	v2 =	vld [tilespmem:s1+$0x4F00];
	[tilespmem:s30+$0x5180] =	vst v3;
	s30 =	smov.u32 s1  }
0x5a: {  	v3 =	vld [tilespmem:s30+$0x5180];
	_ =	sdelay $0x4  }
0x5b: {  	v2 =	vadd.f32 v2, v3;
	_ =	sdelay $0x1  }
0x5c: {  	[tilespmem:s30+$0x5180] =	vst v2  }
0x5d: {  	[tilespmem:s26], [sflag:$0x2] =	stream.linear.gather [spmem:s6], $0x278, $0x38;
	[tilespmem:$0x7B80] =	vst v63  }
0x5e: {  	_ =	swait.ge [sflag:s25], $0x278  }
0x5f: {  	[sflag:s25] =	ssyncset.done $0x0  }
0x60: {  	s30 =	simm.s32 $0x0;
	[sflag:s25] =	ssyncadd.s32 $0xFFFFFD88  }
0x61: {  	s31 =	simm.s32 $0x40;
	v2 =	vld [tilespmem:s30+$0x4F00]  }
.LBB2_8:
0x62: {  	p0 =	sne.s32 s31, $0x9C0;
	v3 =	vld [tilespmem:s30+$0x5180];
	_ =	sdelay $0x2  }
.Ltmp3:
0x63: {  	(pc) =	sbr.rel @p0 .LBB2_8-.Ltmp3, $4  }
0x64: {  	_ = 	snop  }
0x65: {  	v3 =	vadd.f32 v2, v3  }
0x66: {  	s1 =	sshra.s32 s31, $0x2  }
0x67: {  	s31 =	sadd.s32 $0x40, s31;
	v2 =	vld [tilespmem:s1+$0x4F00];
	[tilespmem:s30+$0x5180] =	vst v3;
	s30 =	smov.u32 s1  }
0x68: {  	v3 =	vld [tilespmem:s30+$0x5180];
	_ =	sdelay $0x4  }
0x69: {  	v2 =	vadd.f32 v2, v3;
	_ =	sdelay $0x1  }
0x6a: {  	[tilespmem:s30+$0x5180] =	vst v2  }
0x6b: {  	[tilespmem:s26], [sflag:$0x2] =	stream.linear.gather [spmem:s7], $0x278, $0x38;
	[tilespmem:$0x7B80] =	vst v63  }
0x6c: {  	_ =	swait.ge [sflag:s25], $0x278  }
0x6d: {  	[sflag:s25] =	ssyncset.done $0x0  }
0x6e: {  	s30 =	simm.s32 $0x0;
	[sflag:s25] =	ssyncadd.s32 $0xFFFFFD88  }
0x6f: {  	s31 =	simm.s32 $0x40;
	v2 =	vld [tilespmem:s30+$0x4F00]  }
.LBB2_10:
0x70: {  	p0 =	sne.s32 s31, $0x9C0;
	v3 =	vld [tilespmem:s30+$0x5180];
	_ =	sdelay $0x2  }
.Ltmp4:
0x71: {  	(pc) =	sbr.rel @p0 .LBB2_10-.Ltmp4, $4  }
0x72: {  	_ = 	snop  }
0x73: {  	v3 =	vadd.f32 v2, v3  }
0x74: {  	s1 =	sshra.s32 s31, $0x2  }
0x75: {  	s31 =	sadd.s32 $0x40, s31;
	v2 =	vld [tilespmem:s1+$0x4F00];
	[tilespmem:s30+$0x5180] =	vst v3;
	s30 =	smov.u32 s1  }
0x76: {  	v3 =	vld [tilespmem:s30+$0x5180];
	_ =	sdelay $0x4  }
0x77: {  	v2 =	vadd.f32 v2, v3;
	_ =	sdelay $0x1  }
0x78: {  	[tilespmem:s30+$0x5180] =	vst v2  }
0x79: {  	[tilespmem:s26], [sflag:$0x2] =	stream.linear.gather [spmem:s8], $0x278, $0x38;
	[tilespmem:$0x7B80] =	vst v63  }
0x7a: {  	_ =	swait.ge [sflag:s25], $0x278  }
0x7b: {  	[sflag:s25] =	ssyncset.done $0x0  }
0x7c: {  	s30 =	simm.s32 $0x0;
	[sflag:s25] =	ssyncadd.s32 $0xFFFFFD88  }
0x7d: {  	s31 =	simm.s32 $0x40;
	v2 =	vld [tilespmem:s30+$0x4F00]  }
.LBB2_12:
0x7e: {  	p0 =	sne.s32 s31, $0x9C0;
	v3 =	vld [tilespmem:s30+$0x5180];
	_ =	sdelay $0x2  }
.Ltmp5:
0x7f: {  	(pc) =	sbr.rel @p0 .LBB2_12-.Ltmp5, $4  }
0x80: {  	_ = 	snop  }
0x81: {  	v3 =	vadd.f32 v2, v3  }
0x82: {  	s1 =	sshra.s32 s31, $0x2  }
0x83: {  	s31 =	sadd.s32 $0x40, s31;
	v2 =	vld [tilespmem:s1+$0x4F00];
	[tilespmem:s30+$0x5180] =	vst v3;
	s30 =	smov.u32 s1  }
0x84: {  	v3 =	vld [tilespmem:s30+$0x5180];
	_ =	sdelay $0x4  }
0x85: {  	v2 =	vadd.f32 v2, v3;
	_ =	sdelay $0x1  }
0x86: {  	[tilespmem:s30+$0x5180] =	vst v2  }
0x87: {  	[tilespmem:s26], [sflag:$0x2] =	stream.linear.gather [spmem:s9], $0x278, $0x38;
	[tilespmem:$0x7B80] =	vst v63  }
0x88: {  	_ =	swait.ge [sflag:s25], $0x278  }
0x89: {  	[sflag:s25] =	ssyncset.done $0x0  }
0x8a: {  	s30 =	simm.s32 $0x0;
	[sflag:s25] =	ssyncadd.s32 $0xFFFFFD88  }
0x8b: {  	s31 =	simm.s32 $0x40;
	v2 =	vld [tilespmem:s30+$0x4F00]  }
.LBB2_14:
0x8c: {  	p0 =	sne.s32 s31, $0x9C0;
	v3 =	vld [tilespmem:s30+$0x5180];
	_ =	sdelay $0x2  }
.Ltmp6:
0x8d: {  	(pc) =	sbr.rel @p0 .LBB2_14-.Ltmp6, $4  }
0x8e: {  	_ = 	snop  }
0x8f: {  	v3 =	vadd.f32 v2, v3  }
0x90: {  	s1 =	sshra.s32 s31, $0x2  }
0x91: {  	s31 =	sadd.s32 $0x40, s31;
	v2 =	vld [tilespmem:s1+$0x4F00];
	[tilespmem:s30+$0x5180] =	vst v3;
	s30 =	smov.u32 s1  }
0x92: {  	v3 =	vld [tilespmem:s30+$0x5180];
	_ =	sdelay $0x4  }
0x93: {  	v2 =	vadd.f32 v2, v3;
	_ =	sdelay $0x1  }
0x94: {  	[tilespmem:s30+$0x5180] =	vst v2  }
0x95: {  	[tilespmem:s26], [sflag:$0x2] =	stream.linear.gather [spmem:s10], $0x278, $0x38;
	[tilespmem:$0x7B80] =	vst v63  }
0x96: {  	_ =	swait.ge [sflag:s25], $0x278  }
0x97: {  	[sflag:s25] =	ssyncset.done $0x0  }
0x98: {  	s30 =	simm.s32 $0x0;
	[sflag:s25] =	ssyncadd.s32 $0xFFFFFD88  }
0x99: {  	s31 =	simm.s32 $0x40;
	v2 =	vld [tilespmem:s30+$0x4F00]  }
.LBB2_16:
0x9a: {  	p0 =	sne.s32 s31, $0x9C0;
	v3 =	vld [tilespmem:s30+$0x5180];
	_ =	sdelay $0x2  }
.Ltmp7:
0x9b: {  	(pc) =	sbr.rel @p0 .LBB2_16-.Ltmp7, $4  }
0x9c: {  	_ = 	snop  }
0x9d: {  	v3 =	vadd.f32 v2, v3  }
0x9e: {  	s1 =	sshra.s32 s31, $0x2  }
0x9f: {  	s31 =	sadd.s32 $0x40, s31;
	v2 =	vld [tilespmem:s1+$0x4F00];
	[tilespmem:s30+$0x5180] =	vst v3;
	s30 =	smov.u32 s1  }
0xa0: {  	v3 =	vld [tilespmem:s30+$0x5180];
	_ =	sdelay $0x4  }
0xa1: {  	v2 =	vadd.f32 v2, v3;
	_ =	sdelay $0x1  }
0xa2: {  	[tilespmem:s30+$0x5180] =	vst v2  }
0xa3: {  	[tilespmem:s26], [sflag:$0x2] =	stream.linear.gather [spmem:s11], $0x278, $0x38;
	[tilespmem:$0x7B80] =	vst v63  }
0xa4: {  	_ =	swait.ge [sflag:s25], $0x278  }
0xa5: {  	[sflag:s25] =	ssyncset.done $0x0  }
0xa6: {  	s30 =	simm.s32 $0x0;
	[sflag:s25] =	ssyncadd.s32 $0xFFFFFD88  }
0xa7: {  	s31 =	simm.s32 $0x40;
	v2 =	vld [tilespmem:s30+$0x4F00]  }
.LBB2_18:
0xa8: {  	p0 =	sne.s32 s31, $0x9C0;
	v3 =	vld [tilespmem:s30+$0x5180];
	_ =	sdelay $0x2  }
.Ltmp8:
0xa9: {  	(pc) =	sbr.rel @p0 .LBB2_18-.Ltmp8, $4  }
0xaa: {  	_ = 	snop  }
0xab: {  	v3 =	vadd.f32 v2, v3  }
0xac: {  	s1 =	sshra.s32 s31, $0x2  }
0xad: {  	s31 =	sadd.s32 $0x40, s31;
	v2 =	vld [tilespmem:s1+$0x4F00];
	[tilespmem:s30+$0x5180] =	vst v3;
	s30 =	smov.u32 s1  }
0xae: {  	v3 =	vld [tilespmem:s30+$0x5180];
	_ =	sdelay $0x4  }
0xaf: {  	v2 =	vadd.f32 v2, v3;
	_ =	sdelay $0x1  }
0xb0: {  	[tilespmem:s30+$0x5180] =	vst v2  }
0xb1: {  	[tilespmem:s26], [sflag:$0x2] =	stream.linear.gather [spmem:s12], $0x278, $0x38;
	[tilespmem:$0x7B80] =	vst v63  }
0xb2: {  	_ =	swait.ge [sflag:s25], $0x278  }
0xb3: {  	[sflag:s25] =	ssyncset.done $0x0  }
0xb4: {  	s30 =	simm.s32 $0x0;
	[sflag:s25] =	ssyncadd.s32 $0xFFFFFD88  }
0xb5: {  	s31 =	simm.s32 $0x40;
	v2 =	vld [tilespmem:s30+$0x4F00]  }
.LBB2_20:
0xb6: {  	p0 =	sne.s32 s31, $0x9C0;
	v3 =	vld [tilespmem:s30+$0x5180];
	_ =	sdelay $0x2  }
.Ltmp9:
0xb7: {  	(pc) =	sbr.rel @p0 .LBB2_20-.Ltmp9, $4  }
0xb8: {  	_ = 	snop  }
0xb9: {  	v3 =	vadd.f32 v2, v3  }
0xba: {  	s1 =	sshra.s32 s31, $0x2  }
0xbb: {  	s31 =	sadd.s32 $0x40, s31;
	v2 =	vld [tilespmem:s1+$0x4F00];
	[tilespmem:s30+$0x5180] =	vst v3;
	s30 =	smov.u32 s1  }
0xbc: {  	v3 =	vld [tilespmem:s30+$0x5180];
	_ =	sdelay $0x4  }
0xbd: {  	v2 =	vadd.f32 v2, v3;
	_ =	sdelay $0x1  }
0xbe: {  	[tilespmem:s30+$0x5180] =	vst v2  }
0xbf: {  	[tilespmem:s26], [sflag:$0x2] =	stream.linear.gather [spmem:s13], $0x278, $0x38;
	[tilespmem:$0x7B80] =	vst v63  }
0xc0: {  	_ =	swait.ge [sflag:s25], $0x278  }
0xc1: {  	[sflag:s25] =	ssyncset.done $0x0  }
0xc2: {  	s30 =	simm.s32 $0x0;
	[sflag:s25] =	ssyncadd.s32 $0xFFFFFD88  }
0xc3: {  	s31 =	simm.s32 $0x40;
	v2 =	vld [tilespmem:s30+$0x4F00]  }
.LBB2_22:
0xc4: {  	p0 =	sne.s32 s31, $0x9C0;
	v3 =	vld [tilespmem:s30+$0x5180];
	_ =	sdelay $0x2  }
.Ltmp10:
0xc5: {  	(pc) =	sbr.rel @p0 .LBB2_22-.Ltmp10, $4  }
0xc6: {  	_ = 	snop  }
0xc7: {  	v3 =	vadd.f32 v2, v3  }
0xc8: {  	s1 =	sshra.s32 s31, $0x2  }
0xc9: {  	s31 =	sadd.s32 $0x40, s31;
	v2 =	vld [tilespmem:s1+$0x4F00];
	[tilespmem:s30+$0x5180] =	vst v3;
	s30 =	smov.u32 s1  }
0xca: {  	v3 =	vld [tilespmem:s30+$0x5180];
	_ =	sdelay $0x4  }
0xcb: {  	v2 =	vadd.f32 v2, v3;
	_ =	sdelay $0x1  }
0xcc: {  	[tilespmem:s30+$0x5180] =	vst v2  }
0xcd: {  	[tilespmem:s26], [sflag:$0x2] =	stream.linear.gather [spmem:s14], $0x278, $0x38;
	[tilespmem:$0x7B80] =	vst v63  }
0xce: {  	_ =	swait.ge [sflag:s25], $0x278  }
0xcf: {  	[sflag:s25] =	ssyncset.done $0x0  }
0xd0: {  	s30 =	simm.s32 $0x0;
	[sflag:s25] =	ssyncadd.s32 $0xFFFFFD88  }
0xd1: {  	s31 =	simm.s32 $0x40;
	v2 =	vld [tilespmem:s30+$0x4F00]  }
.LBB2_24:
0xd2: {  	p0 =	sne.s32 s31, $0x9C0;
	v3 =	vld [tilespmem:s30+$0x5180];
	_ =	sdelay $0x2  }
.Ltmp11:
0xd3: {  	(pc) =	sbr.rel @p0 .LBB2_24-.Ltmp11, $4  }
0xd4: {  	_ = 	snop  }
0xd5: {  	v3 =	vadd.f32 v2, v3  }
0xd6: {  	s1 =	sshra.s32 s31, $0x2  }
0xd7: {  	s31 =	sadd.s32 $0x40, s31;
	v2 =	vld [tilespmem:s1+$0x4F00];
	[tilespmem:s30+$0x5180] =	vst v3;
	s30 =	smov.u32 s1  }
0xd8: {  	v3 =	vld [tilespmem:s30+$0x5180];
	_ =	sdelay $0x4  }
0xd9: {  	v2 =	vadd.f32 v2, v3;
	_ =	sdelay $0x1  }
0xda: {  	[tilespmem:s30+$0x5180] =	vst v2  }
0xdb: {  	[tilespmem:s26], [sflag:$0x2] =	stream.linear.gather [spmem:s15], $0x278, $0x38;
	[tilespmem:$0x7B80] =	vst v63  }
0xdc: {  	_ =	swait.ge [sflag:s25], $0x278  }
0xdd: {  	[sflag:s25] =	ssyncset.done $0x0  }
0xde: {  	s30 =	simm.s32 $0x0;
	[sflag:s25] =	ssyncadd.s32 $0xFFFFFD88  }
0xdf: {  	s31 =	simm.s32 $0x40;
	v2 =	vld [tilespmem:s30+$0x4F00]  }
.LBB2_26:
0xe0: {  	p0 =	sne.s32 s31, $0x9C0;
	v3 =	vld [tilespmem:s30+$0x5180];
	_ =	sdelay $0x2  }
.Ltmp12:
0xe1: {  	(pc) =	sbr.rel @p0 .LBB2_26-.Ltmp12, $4  }
0xe2: {  	_ = 	snop  }
0xe3: {  	v3 =	vadd.f32 v2, v3  }
0xe4: {  	s1 =	sshra.s32 s31, $0x2  }
0xe5: {  	s31 =	sadd.s32 $0x40, s31;
	v2 =	vld [tilespmem:s1+$0x4F00];
	[tilespmem:s30+$0x5180] =	vst v3;
	s30 =	smov.u32 s1  }
0xe6: {  	v3 =	vld [tilespmem:s30+$0x5180];
	_ =	sdelay $0x4  }
0xe7: {  	v2 =	vadd.f32 v2, v3;
	_ =	sdelay $0x1  }
0xe8: {  	[tilespmem:s30+$0x5180] =	vst v2  }
0xe9: {  	[tilespmem:s26], [sflag:$0x2] =	stream.linear.gather [spmem:s16], $0x278, $0x38;
	[tilespmem:$0x7B80] =	vst v63  }
0xea: {  	_ =	swait.ge [sflag:s25], $0x278  }
0xeb: {  	[sflag:s25] =	ssyncset.done $0x0  }
0xec: {  	s30 =	simm.s32 $0x0;
	[sflag:s25] =	ssyncadd.s32 $0xFFFFFD88  }
0xed: {  	s31 =	simm.s32 $0x40;
	v2 =	vld [tilespmem:s30+$0x4F00]  }
.LBB2_28:
0xee: {  	p0 =	sne.s32 s31, $0x9C0;
	v3 =	vld [tilespmem:s30+$0x5180];
	_ =	sdelay $0x2  }
.Ltmp13:
0xef: {  	(pc) =	sbr.rel @p0 .LBB2_28-.Ltmp13, $4  }
0xf0: {  	_ = 	snop  }
0xf1: {  	v3 =	vadd.f32 v2, v3  }
0xf2: {  	s1 =	sshra.s32 s31, $0x2  }
0xf3: {  	s31 =	sadd.s32 $0x40, s31;
	v2 =	vld [tilespmem:s1+$0x4F00];
	[tilespmem:s30+$0x5180] =	vst v3;
	s30 =	smov.u32 s1  }
0xf4: {  	v3 =	vld [tilespmem:s30+$0x5180];
	_ =	sdelay $0x4  }
0xf5: {  	v2 =	vadd.f32 v2, v3;
	_ =	sdelay $0x1  }
0xf6: {  	[tilespmem:s30+$0x5180] =	vst v2  }
0xf7: {  	[tilespmem:s26], [sflag:$0x2] =	stream.linear.gather [spmem:s17], $0x278, $0x38;
	[tilespmem:$0x7B80] =	vst v63  }
0xf8: {  	_ =	swait.ge [sflag:s25], $0x278  }
0xf9: {  	[sflag:s25] =	ssyncset.done $0x0  }
0xfa: {  	s30 =	simm.s32 $0x0;
	[sflag:s25] =	ssyncadd.s32 $0xFFFFFD88  }
0xfb: {  	s31 =	simm.s32 $0x40;
	v2 =	vld [tilespmem:s30+$0x4F00]  }
.LBB2_30:
0xfc: {  	p0 =	sne.s32 s31, $0x9C0;
	v3 =	vld [tilespmem:s30+$0x5180];
	_ =	sdelay $0x2  }
.Ltmp14:
0xfd: {  	(pc) =	sbr.rel @p0 .LBB2_30-.Ltmp14, $4  }
0xfe: {  	_ = 	snop  }
0xff: {  	v3 =	vadd.f32 v2, v3  }
0x100: {  	s1 =	sshra.s32 s31, $0x2  }
0x101: {  	s31 =	sadd.s32 $0x40, s31;
	v2 =	vld [tilespmem:s1+$0x4F00];
	[tilespmem:s30+$0x5180] =	vst v3;
	s30 =	smov.u32 s1  }
0x102: {  	v3 =	vld [tilespmem:s30+$0x5180];
	_ =	sdelay $0x4  }
0x103: {  	v2 =	vadd.f32 v2, v3;
	_ =	sdelay $0x1  }
0x104: {  	[tilespmem:s30+$0x5180] =	vst v2  }
0x105: {  	[tilespmem:s26], [sflag:$0x2] =	stream.linear.gather [spmem:s18], $0x278, $0x38;
	[tilespmem:$0x7B80] =	vst v63  }
0x106: {  	_ =	swait.ge [sflag:s25], $0x278  }
0x107: {  	[sflag:s25] =	ssyncset.done $0x0  }
0x108: {  	s30 =	simm.s32 $0x0;
	[sflag:s25] =	ssyncadd.s32 $0xFFFFFD88  }
0x109: {  	s31 =	simm.s32 $0x40;
	v2 =	vld [tilespmem:s30+$0x4F00]  }
.LBB2_32:
0x10a: {  	p0 =	sne.s32 s31, $0x9C0;
	v3 =	vld [tilespmem:s30+$0x5180];
	_ =	sdelay $0x2  }
.Ltmp15:
0x10b: {  	(pc) =	sbr.rel @p0 .LBB2_32-.Ltmp15, $4  }
0x10c: {  	_ = 	snop  }
0x10d: {  	v3 =	vadd.f32 v2, v3  }
0x10e: {  	s1 =	sshra.s32 s31, $0x2  }
0x10f: {  	s31 =	sadd.s32 $0x40, s31;
	v2 =	vld [tilespmem:s1+$0x4F00];
	[tilespmem:s30+$0x5180] =	vst v3;
	s30 =	smov.u32 s1  }
0x110: {  	v3 =	vld [tilespmem:s30+$0x5180];
	_ =	sdelay $0x4  }
0x111: {  	v2 =	vadd.f32 v2, v3;
	_ =	sdelay $0x1  }
0x112: {  	[tilespmem:s30+$0x5180] =	vst v2  }
0x113: {  	[tilespmem:s26], [sflag:$0x2] =	stream.linear.gather [spmem:s19], $0x278, $0x38;
	[tilespmem:$0x7B80] =	vst v63  }
0x114: {  	_ =	swait.ge [sflag:s25], $0x278  }
0x115: {  	[sflag:s25] =	ssyncset.done $0x0  }
0x116: {  	s30 =	simm.s32 $0x0;
	[sflag:s25] =	ssyncadd.s32 $0xFFFFFD88  }
0x117: {  	s31 =	simm.s32 $0x40;
	v2 =	vld [tilespmem:s30+$0x4F00]  }
.LBB2_34:
0x118: {  	p0 =	sne.s32 s31, $0x9C0;
	v3 =	vld [tilespmem:s30+$0x5180];
	_ =	sdelay $0x2  }
.Ltmp16:
0x119: {  	(pc) =	sbr.rel @p0 .LBB2_34-.Ltmp16, $4  }
0x11a: {  	_ = 	snop  }
0x11b: {  	v3 =	vadd.f32 v2, v3  }
0x11c: {  	s1 =	sshra.s32 s31, $0x2  }
0x11d: {  	s31 =	sadd.s32 $0x40, s31;
	v2 =	vld [tilespmem:s1+$0x4F00];
	[tilespmem:s30+$0x5180] =	vst v3;
	s30 =	smov.u32 s1  }
0x11e: {  	v3 =	vld [tilespmem:s30+$0x5180];
	_ =	sdelay $0x4  }
0x11f: {  	v2 =	vadd.f32 v2, v3;
	_ =	sdelay $0x1  }
0x120: {  	[tilespmem:s30+$0x5180] =	vst v2  }
0x121: {  	[tilespmem:s26], [sflag:$0x2] =	stream.linear.gather [spmem:s20], $0x278, $0x38;
	[tilespmem:$0x7B80] =	vst v63  }
0x122: {  	_ =	swait.ge [sflag:s25], $0x278  }
0x123: {  	[sflag:s25] =	ssyncset.done $0x0  }
0x124: {  	s30 =	simm.s32 $0x0;
	[sflag:s25] =	ssyncadd.s32 $0xFFFFFD88  }
0x125: {  	s31 =	simm.s32 $0x40;
	v2 =	vld [tilespmem:s30+$0x4F00]  }
.LBB2_36:
0x126: {  	p0 =	sne.s32 s31, $0x9C0;
	v3 =	vld [tilespmem:s30+$0x5180];
	_ =	sdelay $0x2  }
.Ltmp17:
0x127: {  	(pc) =	sbr.rel @p0 .LBB2_36-.Ltmp17, $4  }
0x128: {  	_ = 	snop  }
0x129: {  	v3 =	vadd.f32 v2, v3  }
0x12a: {  	s1 =	sshra.s32 s31, $0x2  }
0x12b: {  	s31 =	sadd.s32 $0x40, s31;
	v2 =	vld [tilespmem:s1+$0x4F00];
	[tilespmem:s30+$0x5180] =	vst v3;
	s30 =	smov.u32 s1  }
0x12c: {  	v3 =	vld [tilespmem:s30+$0x5180];
	_ =	sdelay $0x4  }
0x12d: {  	s29 =	sadd.s32 $0x1, s29;
	v2 =	vadd.f32 v2, v3  }
0x12e: {  	p0 =	sne.s32 s29, s21  }
.Ltmp18:
0x12f: {  	[tilespmem:s30+$0x5180] =	vst v2;
	(pc) =	sbr.rel @p0 .LBB2_1-.Ltmp18, $4  }
0x130: {  	[hbm4b:s22+s2] =	stream.linear.scatter [tilespmem:s28], [sflag:$0x2], $0x278, $0x38;
	[tilespmem:$0x7B80] =	vst v63  }
0x131: {  	_ =	swait.ge [sflag:s25], $0x278  }
0x132: {  	[sflag:s25] =	ssyncset.done $0x0  }
0x133: {  	[sflag:s25] =	ssyncadd.s32 $0xFFFFFD88  }
0x134: {  	_ =	sfence.sel $0x180000  }
0x135: {  	[bflag:$0x0] =	sbarrier.arrive $0xFFFF  }
0x136: {  	_ =	strace $0x90000047  }
0x137: {  	[bflag:$0x2] =	sbarrier.arrive $0xFFFF  }
0x138: {  	p0 =	sne.s32 s0, $0x0;
	s0 =	rddreg [dreg:$0x2]  }
0x139: {  	s0 =	sadd.s32 @!p0 $0x100000, s0  }
0x13a: {  	[sflag:s0] =	ssyncadd.tile.s32 @!p0 $0x1;
	_ =	shalt  }
.Lfunc_end2:
_tile_overlayer_lowered:
.L_overlay_start_2:
0x13b: {  	(tag) =	ssettag $0x2  }
0x13c: {  	s0 =	rddreg [dreg:$0x0];
	s2 =	stileid.u32  }
0x13d: {  	s1 =	rddreg [dreg:$0x1];
	p0 =	sne.s32 s2, $0x0  }
0x13e: {  	s3 =	rddreg [dreg:$0x2];
	[bflag:$0x3] =	sbarrier.arrive $0xFFFF;
	s2 =	simm.s32 @!p0 $0x1C02  }
0x13f: {  	[timem:s3], [sflag:s2] =	dma.local @!p0 [hbm:s0], s1  }
0x140: {  	s0 =	simm.s32 @!p0 $0x2  }
0x141: {  	_ =	swait.ge @!p0 [sflag:s0], s1  }
0x142: {  	s1 =	ssub.s32 @!p0 $0x0, s1;
	[sflag:s0] =	ssyncset.done @!p0 $0x0  }
0x143: {  	[sflag:s0] =	ssyncadd.s32 @!p0 s1  }
0x144: {  	[bflag:$0x3] =	sbarrier.arrive $0xFFFF  }
0x145: {  	_ =	shalt  }

</sc_bundles>
